<compile_context>
chip_gen: v7x
topology: tpu7x:2x2x1
jax: 0.10.2.dev20260603
libtpu: 0.0.44.dev20260713+nightly
codegen_flags: <defaults>
</compile_context>

<pallas_src>
import functools

import jax
import jax.numpy as jnp
from jax import lax
from jax.experimental import pallas as pl
from jax.experimental.pallas import tpu as pltpu
from jax.experimental.pallas import tpu_sc as plsc

NC = 2
NS = 16
LANES = 16
CHUNK = 128
BLK = 16


def _ceil_to(a, m):
  return (a + m - 1) // m * m




def _make_deg_kernel(e_pad, n_pad, d):
  ept = e_pad // (NC * NS)
  niter = ept // CHUNK
  rpt = n_pad // NS
  mesh = plsc.VectorSubcoreMesh(
      core_axis_name="c", subcore_axis_name="s", num_cores=NC, num_subcores=NS)

  @functools.partial(
      pl.kernel,
      out_type=jax.ShapeDtypeStruct((NC, n_pad, d), jnp.float32),
      mesh=mesh,
      scratch_types=[
          pltpu.VMEM((BLK, CHUNK), jnp.int32),
          pltpu.VMEM((CHUNK, d), jnp.float32),
          pltpu.VMEM((8, d), jnp.float32),
          pltpu.VMEM_SHARED((n_pad, d), jnp.float32),
      ],
  )
  def deg_kernel(ones_hbm, ei_hbm, out_hbm, didx, ones_v, zbuf, acc):
    c = lax.axis_index("c")
    s = lax.axis_index("s")
    wid = c * NS + s

    for i in range(8):
      for k in range(d // LANES):
        zbuf[i, pl.ds(k * LANES, LANES)] = jnp.zeros((LANES,), jnp.float32)
    pltpu.sync_copy(ones_hbm, ones_v)

    def zero_acc(r, _):
      pltpu.sync_copy(zbuf, acc.at[pl.ds(s * rpt + r * 8, 8)])
      return 0
    lax.fori_loop(0, rpt // 8, zero_acc, 0)
    plsc.subcore_barrier()

    def block(b, _):
      pltpu.sync_copy(ei_hbm.at[1, pl.ds(wid * niter + b * BLK, BLK)], didx)

      def step(k, _):
        pltpu.sync_copy(ones_v, acc.at[didx.at[k]], add=True)
        return 0
      lax.fori_loop(0, BLK, step, 0)
      return 0
    lax.fori_loop(0, niter // BLK, block, 0)

    plsc.subcore_barrier()
    pltpu.sync_copy(acc.at[pl.ds(s * rpt, rpt)],
                    out_hbm.at[c, pl.ds(s * rpt, rpt)])

  return deg_kernel


def _make_agg_kernel(e_pad, n, n_pad, d):
  nchunks = e_pad // CHUNK
  cpc = nchunks // NC
  nblk = cpc // (NS * BLK)
  rpt = n_pad // NS
  mesh = plsc.VectorSubcoreMesh(
      core_axis_name="c", subcore_axis_name="s", num_cores=NC, num_subcores=NS)

  @functools.partial(
      pl.kernel,
      out_type=jax.ShapeDtypeStruct((NC, n_pad, d), jnp.float32),
      mesh=mesh,
      scratch_types=[
          pltpu.VMEM((BLK, CHUNK), jnp.int32),
          pltpu.VMEM((BLK, CHUNK), jnp.int32),
          pltpu.VMEM((CHUNK, d), jnp.float32),
          pltpu.VMEM((CHUNK, d), jnp.float32),
          pltpu.VMEM((8, d), jnp.float32),
          pltpu.VMEM_SHARED((n_pad, d), jnp.float32),
          pltpu.SemaphoreType.DMA,
          pltpu.SemaphoreType.DMA,
      ],
  )
  def agg_kernel(tbl_hbm, ei_hbm, out_hbm,
                 sidx, didx, rows0, rows1, zbuf, acc, sem0, sem1):
    c = lax.axis_index("c")
    s = lax.axis_index("s")
    cbase = c * cpc + s * (nblk * BLK)

    for i in range(8):
      for k in range(d // LANES):
        zbuf[i, pl.ds(k * LANES, LANES)] = jnp.zeros((LANES,), jnp.float32)

    def zero_acc(r, _):
      pltpu.sync_copy(zbuf, acc.at[pl.ds(s * rpt + r * 8, 8)])
      return 0
    lax.fori_loop(0, rpt // 8, zero_acc, 0)
    plsc.subcore_barrier()

    def gather_start(k, rows, sem):
      pltpu.async_copy(tbl_hbm.at[sidx.at[k]], rows, sem)

    def gather_wait(k, rows, sem):
      pltpu.make_async_copy(tbl_hbm.at[sidx.at[k]], rows, sem).wait()

    def scatter(k, rows):
      pltpu.sync_copy(rows, acc.at[didx.at[k]], add=True)

    def block(b, _):
      row0 = cbase + b * BLK
      pltpu.sync_copy(ei_hbm.at[0, pl.ds(row0, BLK)], sidx)
      pltpu.sync_copy(ei_hbm.at[1, pl.ds(row0, BLK)], didx)
      gather_start(0, rows0, sem0)

      def pair(t, _):
        k = 2 * t
        gather_start(k + 1, rows1, sem1)
        gather_wait(k, rows0, sem0)
        scatter(k, rows0)

        @pl.when(t < BLK // 2 - 1)
        def _():
          gather_start(k + 2, rows0, sem0)

        gather_wait(k + 1, rows1, sem1)
        scatter(k + 1, rows1)
        return 0
      lax.fori_loop(0, BLK // 2, pair, 0)
      return 0
    lax.fori_loop(0, nblk, block, 0)

    plsc.subcore_barrier()
    pltpu.sync_copy(acc.at[pl.ds(s * rpt, rpt)],
                    out_hbm.at[c, pl.ds(s * rpt, rpt)])

  return agg_kernel




def _tc_matmul(x, w1, n, d):
  def body(x_ref, w_ref, h_ref):
    h_ref[...] = jnp.dot(x_ref[...], w_ref[...],
                         preferred_element_type=jnp.float32)

  return pl.pallas_call(
      body,
      out_shape=jax.ShapeDtypeStruct((n, d), jnp.float32),
  )(x, w1)


def _tc_first(h1, degp, n, d):
  def body(h_ref, degp_ref, h1p_ref, dinv_ref):
    cnt = degp_ref[0, 0:n, 0:1] + degp_ref[1, 0:n, 0:1]
    dinv = lax.rsqrt(cnt + 1.0)
    dinvb = lax.broadcast_in_dim(dinv, (n, d), (0, 1))
    h1p_ref[...] = h_ref[...] * dinvb
    dinv_ref[...] = dinvb

  return pl.pallas_call(
      body,
      out_shape=(jax.ShapeDtypeStruct((n, d), jnp.float32),
                 jax.ShapeDtypeStruct((n, d), jnp.float32)),
  )(h1, degp)


def _tc_mid(parts, h1p, dinvb, b1, w2, n, d):
  def body(p_ref, h1p_ref, dinv_ref, b1_ref, w2_ref, h2p_ref):
    agg = p_ref[0, 0:n, :] + p_ref[1, 0:n, :] + h1p_ref[...]
    z = jnp.maximum(dinv_ref[...] * agg + b1_ref[...][None, :], 0.0)
    h2 = jnp.dot(z, w2_ref[...], preferred_element_type=jnp.float32)
    h2p_ref[...] = h2 * dinv_ref[...]

  return pl.pallas_call(
      body,
      out_shape=jax.ShapeDtypeStruct((n, d), jnp.float32),
  )(parts, h1p, dinvb, b1, w2)


def _tc_last(parts, h2p, dinvb, b2, n, d):
  def body(p_ref, h2p_ref, dinv_ref, b2_ref, out_ref):
    agg = p_ref[0, 0:n, :] + p_ref[1, 0:n, :] + h2p_ref[...]
    out_ref[...] = dinv_ref[...] * agg + b2_ref[...][None, :]

  return pl.pallas_call(
      body,
      out_shape=jax.ShapeDtypeStruct((n, d), jnp.float32),
  )(parts, h2p, dinvb, b2)




def kernel(x, edge_index, W1, b1, W2, b2):
  n, d = x.shape
  e = edge_index.shape[1]
  e_pad = _ceil_to(e, NC * NS * CHUNK * BLK)
  n_pad = _ceil_to(n + 1, NS * 8)

  ei = edge_index.astype(jnp.int32)
  pad = e_pad - e
  if pad:
    pads = jnp.stack([jnp.arange(pad, dtype=jnp.int32) % n,
                      jnp.full((pad,), n, jnp.int32)])
    ei = jnp.concatenate([ei, pads], axis=1)
  ei = ei.reshape(2, e_pad // CHUNK, CHUNK)

  deg_kernel = _make_deg_kernel(e_pad, n_pad, d)
  agg_kernel = _make_agg_kernel(e_pad, n, n_pad, d)

  ones_blk = jnp.ones((CHUNK, d), jnp.float32)
  degp = deg_kernel(ones_blk, ei)
  h1 = _tc_matmul(x, W1, n, d)
  h1p, dinvb = _tc_first(h1, degp, n, d)
  p1 = agg_kernel(h1p, ei)
  h2p = _tc_mid(p1, h1p, dinvb, b1, W2, n, d)
  p2 = agg_kernel(h2p, ei)
  return _tc_last(p2, h2p, dinvb, b2, n, d)

# --- scband reference (transcript-rebuilt; emitter-appended) ---
"""Pipeline reference for scband-gcn-79714593014201 (READ-ONLY COPY).

The authoritative reference and input builder live on the scoring server;
editing this copy changes nothing except your own understanding.
"""

import jax, jax.numpy as jnp
import numpy as np

N_NODES = 10000


def gcn_conv(x, edge_index, W, b):
    n = x.shape[0]
    src = edge_index[0]
    dst = edge_index[1]
    loop = jnp.arange(n, dtype=edge_index.dtype)
    src = jnp.concatenate([src, loop])
    dst = jnp.concatenate([dst, loop])
    deg = jnp.zeros((n,), dtype=x.dtype).at[dst].add(1.0)
    dinv = jnp.where(deg > 0, 1.0 / jnp.sqrt(deg), 0.0)
    norm = dinv[src] * dinv[dst]
    h = x @ W
    msg = h[src] * norm[:, None]
    out = jnp.zeros_like(h).at[dst].add(msg)
    return out + b


def setup_inputs(seed: int = 0) -> dict:
    key = jax.random.key(seed)
    k1, k2, k3, k4, k5, k6 = jax.random.split(key, 6)
    x = jax.random.normal(k1, (N_NODES, 128), dtype=jnp.float32)
    edge_index = jax.random.randint(k2, (2, 320000), 0, N_NODES, dtype=jnp.int64)
    W1 = jax.random.normal(k3, (128, 128), dtype=jnp.float32) * (1.0 / np.sqrt(128.0))
    b1 = jnp.zeros((128,), dtype=jnp.float32)
    W2 = jax.random.normal(k4, (128, 128), dtype=jnp.float32) * (1.0 / np.sqrt(128.0))
    b2 = jnp.zeros((128,), dtype=jnp.float32)
    return {"x": x, "edge_index": edge_index, "W1": W1, "b1": b1, "W2": W2, "b2": b2}


def reference(x, edge_index, W1, b1, W2, b2):
    h = gcn_conv(x, edge_index, W1, b1)
    h = jax.nn.relu(h)
    # dropout is identity in eval mode
    out = gcn_conv(h, edge_index, W2, b2)
    return out

if __name__ == "__main__":
    import jax
    _d = setup_inputs()
    print(jax.jit(kernel)(*tuple(_d.values())))

</pallas_src>

<mosaic_0001>
#map = affine_map<(d0, d1) -> (0, 0)>
#map1 = affine_map<(d0, d1) -> (0, 0, 0)>
module attributes {stable_mosaic.version = 14 : i64} {
  func.func @agg_kernel(%arg0: i32, %arg1: i32, %arg2: memref<10000x128xf32, #tpu.memory_space<hbm>>, %arg3: memref<2x2560x128xi32, #tpu.memory_space<hbm>>, %arg4: memref<2x10112x128xf32, #tpu.memory_space<hbm>>, %arg5: memref<16x128xi32, #tpu.memory_space<vmem>>, %arg6: memref<16x128xi32, #tpu.memory_space<vmem>>, %arg7: memref<128x128xf32, #tpu.memory_space<vmem>>, %arg8: memref<128x128xf32, #tpu.memory_space<vmem>>, %arg9: memref<8x128xf32, #tpu.memory_space<vmem>>, %arg10: memref<10112x128xf32, #tpu.memory_space<vmem_shared>>, %arg11: memref<!tpu.dma_semaphore, #tpu.memory_space<semaphore_mem>>, %arg12: memref<!tpu.dma_semaphore, #tpu.memory_space<semaphore_mem>>) attributes {dimension_semantics = [#tpu.dimension_semantics<core_parallel>, #tpu.dimension_semantics<subcore_parallel>], iteration_bounds = array<i64: 2, 16>, scalar_prefetch = 0 : i64, scratch_operands = 8 : i64, tpu.core_type = #tpu.core_type<sc_vector_subcore>, window_params = [{transform_indices = #map}, {transform_indices = #map1}, {transform_indices = #map1}]} {
    %mul3A = arith.constant 1280 : i32
    %mul3A_0 = arith.muli %arg0, %mul3A : i32
    %mul3A_1 = arith.constant 80 : i32
    %mul3A_2 = arith.muli %arg1, %mul3A_1 : i32
    %add3A = arith.addi %mul3A_0, %mul3A_2 : i32
    %broadcast_in_dim3A = arith.constant 0.000000e+00 : f32
    %broadcast_in_dim3A_3 = vector.broadcast %broadcast_in_dim3A : f32 to vector<16xf32>
    %swap3A = arith.constant 0 : i32
    %swap3A_4 = arith.index_cast %swap3A : i32 to index
    %swap3A_5 = arith.constant 0 : index
    %swap3A_6 = tpu.vector_load %arg9[%swap3A_4, %swap3A_5] {strides = array<i32>} : memref<8x128xf32, #tpu.memory_space<vmem>>, vector<1x16xf32>,
    %swap3A_7 = vector.shape_cast %swap3A_6 : vector<1x16xf32> to vector<16xf32>
    %swap3A_8 = vector.shape_cast %broadcast_in_dim3A_3 : vector<16xf32> to vector<1x16xf32>
    tpu.vector_store %arg9[%swap3A_4, %swap3A_5], %swap3A_8 {strides = array<i32>} : memref<8x128xf32, #tpu.memory_space<vmem>>, vector<1x16xf32>,
    %broadcast_in_dim3A_9 = arith.constant 0.000000e+00 : f32
    %broadcast_in_dim3A_10 = vector.broadcast %broadcast_in_dim3A_9 : f32 to vector<16xf32>
    %swap3A_11 = arith.constant 0 : i32
    %swap3A_12 = arith.index_cast %swap3A_11 : i32 to index
    %swap3A_13 = arith.constant 16 : index
    %swap3A_14 = tpu.vector_load %arg9[%swap3A_12, %swap3A_13] {strides = array<i32>} : memref<8x128xf32, #tpu.memory_space<vmem>>, vector<1x16xf32>,
    %swap3A_15 = vector.shape_cast %swap3A_14 : vector<1x16xf32> to vector<16xf32>
    %swap3A_16 = vector.shape_cast %broadcast_in_dim3A_10 : vector<16xf32> to vector<1x16xf32>
    tpu.vector_store %arg9[%swap3A_12, %swap3A_13], %swap3A_16 {strides = array<i32>} : memref<8x128xf32, #tpu.memory_space<vmem>>, vector<1x16xf32>,
    %broadcast_in_dim3A_17 = arith.constant 0.000000e+00 : f32
    %broadcast_in_dim3A_18 = vector.broadcast %broadcast_in_dim3A_17 : f32 to vector<16xf32>
    %swap3A_19 = arith.constant 0 : i32
    %swap3A_20 = arith.index_cast %swap3A_19 : i32 to index
    %swap3A_21 = arith.constant 32 : index
    %swap3A_22 = tpu.vector_load %arg9[%swap3A_20, %swap3A_21] {strides = array<i32>} : memref<8x128xf32, #tpu.memory_space<vmem>>, vector<1x16xf32>,
    %swap3A_23 = vector.shape_cast %swap3A_22 : vector<1x16xf32> to vector<16xf32>
    %swap3A_24 = vector.shape_cast %broadcast_in_dim3A_18 : vector<16xf32> to vector<1x16xf32>
    tpu.vector_store %arg9[%swap3A_20, %swap3A_21], %swap3A_24 {strides = array<i32>} : memref<8x128xf32, #tpu.memory_space<vmem>>, vector<1x16xf32>,
    %broadcast_in_dim3A_25 = arith.constant 0.000000e+00 : f32
    %broadcast_in_dim3A_26 = vector.broadcast %broadcast_in_dim3A_25 : f32 to vector<16xf32>
    %swap3A_27 = arith.constant 0 : i32
    %swap3A_28 = arith.index_cast %swap3A_27 : i32 to index
    %swap3A_29 = arith.constant 48 : index
    %swap3A_30 = tpu.vector_load %arg9[%swap3A_28, %swap3A_29] {strides = array<i32>} : memref<8x128xf32, #tpu.memory_space<vmem>>, vector<1x16xf32>,
    %swap3A_31 = vector.shape_cast %swap3A_30 : vector<1x16xf32> to vector<16xf32>
    %swap3A_32 = vector.shape_cast %broadcast_in_dim3A_26 : vector<16xf32> to vector<1x16xf32>
    tpu.vector_store %arg9[%swap3A_28, %swap3A_29], %swap3A_32 {strides = array<i32>} : memref<8x128xf32, #tpu.memory_space<vmem>>, vector<1x16xf32>,
    %broadcast_in_dim3A_33 = arith.constant 0.000000e+00 : f32
    %broadcast_in_dim3A_34 = vector.broadcast %broadcast_in_dim3A_33 : f32 to vector<16xf32>
    %swap3A_35 = arith.constant 0 : i32
    %swap3A_36 = arith.index_cast %swap3A_35 : i32 to index
    %swap3A_37 = arith.constant 64 : index
    %swap3A_38 = tpu.vector_load %arg9[%swap3A_36, %swap3A_37] {strides = array<i32>} : memref<8x128xf32, #tpu.memory_space<vmem>>, vector<1x16xf32>,
    %swap3A_39 = vector.shape_cast %swap3A_38 : vector<1x16xf32> to vector<16xf32>
    %swap3A_40 = vector.shape_cast %broadcast_in_dim3A_34 : vector<16xf32> to vector<1x16xf32>
    tpu.vector_store %arg9[%swap3A_36, %swap3A_37], %swap3A_40 {strides = array<i32>} : memref<8x128xf32, #tpu.memory_space<vmem>>, vector<1x16xf32>,
    %broadcast_in_dim3A_41 = arith.constant 0.000000e+00 : f32
    %broadcast_in_dim3A_42 = vector.broadcast %broadcast_in_dim3A_41 : f32 to vector<16xf32>
    %swap3A_43 = arith.constant 0 : i32
    %swap3A_44 = arith.index_cast %swap3A_43 : i32 to index
    %swap3A_45 = arith.constant 80 : index
    %swap3A_46 = tpu.vector_load %arg9[%swap3A_44, %swap3A_45] {strides = array<i32>} : memref<8x128xf32, #tpu.memory_space<vmem>>, vector<1x16xf32>,
    %swap3A_47 = vector.shape_cast %swap3A_46 : vector<1x16xf32> to vector<16xf32>
    %swap3A_48 = vector.shape_cast %broadcast_in_dim3A_42 : vector<16xf32> to vector<1x16xf32>
    tpu.vector_store %arg9[%swap3A_44, %swap3A_45], %swap3A_48 {strides = array<i32>} : memref<8x128xf32, #tpu.memory_space<vmem>>, vector<1x16xf32>,
    %broadcast_in_dim3A_49 = arith.constant 0.000000e+00 : f32
    %broadcast_in_dim3A_50 = vector.broadcast %broadcast_in_dim3A_49 : f32 to vector<16xf32>
    %swap3A_51 = arith.constant 0 : i32
    %swap3A_52 = arith.index_cast %swap3A_51 : i32 to index
    %swap3A_53 = arith.constant 96 : index
    %swap3A_54 = tpu.vector_load %arg9[%swap3A_52, %swap3A_53] {strides = array<i32>} : memref<8x128xf32, #tpu.memory_space<vmem>>, vector<1x16xf32>,
    %swap3A_55 = vector.shape_cast %swap3A_54 : vector<1x16xf32> to vector<16xf32>
    %swap3A_56 = vector.shape_cast %broadcast_in_dim3A_50 : vector<16xf32> to vector<1x16xf32>
    tpu.vector_store %arg9[%swap3A_52, %swap3A_53], %swap3A_56 {strides = array<i32>} : memref<8x128xf32, #tpu.memory_space<vmem>>, vector<1x16xf32>,
    %broadcast_in_dim3A_57 = arith.constant 0.000000e+00 : f32
    %broadcast_in_dim3A_58 = vector.broadcast %broadcast_in_dim3A_57 : f32 to vector<16xf32>
    %swap3A_59 = arith.constant 0 : i32
    %swap3A_60 = arith.index_cast %swap3A_59 : i32 to index
    %swap3A_61 = arith.constant 112 : index
    %swap3A_62 = tpu.vector_load %arg9[%swap3A_60, %swap3A_61] {strides = array<i32>} : memref<8x128xf32, #tpu.memory_space<vmem>>, vector<1x16xf32>,
    %swap3A_63 = vector.shape_cast %swap3A_62 : vector<1x16xf32> to vector<16xf32>
    %swap3A_64 = vector.shape_cast %broadcast_in_dim3A_58 : vector<16xf32> to vector<1x16xf32>
    tpu.vector_store %arg9[%swap3A_60, %swap3A_61], %swap3A_64 {strides = array<i32>} : memref<8x128xf32, #tpu.memory_space<vmem>>, vector<1x16xf32>,
    %broadcast_in_dim3A_65 = arith.constant 0.000000e+00 : f32
    %broadcast_in_dim3A_66 = vector.broadcast %broadcast_in_dim3A_65 : f32 to vector<16xf32>
    %swap3A_67 = arith.constant 1 : i32
    %swap3A_68 = arith.index_cast %swap3A_67 : i32 to index
    %swap3A_69 = arith.constant 0 : index
    %swap3A_70 = tpu.vector_load %arg9[%swap3A_68, %swap3A_69] {strides = array<i32>} : memref<8x128xf32, #tpu.memory_space<vmem>>, vector<1x16xf32>,
    %swap3A_71 = vector.shape_cast %swap3A_70 : vector<1x16xf32> to vector<16xf32>
    %swap3A_72 = vector.shape_cast %broadcast_in_dim3A_66 : vector<16xf32> to vector<1x16xf32>
    tpu.vector_store %arg9[%swap3A_68, %swap3A_69], %swap3A_72 {strides = array<i32>} : memref<8x128xf32, #tpu.memory_space<vmem>>, vector<1x16xf32>,
    %broadcast_in_dim3A_73 = arith.constant 0.000000e+00 : f32
    %broadcast_in_dim3A_74 = vector.broadcast %broadcast_in_dim3A_73 : f32 to vector<16xf32>
    %swap3A_75 = arith.constant 1 : i32
    %swap3A_76 = arith.index_cast %swap3A_75 : i32 to index
    %swap3A_77 = arith.constant 16 : index
    %swap3A_78 = tpu.vector_load %arg9[%swap3A_76, %swap3A_77] {strides = array<i32>} : memref<8x128xf32, #tpu.memory_space<vmem>>, vector<1x16xf32>,
    %swap3A_79 = vector.shape_cast %swap3A_78 : vector<1x16xf32> to vector<16xf32>
    %swap3A_80 = vector.shape_cast %broadcast_in_dim3A_74 : vector<16xf32> to vector<1x16xf32>
    tpu.vector_store %arg9[%swap3A_76, %swap3A_77], %swap3A_80 {strides = array<i32>} : memref<8x128xf32, #tpu.memory_space<vmem>>, vector<1x16xf32>,
    %broadcast_in_dim3A_81 = arith.constant 0.000000e+00 : f32
    %broadcast_in_dim3A_82 = vector.broadcast %broadcast_in_dim3A_81 : f32 to vector<16xf32>
    %swap3A_83 = arith.constant 1 : i32
    %swap3A_84 = arith.index_cast %swap3A_83 : i32 to index
    %swap3A_85 = arith.constant 32 : index
    %swap3A_86 = tpu.vector_load %arg9[%swap3A_84, %swap3A_85] {strides = array<i32>} : memref<8x128xf32, #tpu.memory_space<vmem>>, vector<1x16xf32>,
    %swap3A_87 = vector.shape_cast %swap3A_86 : vector<1x16xf32> to vector<16xf32>
    %swap3A_88 = vector.shape_cast %broadcast_in_dim3A_82 : vector<16xf32> to vector<1x16xf32>
    tpu.vector_store %arg9[%swap3A_84, %swap3A_85], %swap3A_88 {strides = array<i32>} : memref<8x128xf32, #tpu.memory_space<vmem>>, vector<1x16xf32>,
    %broadcast_in_dim3A_89 = arith.constant 0.000000e+00 : f32
    %broadcast_in_dim3A_90 = vector.broadcast %broadcast_in_dim3A_89 : f32 to vector<16xf32>
    %swap3A_91 = arith.constant 1 : i32
    %swap3A_92 = arith.index_cast %swap3A_91 : i32 to index
    %swap3A_93 = arith.constant 48 : index
    %swap3A_94 = tpu.vector_load %arg9[%swap3A_92, %swap3A_93] {strides = array<i32>} : memref<8x128xf32, #tpu.memory_space<vmem>>, vector<1x16xf32>,
    %swap3A_95 = vector.shape_cast %swap3A_94 : vector<1x16xf32> to vector<16xf32>
    %swap3A_96 = vector.shape_cast %broadcast_in_dim3A_90 : vector<16xf32> to vector<1x16xf32>
    tpu.vector_store %arg9[%swap3A_92, %swap3A_93], %swap3A_96 {strides = array<i32>} : memref<8x128xf32, #tpu.memory_space<vmem>>, vector<1x16xf32>,
    %broadcast_in_dim3A_97 = arith.constant 0.000000e+00 : f32
    %broadcast_in_dim3A_98 = vector.broadcast %broadcast_in_dim3A_97 : f32 to vector<16xf32>
    %swap3A_99 = arith.constant 1 : i32
    %swap3A_100 = arith.index_cast %swap3A_99 : i32 to index
    %swap3A_101 = arith.constant 64 : index
    %swap3A_102 = tpu.vector_load %arg9[%swap3A_100, %swap3A_101] {strides = array<i32>} : memref<8x128xf32, #tpu.memory_space<vmem>>, vector<1x16xf32>,
    %swap3A_103 = vector.shape_cast %swap3A_102 : vector<1x16xf32> to vector<16xf32>
    %swap3A_104 = vector.shape_cast %broadcast_in_dim3A_98 : vector<16xf32> to vector<1x16xf32>
    tpu.vector_store %arg9[%swap3A_100, %swap3A_101], %swap3A_104 {strides = array<i32>} : memref<8x128xf32, #tpu.memory_space<vmem>>, vector<1x16xf32>,
    %broadcast_in_dim3A_105 = arith.constant 0.000000e+00 : f32
    %broadcast_in_dim3A_106 = vector.broadcast %broadcast_in_dim3A_105 : f32 to vector<16xf32>
    %swap3A_107 = arith.constant 1 : i32
    %swap3A_108 = arith.index_cast %swap3A_107 : i32 to index
    %swap3A_109 = arith.constant 80 : index
    %swap3A_110 = tpu.vector_load %arg9[%swap3A_108, %swap3A_109] {strides = array<i32>} : memref<8x128xf32, #tpu.memory_space<vmem>>, vector<1x16xf32>,
    %swap3A_111 = vector.shape_cast %swap3A_110 : vector<1x16xf32> to vector<16xf32>
    %swap3A_112 = vector.shape_cast %broadcast_in_dim3A_106 : vector<16xf32> to vector<1x16xf32>
    tpu.vector_store %arg9[%swap3A_108, %swap3A_109], %swap3A_112 {strides = array<i32>} : memref<8x128xf32, #tpu.memory_space<vmem>>, vector<1x16xf32>,
    %broadcast_in_dim3A_113 = arith.constant 0.000000e+00 : f32
    %broadcast_in_dim3A_114 = vector.broadcast %broadcast_in_dim3A_113 : f32 to vector<16xf32>
    %swap3A_115 = arith.constant 1 : i32
    %swap3A_116 = arith.index_cast %swap3A_115 : i32 to index
    %swap3A_117 = arith.constant 96 : index
    %swap3A_118 = tpu.vector_load %arg9[%swap3A_116, %swap3A_117] {strides = array<i32>} : memref<8x128xf32, #tpu.memory_space<vmem>>, vector<1x16xf32>,
    %swap3A_119 = vector.shape_cast %swap3A_118 : vector<1x16xf32> to vector<16xf32>
    %swap3A_120 = vector.shape_cast %broadcast_in_dim3A_114 : vector<16xf32> to vector<1x16xf32>
    tpu.vector_store %arg9[%swap3A_116, %swap3A_117], %swap3A_120 {strides = array<i32>} : memref<8x128xf32, #tpu.memory_space<vmem>>, vector<1x16xf32>,
    %broadcast_in_dim3A_121 = arith.constant 0.000000e+00 : f32
    %broadcast_in_dim3A_122 = vector.broadcast %broadcast_in_dim3A_121 : f32 to vector<16xf32>
    %swap3A_123 = arith.constant 1 : i32
    %swap3A_124 = arith.index_cast %swap3A_123 : i32 to index
    %swap3A_125 = arith.constant 112 : index
    %swap3A_126 = tpu.vector_load %arg9[%swap3A_124, %swap3A_125] {strides = array<i32>} : memref<8x128xf32, #tpu.memory_space<vmem>>, vector<1x16xf32>,
    %swap3A_127 = vector.shape_cast %swap3A_126 : vector<1x16xf32> to vector<16xf32>
    %swap3A_128 = vector.shape_cast %broadcast_in_dim3A_122 : vector<16xf32> to vector<1x16xf32>
    tpu.vector_store %arg9[%swap3A_124, %swap3A_125], %swap3A_128 {strides = array<i32>} : memref<8x128xf32, #tpu.memory_space<vmem>>, vector<1x16xf32>,
    %broadcast_in_dim3A_129 = arith.constant 0.000000e+00 : f32
    %broadcast_in_dim3A_130 = vector.broadcast %broadcast_in_dim3A_129 : f32 to vector<16xf32>
    %swap3A_131 = arith.constant 2 : i32
    %swap3A_132 = arith.index_cast %swap3A_131 : i32 to index
    %swap3A_133 = arith.constant 0 : index
    %swap3A_134 = tpu.vector_load %arg9[%swap3A_132, %swap3A_133] {strides = array<i32>} : memref<8x128xf32, #tpu.memory_space<vmem>>, vector<1x16xf32>,
    %swap3A_135 = vector.shape_cast %swap3A_134 : vector<1x16xf32> to vector<16xf32>
    %swap3A_136 = vector.shape_cast %broadcast_in_dim3A_130 : vector<16xf32> to vector<1x16xf32>
    tpu.vector_store %arg9[%swap3A_132, %swap3A_133], %swap3A_136 {strides = array<i32>} : memref<8x128xf32, #tpu.memory_space<vmem>>, vector<1x16xf32>,
    %broadcast_in_dim3A_137 = arith.constant 0.000000e+00 : f32
    %broadcast_in_dim3A_138 = vector.broadcast %broadcast_in_dim3A_137 : f32 to vector<16xf32>
    %swap3A_139 = arith.constant 2 : i32
    %swap3A_140 = arith.index_cast %swap3A_139 : i32 to index
    %swap3A_141 = arith.constant 16 : index
    %swap3A_142 = tpu.vector_load %arg9[%swap3A_140, %swap3A_141] {strides = array<i32>} : memref<8x128xf32, #tpu.memory_space<vmem>>, vector<1x16xf32>,
    %swap3A_143 = vector.shape_cast %swap3A_142 : vector<1x16xf32> to vector<16xf32>
    %swap3A_144 = vector.shape_cast %broadcast_in_dim3A_138 : vector<16xf32> to vector<1x16xf32>
    tpu.vector_store %arg9[%swap3A_140, %swap3A_141], %swap3A_144 {strides = array<i32>} : memref<8x128xf32, #tpu.memory_space<vmem>>, vector<1x16xf32>,
    %broadcast_in_dim3A_145 = arith.constant 0.000000e+00 : f32
    %broadcast_in_dim3A_146 = vector.broadcast %broadcast_in_dim3A_145 : f32 to vector<16xf32>
    %swap3A_147 = arith.constant 2 : i32
    %swap3A_148 = arith.index_cast %swap3A_147 : i32 to index
    %swap3A_149 = arith.constant 32 : index
    %swap3A_150 = tpu.vector_load %arg9[%swap3A_148, %swap3A_149] {strides = array<i32>} : memref<8x128xf32, #tpu.memory_space<vmem>>, vector<1x16xf32>,
    %swap3A_151 = vector.shape_cast %swap3A_150 : vector<1x16xf32> to vector<16xf32>
    %swap3A_152 = vector.shape_cast %broadcast_in_dim3A_146 : vector<16xf32> to vector<1x16xf32>
    tpu.vector_store %arg9[%swap3A_148, %swap3A_149], %swap3A_152 {strides = array<i32>} : memref<8x128xf32, #tpu.memory_space<vmem>>, vector<1x16xf32>,
    %broadcast_in_dim3A_153 = arith.constant 0.000000e+00 : f32
    %broadcast_in_dim3A_154 = vector.broadcast %broadcast_in_dim3A_153 : f32 to vector<16xf32>
    %swap3A_155 = arith.constant 2 : i32
    %swap3A_156 = arith.index_cast %swap3A_155 : i32 to index
    %swap3A_157 = arith.constant 48 : index
    %swap3A_158 = tpu.vector_load %arg9[%swap3A_156, %swap3A_157] {strides = array<i32>} : memref<8x128xf32, #tpu.memory_space<vmem>>, vector<1x16xf32>,
    %swap3A_159 = vector.shape_cast %swap3A_158 : vector<1x16xf32> to vector<16xf32>
    %swap3A_160 = vector.shape_cast %broadcast_in_dim3A_154 : vector<16xf32> to vector<1x16xf32>
    tpu.vector_store %arg9[%swap3A_156, %swap3A_157], %swap3A_160 {strides = array<i32>} : memref<8x128xf32, #tpu.memory_space<vmem>>, vector<1x16xf32>,
    %broadcast_in_dim3A_161 = arith.constant 0.000000e+00 : f32
    %broadcast_in_dim3A_162 = vector.broadcast %broadcast_in_dim3A_161 : f32 to vector<16xf32>
    %swap3A_163 = arith.constant 2 : i32
    %swap3A_164 = arith.index_cast %swap3A_163 : i32 to index
    %swap3A_165 = arith.constant 64 : index
    %swap3A_166 = tpu.vector_load %arg9[%swap3A_164, %swap3A_165] {strides = array<i32>} : memref<8x128xf32, #tpu.memory_space<vmem>>, vector<1x16xf32>,
    %swap3A_167 = vector.shape_cast %swap3A_166 : vector<1x16xf32> to vector<16xf32>
    %swap3A_168 = vector.shape_cast %broadcast_in_dim3A_162 : vector<16xf32> to vector<1x16xf32>
    tpu.vector_store %arg9[%swap3A_164, %swap3A_165], %swap3A_168 {strides = array<i32>} : memref<8x128xf32, #tpu.memory_space<vmem>>, vector<1x16xf32>,
    %broadcast_in_dim3A_169 = arith.constant 0.000000e+00 : f32
    %broadcast_in_dim3A_170 = vector.broadcast %broadcast_in_dim3A_169 : f32 to vector<16xf32>
    %swap3A_171 = arith.constant 2 : i32
    %swap3A_172 = arith.index_cast %swap3A_171 : i32 to index
    %swap3A_173 = arith.constant 80 : index
    %swap3A_174 = tpu.vector_load %arg9[%swap3A_172, %swap3A_173] {strides = array<i32>} : memref<8x128xf32, #tpu.memory_space<vmem>>, vector<1x16xf32>,
    %swap3A_175 = vector.shape_cast %swap3A_174 : vector<1x16xf32> to vector<16xf32>
    %swap3A_176 = vector.shape_cast %broadcast_in_dim3A_170 : vector<16xf32> to vector<1x16xf32>
    tpu.vector_store %arg9[%swap3A_172, %swap3A_173], %swap3A_176 {strides = array<i32>} : memref<8x128xf32, #tpu.memory_space<vmem>>, vector<1x16xf32>,
    %broadcast_in_dim3A_177 = arith.constant 0.000000e+00 : f32
    %broadcast_in_dim3A_178 = vector.broadcast %broadcast_in_dim3A_177 : f32 to vector<16xf32>
    %swap3A_179 = arith.constant 2 : i32
    %swap3A_180 = arith.index_cast %swap3A_179 : i32 to index
    %swap3A_181 = arith.constant 96 : index
    %swap3A_182 = tpu.vector_load %arg9[%swap3A_180, %swap3A_181] {strides = array<i32>} : memref<8x128xf32, #tpu.memory_space<vmem>>, vector<1x16xf32>,
    %swap3A_183 = vector.shape_cast %swap3A_182 : vector<1x16xf32> to vector<16xf32>
    %swap3A_184 = vector.shape_cast %broadcast_in_dim3A_178 : vector<16xf32> to vector<1x16xf32>
    tpu.vector_store %arg9[%swap3A_180, %swap3A_181], %swap3A_184 {strides = array<i32>} : memref<8x128xf32, #tpu.memory_space<vmem>>, vector<1x16xf32>,
    %broadcast_in_dim3A_185 = arith.constant 0.000000e+00 : f32
    %broadcast_in_dim3A_186 = vector.broadcast %broadcast_in_dim3A_185 : f32 to vector<16xf32>
    %swap3A_187 = arith.constant 2 : i32
    %swap3A_188 = arith.index_cast %swap3A_187 : i32 to index
    %swap3A_189 = arith.constant 112 : index
    %swap3A_190 = tpu.vector_load %arg9[%swap3A_188, %swap3A_189] {strides = array<i32>} : memref<8x128xf32, #tpu.memory_space<vmem>>, vector<1x16xf32>,
    %swap3A_191 = vector.shape_cast %swap3A_190 : vector<1x16xf32> to vector<16xf32>
    %swap3A_192 = vector.shape_cast %broadcast_in_dim3A_186 : vector<16xf32> to vector<1x16xf32>
    tpu.vector_store %arg9[%swap3A_188, %swap3A_189], %swap3A_192 {strides = array<i32>} : memref<8x128xf32, #tpu.memory_space<vmem>>, vector<1x16xf32>,
    %broadcast_in_dim3A_193 = arith.constant 0.000000e+00 : f32
    %broadcast_in_dim3A_194 = vector.broadcast %broadcast_in_dim3A_193 : f32 to vector<16xf32>
    %swap3A_195 = arith.constant 3 : i32
    %swap3A_196 = arith.index_cast %swap3A_195 : i32 to index
    %swap3A_197 = arith.constant 0 : index
    %swap3A_198 = tpu.vector_load %arg9[%swap3A_196, %swap3A_197] {strides = array<i32>} : memref<8x128xf32, #tpu.memory_space<vmem>>, vector<1x16xf32>,
    %swap3A_199 = vector.shape_cast %swap3A_198 : vector<1x16xf32> to vector<16xf32>
    %swap3A_200 = vector.shape_cast %broadcast_in_dim3A_194 : vector<16xf32> to vector<1x16xf32>
    tpu.vector_store %arg9[%swap3A_196, %swap3A_197], %swap3A_200 {strides = array<i32>} : memref<8x128xf32, #tpu.memory_space<vmem>>, vector<1x16xf32>,
    %broadcast_in_dim3A_201 = arith.constant 0.000000e+00 : f32
    %broadcast_in_dim3A_202 = vector.broadcast %broadcast_in_dim3A_201 : f32 to vector<16xf32>
    %swap3A_203 = arith.constant 3 : i32
    %swap3A_204 = arith.index_cast %swap3A_203 : i32 to index
    %swap3A_205 = arith.constant 16 : index
    %swap3A_206 = tpu.vector_load %arg9[%swap3A_204, %swap3A_205] {strides = array<i32>} : memref<8x128xf32, #tpu.memory_space<vmem>>, vector<1x16xf32>,
    %swap3A_207 = vector.shape_cast %swap3A_206 : vector<1x16xf32> to vector<16xf32>
    %swap3A_208 = vector.shape_cast %broadcast_in_dim3A_202 : vector<16xf32> to vector<1x16xf32>
    tpu.vector_store %arg9[%swap3A_204, %swap3A_205], %swap3A_208 {strides = array<i32>} : memref<8x128xf32, #tpu.memory_space<vmem>>, vector<1x16xf32>,
    %broadcast_in_dim3A_209 = arith.constant 0.000000e+00 : f32
    %broadcast_in_dim3A_210 = vector.broadcast %broadcast_in_dim3A_209 : f32 to vector<16xf32>
    %swap3A_211 = arith.constant 3 : i32
    %swap3A_212 = arith.index_cast %swap3A_211 : i32 to index
    %swap3A_213 = arith.constant 32 : index
    %swap3A_214 = tpu.vector_load %arg9[%swap3A_212, %swap3A_213] {strides = array<i32>} : memref<8x128xf32, #tpu.memory_space<vmem>>, vector<1x16xf32>,
    %swap3A_215 = vector.shape_cast %swap3A_214 : vector<1x16xf32> to vector<16xf32>
    %swap3A_216 = vector.shape_cast %broadcast_in_dim3A_210 : vector<16xf32> to vector<1x16xf32>
    tpu.vector_store %arg9[%swap3A_212, %swap3A_213], %swap3A_216 {strides = array<i32>} : memref<8x128xf32, #tpu.memory_space<vmem>>, vector<1x16xf32>,
    %broadcast_in_dim3A_217 = arith.constant 0.000000e+00 : f32
    %broadcast_in_dim3A_218 = vector.broadcast %broadcast_in_dim3A_217 : f32 to vector<16xf32>
    %swap3A_219 = arith.constant 3 : i32
    %swap3A_220 = arith.index_cast %swap3A_219 : i32 to index
    %swap3A_221 = arith.constant 48 : index
    %swap3A_222 = tpu.vector_load %arg9[%swap3A_220, %swap3A_221] {strides = array<i32>} : memref<8x128xf32, #tpu.memory_space<vmem>>, vector<1x16xf32>,
    %swap3A_223 = vector.shape_cast %swap3A_222 : vector<1x16xf32> to vector<16xf32>
    %swap3A_224 = vector.shape_cast %broadcast_in_dim3A_218 : vector<16xf32> to vector<1x16xf32>
    tpu.vector_store %arg9[%swap3A_220, %swap3A_221], %swap3A_224 {strides = array<i32>} : memref<8x128xf32, #tpu.memory_space<vmem>>, vector<1x16xf32>,
    %broadcast_in_dim3A_225 = arith.constant 0.000000e+00 : f32
    %broadcast_in_dim3A_226 = vector.broadcast %broadcast_in_dim3A_225 : f32 to vector<16xf32>
    %swap3A_227 = arith.constant 3 : i32
    %swap3A_228 = arith.index_cast %swap3A_227 : i32 to index
    %swap3A_229 = arith.constant 64 : index
    %swap3A_230 = tpu.vector_load %arg9[%swap3A_228, %swap3A_229] {strides = array<i32>} : memref<8x128xf32, #tpu.memory_space<vmem>>, vector<1x16xf32>,
    %swap3A_231 = vector.shape_cast %swap3A_230 : vector<1x16xf32> to vector<16xf32>
    %swap3A_232 = vector.shape_cast %broadcast_in_dim3A_226 : vector<16xf32> to vector<1x16xf32>
    tpu.vector_store %arg9[%swap3A_228, %swap3A_229], %swap3A_232 {strides = array<i32>} : memref<8x128xf32, #tpu.memory_space<vmem>>, vector<1x16xf32>,
    %broadcast_in_dim3A_233 = arith.constant 0.000000e+00 : f32
    %broadcast_in_dim3A_234 = vector.broadcast %broadcast_in_dim3A_233 : f32 to vector<16xf32>
    %swap3A_235 = arith.constant 3 : i32
    %swap3A_236 = arith.index_cast %swap3A_235 : i32 to index
    %swap3A_237 = arith.constant 80 : index
    %swap3A_238 = tpu.vector_load %arg9[%swap3A_236, %swap3A_237] {strides = array<i32>} : memref<8x128xf32, #tpu.memory_space<vmem>>, vector<1x16xf32>,
    %swap3A_239 = vector.shape_cast %swap3A_238 : vector<1x16xf32> to vector<16xf32>
    %swap3A_240 = vector.shape_cast %broadcast_in_dim3A_234 : vector<16xf32> to vector<1x16xf32>
    tpu.vector_store %arg9[%swap3A_236, %swap3A_237], %swap3A_240 {strides = array<i32>} : memref<8x128xf32, #tpu.memory_space<vmem>>, vector<1x16xf32>,
    %broadcast_in_dim3A_241 = arith.constant 0.000000e+00 : f32
    %broadcast_in_dim3A_242 = vector.broadcast %broadcast_in_dim3A_241 : f32 to vector<16xf32>
    %swap3A_243 = arith.constant 3 : i32
    %swap3A_244 = arith.index_cast %swap3A_243 : i32 to index
    %swap3A_245 = arith.constant 96 : index
    %swap3A_246 = tpu.vector_load %arg9[%swap3A_244, %swap3A_245] {strides = array<i32>} : memref<8x128xf32, #tpu.memory_space<vmem>>, vector<1x16xf32>,
    %swap3A_247 = vector.shape_cast %swap3A_246 : vector<1x16xf32> to vector<16xf32>
    %swap3A_248 = vector.shape_cast %broadcast_in_dim3A_242 : vector<16xf32> to vector<1x16xf32>
    tpu.vector_store %arg9[%swap3A_244, %swap3A_245], %swap3A_248 {strides = array<i32>} : memref<8x128xf32, #tpu.memory_space<vmem>>, vector<1x16xf32>,
    %broadcast_in_dim3A_249 = arith.constant 0.000000e+00 : f32
    %broadcast_in_dim3A_250 = vector.broadcast %broadcast_in_dim3A_249 : f32 to vector<16xf32>
    %swap3A_251 = arith.constant 3 : i32
    %swap3A_252 = arith.index_cast %swap3A_251 : i32 to index
    %swap3A_253 = arith.constant 112 : index
    %swap3A_254 = tpu.vector_load %arg9[%swap3A_252, %swap3A_253] {strides = array<i32>} : memref<8x128xf32, #tpu.memory_space<vmem>>, vector<1x16xf32>,
    %swap3A_255 = vector.shape_cast %swap3A_254 : vector<1x16xf32> to vector<16xf32>
    %swap3A_256 = vector.shape_cast %broadcast_in_dim3A_250 : vector<16xf32> to vector<1x16xf32>
    tpu.vector_store %arg9[%swap3A_252, %swap3A_253], %swap3A_256 {strides = array<i32>} : memref<8x128xf32, #tpu.memory_space<vmem>>, vector<1x16xf32>,
    %broadcast_in_dim3A_257 = arith.constant 0.000000e+00 : f32
    %broadcast_in_dim3A_258 = vector.broadcast %broadcast_in_dim3A_257 : f32 to vector<16xf32>
    %swap3A_259 = arith.constant 4 : i32
    %swap3A_260 = arith.index_cast %swap3A_259 : i32 to index
    %swap3A_261 = arith.constant 0 : index
    %swap3A_262 = tpu.vector_load %arg9[%swap3A_260, %swap3A_261] {strides = array<i32>} : memref<8x128xf32, #tpu.memory_space<vmem>>, vector<1x16xf32>,
    %swap3A_263 = vector.shape_cast %swap3A_262 : vector<1x16xf32> to vector<16xf32>
    %swap3A_264 = vector.shape_cast %broadcast_in_dim3A_258 : vector<16xf32> to vector<1x16xf32>
    tpu.vector_store %arg9[%swap3A_260, %swap3A_261], %swap3A_264 {strides = array<i32>} : memref<8x128xf32, #tpu.memory_space<vmem>>, vector<1x16xf32>,
    %broadcast_in_dim3A_265 = arith.constant 0.000000e+00 : f32
    %broadcast_in_dim3A_266 = vector.broadcast %broadcast_in_dim3A_265 : f32 to vector<16xf32>
    %swap3A_267 = arith.constant 4 : i32
    %swap3A_268 = arith.index_cast %swap3A_267 : i32 to index
    %swap3A_269 = arith.constant 16 : index
    %swap3A_270 = tpu.vector_load %arg9[%swap3A_268, %swap3A_269] {strides = array<i32>} : memref<8x128xf32, #tpu.memory_space<vmem>>, vector<1x16xf32>,
    %swap3A_271 = vector.shape_cast %swap3A_270 : vector<1x16xf32> to vector<16xf32>
    %swap3A_272 = vector.shape_cast %broadcast_in_dim3A_266 : vector<16xf32> to vector<1x16xf32>
    tpu.vector_store %arg9[%swap3A_268, %swap3A_269], %swap3A_272 {strides = array<i32>} : memref<8x128xf32, #tpu.memory_space<vmem>>, vector<1x16xf32>,
    %broadcast_in_dim3A_273 = arith.constant 0.000000e+00 : f32
    %broadcast_in_dim3A_274 = vector.broadcast %broadcast_in_dim3A_273 : f32 to vector<16xf32>
    %swap3A_275 = arith.constant 4 : i32
    %swap3A_276 = arith.index_cast %swap3A_275 : i32 to index
    %swap3A_277 = arith.constant 32 : index
    %swap3A_278 = tpu.vector_load %arg9[%swap3A_276, %swap3A_277] {strides = array<i32>} : memref<8x128xf32, #tpu.memory_space<vmem>>, vector<1x16xf32>,
    %swap3A_279 = vector.shape_cast %swap3A_278 : vector<1x16xf32> to vector<16xf32>
    %swap3A_280 = vector.shape_cast %broadcast_in_dim3A_274 : vector<16xf32> to vector<1x16xf32>
    tpu.vector_store %arg9[%swap3A_276, %swap3A_277], %swap3A_280 {strides = array<i32>} : memref<8x128xf32, #tpu.memory_space<vmem>>, vector<1x16xf32>,
    %broadcast_in_dim3A_281 = arith.constant 0.000000e+00 : f32
    %broadcast_in_dim3A_282 = vector.broadcast %broadcast_in_dim3A_281 : f32 to vector<16xf32>
    %swap3A_283 = arith.constant 4 : i32
    %swap3A_284 = arith.index_cast %swap3A_283 : i32 to index
    %swap3A_285 = arith.constant 48 : index
    %swap3A_286 = tpu.vector_load %arg9[%swap3A_284, %swap3A_285] {strides = array<i32>} : memref<8x128xf32, #tpu.memory_space<vmem>>, vector<1x16xf32>,
    %swap3A_287 = vector.shape_cast %swap3A_286 : vector<1x16xf32> to vector<16xf32>
    %swap3A_288 = vector.shape_cast %broadcast_in_dim3A_282 : vector<16xf32> to vector<1x16xf32>
    tpu.vector_store %arg9[%swap3A_284, %swap3A_285], %swap3A_288 {strides = array<i32>} : memref<8x128xf32, #tpu.memory_space<vmem>>, vector<1x16xf32>,
    %broadcast_in_dim3A_289 = arith.constant 0.000000e+00 : f32
    %broadcast_in_dim3A_290 = vector.broadcast %broadcast_in_dim3A_289 : f32 to vector<16xf32>
    %swap3A_291 = arith.constant 4 : i32
    %swap3A_292 = arith.index_cast %swap3A_291 : i32 to index
    %swap3A_293 = arith.constant 64 : index
    %swap3A_294 = tpu.vector_load %arg9[%swap3A_292, %swap3A_293] {strides = array<i32>} : memref<8x128xf32, #tpu.memory_space<vmem>>, vector<1x16xf32>,
    %swap3A_295 = vector.shape_cast %swap3A_294 : vector<1x16xf32> to vector<16xf32>
    %swap3A_296 = vector.shape_cast %broadcast_in_dim3A_290 : vector<16xf32> to vector<1x16xf32>
    tpu.vector_store %arg9[%swap3A_292, %swap3A_293], %swap3A_296 {strides = array<i32>} : memref<8x128xf32, #tpu.memory_space<vmem>>, vector<1x16xf32>,
    %broadcast_in_dim3A_297 = arith.constant 0.000000e+00 : f32
    %broadcast_in_dim3A_298 = vector.broadcast %broadcast_in_dim3A_297 : f32 to vector<16xf32>
    %swap3A_299 = arith.constant 4 : i32
    %swap3A_300 = arith.index_cast %swap3A_299 : i32 to index
    %swap3A_301 = arith.constant 80 : index
    %swap3A_302 = tpu.vector_load %arg9[%swap3A_300, %swap3A_301] {strides = array<i32>} : memref<8x128xf32, #tpu.memory_space<vmem>>, vector<1x16xf32>,
    %swap3A_303 = vector.shape_cast %swap3A_302 : vector<1x16xf32> to vector<16xf32>
    %swap3A_304 = vector.shape_cast %broadcast_in_dim3A_298 : vector<16xf32> to vector<1x16xf32>
    tpu.vector_store %arg9[%swap3A_300, %swap3A_301], %swap3A_304 {strides = array<i32>} : memref<8x128xf32, #tpu.memory_space<vmem>>, vector<1x16xf32>,
    %broadcast_in_dim3A_305 = arith.constant 0.000000e+00 : f32
    %broadcast_in_dim3A_306 = vector.broadcast %broadcast_in_dim3A_305 : f32 to vector<16xf32>
    %swap3A_307 = arith.constant 4 : i32
    %swap3A_308 = arith.index_cast %swap3A_307 : i32 to index
    %swap3A_309 = arith.constant 96 : index
    %swap3A_310 = tpu.vector_load %arg9[%swap3A_308, %swap3A_309] {strides = array<i32>} : memref<8x128xf32, #tpu.memory_space<vmem>>, vector<1x16xf32>,
    %swap3A_311 = vector.shape_cast %swap3A_310 : vector<1x16xf32> to vector<16xf32>
    %swap3A_312 = vector.shape_cast %broadcast_in_dim3A_306 : vector<16xf32> to vector<1x16xf32>
    tpu.vector_store %arg9[%swap3A_308, %swap3A_309], %swap3A_312 {strides = array<i32>} : memref<8x128xf32, #tpu.memory_space<vmem>>, vector<1x16xf32>,
    %broadcast_in_dim3A_313 = arith.constant 0.000000e+00 : f32
    %broadcast_in_dim3A_314 = vector.broadcast %broadcast_in_dim3A_313 : f32 to vector<16xf32>
    %swap3A_315 = arith.constant 4 : i32
    %swap3A_316 = arith.index_cast %swap3A_315 : i32 to index
    %swap3A_317 = arith.constant 112 : index
    %swap3A_318 = tpu.vector_load %arg9[%swap3A_316, %swap3A_317] {strides = array<i32>} : memref<8x128xf32, #tpu.memory_space<vmem>>, vector<1x16xf32>,
    %swap3A_319 = vector.shape_cast %swap3A_318 : vector<1x16xf32> to vector<16xf32>
    %swap3A_320 = vector.shape_cast %broadcast_in_dim3A_314 : vector<16xf32> to vector<1x16xf32>
    tpu.vector_store %arg9[%swap3A_316, %swap3A_317], %swap3A_320 {strides = array<i32>} : memref<8x128xf32, #tpu.memory_space<vmem>>, vector<1x16xf32>,
    %broadcast_in_dim3A_321 = arith.constant 0.000000e+00 : f32
    %broadcast_in_dim3A_322 = vector.broadcast %broadcast_in_dim3A_321 : f32 to vector<16xf32>
    %swap3A_323 = arith.constant 5 : i32
    %swap3A_324 = arith.index_cast %swap3A_323 : i32 to index
    %swap3A_325 = arith.constant 0 : index
    %swap3A_326 = tpu.vector_load %arg9[%swap3A_324, %swap3A_325] {strides = array<i32>} : memref<8x128xf32, #tpu.memory_space<vmem>>, vector<1x16xf32>,
    %swap3A_327 = vector.shape_cast %swap3A_326 : vector<1x16xf32> to vector<16xf32>
    %swap3A_328 = vector.shape_cast %broadcast_in_dim3A_322 : vector<16xf32> to vector<1x16xf32>
    tpu.vector_store %arg9[%swap3A_324, %swap3A_325], %swap3A_328 {strides = array<i32>} : memref<8x128xf32, #tpu.memory_space<vmem>>, vector<1x16xf32>,
    %broadcast_in_dim3A_329 = arith.constant 0.000000e+00 : f32
    %broadcast_in_dim3A_330 = vector.broadcast %broadcast_in_dim3A_329 : f32 to vector<16xf32>
    %swap3A_331 = arith.constant 5 : i32
    %swap3A_332 = arith.index_cast %swap3A_331 : i32 to index
    %swap3A_333 = arith.constant 16 : index
    %swap3A_334 = tpu.vector_load %arg9[%swap3A_332, %swap3A_333] {strides = array<i32>} : memref<8x128xf32, #tpu.memory_space<vmem>>, vector<1x16xf32>,
    %swap3A_335 = vector.shape_cast %swap3A_334 : vector<1x16xf32> to vector<16xf32>
    %swap3A_336 = vector.shape_cast %broadcast_in_dim3A_330 : vector<16xf32> to vector<1x16xf32>
    tpu.vector_store %arg9[%swap3A_332, %swap3A_333], %swap3A_336 {strides = array<i32>} : memref<8x128xf32, #tpu.memory_space<vmem>>, vector<1x16xf32>,
    %broadcast_in_dim3A_337 = arith.constant 0.000000e+00 : f32
    %broadcast_in_dim3A_338 = vector.broadcast %broadcast_in_dim3A_337 : f32 to vector<16xf32>
    %swap3A_339 = arith.constant 5 : i32
    %swap3A_340 = arith.index_cast %swap3A_339 : i32 to index
    %swap3A_341 = arith.constant 32 : index
    %swap3A_342 = tpu.vector_load %arg9[%swap3A_340, %swap3A_341] {strides = array<i32>} : memref<8x128xf32, #tpu.memory_space<vmem>>, vector<1x16xf32>,
    %swap3A_343 = vector.shape_cast %swap3A_342 : vector<1x16xf32> to vector<16xf32>
    %swap3A_344 = vector.shape_cast %broadcast_in_dim3A_338 : vector<16xf32> to vector<1x16xf32>
    tpu.vector_store %arg9[%swap3A_340, %swap3A_341], %swap3A_344 {strides = array<i32>} : memref<8x128xf32, #tpu.memory_space<vmem>>, vector<1x16xf32>,
    %broadcast_in_dim3A_345 = arith.constant 0.000000e+00 : f32
    %broadcast_in_dim3A_346 = vector.broadcast %broadcast_in_dim3A_345 : f32 to vector<16xf32>
    %swap3A_347 = arith.constant 5 : i32
    %swap3A_348 = arith.index_cast %swap3A_347 : i32 to index
    %swap3A_349 = arith.constant 48 : index
    %swap3A_350 = tpu.vector_load %arg9[%swap3A_348, %swap3A_349] {strides = array<i32>} : memref<8x128xf32, #tpu.memory_space<vmem>>, vector<1x16xf32>,
    %swap3A_351 = vector.shape_cast %swap3A_350 : vector<1x16xf32> to vector<16xf32>
    %swap3A_352 = vector.shape_cast %broadcast_in_dim3A_346 : vector<16xf32> to vector<1x16xf32>
    tpu.vector_store %arg9[%swap3A_348, %swap3A_349], %swap3A_352 {strides = array<i32>} : memref<8x128xf32, #tpu.memory_space<vmem>>, vector<1x16xf32>,
    %broadcast_in_dim3A_353 = arith.constant 0.000000e+00 : f32
    %broadcast_in_dim3A_354 = vector.broadcast %broadcast_in_dim3A_353 : f32 to vector<16xf32>
    %swap3A_355 = arith.constant 5 : i32
    %swap3A_356 = arith.index_cast %swap3A_355 : i32 to index
    %swap3A_357 = arith.constant 64 : index
    %swap3A_358 = tpu.vector_load %arg9[%swap3A_356, %swap3A_357] {strides = array<i32>} : memref<8x128xf32, #tpu.memory_space<vmem>>, vector<1x16xf32>,
    %swap3A_359 = vector.shape_cast %swap3A_358 : vector<1x16xf32> to vector<16xf32>
    %swap3A_360 = vector.shape_cast %broadcast_in_dim3A_354 : vector<16xf32> to vector<1x16xf32>
    tpu.vector_store %arg9[%swap3A_356, %swap3A_357], %swap3A_360 {strides = array<i32>} : memref<8x128xf32, #tpu.memory_space<vmem>>, vector<1x16xf32>,
    %broadcast_in_dim3A_361 = arith.constant 0.000000e+00 : f32
    %broadcast_in_dim3A_362 = vector.broadcast %broadcast_in_dim3A_361 : f32 to vector<16xf32>
    %swap3A_363 = arith.constant 5 : i32
    %swap3A_364 = arith.index_cast %swap3A_363 : i32 to index
    %swap3A_365 = arith.constant 80 : index
    %swap3A_366 = tpu.vector_load %arg9[%swap3A_364, %swap3A_365] {strides = array<i32>} : memref<8x128xf32, #tpu.memory_space<vmem>>, vector<1x16xf32>,
    %swap3A_367 = vector.shape_cast %swap3A_366 : vector<1x16xf32> to vector<16xf32>
    %swap3A_368 = vector.shape_cast %broadcast_in_dim3A_362 : vector<16xf32> to vector<1x16xf32>
    tpu.vector_store %arg9[%swap3A_364, %swap3A_365], %swap3A_368 {strides = array<i32>} : memref<8x128xf32, #tpu.memory_space<vmem>>, vector<1x16xf32>,
    %broadcast_in_dim3A_369 = arith.constant 0.000000e+00 : f32
    %broadcast_in_dim3A_370 = vector.broadcast %broadcast_in_dim3A_369 : f32 to vector<16xf32>
    %swap3A_371 = arith.constant 5 : i32
    %swap3A_372 = arith.index_cast %swap3A_371 : i32 to index
    %swap3A_373 = arith.constant 96 : index
    %swap3A_374 = tpu.vector_load %arg9[%swap3A_372, %swap3A_373] {strides = array<i32>} : memref<8x128xf32, #tpu.memory_space<vmem>>, vector<1x16xf32>,
    %swap3A_375 = vector.shape_cast %swap3A_374 : vector<1x16xf32> to vector<16xf32>
    %swap3A_376 = vector.shape_cast %broadcast_in_dim3A_370 : vector<16xf32> to vector<1x16xf32>
    tpu.vector_store %arg9[%swap3A_372, %swap3A_373], %swap3A_376 {strides = array<i32>} : memref<8x128xf32, #tpu.memory_space<vmem>>, vector<1x16xf32>,
    %broadcast_in_dim3A_377 = arith.constant 0.000000e+00 : f32
    %broadcast_in_dim3A_378 = vector.broadcast %broadcast_in_dim3A_377 : f32 to vector<16xf32>
    %swap3A_379 = arith.constant 5 : i32
    %swap3A_380 = arith.index_cast %swap3A_379 : i32 to index
    %swap3A_381 = arith.constant 112 : index
    %swap3A_382 = tpu.vector_load %arg9[%swap3A_380, %swap3A_381] {strides = array<i32>} : memref<8x128xf32, #tpu.memory_space<vmem>>, vector<1x16xf32>,
    %swap3A_383 = vector.shape_cast %swap3A_382 : vector<1x16xf32> to vector<16xf32>
    %swap3A_384 = vector.shape_cast %broadcast_in_dim3A_378 : vector<16xf32> to vector<1x16xf32>
    tpu.vector_store %arg9[%swap3A_380, %swap3A_381], %swap3A_384 {strides = array<i32>} : memref<8x128xf32, #tpu.memory_space<vmem>>, vector<1x16xf32>,
    %broadcast_in_dim3A_385 = arith.constant 0.000000e+00 : f32
    %broadcast_in_dim3A_386 = vector.broadcast %broadcast_in_dim3A_385 : f32 to vector<16xf32>
    %swap3A_387 = arith.constant 6 : i32
    %swap3A_388 = arith.index_cast %swap3A_387 : i32 to index
    %swap3A_389 = arith.constant 0 : index
    %swap3A_390 = tpu.vector_load %arg9[%swap3A_388, %swap3A_389] {strides = array<i32>} : memref<8x128xf32, #tpu.memory_space<vmem>>, vector<1x16xf32>,
    %swap3A_391 = vector.shape_cast %swap3A_390 : vector<1x16xf32> to vector<16xf32>
    %swap3A_392 = vector.shape_cast %broadcast_in_dim3A_386 : vector<16xf32> to vector<1x16xf32>
    tpu.vector_store %arg9[%swap3A_388, %swap3A_389], %swap3A_392 {strides = array<i32>} : memref<8x128xf32, #tpu.memory_space<vmem>>, vector<1x16xf32>,
    %broadcast_in_dim3A_393 = arith.constant 0.000000e+00 : f32
    %broadcast_in_dim3A_394 = vector.broadcast %broadcast_in_dim3A_393 : f32 to vector<16xf32>
    %swap3A_395 = arith.constant 6 : i32
    %swap3A_396 = arith.index_cast %swap3A_395 : i32 to index
    %swap3A_397 = arith.constant 16 : index
    %swap3A_398 = tpu.vector_load %arg9[%swap3A_396, %swap3A_397] {strides = array<i32>} : memref<8x128xf32, #tpu.memory_space<vmem>>, vector<1x16xf32>,
    %swap3A_399 = vector.shape_cast %swap3A_398 : vector<1x16xf32> to vector<16xf32>
    %swap3A_400 = vector.shape_cast %broadcast_in_dim3A_394 : vector<16xf32> to vector<1x16xf32>
    tpu.vector_store %arg9[%swap3A_396, %swap3A_397], %swap3A_400 {strides = array<i32>} : memref<8x128xf32, #tpu.memory_space<vmem>>, vector<1x16xf32>,
    %broadcast_in_dim3A_401 = arith.constant 0.000000e+00 : f32
    %broadcast_in_dim3A_402 = vector.broadcast %broadcast_in_dim3A_401 : f32 to vector<16xf32>
    %swap3A_403 = arith.constant 6 : i32
    %swap3A_404 = arith.index_cast %swap3A_403 : i32 to index
    %swap3A_405 = arith.constant 32 : index
    %swap3A_406 = tpu.vector_load %arg9[%swap3A_404, %swap3A_405] {strides = array<i32>} : memref<8x128xf32, #tpu.memory_space<vmem>>, vector<1x16xf32>,
    %swap3A_407 = vector.shape_cast %swap3A_406 : vector<1x16xf32> to vector<16xf32>
    %swap3A_408 = vector.shape_cast %broadcast_in_dim3A_402 : vector<16xf32> to vector<1x16xf32>
    tpu.vector_store %arg9[%swap3A_404, %swap3A_405], %swap3A_408 {strides = array<i32>} : memref<8x128xf32, #tpu.memory_space<vmem>>, vector<1x16xf32>,
    %broadcast_in_dim3A_409 = arith.constant 0.000000e+00 : f32
    %broadcast_in_dim3A_410 = vector.broadcast %broadcast_in_dim3A_409 : f32 to vector<16xf32>
    %swap3A_411 = arith.constant 6 : i32
    %swap3A_412 = arith.index_cast %swap3A_411 : i32 to index
    %swap3A_413 = arith.constant 48 : index
    %swap3A_414 = tpu.vector_load %arg9[%swap3A_412, %swap3A_413] {strides = array<i32>} : memref<8x128xf32, #tpu.memory_space<vmem>>, vector<1x16xf32>,
    %swap3A_415 = vector.shape_cast %swap3A_414 : vector<1x16xf32> to vector<16xf32>
    %swap3A_416 = vector.shape_cast %broadcast_in_dim3A_410 : vector<16xf32> to vector<1x16xf32>
    tpu.vector_store %arg9[%swap3A_412, %swap3A_413], %swap3A_416 {strides = array<i32>} : memref<8x128xf32, #tpu.memory_space<vmem>>, vector<1x16xf32>,
    %broadcast_in_dim3A_417 = arith.constant 0.000000e+00 : f32
    %broadcast_in_dim3A_418 = vector.broadcast %broadcast_in_dim3A_417 : f32 to vector<16xf32>
    %swap3A_419 = arith.constant 6 : i32
    %swap3A_420 = arith.index_cast %swap3A_419 : i32 to index
    %swap3A_421 = arith.constant 64 : index
    %swap3A_422 = tpu.vector_load %arg9[%swap3A_420, %swap3A_421] {strides = array<i32>} : memref<8x128xf32, #tpu.memory_space<vmem>>, vector<1x16xf32>,
    %swap3A_423 = vector.shape_cast %swap3A_422 : vector<1x16xf32> to vector<16xf32>
    %swap3A_424 = vector.shape_cast %broadcast_in_dim3A_418 : vector<16xf32> to vector<1x16xf32>
    tpu.vector_store %arg9[%swap3A_420, %swap3A_421], %swap3A_424 {strides = array<i32>} : memref<8x128xf32, #tpu.memory_space<vmem>>, vector<1x16xf32>,
    %broadcast_in_dim3A_425 = arith.constant 0.000000e+00 : f32
    %broadcast_in_dim3A_426 = vector.broadcast %broadcast_in_dim3A_425 : f32 to vector<16xf32>
    %swap3A_427 = arith.constant 6 : i32
    %swap3A_428 = arith.index_cast %swap3A_427 : i32 to index
    %swap3A_429 = arith.constant 80 : index
    %swap3A_430 = tpu.vector_load %arg9[%swap3A_428, %swap3A_429] {strides = array<i32>} : memref<8x128xf32, #tpu.memory_space<vmem>>, vector<1x16xf32>,
    %swap3A_431 = vector.shape_cast %swap3A_430 : vector<1x16xf32> to vector<16xf32>
    %swap3A_432 = vector.shape_cast %broadcast_in_dim3A_426 : vector<16xf32> to vector<1x16xf32>
    tpu.vector_store %arg9[%swap3A_428, %swap3A_429], %swap3A_432 {strides = array<i32>} : memref<8x128xf32, #tpu.memory_space<vmem>>, vector<1x16xf32>,
    %broadcast_in_dim3A_433 = arith.constant 0.000000e+00 : f32
    %broadcast_in_dim3A_434 = vector.broadcast %broadcast_in_dim3A_433 : f32 to vector<16xf32>
    %swap3A_435 = arith.constant 6 : i32
    %swap3A_436 = arith.index_cast %swap3A_435 : i32 to index
    %swap3A_437 = arith.constant 96 : index
    %swap3A_438 = tpu.vector_load %arg9[%swap3A_436, %swap3A_437] {strides = array<i32>} : memref<8x128xf32, #tpu.memory_space<vmem>>, vector<1x16xf32>,
    %swap3A_439 = vector.shape_cast %swap3A_438 : vector<1x16xf32> to vector<16xf32>
    %swap3A_440 = vector.shape_cast %broadcast_in_dim3A_434 : vector<16xf32> to vector<1x16xf32>
    tpu.vector_store %arg9[%swap3A_436, %swap3A_437], %swap3A_440 {strides = array<i32>} : memref<8x128xf32, #tpu.memory_space<vmem>>, vector<1x16xf32>,
    %broadcast_in_dim3A_441 = arith.constant 0.000000e+00 : f32
    %broadcast_in_dim3A_442 = vector.broadcast %broadcast_in_dim3A_441 : f32 to vector<16xf32>
    %swap3A_443 = arith.constant 6 : i32
    %swap3A_444 = arith.index_cast %swap3A_443 : i32 to index
    %swap3A_445 = arith.constant 112 : index
    %swap3A_446 = tpu.vector_load %arg9[%swap3A_444, %swap3A_445] {strides = array<i32>} : memref<8x128xf32, #tpu.memory_space<vmem>>, vector<1x16xf32>,
    %swap3A_447 = vector.shape_cast %swap3A_446 : vector<1x16xf32> to vector<16xf32>
    %swap3A_448 = vector.shape_cast %broadcast_in_dim3A_442 : vector<16xf32> to vector<1x16xf32>
    tpu.vector_store %arg9[%swap3A_444, %swap3A_445], %swap3A_448 {strides = array<i32>} : memref<8x128xf32, #tpu.memory_space<vmem>>, vector<1x16xf32>,
    %broadcast_in_dim3A_449 = arith.constant 0.000000e+00 : f32
    %broadcast_in_dim3A_450 = vector.broadcast %broadcast_in_dim3A_449 : f32 to vector<16xf32>
    %swap3A_451 = arith.constant 7 : i32
    %swap3A_452 = arith.index_cast %swap3A_451 : i32 to index
    %swap3A_453 = arith.constant 0 : index
    %swap3A_454 = tpu.vector_load %arg9[%swap3A_452, %swap3A_453] {strides = array<i32>} : memref<8x128xf32, #tpu.memory_space<vmem>>, vector<1x16xf32>,
    %swap3A_455 = vector.shape_cast %swap3A_454 : vector<1x16xf32> to vector<16xf32>
    %swap3A_456 = vector.shape_cast %broadcast_in_dim3A_450 : vector<16xf32> to vector<1x16xf32>
    tpu.vector_store %arg9[%swap3A_452, %swap3A_453], %swap3A_456 {strides = array<i32>} : memref<8x128xf32, #tpu.memory_space<vmem>>, vector<1x16xf32>,
    %broadcast_in_dim3A_457 = arith.constant 0.000000e+00 : f32
    %broadcast_in_dim3A_458 = vector.broadcast %broadcast_in_dim3A_457 : f32 to vector<16xf32>
    %swap3A_459 = arith.constant 7 : i32
    %swap3A_460 = arith.index_cast %swap3A_459 : i32 to index
    %swap3A_461 = arith.constant 16 : index
    %swap3A_462 = tpu.vector_load %arg9[%swap3A_460, %swap3A_461] {strides = array<i32>} : memref<8x128xf32, #tpu.memory_space<vmem>>, vector<1x16xf32>,
    %swap3A_463 = vector.shape_cast %swap3A_462 : vector<1x16xf32> to vector<16xf32>
    %swap3A_464 = vector.shape_cast %broadcast_in_dim3A_458 : vector<16xf32> to vector<1x16xf32>
    tpu.vector_store %arg9[%swap3A_460, %swap3A_461], %swap3A_464 {strides = array<i32>} : memref<8x128xf32, #tpu.memory_space<vmem>>, vector<1x16xf32>,
    %broadcast_in_dim3A_465 = arith.constant 0.000000e+00 : f32
    %broadcast_in_dim3A_466 = vector.broadcast %broadcast_in_dim3A_465 : f32 to vector<16xf32>
    %swap3A_467 = arith.constant 7 : i32
    %swap3A_468 = arith.index_cast %swap3A_467 : i32 to index
    %swap3A_469 = arith.constant 32 : index
    %swap3A_470 = tpu.vector_load %arg9[%swap3A_468, %swap3A_469] {strides = array<i32>} : memref<8x128xf32, #tpu.memory_space<vmem>>, vector<1x16xf32>,
    %swap3A_471 = vector.shape_cast %swap3A_470 : vector<1x16xf32> to vector<16xf32>
    %swap3A_472 = vector.shape_cast %broadcast_in_dim3A_466 : vector<16xf32> to vector<1x16xf32>
    tpu.vector_store %arg9[%swap3A_468, %swap3A_469], %swap3A_472 {strides = array<i32>} : memref<8x128xf32, #tpu.memory_space<vmem>>, vector<1x16xf32>,
    %broadcast_in_dim3A_473 = arith.constant 0.000000e+00 : f32
    %broadcast_in_dim3A_474 = vector.broadcast %broadcast_in_dim3A_473 : f32 to vector<16xf32>
    %swap3A_475 = arith.constant 7 : i32
    %swap3A_476 = arith.index_cast %swap3A_475 : i32 to index
    %swap3A_477 = arith.constant 48 : index
    %swap3A_478 = tpu.vector_load %arg9[%swap3A_476, %swap3A_477] {strides = array<i32>} : memref<8x128xf32, #tpu.memory_space<vmem>>, vector<1x16xf32>,
    %swap3A_479 = vector.shape_cast %swap3A_478 : vector<1x16xf32> to vector<16xf32>
    %swap3A_480 = vector.shape_cast %broadcast_in_dim3A_474 : vector<16xf32> to vector<1x16xf32>
    tpu.vector_store %arg9[%swap3A_476, %swap3A_477], %swap3A_480 {strides = array<i32>} : memref<8x128xf32, #tpu.memory_space<vmem>>, vector<1x16xf32>,
    %broadcast_in_dim3A_481 = arith.constant 0.000000e+00 : f32
    %broadcast_in_dim3A_482 = vector.broadcast %broadcast_in_dim3A_481 : f32 to vector<16xf32>
    %swap3A_483 = arith.constant 7 : i32
    %swap3A_484 = arith.index_cast %swap3A_483 : i32 to index
    %swap3A_485 = arith.constant 64 : index
    %swap3A_486 = tpu.vector_load %arg9[%swap3A_484, %swap3A_485] {strides = array<i32>} : memref<8x128xf32, #tpu.memory_space<vmem>>, vector<1x16xf32>,
    %swap3A_487 = vector.shape_cast %swap3A_486 : vector<1x16xf32> to vector<16xf32>
    %swap3A_488 = vector.shape_cast %broadcast_in_dim3A_482 : vector<16xf32> to vector<1x16xf32>
    tpu.vector_store %arg9[%swap3A_484, %swap3A_485], %swap3A_488 {strides = array<i32>} : memref<8x128xf32, #tpu.memory_space<vmem>>, vector<1x16xf32>,
    %broadcast_in_dim3A_489 = arith.constant 0.000000e+00 : f32
    %broadcast_in_dim3A_490 = vector.broadcast %broadcast_in_dim3A_489 : f32 to vector<16xf32>
    %swap3A_491 = arith.constant 7 : i32
    %swap3A_492 = arith.index_cast %swap3A_491 : i32 to index
    %swap3A_493 = arith.constant 80 : index
    %swap3A_494 = tpu.vector_load %arg9[%swap3A_492, %swap3A_493] {strides = array<i32>} : memref<8x128xf32, #tpu.memory_space<vmem>>, vector<1x16xf32>,
    %swap3A_495 = vector.shape_cast %swap3A_494 : vector<1x16xf32> to vector<16xf32>
    %swap3A_496 = vector.shape_cast %broadcast_in_dim3A_490 : vector<16xf32> to vector<1x16xf32>
    tpu.vector_store %arg9[%swap3A_492, %swap3A_493], %swap3A_496 {strides = array<i32>} : memref<8x128xf32, #tpu.memory_space<vmem>>, vector<1x16xf32>,
    %broadcast_in_dim3A_497 = arith.constant 0.000000e+00 : f32
    %broadcast_in_dim3A_498 = vector.broadcast %broadcast_in_dim3A_497 : f32 to vector<16xf32>
    %swap3A_499 = arith.constant 7 : i32
    %swap3A_500 = arith.index_cast %swap3A_499 : i32 to index
    %swap3A_501 = arith.constant 96 : index
    %swap3A_502 = tpu.vector_load %arg9[%swap3A_500, %swap3A_501] {strides = array<i32>} : memref<8x128xf32, #tpu.memory_space<vmem>>, vector<1x16xf32>,
    %swap3A_503 = vector.shape_cast %swap3A_502 : vector<1x16xf32> to vector<16xf32>
    %swap3A_504 = vector.shape_cast %broadcast_in_dim3A_498 : vector<16xf32> to vector<1x16xf32>
    tpu.vector_store %arg9[%swap3A_500, %swap3A_501], %swap3A_504 {strides = array<i32>} : memref<8x128xf32, #tpu.memory_space<vmem>>, vector<1x16xf32>,
    %broadcast_in_dim3A_505 = arith.constant 0.000000e+00 : f32
    %broadcast_in_dim3A_506 = vector.broadcast %broadcast_in_dim3A_505 : f32 to vector<16xf32>
    %swap3A_507 = arith.constant 7 : i32
    %swap3A_508 = arith.index_cast %swap3A_507 : i32 to index
    %swap3A_509 = arith.constant 112 : index
    %swap3A_510 = tpu.vector_load %arg9[%swap3A_508, %swap3A_509] {strides = array<i32>} : memref<8x128xf32, #tpu.memory_space<vmem>>, vector<1x16xf32>,
    %swap3A_511 = vector.shape_cast %swap3A_510 : vector<1x16xf32> to vector<16xf32>
    %swap3A_512 = vector.shape_cast %broadcast_in_dim3A_506 : vector<16xf32> to vector<1x16xf32>
    tpu.vector_store %arg9[%swap3A_508, %swap3A_509], %swap3A_512 {strides = array<i32>} : memref<8x128xf32, #tpu.memory_space<vmem>>, vector<1x16xf32>,
    %scan3A = arith.constant 0 : i32
    %scan3A_513 = arith.constant 0 : i32
    %scan3A_514 = arith.constant 79 : i32
    %scan3A_515 = arith.addi %scan3A_513, %scan3A_514 : i32
    %scan3A_516 = arith.constant 1 : i32
    %scan3A_517 = scf.for %scan3A_531 = %scan3A_513 to %scan3A_515 step %scan3A_516 iter_args(%scan3A_532 = %scan3A) -> (i32)  : i32 {
      %mul3A_533 = arith.constant 632 : i32
      %mul3A_534 = arith.muli %arg1, %mul3A_533 : i32
      %mul3A_535 = arith.constant 8 : i32
      %mul3A_536 = arith.muli %scan3A_531, %mul3A_535 : i32
      %add3A_537 = arith.addi %mul3A_534, %mul3A_536 : i32
      "tpu.region"() ({
        %run_scoped3A = tpu.sem_alloc : memref<!tpu.dma_semaphore, #tpu.memory_space<semaphore_mem>>
        %dma_start3A = arith.constant 0 : i32
        %dma_start3A_539 = tpu.memref_slice %arg10[%add3A_537, %dma_start3A] : memref<10112x128xf32, #tpu.memory_space<vmem_shared>> -> memref<8x128xf32, #tpu.memory_space<vmem_shared>>
        %dma_start3A_540 = arith.constant 0 : i32
        %dma_start3A_541 = tpu.memref_slice %arg10[%add3A_537, %dma_start3A_540] : memref<10112x128xf32, #tpu.memory_space<vmem_shared>> -> memref<8x128xf32, #tpu.memory_space<vmem_shared>>
        tpu.enqueue_dma source(%arg9 : memref<8x128xf32, #tpu.memory_space<vmem>>) target(%dma_start3A_541 : memref<8x128xf32, #tpu.memory_space<vmem_shared>>) target_semaphore(%run_scoped3A : memref<!tpu.dma_semaphore, #tpu.memory_space<semaphore_mem>>)
        %dma_wait3A = arith.constant 0 : i32
        %dma_wait3A_542 = tpu.memref_slice %arg10[%add3A_537, %dma_wait3A] : memref<10112x128xf32, #tpu.memory_space<vmem_shared>> -> memref<8x128xf32, #tpu.memory_space<vmem_shared>>
        %dma_wait3A_543 = arith.constant 0 : i32
        %dma_wait3A_544 = tpu.memref_slice %arg10[%add3A_537, %dma_wait3A_543] : memref<10112x128xf32, #tpu.memory_space<vmem_shared>> -> memref<8x128xf32, #tpu.memory_space<vmem_shared>>
        tpu.wait_dma2 semaphore(%run_scoped3A : memref<!tpu.dma_semaphore, #tpu.memory_space<semaphore_mem>>) src(%arg9 : memref<8x128xf32, #tpu.memory_space<vmem>>) dst(%dma_wait3A_544 : memref<8x128xf32, #tpu.memory_space<vmem_shared>>)
        tpu.yield
      }) : () -> ()
      %scan3A_538 = arith.constant 0 : i32
      scf.yield %scan3A_538 : i32
    }
    %scan3A_518 = arith.constant 79 : i32
    %barrier3A = arith.constant 0 : index
    tpu.barrier barrier_id(%barrier3A)
    %scan3A_519 = arith.constant 0 : i32
    %scan3A_520 = arith.constant 0 : i32
    %scan3A_521 = arith.constant 5 : i32
    %scan3A_522 = arith.addi %scan3A_520, %scan3A_521 : i32
    %scan3A_523 = arith.constant 1 : i32
    %scan3A_524 = scf.for %scan3A_531 = %scan3A_520 to %scan3A_522 step %scan3A_523 iter_args(%scan3A_532 = %scan3A_519) -> (i32)  : i32 {
      %mul3A_533 = arith.constant 16 : i32
      %mul3A_534 = arith.muli %scan3A_531, %mul3A_533 : i32
      %add3A_535 = arith.addi %add3A, %mul3A_534 : i32
      %run_scoped3A = arith.constant 0 : i32
      "tpu.region"() ({
        %run_scoped3A_551 = tpu.sem_alloc : memref<!tpu.dma_semaphore, #tpu.memory_space<semaphore_mem>>
        %dma_start3A_552 = arith.constant 0 : i32
        %dma_start3A_553 = tpu.memref_slice %arg3[%run_scoped3A, %add3A_535, %dma_start3A_552] : memref<2x2560x128xi32, #tpu.memory_space<hbm>> -> memref<1x16x128xi32, #tpu.memory_space<hbm>>
        %dma_start3A_554 = tpu.memref_squeeze %dma_start3A_553 : memref<1x16x128xi32, #tpu.memory_space<hbm>> -> memref<16x128xi32, #tpu.memory_space<hbm>>
        %dma_start3A_555 = arith.constant 0 : i32
        %dma_start3A_556 = tpu.memref_slice %arg3[%run_scoped3A, %add3A_535, %dma_start3A_555] : memref<2x2560x128xi32, #tpu.memory_space<hbm>> -> memref<1x16x128xi32, #tpu.memory_space<hbm>>
        %dma_start3A_557 = tpu.memref_squeeze %dma_start3A_556 : memref<1x16x128xi32, #tpu.memory_space<hbm>> -> memref<16x128xi32, #tpu.memory_space<hbm>>
        tpu.enqueue_dma source(%dma_start3A_557 : memref<16x128xi32, #tpu.memory_space<hbm>>) target(%arg5 : memref<16x128xi32, #tpu.memory_space<vmem>>) target_semaphore(%run_scoped3A_551 : memref<!tpu.dma_semaphore, #tpu.memory_space<semaphore_mem>>)
        %dma_wait3A = arith.constant 0 : i32
        %dma_wait3A_558 = tpu.memref_slice %arg3[%run_scoped3A, %add3A_535, %dma_wait3A] : memref<2x2560x128xi32, #tpu.memory_space<hbm>> -> memref<1x16x128xi32, #tpu.memory_space<hbm>>
        %dma_wait3A_559 = tpu.memref_squeeze %dma_wait3A_558 : memref<1x16x128xi32, #tpu.memory_space<hbm>> -> memref<16x128xi32, #tpu.memory_space<hbm>>
        %dma_wait3A_560 = arith.constant 0 : i32
        %dma_wait3A_561 = tpu.memref_slice %arg3[%run_scoped3A, %add3A_535, %dma_wait3A_560] : memref<2x2560x128xi32, #tpu.memory_space<hbm>> -> memref<1x16x128xi32, #tpu.memory_space<hbm>>
        %dma_wait3A_562 = tpu.memref_squeeze %dma_wait3A_561 : memref<1x16x128xi32, #tpu.memory_space<hbm>> -> memref<16x128xi32, #tpu.memory_space<hbm>>
        tpu.wait_dma2 semaphore(%run_scoped3A_551 : memref<!tpu.dma_semaphore, #tpu.memory_space<semaphore_mem>>) src(%dma_wait3A_562 : memref<16x128xi32, #tpu.memory_space<hbm>>) dst(%arg5 : memref<16x128xi32, #tpu.memory_space<vmem>>)
        tpu.yield
      }) : () -> ()
      %run_scoped3A_536 = arith.constant 1 : i32
      "tpu.region"() ({
        %run_scoped3A_551 = tpu.sem_alloc : memref<!tpu.dma_semaphore, #tpu.memory_space<semaphore_mem>>
        %dma_start3A_552 = arith.constant 0 : i32
        %dma_start3A_553 = tpu.memref_slice %arg3[%run_scoped3A_536, %add3A_535, %dma_start3A_552] : memref<2x2560x128xi32, #tpu.memory_space<hbm>> -> memref<1x16x128xi32, #tpu.memory_space<hbm>>
        %dma_start3A_554 = tpu.memref_squeeze %dma_start3A_553 : memref<1x16x128xi32, #tpu.memory_space<hbm>> -> memref<16x128xi32, #tpu.memory_space<hbm>>
        %dma_start3A_555 = arith.constant 0 : i32
        %dma_start3A_556 = tpu.memref_slice %arg3[%run_scoped3A_536, %add3A_535, %dma_start3A_555] : memref<2x2560x128xi32, #tpu.memory_space<hbm>> -> memref<1x16x128xi32, #tpu.memory_space<hbm>>
        %dma_start3A_557 = tpu.memref_squeeze %dma_start3A_556 : memref<1x16x128xi32, #tpu.memory_space<hbm>> -> memref<16x128xi32, #tpu.memory_space<hbm>>
        tpu.enqueue_dma source(%dma_start3A_557 : memref<16x128xi32, #tpu.memory_space<hbm>>) target(%arg6 : memref<16x128xi32, #tpu.memory_space<vmem>>) target_semaphore(%run_scoped3A_551 : memref<!tpu.dma_semaphore, #tpu.memory_space<semaphore_mem>>)
        %dma_wait3A = arith.constant 0 : i32
        %dma_wait3A_558 = tpu.memref_slice %arg3[%run_scoped3A_536, %add3A_535, %dma_wait3A] : memref<2x2560x128xi32, #tpu.memory_space<hbm>> -> memref<1x16x128xi32, #tpu.memory_space<hbm>>
        %dma_wait3A_559 = tpu.memref_squeeze %dma_wait3A_558 : memref<1x16x128xi32, #tpu.memory_space<hbm>> -> memref<16x128xi32, #tpu.memory_space<hbm>>
        %dma_wait3A_560 = arith.constant 0 : i32
        %dma_wait3A_561 = tpu.memref_slice %arg3[%run_scoped3A_536, %add3A_535, %dma_wait3A_560] : memref<2x2560x128xi32, #tpu.memory_space<hbm>> -> memref<1x16x128xi32, #tpu.memory_space<hbm>>
        %dma_wait3A_562 = tpu.memref_squeeze %dma_wait3A_561 : memref<1x16x128xi32, #tpu.memory_space<hbm>> -> memref<16x128xi32, #tpu.memory_space<hbm>>
        tpu.wait_dma2 semaphore(%run_scoped3A_551 : memref<!tpu.dma_semaphore, #tpu.memory_space<semaphore_mem>>) src(%dma_wait3A_562 : memref<16x128xi32, #tpu.memory_space<hbm>>) dst(%arg6 : memref<16x128xi32, #tpu.memory_space<vmem>>)
        tpu.yield
      }) : () -> ()
      %dma_start3A = arith.constant 0 : i32
      %dma_start3A_537 = arith.constant 0 : i32
      %dma_start3A_538 = tpu.memref_slice %arg5[%dma_start3A, %dma_start3A_537] : memref<16x128xi32, #tpu.memory_space<vmem>> -> memref<1x128xi32, #tpu.memory_space<vmem>>
      %dma_start3A_539 = tpu.memref_squeeze %dma_start3A_538 : memref<1x128xi32, #tpu.memory_space<vmem>> -> memref<128xi32, #tpu.memory_space<vmem>>
      %dma_start3A_540 = arith.constant 0 : i32
      %dma_start3A_541 = arith.constant 0 : i32
      %dma_start3A_542 = tpu.memref_slice %arg2[%dma_start3A_540, %dma_start3A_541] : memref<10000x128xf32, #tpu.memory_space<hbm>> -> memref<10000x128xf32, #tpu.memory_space<hbm>>
      tpu.enqueue_indirect_dma source(%dma_start3A_542 : memref<10000x128xf32, #tpu.memory_space<hbm>>) target(%arg7 : memref<128x128xf32, #tpu.memory_space<vmem>>) offsets(%dma_start3A_539 : memref<128xi32, #tpu.memory_space<vmem>>) semaphore(%arg11 : memref<!tpu.dma_semaphore, #tpu.memory_space<semaphore_mem>>)
      %scan3A_543 = arith.constant 0 : i32
      %scan3A_544 = arith.constant 0 : i32
      %scan3A_545 = arith.constant 8 : i32
      %scan3A_546 = arith.addi %scan3A_544, %scan3A_545 : i32
      %scan3A_547 = arith.constant 1 : i32
      %scan3A_548 = scf.for %scan3A_551 = %scan3A_544 to %scan3A_546 step %scan3A_547 iter_args(%scan3A_552 = %scan3A_543) -> (i32)  : i32 {
        %mul3A_553 = arith.constant 2 : i32
        %mul3A_554 = arith.muli %mul3A_553, %scan3A_551 : i32
        %add3A_555 = arith.constant 1 : i32
        %add3A_556 = arith.addi %mul3A_554, %add3A_555 : i32
        %dma_start3A_557 = arith.constant 0 : i32
        %dma_start3A_558 = tpu.memref_slice %arg5[%add3A_556, %dma_start3A_557] : memref<16x128xi32, #tpu.memory_space<vmem>> -> memref<1x128xi32, #tpu.memory_space<vmem>>
        %dma_start3A_559 = tpu.memref_squeeze %dma_start3A_558 : memref<1x128xi32, #tpu.memory_space<vmem>> -> memref<128xi32, #tpu.memory_space<vmem>>
        %dma_start3A_560 = arith.constant 0 : i32
        %dma_start3A_561 = arith.constant 0 : i32
        %dma_start3A_562 = tpu.memref_slice %arg2[%dma_start3A_560, %dma_start3A_561] : memref<10000x128xf32, #tpu.memory_space<hbm>> -> memref<10000x128xf32, #tpu.memory_space<hbm>>
        tpu.enqueue_indirect_dma source(%dma_start3A_562 : memref<10000x128xf32, #tpu.memory_space<hbm>>) target(%arg8 : memref<128x128xf32, #tpu.memory_space<vmem>>) offsets(%dma_start3A_559 : memref<128xi32, #tpu.memory_space<vmem>>) semaphore(%arg12 : memref<!tpu.dma_semaphore, #tpu.memory_space<semaphore_mem>>)
        %dma_wait3A = arith.constant 0 : i32
        %dma_wait3A_563 = tpu.memref_slice %arg5[%mul3A_554, %dma_wait3A] : memref<16x128xi32, #tpu.memory_space<vmem>> -> memref<1x128xi32, #tpu.memory_space<vmem>>
        %dma_wait3A_564 = tpu.memref_squeeze %dma_wait3A_563 : memref<1x128xi32, #tpu.memory_space<vmem>> -> memref<128xi32, #tpu.memory_space<vmem>>
        %dma_wait3A_565 = arith.constant 0 : i32
        %dma_wait3A_566 = arith.constant 0 : i32
        %dma_wait3A_567 = tpu.memref_slice %arg2[%dma_wait3A_565, %dma_wait3A_566] : memref<10000x128xf32, #tpu.memory_space<hbm>> -> memref<10000x128xf32, #tpu.memory_space<hbm>>
        tpu.wait_indirect_dma semaphore(%arg11 : memref<!tpu.dma_semaphore, #tpu.memory_space<semaphore_mem>>) src(%dma_wait3A_567 : memref<10000x128xf32, #tpu.memory_space<hbm>>) dst(%arg7 : memref<128x128xf32, #tpu.memory_space<vmem>>)
        "tpu.region"() ({
          %run_scoped3A_581 = tpu.sem_alloc : memref<!tpu.dma_semaphore, #tpu.memory_space<semaphore_mem>>
          %dma_start3A_582 = arith.constant 0 : i32
          %dma_start3A_583 = tpu.memref_slice %arg6[%mul3A_554, %dma_start3A_582] : memref<16x128xi32, #tpu.memory_space<vmem>> -> memref<1x128xi32, #tpu.memory_space<vmem>>
          %dma_start3A_584 = tpu.memref_squeeze %dma_start3A_583 : memref<1x128xi32, #tpu.memory_space<vmem>> -> memref<128xi32, #tpu.memory_space<vmem>>
          %dma_start3A_585 = arith.constant 0 : i32
          %dma_start3A_586 = arith.constant 0 : i32
          %dma_start3A_587 = tpu.memref_slice %arg10[%dma_start3A_585, %dma_start3A_586] : memref<10112x128xf32, #tpu.memory_space<vmem_shared>> -> memref<10112x128xf32, #tpu.memory_space<vmem_shared>>
          tpu.enqueue_indirect_dma source(%arg7 : memref<128x128xf32, #tpu.memory_space<vmem>>) target(%dma_start3A_587 : memref<10112x128xf32, #tpu.memory_space<vmem_shared>>) offsets(%dma_start3A_584 : memref<128xi32, #tpu.memory_space<vmem>>) semaphore(%run_scoped3A_581 : memref<!tpu.dma_semaphore, #tpu.memory_space<semaphore_mem>>) {add = true}
          %dma_wait3A_588 = arith.constant 0 : i32
          %dma_wait3A_589 = tpu.memref_slice %arg6[%mul3A_554, %dma_wait3A_588] : memref<16x128xi32, #tpu.memory_space<vmem>> -> memref<1x128xi32, #tpu.memory_space<vmem>>
          %dma_wait3A_590 = tpu.memref_squeeze %dma_wait3A_589 : memref<1x128xi32, #tpu.memory_space<vmem>> -> memref<128xi32, #tpu.memory_space<vmem>>
          %dma_wait3A_591 = arith.constant 0 : i32
          %dma_wait3A_592 = arith.constant 0 : i32
          %dma_wait3A_593 = tpu.memref_slice %arg10[%dma_wait3A_591, %dma_wait3A_592] : memref<10112x128xf32, #tpu.memory_space<vmem_shared>> -> memref<10112x128xf32, #tpu.memory_space<vmem_shared>>
          tpu.wait_indirect_dma semaphore(%run_scoped3A_581 : memref<!tpu.dma_semaphore, #tpu.memory_space<semaphore_mem>>) src(%arg7 : memref<128x128xf32, #tpu.memory_space<vmem>>) dst(%dma_wait3A_593 : memref<10112x128xf32, #tpu.memory_space<vmem_shared>>)
          tpu.yield
        }) : () -> ()
        %lt3A = arith.constant 7 : i32
        %lt3A_568 = arith.cmpi slt, %scan3A_551, %lt3A : i32
        %convert_element_type3A = arith.extui %lt3A_568 : i1 to i32
        %cond3A = arith.constant 0 : i32
        %cond3A_569 = arith.cmpi ne, %convert_element_type3A, %cond3A : i32
        scf.if %cond3A_569 {
          %add3A_581 = arith.constant 2 : i32
          %add3A_582 = arith.addi %mul3A_554, %add3A_581 : i32
          %dma_start3A_583 = arith.constant 0 : i32
          %dma_start3A_584 = tpu.memref_slice %arg5[%add3A_582, %dma_start3A_583] : memref<16x128xi32, #tpu.memory_space<vmem>> -> memref<1x128xi32, #tpu.memory_space<vmem>>
          %dma_start3A_585 = tpu.memref_squeeze %dma_start3A_584 : memref<1x128xi32, #tpu.memory_space<vmem>> -> memref<128xi32, #tpu.memory_space<vmem>>
          %dma_start3A_586 = arith.constant 0 : i32
          %dma_start3A_587 = arith.constant 0 : i32
          %dma_start3A_588 = tpu.memref_slice %arg2[%dma_start3A_586, %dma_start3A_587] : memref<10000x128xf32, #tpu.memory_space<hbm>> -> memref<10000x128xf32, #tpu.memory_space<hbm>>
          tpu.enqueue_indirect_dma source(%dma_start3A_588 : memref<10000x128xf32, #tpu.memory_space<hbm>>) target(%arg7 : memref<128x128xf32, #tpu.memory_space<vmem>>) offsets(%dma_start3A_585 : memref<128xi32, #tpu.memory_space<vmem>>) semaphore(%arg11 : memref<!tpu.dma_semaphore, #tpu.memory_space<semaphore_mem>>)
        } else {
        }
        %add3A_570 = arith.constant 1 : i32
        %add3A_571 = arith.addi %mul3A_554, %add3A_570 : i32
        %dma_wait3A_572 = arith.constant 0 : i32
        %dma_wait3A_573 = tpu.memref_slice %arg5[%add3A_571, %dma_wait3A_572] : memref<16x128xi32, #tpu.memory_space<vmem>> -> memref<1x128xi32, #tpu.memory_space<vmem>>
        %dma_wait3A_574 = tpu.memref_squeeze %dma_wait3A_573 : memref<1x128xi32, #tpu.memory_space<vmem>> -> memref<128xi32, #tpu.memory_space<vmem>>
        %dma_wait3A_575 = arith.constant 0 : i32
        %dma_wait3A_576 = arith.constant 0 : i32
        %dma_wait3A_577 = tpu.memref_slice %arg2[%dma_wait3A_575, %dma_wait3A_576] : memref<10000x128xf32, #tpu.memory_space<hbm>> -> memref<10000x128xf32, #tpu.memory_space<hbm>>
        tpu.wait_indirect_dma semaphore(%arg12 : memref<!tpu.dma_semaphore, #tpu.memory_space<semaphore_mem>>) src(%dma_wait3A_577 : memref<10000x128xf32, #tpu.memory_space<hbm>>) dst(%arg8 : memref<128x128xf32, #tpu.memory_space<vmem>>)
        %add3A_578 = arith.constant 1 : i32
        %add3A_579 = arith.addi %mul3A_554, %add3A_578 : i32
        "tpu.region"() ({
          %run_scoped3A_581 = tpu.sem_alloc : memref<!tpu.dma_semaphore, #tpu.memory_space<semaphore_mem>>
          %dma_start3A_582 = arith.constant 0 : i32
          %dma_start3A_583 = tpu.memref_slice %arg6[%add3A_579, %dma_start3A_582] : memref<16x128xi32, #tpu.memory_space<vmem>> -> memref<1x128xi32, #tpu.memory_space<vmem>>
          %dma_start3A_584 = tpu.memref_squeeze %dma_start3A_583 : memref<1x128xi32, #tpu.memory_space<vmem>> -> memref<128xi32, #tpu.memory_space<vmem>>
          %dma_start3A_585 = arith.constant 0 : i32
          %dma_start3A_586 = arith.constant 0 : i32
          %dma_start3A_587 = tpu.memref_slice %arg10[%dma_start3A_585, %dma_start3A_586] : memref<10112x128xf32, #tpu.memory_space<vmem_shared>> -> memref<10112x128xf32, #tpu.memory_space<vmem_shared>>
          tpu.enqueue_indirect_dma source(%arg8 : memref<128x128xf32, #tpu.memory_space<vmem>>) target(%dma_start3A_587 : memref<10112x128xf32, #tpu.memory_space<vmem_shared>>) offsets(%dma_start3A_584 : memref<128xi32, #tpu.memory_space<vmem>>) semaphore(%run_scoped3A_581 : memref<!tpu.dma_semaphore, #tpu.memory_space<semaphore_mem>>) {add = true}
          %dma_wait3A_588 = arith.constant 0 : i32
          %dma_wait3A_589 = tpu.memref_slice %arg6[%add3A_579, %dma_wait3A_588] : memref<16x128xi32, #tpu.memory_space<vmem>> -> memref<1x128xi32, #tpu.memory_space<vmem>>
          %dma_wait3A_590 = tpu.memref_squeeze %dma_wait3A_589 : memref<1x128xi32, #tpu.memory_space<vmem>> -> memref<128xi32, #tpu.memory_space<vmem>>
          %dma_wait3A_591 = arith.constant 0 : i32
          %dma_wait3A_592 = arith.constant 0 : i32
          %dma_wait3A_593 = tpu.memref_slice %arg10[%dma_wait3A_591, %dma_wait3A_592] : memref<10112x128xf32, #tpu.memory_space<vmem_shared>> -> memref<10112x128xf32, #tpu.memory_space<vmem_shared>>
          tpu.wait_indirect_dma semaphore(%run_scoped3A_581 : memref<!tpu.dma_semaphore, #tpu.memory_space<semaphore_mem>>) src(%arg8 : memref<128x128xf32, #tpu.memory_space<vmem>>) dst(%dma_wait3A_593 : memref<10112x128xf32, #tpu.memory_space<vmem_shared>>)
          tpu.yield
        }) : () -> ()
        %scan3A_580 = arith.constant 0 : i32
        scf.yield %scan3A_580 : i32
      }
      %scan3A_549 = arith.constant 8 : i32
      %scan3A_550 = arith.constant 0 : i32
      scf.yield %scan3A_550 : i32
    }
    %scan3A_525 = arith.constant 5 : i32
    %barrier3A_526 = arith.constant 0 : index
    tpu.barrier barrier_id(%barrier3A_526)
    %mul3A_527 = arith.constant 632 : i32
    %mul3A_528 = arith.muli %arg1, %mul3A_527 : i32
    %mul3A_529 = arith.constant 632 : i32
    %mul3A_530 = arith.muli %arg1, %mul3A_529 : i32
    "tpu.region"() ({
      %run_scoped3A = tpu.sem_alloc : memref<!tpu.dma_semaphore, #tpu.memory_space<semaphore_mem>>
      %dma_start3A = arith.constant 0 : i32
      %dma_start3A_531 = tpu.memref_slice %arg4[%arg0, %mul3A_530, %dma_start3A] : memref<2x10112x128xf32, #tpu.memory_space<hbm>> -> memref<1x632x128xf32, #tpu.memory_space<hbm>>
      %dma_start3A_532 = tpu.memref_squeeze %dma_start3A_531 : memref<1x632x128xf32, #tpu.memory_space<hbm>> -> memref<632x128xf32, #tpu.memory_space<hbm>>
      %dma_start3A_533 = arith.constant 0 : i32
      %dma_start3A_534 = tpu.memref_slice %arg10[%mul3A_528, %dma_start3A_533] : memref<10112x128xf32, #tpu.memory_space<vmem_shared>> -> memref<632x128xf32, #tpu.memory_space<vmem_shared>>
      tpu.enqueue_dma source(%dma_start3A_534 : memref<632x128xf32, #tpu.memory_space<vmem_shared>>) target(%dma_start3A_532 : memref<632x128xf32, #tpu.memory_space<hbm>>) target_semaphore(%run_scoped3A : memref<!tpu.dma_semaphore, #tpu.memory_space<semaphore_mem>>)
      %dma_wait3A = arith.constant 0 : i32
      %dma_wait3A_535 = tpu.memref_slice %arg4[%arg0, %mul3A_530, %dma_wait3A] : memref<2x10112x128xf32, #tpu.memory_space<hbm>> -> memref<1x632x128xf32, #tpu.memory_space<hbm>>
      %dma_wait3A_536 = tpu.memref_squeeze %dma_wait3A_535 : memref<1x632x128xf32, #tpu.memory_space<hbm>> -> memref<632x128xf32, #tpu.memory_space<hbm>>
      %dma_wait3A_537 = arith.constant 0 : i32
      %dma_wait3A_538 = tpu.memref_slice %arg10[%mul3A_528, %dma_wait3A_537] : memref<10112x128xf32, #tpu.memory_space<vmem_shared>> -> memref<632x128xf32, #tpu.memory_space<vmem_shared>>
      tpu.wait_dma2 semaphore(%run_scoped3A : memref<!tpu.dma_semaphore, #tpu.memory_space<semaphore_mem>>) src(%dma_wait3A_538 : memref<632x128xf32, #tpu.memory_space<vmem_shared>>) dst(%dma_wait3A_536 : memref<632x128xf32, #tpu.memory_space<hbm>>)
      tpu.yield
    }) : () -> ()
    return
  }
}

#map = affine_map<(d0, d1) -> (0, 0)>
#map1 = affine_map<(d0, d1) -> (0, 0, 0)>
module attributes {stable_mosaic.version = 14 : i64} {
  func.func @agg_kernel(%arg0: i32, %arg1: i32, %arg2: memref<10000x128xf32, #tpu.memory_space<hbm>>, %arg3: memref<2x2560x128xi32, #tpu.memory_space<hbm>>, %arg4: memref<2x10112x128xf32, #tpu.memory_space<hbm>>, %arg5: memref<16x128xi32, #tpu.memory_space<vmem>>, %arg6: memref<16x128xi32, #tpu.memory_space<vmem>>, %arg7: memref<128x128xf32, #tpu.memory_space<vmem>>, %arg8: memref<128x128xf32, #tpu.memory_space<vmem>>, %arg9: memref<8x128xf32, #tpu.memory_space<vmem>>, %arg10: memref<10112x128xf32, #tpu.memory_space<vmem_shared>>, %arg11: memref<!tpu.dma_semaphore, #tpu.memory_space<semaphore_mem>>, %arg12: memref<!tpu.dma_semaphore, #tpu.memory_space<semaphore_mem>>) attributes {dimension_semantics = [#tpu.dimension_semantics<core_parallel>, #tpu.dimension_semantics<subcore_parallel>], iteration_bounds = array<i64: 2, 16>, scalar_prefetch = 0 : i64, scratch_operands = 8 : i64, tpu.core_type = #tpu.core_type<sc_vector_subcore>, window_params = [{transform_indices = #map}, {transform_indices = #map1}, {transform_indices = #map1}]} {
    %mul3A = arith.constant 1280 : i32
    %mul3A_0 = arith.muli %arg0, %mul3A : i32
    %mul3A_1 = arith.constant 80 : i32
    %mul3A_2 = arith.muli %arg1, %mul3A_1 : i32
    %add3A = arith.addi %mul3A_0, %mul3A_2 : i32
    %broadcast_in_dim3A = arith.constant 0.000000e+00 : f32
    %broadcast_in_dim3A_3 = vector.broadcast %broadcast_in_dim3A : f32 to vector<16xf32>
    %swap3A = arith.constant 0 : i32
    %swap3A_4 = arith.index_cast %swap3A : i32 to index
    %swap3A_5 = arith.constant 0 : index
    %swap3A_6 = tpu.vector_load %arg9[%swap3A_4, %swap3A_5] {strides = array<i32>} : memref<8x128xf32, #tpu.memory_space<vmem>>, vector<1x16xf32>,
    %swap3A_7 = vector.shape_cast %swap3A_6 : vector<1x16xf32> to vector<16xf32>
    %swap3A_8 = vector.shape_cast %broadcast_in_dim3A_3 : vector<16xf32> to vector<1x16xf32>
    tpu.vector_store %arg9[%swap3A_4, %swap3A_5], %swap3A_8 {strides = array<i32>} : memref<8x128xf32, #tpu.memory_space<vmem>>, vector<1x16xf32>,
    %broadcast_in_dim3A_9 = arith.constant 0.000000e+00 : f32
    %broadcast_in_dim3A_10 = vector.broadcast %broadcast_in_dim3A_9 : f32 to vector<16xf32>
    %swap3A_11 = arith.constant 0 : i32
    %swap3A_12 = arith.index_cast %swap3A_11 : i32 to index
    %swap3A_13 = arith.constant 16 : index
    %swap3A_14 = tpu.vector_load %arg9[%swap3A_12, %swap3A_13] {strides = array<i32>} : memref<8x128xf32, #tpu.memory_space<vmem>>, vector<1x16xf32>,
    %swap3A_15 = vector.shape_cast %swap3A_14 : vector<1x16xf32> to vector<16xf32>
    %swap3A_16 = vector.shape_cast %broadcast_in_dim3A_10 : vector<16xf32> to vector<1x16xf32>
    tpu.vector_store %arg9[%swap3A_12, %swap3A_13], %swap3A_16 {strides = array<i32>} : memref<8x128xf32, #tpu.memory_space<vmem>>, vector<1x16xf32>,
    %broadcast_in_dim3A_17 = arith.constant 0.000000e+00 : f32
    %broadcast_in_dim3A_18 = vector.broadcast %broadcast_in_dim3A_17 : f32 to vector<16xf32>
    %swap3A_19 = arith.constant 0 : i32
    %swap3A_20 = arith.index_cast %swap3A_19 : i32 to index
    %swap3A_21 = arith.constant 32 : index
    %swap3A_22 = tpu.vector_load %arg9[%swap3A_20, %swap3A_21] {strides = array<i32>} : memref<8x128xf32, #tpu.memory_space<vmem>>, vector<1x16xf32>,
    %swap3A_23 = vector.shape_cast %swap3A_22 : vector<1x16xf32> to vector<16xf32>
    %swap3A_24 = vector.shape_cast %broadcast_in_dim3A_18 : vector<16xf32> to vector<1x16xf32>
    tpu.vector_store %arg9[%swap3A_20, %swap3A_21], %swap3A_24 {strides = array<i32>} : memref<8x128xf32, #tpu.memory_space<vmem>>, vector<1x16xf32>,
    %broadcast_in_dim3A_25 = arith.constant 0.000000e+00 : f32
    %broadcast_in_dim3A_26 = vector.broadcast %broadcast_in_dim3A_25 : f32 to vector<16xf32>
    %swap3A_27 = arith.constant 0 : i32
    %swap3A_28 = arith.index_cast %swap3A_27 : i32 to index
    %swap3A_29 = arith.constant 48 : index
    %swap3A_30 = tpu.vector_load %arg9[%swap3A_28, %swap3A_29] {strides = array<i32>} : memref<8x128xf32, #tpu.memory_space<vmem>>, vector<1x16xf32>,
    %swap3A_31 = vector.shape_cast %swap3A_30 : vector<1x16xf32> to vector<16xf32>
    %swap3A_32 = vector.shape_cast %broadcast_in_dim3A_26 : vector<16xf32> to vector<1x16xf32>
    tpu.vector_store %arg9[%swap3A_28, %swap3A_29], %swap3A_32 {strides = array<i32>} : memref<8x128xf32, #tpu.memory_space<vmem>>, vector<1x16xf32>,
    %broadcast_in_dim3A_33 = arith.constant 0.000000e+00 : f32
    %broadcast_in_dim3A_34 = vector.broadcast %broadcast_in_dim3A_33 : f32 to vector<16xf32>
    %swap3A_35 = arith.constant 0 : i32
    %swap3A_36 = arith.index_cast %swap3A_35 : i32 to index
    %swap3A_37 = arith.constant 64 : index
    %swap3A_38 = tpu.vector_load %arg9[%swap3A_36, %swap3A_37] {strides = array<i32>} : memref<8x128xf32, #tpu.memory_space<vmem>>, vector<1x16xf32>,
    %swap3A_39 = vector.shape_cast %swap3A_38 : vector<1x16xf32> to vector<16xf32>
    %swap3A_40 = vector.shape_cast %broadcast_in_dim3A_34 : vector<16xf32> to vector<1x16xf32>
    tpu.vector_store %arg9[%swap3A_36, %swap3A_37], %swap3A_40 {strides = array<i32>} : memref<8x128xf32, #tpu.memory_space<vmem>>, vector<1x16xf32>,
    %broadcast_in_dim3A_41 = arith.constant 0.000000e+00 : f32
    %broadcast_in_dim3A_42 = vector.broadcast %broadcast_in_dim3A_41 : f32 to vector<16xf32>
    %swap3A_43 = arith.constant 0 : i32
    %swap3A_44 = arith.index_cast %swap3A_43 : i32 to index
    %swap3A_45 = arith.constant 80 : index
    %swap3A_46 = tpu.vector_load %arg9[%swap3A_44, %swap3A_45] {strides = array<i32>} : memref<8x128xf32, #tpu.memory_space<vmem>>, vector<1x16xf32>,
    %swap3A_47 = vector.shape_cast %swap3A_46 : vector<1x16xf32> to vector<16xf32>
    %swap3A_48 = vector.shape_cast %broadcast_in_dim3A_42 : vector<16xf32> to vector<1x16xf32>
    tpu.vector_store %arg9[%swap3A_44, %swap3A_45], %swap3A_48 {strides = array<i32>} : memref<8x128xf32, #tpu.memory_space<vmem>>, vector<1x16xf32>,
    %broadcast_in_dim3A_49 = arith.constant 0.000000e+00 : f32
    %broadcast_in_dim3A_50 = vector.broadcast %broadcast_in_dim3A_49 : f32 to vector<16xf32>
    %swap3A_51 = arith.constant 0 : i32
    %swap3A_52 = arith.index_cast %swap3A_51 : i32 to index
    %swap3A_53 = arith.constant 96 : index
    %swap3A_54 = tpu.vector_load %arg9[%swap3A_52, %swap3A_53] {strides = array<i32>} : memref<8x128xf32, #tpu.memory_space<vmem>>, vector<1x16xf32>,
    %swap3A_55 = vector.shape_cast %swap3A_54 : vector<1x16xf32> to vector<16xf32>
    %swap3A_56 = vector.shape_cast %broadcast_in_dim3A_50 : vector<16xf32> to vector<1x16xf32>
    tpu.vector_store %arg9[%swap3A_52, %swap3A_53], %swap3A_56 {strides = array<i32>} : memref<8x128xf32, #tpu.memory_space<vmem>>, vector<1x16xf32>,
    %broadcast_in_dim3A_57 = arith.constant 0.000000e+00 : f32
    %broadcast_in_dim3A_58 = vector.broadcast %broadcast_in_dim3A_57 : f32 to vector<16xf32>
    %swap3A_59 = arith.constant 0 : i32
    %swap3A_60 = arith.index_cast %swap3A_59 : i32 to index
    %swap3A_61 = arith.constant 112 : index
    %swap3A_62 = tpu.vector_load %arg9[%swap3A_60, %swap3A_61] {strides = array<i32>} : memref<8x128xf32, #tpu.memory_space<vmem>>, vector<1x16xf32>,
    %swap3A_63 = vector.shape_cast %swap3A_62 : vector<1x16xf32> to vector<16xf32>
    %swap3A_64 = vector.shape_cast %broadcast_in_dim3A_58 : vector<16xf32> to vector<1x16xf32>
    tpu.vector_store %arg9[%swap3A_60, %swap3A_61], %swap3A_64 {strides = array<i32>} : memref<8x128xf32, #tpu.memory_space<vmem>>, vector<1x16xf32>,
    %broadcast_in_dim3A_65 = arith.constant 0.000000e+00 : f32
    %broadcast_in_dim3A_66 = vector.broadcast %broadcast_in_dim3A_65 : f32 to vector<16xf32>
    %swap3A_67 = arith.constant 1 : i32
    %swap3A_68 = arith.index_cast %swap3A_67 : i32 to index
    %swap3A_69 = arith.constant 0 : index
    %swap3A_70 = tpu.vector_load %arg9[%swap3A_68, %swap3A_69] {strides = array<i32>} : memref<8x128xf32, #tpu.memory_space<vmem>>, vector<1x16xf32>,
    %swap3A_71 = vector.shape_cast %swap3A_70 : vector<1x16xf32> to vector<16xf32>
    %swap3A_72 = vector.shape_cast %broadcast_in_dim3A_66 : vector<16xf32> to vector<1x16xf32>
    tpu.vector_store %arg9[%swap3A_68, %swap3A_69], %swap3A_72 {strides = array<i32>} : memref<8x128xf32, #tpu.memory_space<vmem>>, vector<1x16xf32>,
    %broadcast_in_dim3A_73 = arith.constant 0.000000e+00 : f32
    %broadcast_in_dim3A_74 = vector.broadcast %broadcast_in_dim3A_73 : f32 to vector<16xf32>
    %swap3A_75 = arith.constant 1 : i32
    %swap3A_76 = arith.index_cast %swap3A_75 : i32 to index
    %swap3A_77 = arith.constant 16 : index
    %swap3A_78 = tpu.vector_load %arg9[%swap3A_76, %swap3A_77] {strides = array<i32>} : memref<8x128xf32, #tpu.memory_space<vmem>>, vector<1x16xf32>,
    %swap3A_79 = vector.shape_cast %swap3A_78 : vector<1x16xf32> to vector<16xf32>
    %swap3A_80 = vector.shape_cast %broadcast_in_dim3A_74 : vector<16xf32> to vector<1x16xf32>
    tpu.vector_store %arg9[%swap3A_76, %swap3A_77], %swap3A_80 {strides = array<i32>} : memref<8x128xf32, #tpu.memory_space<vmem>>, vector<1x16xf32>,
    %broadcast_in_dim3A_81 = arith.constant 0.000000e+00 : f32
    %broadcast_in_dim3A_82 = vector.broadcast %broadcast_in_dim3A_81 : f32 to vector<16xf32>
    %swap3A_83 = arith.constant 1 : i32
    %swap3A_84 = arith.index_cast %swap3A_83 : i32 to index
    %swap3A_85 = arith.constant 32 : index
    %swap3A_86 = tpu.vector_load %arg9[%swap3A_84, %swap3A_85] {strides = array<i32>} : memref<8x128xf32, #tpu.memory_space<vmem>>, vector<1x16xf32>,
    %swap3A_87 = vector.shape_cast %swap3A_86 : vector<1x16xf32> to vector<16xf32>
    %swap3A_88 = vector.shape_cast %broadcast_in_dim3A_82 : vector<16xf32> to vector<1x16xf32>
    tpu.vector_store %arg9[%swap3A_84, %swap3A_85], %swap3A_88 {strides = array<i32>} : memref<8x128xf32, #tpu.memory_space<vmem>>, vector<1x16xf32>,
    %broadcast_in_dim3A_89 = arith.constant 0.000000e+00 : f32
    %broadcast_in_dim3A_90 = vector.broadcast %broadcast_in_dim3A_89 : f32 to vector<16xf32>
    %swap3A_91 = arith.constant 1 : i32
    %swap3A_92 = arith.index_cast %swap3A_91 : i32 to index
    %swap3A_93 = arith.constant 48 : index
    %swap3A_94 = tpu.vector_load %arg9[%swap3A_92, %swap3A_93] {strides = array<i32>} : memref<8x128xf32, #tpu.memory_space<vmem>>, vector<1x16xf32>,
    %swap3A_95 = vector.shape_cast %swap3A_94 : vector<1x16xf32> to vector<16xf32>
    %swap3A_96 = vector.shape_cast %broadcast_in_dim3A_90 : vector<16xf32> to vector<1x16xf32>
    tpu.vector_store %arg9[%swap3A_92, %swap3A_93], %swap3A_96 {strides = array<i32>} : memref<8x128xf32, #tpu.memory_space<vmem>>, vector<1x16xf32>,
    %broadcast_in_dim3A_97 = arith.constant 0.000000e+00 : f32
    %broadcast_in_dim3A_98 = vector.broadcast %broadcast_in_dim3A_97 : f32 to vector<16xf32>
    %swap3A_99 = arith.constant 1 : i32
    %swap3A_100 = arith.index_cast %swap3A_99 : i32 to index
    %swap3A_101 = arith.constant 64 : index
    %swap3A_102 = tpu.vector_load %arg9[%swap3A_100, %swap3A_101] {strides = array<i32>} : memref<8x128xf32, #tpu.memory_space<vmem>>, vector<1x16xf32>,
    %swap3A_103 = vector.shape_cast %swap3A_102 : vector<1x16xf32> to vector<16xf32>
    %swap3A_104 = vector.shape_cast %broadcast_in_dim3A_98 : vector<16xf32> to vector<1x16xf32>
    tpu.vector_store %arg9[%swap3A_100, %swap3A_101], %swap3A_104 {strides = array<i32>} : memref<8x128xf32, #tpu.memory_space<vmem>>, vector<1x16xf32>,
    %broadcast_in_dim3A_105 = arith.constant 0.000000e+00 : f32
    %broadcast_in_dim3A_106 = vector.broadcast %broadcast_in_dim3A_105 : f32 to vector<16xf32>
    %swap3A_107 = arith.constant 1 : i32
    %swap3A_108 = arith.index_cast %swap3A_107 : i32 to index
    %swap3A_109 = arith.constant 80 : index
    %swap3A_110 = tpu.vector_load %arg9[%swap3A_108, %swap3A_109] {strides = array<i32>} : memref<8x128xf32, #tpu.memory_space<vmem>>, vector<1x16xf32>,
    %swap3A_111 = vector.shape_cast %swap3A_110 : vector<1x16xf32> to vector<16xf32>
    %swap3A_112 = vector.shape_cast %broadcast_in_dim3A_106 : vector<16xf32> to vector<1x16xf32>
    tpu.vector_store %arg9[%swap3A_108, %swap3A_109], %swap3A_112 {strides = array<i32>} : memref<8x128xf32, #tpu.memory_space<vmem>>, vector<1x16xf32>,
    %broadcast_in_dim3A_113 = arith.constant 0.000000e+00 : f32
    %broadcast_in_dim3A_114 = vector.broadcast %broadcast_in_dim3A_113 : f32 to vector<16xf32>
    %swap3A_115 = arith.constant 1 : i32
    %swap3A_116 = arith.index_cast %swap3A_115 : i32 to index
    %swap3A_117 = arith.constant 96 : index
    %swap3A_118 = tpu.vector_load %arg9[%swap3A_116, %swap3A_117] {strides = array<i32>} : memref<8x128xf32, #tpu.memory_space<vmem>>, vector<1x16xf32>,
    %swap3A_119 = vector.shape_cast %swap3A_118 : vector<1x16xf32> to vector<16xf32>
    %swap3A_120 = vector.shape_cast %broadcast_in_dim3A_114 : vector<16xf32> to vector<1x16xf32>
    tpu.vector_store %arg9[%swap3A_116, %swap3A_117], %swap3A_120 {strides = array<i32>} : memref<8x128xf32, #tpu.memory_space<vmem>>, vector<1x16xf32>,
    %broadcast_in_dim3A_121 = arith.constant 0.000000e+00 : f32
    %broadcast_in_dim3A_122 = vector.broadcast %broadcast_in_dim3A_121 : f32 to vector<16xf32>
    %swap3A_123 = arith.constant 1 : i32
    %swap3A_124 = arith.index_cast %swap3A_123 : i32 to index
    %swap3A_125 = arith.constant 112 : index
    %swap3A_126 = tpu.vector_load %arg9[%swap3A_124, %swap3A_125] {strides = array<i32>} : memref<8x128xf32, #tpu.memory_space<vmem>>, vector<1x16xf32>,
    %swap3A_127 = vector.shape_cast %swap3A_126 : vector<1x16xf32> to vector<16xf32>
    %swap3A_128 = vector.shape_cast %broadcast_in_dim3A_122 : vector<16xf32> to vector<1x16xf32>
    tpu.vector_store %arg9[%swap3A_124, %swap3A_125], %swap3A_128 {strides = array<i32>} : memref<8x128xf32, #tpu.memory_space<vmem>>, vector<1x16xf32>,
    %broadcast_in_dim3A_129 = arith.constant 0.000000e+00 : f32
    %broadcast_in_dim3A_130 = vector.broadcast %broadcast_in_dim3A_129 : f32 to vector<16xf32>
    %swap3A_131 = arith.constant 2 : i32
    %swap3A_132 = arith.index_cast %swap3A_131 : i32 to index
    %swap3A_133 = arith.constant 0 : index
    %swap3A_134 = tpu.vector_load %arg9[%swap3A_132, %swap3A_133] {strides = array<i32>} : memref<8x128xf32, #tpu.memory_space<vmem>>, vector<1x16xf32>,
    %swap3A_135 = vector.shape_cast %swap3A_134 : vector<1x16xf32> to vector<16xf32>
    %swap3A_136 = vector.shape_cast %broadcast_in_dim3A_130 : vector<16xf32> to vector<1x16xf32>
    tpu.vector_store %arg9[%swap3A_132, %swap3A_133], %swap3A_136 {strides = array<i32>} : memref<8x128xf32, #tpu.memory_space<vmem>>, vector<1x16xf32>,
    %broadcast_in_dim3A_137 = arith.constant 0.000000e+00 : f32
    %broadcast_in_dim3A_138 = vector.broadcast %broadcast_in_dim3A_137 : f32 to vector<16xf32>
    %swap3A_139 = arith.constant 2 : i32
    %swap3A_140 = arith.index_cast %swap3A_139 : i32 to index
    %swap3A_141 = arith.constant 16 : index
    %swap3A_142 = tpu.vector_load %arg9[%swap3A_140, %swap3A_141] {strides = array<i32>} : memref<8x128xf32, #tpu.memory_space<vmem>>, vector<1x16xf32>,
    %swap3A_143 = vector.shape_cast %swap3A_142 : vector<1x16xf32> to vector<16xf32>
    %swap3A_144 = vector.shape_cast %broadcast_in_dim3A_138 : vector<16xf32> to vector<1x16xf32>
    tpu.vector_store %arg9[%swap3A_140, %swap3A_141], %swap3A_144 {strides = array<i32>} : memref<8x128xf32, #tpu.memory_space<vmem>>, vector<1x16xf32>,
    %broadcast_in_dim3A_145 = arith.constant 0.000000e+00 : f32
    %broadcast_in_dim3A_146 = vector.broadcast %broadcast_in_dim3A_145 : f32 to vector<16xf32>
    %swap3A_147 = arith.constant 2 : i32
    %swap3A_148 = arith.index_cast %swap3A_147 : i32 to index
    %swap3A_149 = arith.constant 32 : index
    %swap3A_150 = tpu.vector_load %arg9[%swap3A_148, %swap3A_149] {strides = array<i32>} : memref<8x128xf32, #tpu.memory_space<vmem>>, vector<1x16xf32>,
    %swap3A_151 = vector.shape_cast %swap3A_150 : vector<1x16xf32> to vector<16xf32>
    %swap3A_152 = vector.shape_cast %broadcast_in_dim3A_146 : vector<16xf32> to vector<1x16xf32>
    tpu.vector_store %arg9[%swap3A_148, %swap3A_149], %swap3A_152 {strides = array<i32>} : memref<8x128xf32, #tpu.memory_space<vmem>>, vector<1x16xf32>,
    %broadcast_in_dim3A_153 = arith.constant 0.000000e+00 : f32
    %broadcast_in_dim3A_154 = vector.broadcast %broadcast_in_dim3A_153 : f32 to vector<16xf32>
    %swap3A_155 = arith.constant 2 : i32
    %swap3A_156 = arith.index_cast %swap3A_155 : i32 to index
    %swap3A_157 = arith.constant 48 : index
    %swap3A_158 = tpu.vector_load %arg9[%swap3A_156, %swap3A_157] {strides = array<i32>} : memref<8x128xf32, #tpu.memory_space<vmem>>, vector<1x16xf32>,
    %swap3A_159 = vector.shape_cast %swap3A_158 : vector<1x16xf32> to vector<16xf32>
    %swap3A_160 = vector.shape_cast %broadcast_in_dim3A_154 : vector<16xf32> to vector<1x16xf32>
    tpu.vector_store %arg9[%swap3A_156, %swap3A_157], %swap3A_160 {strides = array<i32>} : memref<8x128xf32, #tpu.memory_space<vmem>>, vector<1x16xf32>,
    %broadcast_in_dim3A_161 = arith.constant 0.000000e+00 : f32
    %broadcast_in_dim3A_162 = vector.broadcast %broadcast_in_dim3A_161 : f32 to vector<16xf32>
    %swap3A_163 = arith.constant 2 : i32
    %swap3A_164 = arith.index_cast %swap3A_163 : i32 to index
    %swap3A_165 = arith.constant 64 : index
    %swap3A_166 = tpu.vector_load %arg9[%swap3A_164, %swap3A_165] {strides = array<i32>} : memref<8x128xf32, #tpu.memory_space<vmem>>, vector<1x16xf32>,
    %swap3A_167 = vector.shape_cast %swap3A_166 : vector<1x16xf32> to vector<16xf32>
    %swap3A_168 = vector.shape_cast %broadcast_in_dim3A_162 : vector<16xf32> to vector<1x16xf32>
    tpu.vector_store %arg9[%swap3A_164, %swap3A_165], %swap3A_168 {strides = array<i32>} : memref<8x128xf32, #tpu.memory_space<vmem>>, vector<1x16xf32>,
    %broadcast_in_dim3A_169 = arith.constant 0.000000e+00 : f32
    %broadcast_in_dim3A_170 = vector.broadcast %broadcast_in_dim3A_169 : f32 to vector<16xf32>
    %swap3A_171 = arith.constant 2 : i32
    %swap3A_172 = arith.index_cast %swap3A_171 : i32 to index
    %swap3A_173 = arith.constant 80 : index
    %swap3A_174 = tpu.vector_load %arg9[%swap3A_172, %swap3A_173] {strides = array<i32>} : memref<8x128xf32, #tpu.memory_space<vmem>>, vector<1x16xf32>,
    %swap3A_175 = vector.shape_cast %swap3A_174 : vector<1x16xf32> to vector<16xf32>
    %swap3A_176 = vector.shape_cast %broadcast_in_dim3A_170 : vector<16xf32> to vector<1x16xf32>
    tpu.vector_store %arg9[%swap3A_172, %swap3A_173], %swap3A_176 {strides = array<i32>} : memref<8x128xf32, #tpu.memory_space<vmem>>, vector<1x16xf32>,
    %broadcast_in_dim3A_177 = arith.constant 0.000000e+00 : f32
    %broadcast_in_dim3A_178 = vector.broadcast %broadcast_in_dim3A_177 : f32 to vector<16xf32>
    %swap3A_179 = arith.constant 2 : i32
    %swap3A_180 = arith.index_cast %swap3A_179 : i32 to index
    %swap3A_181 = arith.constant 96 : index
    %swap3A_182 = tpu.vector_load %arg9[%swap3A_180, %swap3A_181] {strides = array<i32>} : memref<8x128xf32, #tpu.memory_space<vmem>>, vector<1x16xf32>,
    %swap3A_183 = vector.shape_cast %swap3A_182 : vector<1x16xf32> to vector<16xf32>
    %swap3A_184 = vector.shape_cast %broadcast_in_dim3A_178 : vector<16xf32> to vector<1x16xf32>
    tpu.vector_store %arg9[%swap3A_180, %swap3A_181], %swap3A_184 {strides = array<i32>} : memref<8x128xf32, #tpu.memory_space<vmem>>, vector<1x16xf32>,
    %broadcast_in_dim3A_185 = arith.constant 0.000000e+00 : f32
    %broadcast_in_dim3A_186 = vector.broadcast %broadcast_in_dim3A_185 : f32 to vector<16xf32>
    %swap3A_187 = arith.constant 2 : i32
    %swap3A_188 = arith.index_cast %swap3A_187 : i32 to index
    %swap3A_189 = arith.constant 112 : index
    %swap3A_190 = tpu.vector_load %arg9[%swap3A_188, %swap3A_189] {strides = array<i32>} : memref<8x128xf32, #tpu.memory_space<vmem>>, vector<1x16xf32>,
    %swap3A_191 = vector.shape_cast %swap3A_190 : vector<1x16xf32> to vector<16xf32>
    %swap3A_192 = vector.shape_cast %broadcast_in_dim3A_186 : vector<16xf32> to vector<1x16xf32>
    tpu.vector_store %arg9[%swap3A_188, %swap3A_189], %swap3A_192 {strides = array<i32>} : memref<8x128xf32, #tpu.memory_space<vmem>>, vector<1x16xf32>,
    %broadcast_in_dim3A_193 = arith.constant 0.000000e+00 : f32
    %broadcast_in_dim3A_194 = vector.broadcast %broadcast_in_dim3A_193 : f32 to vector<16xf32>
    %swap3A_195 = arith.constant 3 : i32
    %swap3A_196 = arith.index_cast %swap3A_195 : i32 to index
    %swap3A_197 = arith.constant 0 : index
    %swap3A_198 = tpu.vector_load %arg9[%swap3A_196, %swap3A_197] {strides = array<i32>} : memref<8x128xf32, #tpu.memory_space<vmem>>, vector<1x16xf32>,
    %swap3A_199 = vector.shape_cast %swap3A_198 : vector<1x16xf32> to vector<16xf32>
    %swap3A_200 = vector.shape_cast %broadcast_in_dim3A_194 : vector<16xf32> to vector<1x16xf32>
    tpu.vector_store %arg9[%swap3A_196, %swap3A_197], %swap3A_200 {strides = array<i32>} : memref<8x128xf32, #tpu.memory_space<vmem>>, vector<1x16xf32>,
    %broadcast_in_dim3A_201 = arith.constant 0.000000e+00 : f32
    %broadcast_in_dim3A_202 = vector.broadcast %broadcast_in_dim3A_201 : f32 to vector<16xf32>
    %swap3A_203 = arith.constant 3 : i32
    %swap3A_204 = arith.index_cast %swap3A_203 : i32 to index
    %swap3A_205 = arith.constant 16 : index
    %swap3A_206 = tpu.vector_load %arg9[%swap3A_204, %swap3A_205] {strides = array<i32>} : memref<8x128xf32, #tpu.memory_space<vmem>>, vector<1x16xf32>,
    %swap3A_207 = vector.shape_cast %swap3A_206 : vector<1x16xf32> to vector<16xf32>
    %swap3A_208 = vector.shape_cast %broadcast_in_dim3A_202 : vector<16xf32> to vector<1x16xf32>
    tpu.vector_store %arg9[%swap3A_204, %swap3A_205], %swap3A_208 {strides = array<i32>} : memref<8x128xf32, #tpu.memory_space<vmem>>, vector<1x16xf32>,
    %broadcast_in_dim3A_209 = arith.constant 0.000000e+00 : f32
    %broadcast_in_dim3A_210 = vector.broadcast %broadcast_in_dim3A_209 : f32 to vector<16xf32>
    %swap3A_211 = arith.constant 3 : i32
    %swap3A_212 = arith.index_cast %swap3A_211 : i32 to index
    %swap3A_213 = arith.constant 32 : index
    %swap3A_214 = tpu.vector_load %arg9[%swap3A_212, %swap3A_213] {strides = array<i32>} : memref<8x128xf32, #tpu.memory_space<vmem>>, vector<1x16xf32>,
    %swap3A_215 = vector.shape_cast %swap3A_214 : vector<1x16xf32> to vector<16xf32>
    %swap3A_216 = vector.shape_cast %broadcast_in_dim3A_210 : vector<16xf32> to vector<1x16xf32>
    tpu.vector_store %arg9[%swap3A_212, %swap3A_213], %swap3A_216 {strides = array<i32>} : memref<8x128xf32, #tpu.memory_space<vmem>>, vector<1x16xf32>,
    %broadcast_in_dim3A_217 = arith.constant 0.000000e+00 : f32
    %broadcast_in_dim3A_218 = vector.broadcast %broadcast_in_dim3A_217 : f32 to vector<16xf32>
    %swap3A_219 = arith.constant 3 : i32
    %swap3A_220 = arith.index_cast %swap3A_219 : i32 to index
    %swap3A_221 = arith.constant 48 : index
    %swap3A_222 = tpu.vector_load %arg9[%swap3A_220, %swap3A_221] {strides = array<i32>} : memref<8x128xf32, #tpu.memory_space<vmem>>, vector<1x16xf32>,
    %swap3A_223 = vector.shape_cast %swap3A_222 : vector<1x16xf32> to vector<16xf32>
    %swap3A_224 = vector.shape_cast %broadcast_in_dim3A_218 : vector<16xf32> to vector<1x16xf32>
    tpu.vector_store %arg9[%swap3A_220, %swap3A_221], %swap3A_224 {strides = array<i32>} : memref<8x128xf32, #tpu.memory_space<vmem>>, vector<1x16xf32>,
    %broadcast_in_dim3A_225 = arith.constant 0.000000e+00 : f32
    %broadcast_in_dim3A_226 = vector.broadcast %broadcast_in_dim3A_225 : f32 to vector<16xf32>
    %swap3A_227 = arith.constant 3 : i32
    %swap3A_228 = arith.index_cast %swap3A_227 : i32 to index
    %swap3A_229 = arith.constant 64 : index
    %swap3A_230 = tpu.vector_load %arg9[%swap3A_228, %swap3A_229] {strides = array<i32>} : memref<8x128xf32, #tpu.memory_space<vmem>>, vector<1x16xf32>,
    %swap3A_231 = vector.shape_cast %swap3A_230 : vector<1x16xf32> to vector<16xf32>
    %swap3A_232 = vector.shape_cast %broadcast_in_dim3A_226 : vector<16xf32> to vector<1x16xf32>
    tpu.vector_store %arg9[%swap3A_228, %swap3A_229], %swap3A_232 {strides = array<i32>} : memref<8x128xf32, #tpu.memory_space<vmem>>, vector<1x16xf32>,
    %broadcast_in_dim3A_233 = arith.constant 0.000000e+00 : f32
    %broadcast_in_dim3A_234 = vector.broadcast %broadcast_in_dim3A_233 : f32 to vector<16xf32>
    %swap3A_235 = arith.constant 3 : i32
    %swap3A_236 = arith.index_cast %swap3A_235 : i32 to index
    %swap3A_237 = arith.constant 80 : index
    %swap3A_238 = tpu.vector_load %arg9[%swap3A_236, %swap3A_237] {strides = array<i32>} : memref<8x128xf32, #tpu.memory_space<vmem>>, vector<1x16xf32>,
    %swap3A_239 = vector.shape_cast %swap3A_238 : vector<1x16xf32> to vector<16xf32>
    %swap3A_240 = vector.shape_cast %broadcast_in_dim3A_234 : vector<16xf32> to vector<1x16xf32>
    tpu.vector_store %arg9[%swap3A_236, %swap3A_237], %swap3A_240 {strides = array<i32>} : memref<8x128xf32, #tpu.memory_space<vmem>>, vector<1x16xf32>,
    %broadcast_in_dim3A_241 = arith.constant 0.000000e+00 : f32
    %broadcast_in_dim3A_242 = vector.broadcast %broadcast_in_dim3A_241 : f32 to vector<16xf32>
    %swap3A_243 = arith.constant 3 : i32
    %swap3A_244 = arith.index_cast %swap3A_243 : i32 to index
    %swap3A_245 = arith.constant 96 : index
    %swap3A_246 = tpu.vector_load %arg9[%swap3A_244, %swap3A_245] {strides = array<i32>} : memref<8x128xf32, #tpu.memory_space<vmem>>, vector<1x16xf32>,
    %swap3A_247 = vector.shape_cast %swap3A_246 : vector<1x16xf32> to vector<16xf32>
    %swap3A_248 = vector.shape_cast %broadcast_in_dim3A_242 : vector<16xf32> to vector<1x16xf32>
    tpu.vector_store %arg9[%swap3A_244, %swap3A_245], %swap3A_248 {strides = array<i32>} : memref<8x128xf32, #tpu.memory_space<vmem>>, vector<1x16xf32>,
    %broadcast_in_dim3A_249 = arith.constant 0.000000e+00 : f32
    %broadcast_in_dim3A_250 = vector.broadcast %broadcast_in_dim3A_249 : f32 to vector<16xf32>
    %swap3A_251 = arith.constant 3 : i32
    %swap3A_252 = arith.index_cast %swap3A_251 : i32 to index
    %swap3A_253 = arith.constant 112 : index
    %swap3A_254 = tpu.vector_load %arg9[%swap3A_252, %swap3A_253] {strides = array<i32>} : memref<8x128xf32, #tpu.memory_space<vmem>>, vector<1x16xf32>,
    %swap3A_255 = vector.shape_cast %swap3A_254 : vector<1x16xf32> to vector<16xf32>
    %swap3A_256 = vector.shape_cast %broadcast_in_dim3A_250 : vector<16xf32> to vector<1x16xf32>
    tpu.vector_store %arg9[%swap3A_252, %swap3A_253], %swap3A_256 {strides = array<i32>} : memref<8x128xf32, #tpu.memory_space<vmem>>, vector<1x16xf32>,
    %broadcast_in_dim3A_257 = arith.constant 0.000000e+00 : f32
    %broadcast_in_dim3A_258 = vector.broadcast %broadcast_in_dim3A_257 : f32 to vector<16xf32>
    %swap3A_259 = arith.constant 4 : i32
    %swap3A_260 = arith.index_cast %swap3A_259 : i32 to index
    %swap3A_261 = arith.constant 0 : index
    %swap3A_262 = tpu.vector_load %arg9[%swap3A_260, %swap3A_261] {strides = array<i32>} : memref<8x128xf32, #tpu.memory_space<vmem>>, vector<1x16xf32>,
    %swap3A_263 = vector.shape_cast %swap3A_262 : vector<1x16xf32> to vector<16xf32>
    %swap3A_264 = vector.shape_cast %broadcast_in_dim3A_258 : vector<16xf32> to vector<1x16xf32>
    tpu.vector_store %arg9[%swap3A_260, %swap3A_261], %swap3A_264 {strides = array<i32>} : memref<8x128xf32, #tpu.memory_space<vmem>>, vector<1x16xf32>,
    %broadcast_in_dim3A_265 = arith.constant 0.000000e+00 : f32
    %broadcast_in_dim3A_266 = vector.broadcast %broadcast_in_dim3A_265 : f32 to vector<16xf32>
    %swap3A_267 = arith.constant 4 : i32
    %swap3A_268 = arith.index_cast %swap3A_267 : i32 to index
    %swap3A_269 = arith.constant 16 : index
    %swap3A_270 = tpu.vector_load %arg9[%swap3A_268, %swap3A_269] {strides = array<i32>} : memref<8x128xf32, #tpu.memory_space<vmem>>, vector<1x16xf32>,
    %swap3A_271 = vector.shape_cast %swap3A_270 : vector<1x16xf32> to vector<16xf32>
    %swap3A_272 = vector.shape_cast %broadcast_in_dim3A_266 : vector<16xf32> to vector<1x16xf32>
    tpu.vector_store %arg9[%swap3A_268, %swap3A_269], %swap3A_272 {strides = array<i32>} : memref<8x128xf32, #tpu.memory_space<vmem>>, vector<1x16xf32>,
    %broadcast_in_dim3A_273 = arith.constant 0.000000e+00 : f32
    %broadcast_in_dim3A_274 = vector.broadcast %broadcast_in_dim3A_273 : f32 to vector<16xf32>
    %swap3A_275 = arith.constant 4 : i32
    %swap3A_276 = arith.index_cast %swap3A_275 : i32 to index
    %swap3A_277 = arith.constant 32 : index
    %swap3A_278 = tpu.vector_load %arg9[%swap3A_276, %swap3A_277] {strides = array<i32>} : memref<8x128xf32, #tpu.memory_space<vmem>>, vector<1x16xf32>,
    %swap3A_279 = vector.shape_cast %swap3A_278 : vector<1x16xf32> to vector<16xf32>
    %swap3A_280 = vector.shape_cast %broadcast_in_dim3A_274 : vector<16xf32> to vector<1x16xf32>
    tpu.vector_store %arg9[%swap3A_276, %swap3A_277], %swap3A_280 {strides = array<i32>} : memref<8x128xf32, #tpu.memory_space<vmem>>, vector<1x16xf32>,
    %broadcast_in_dim3A_281 = arith.constant 0.000000e+00 : f32
    %broadcast_in_dim3A_282 = vector.broadcast %broadcast_in_dim3A_281 : f32 to vector<16xf32>
    %swap3A_283 = arith.constant 4 : i32
    %swap3A_284 = arith.index_cast %swap3A_283 : i32 to index
    %swap3A_285 = arith.constant 48 : index
    %swap3A_286 = tpu.vector_load %arg9[%swap3A_284, %swap3A_285] {strides = array<i32>} : memref<8x128xf32, #tpu.memory_space<vmem>>, vector<1x16xf32>,
    %swap3A_287 = vector.shape_cast %swap3A_286 : vector<1x16xf32> to vector<16xf32>
    %swap3A_288 = vector.shape_cast %broadcast_in_dim3A_282 : vector<16xf32> to vector<1x16xf32>
    tpu.vector_store %arg9[%swap3A_284, %swap3A_285], %swap3A_288 {strides = array<i32>} : memref<8x128xf32, #tpu.memory_space<vmem>>, vector<1x16xf32>,
    %broadcast_in_dim3A_289 = arith.constant 0.000000e+00 : f32
    %broadcast_in_dim3A_290 = vector.broadcast %broadcast_in_dim3A_289 : f32 to vector<16xf32>
    %swap3A_291 = arith.constant 4 : i32
    %swap3A_292 = arith.index_cast %swap3A_291 : i32 to index
    %swap3A_293 = arith.constant 64 : index
    %swap3A_294 = tpu.vector_load %arg9[%swap3A_292, %swap3A_293] {strides = array<i32>} : memref<8x128xf32, #tpu.memory_space<vmem>>, vector<1x16xf32>,
    %swap3A_295 = vector.shape_cast %swap3A_294 : vector<1x16xf32> to vector<16xf32>
    %swap3A_296 = vector.shape_cast %broadcast_in_dim3A_290 : vector<16xf32> to vector<1x16xf32>
    tpu.vector_store %arg9[%swap3A_292, %swap3A_293], %swap3A_296 {strides = array<i32>} : memref<8x128xf32, #tpu.memory_space<vmem>>, vector<1x16xf32>,
    %broadcast_in_dim3A_297 = arith.constant 0.000000e+00 : f32
    %broadcast_in_dim3A_298 = vector.broadcast %broadcast_in_dim3A_297 : f32 to vector<16xf32>
    %swap3A_299 = arith.constant 4 : i32
    %swap3A_300 = arith.index_cast %swap3A_299 : i32 to index
    %swap3A_301 = arith.constant 80 : index
    %swap3A_302 = tpu.vector_load %arg9[%swap3A_300, %swap3A_301] {strides = array<i32>} : memref<8x128xf32, #tpu.memory_space<vmem>>, vector<1x16xf32>,
    %swap3A_303 = vector.shape_cast %swap3A_302 : vector<1x16xf32> to vector<16xf32>
    %swap3A_304 = vector.shape_cast %broadcast_in_dim3A_298 : vector<16xf32> to vector<1x16xf32>
    tpu.vector_store %arg9[%swap3A_300, %swap3A_301], %swap3A_304 {strides = array<i32>} : memref<8x128xf32, #tpu.memory_space<vmem>>, vector<1x16xf32>,
    %broadcast_in_dim3A_305 = arith.constant 0.000000e+00 : f32
    %broadcast_in_dim3A_306 = vector.broadcast %broadcast_in_dim3A_305 : f32 to vector<16xf32>
    %swap3A_307 = arith.constant 4 : i32
    %swap3A_308 = arith.index_cast %swap3A_307 : i32 to index
    %swap3A_309 = arith.constant 96 : index
    %swap3A_310 = tpu.vector_load %arg9[%swap3A_308, %swap3A_309] {strides = array<i32>} : memref<8x128xf32, #tpu.memory_space<vmem>>, vector<1x16xf32>,
    %swap3A_311 = vector.shape_cast %swap3A_310 : vector<1x16xf32> to vector<16xf32>
    %swap3A_312 = vector.shape_cast %broadcast_in_dim3A_306 : vector<16xf32> to vector<1x16xf32>
    tpu.vector_store %arg9[%swap3A_308, %swap3A_309], %swap3A_312 {strides = array<i32>} : memref<8x128xf32, #tpu.memory_space<vmem>>, vector<1x16xf32>,
    %broadcast_in_dim3A_313 = arith.constant 0.000000e+00 : f32
    %broadcast_in_dim3A_314 = vector.broadcast %broadcast_in_dim3A_313 : f32 to vector<16xf32>
    %swap3A_315 = arith.constant 4 : i32
    %swap3A_316 = arith.index_cast %swap3A_315 : i32 to index
    %swap3A_317 = arith.constant 112 : index
    %swap3A_318 = tpu.vector_load %arg9[%swap3A_316, %swap3A_317] {strides = array<i32>} : memref<8x128xf32, #tpu.memory_space<vmem>>, vector<1x16xf32>,
    %swap3A_319 = vector.shape_cast %swap3A_318 : vector<1x16xf32> to vector<16xf32>
    %swap3A_320 = vector.shape_cast %broadcast_in_dim3A_314 : vector<16xf32> to vector<1x16xf32>
    tpu.vector_store %arg9[%swap3A_316, %swap3A_317], %swap3A_320 {strides = array<i32>} : memref<8x128xf32, #tpu.memory_space<vmem>>, vector<1x16xf32>,
    %broadcast_in_dim3A_321 = arith.constant 0.000000e+00 : f32
    %broadcast_in_dim3A_322 = vector.broadcast %broadcast_in_dim3A_321 : f32 to vector<16xf32>
    %swap3A_323 = arith.constant 5 : i32
    %swap3A_324 = arith.index_cast %swap3A_323 : i32 to index
    %swap3A_325 = arith.constant 0 : index
    %swap3A_326 = tpu.vector_load %arg9[%swap3A_324, %swap3A_325] {strides = array<i32>} : memref<8x128xf32, #tpu.memory_space<vmem>>, vector<1x16xf32>,
    %swap3A_327 = vector.shape_cast %swap3A_326 : vector<1x16xf32> to vector<16xf32>
    %swap3A_328 = vector.shape_cast %broadcast_in_dim3A_322 : vector<16xf32> to vector<1x16xf32>
    tpu.vector_store %arg9[%swap3A_324, %swap3A_325], %swap3A_328 {strides = array<i32>} : memref<8x128xf32, #tpu.memory_space<vmem>>, vector<1x16xf32>,
    %broadcast_in_dim3A_329 = arith.constant 0.000000e+00 : f32
    %broadcast_in_dim3A_330 = vector.broadcast %broadcast_in_dim3A_329 : f32 to vector<16xf32>
    %swap3A_331 = arith.constant 5 : i32
    %swap3A_332 = arith.index_cast %swap3A_331 : i32 to index
    %swap3A_333 = arith.constant 16 : index
    %swap3A_334 = tpu.vector_load %arg9[%swap3A_332, %swap3A_333] {strides = array<i32>} : memref<8x128xf32, #tpu.memory_space<vmem>>, vector<1x16xf32>,
    %swap3A_335 = vector.shape_cast %swap3A_334 : vector<1x16xf32> to vector<16xf32>
    %swap3A_336 = vector.shape_cast %broadcast_in_dim3A_330 : vector<16xf32> to vector<1x16xf32>
    tpu.vector_store %arg9[%swap3A_332, %swap3A_333], %swap3A_336 {strides = array<i32>} : memref<8x128xf32, #tpu.memory_space<vmem>>, vector<1x16xf32>,
    %broadcast_in_dim3A_337 = arith.constant 0.000000e+00 : f32
    %broadcast_in_dim3A_338 = vector.broadcast %broadcast_in_dim3A_337 : f32 to vector<16xf32>
    %swap3A_339 = arith.constant 5 : i32
    %swap3A_340 = arith.index_cast %swap3A_339 : i32 to index
    %swap3A_341 = arith.constant 32 : index
    %swap3A_342 = tpu.vector_load %arg9[%swap3A_340, %swap3A_341] {strides = array<i32>} : memref<8x128xf32, #tpu.memory_space<vmem>>, vector<1x16xf32>,
    %swap3A_343 = vector.shape_cast %swap3A_342 : vector<1x16xf32> to vector<16xf32>
    %swap3A_344 = vector.shape_cast %broadcast_in_dim3A_338 : vector<16xf32> to vector<1x16xf32>
    tpu.vector_store %arg9[%swap3A_340, %swap3A_341], %swap3A_344 {strides = array<i32>} : memref<8x128xf32, #tpu.memory_space<vmem>>, vector<1x16xf32>,
    %broadcast_in_dim3A_345 = arith.constant 0.000000e+00 : f32
    %broadcast_in_dim3A_346 = vector.broadcast %broadcast_in_dim3A_345 : f32 to vector<16xf32>
    %swap3A_347 = arith.constant 5 : i32
    %swap3A_348 = arith.index_cast %swap3A_347 : i32 to index
    %swap3A_349 = arith.constant 48 : index
    %swap3A_350 = tpu.vector_load %arg9[%swap3A_348, %swap3A_349] {strides = array<i32>} : memref<8x128xf32, #tpu.memory_space<vmem>>, vector<1x16xf32>,
    %swap3A_351 = vector.shape_cast %swap3A_350 : vector<1x16xf32> to vector<16xf32>
    %swap3A_352 = vector.shape_cast %broadcast_in_dim3A_346 : vector<16xf32> to vector<1x16xf32>
    tpu.vector_store %arg9[%swap3A_348, %swap3A_349], %swap3A_352 {strides = array<i32>} : memref<8x128xf32, #tpu.memory_space<vmem>>, vector<1x16xf32>,
    %broadcast_in_dim3A_353 = arith.constant 0.000000e+00 : f32
    %broadcast_in_dim3A_354 = vector.broadcast %broadcast_in_dim3A_353 : f32 to vector<16xf32>
    %swap3A_355 = arith.constant 5 : i32
    %swap3A_356 = arith.index_cast %swap3A_355 : i32 to index
    %swap3A_357 = arith.constant 64 : index
    %swap3A_358 = tpu.vector_load %arg9[%swap3A_356, %swap3A_357] {strides = array<i32>} : memref<8x128xf32, #tpu.memory_space<vmem>>, vector<1x16xf32>,
    %swap3A_359 = vector.shape_cast %swap3A_358 : vector<1x16xf32> to vector<16xf32>
    %swap3A_360 = vector.shape_cast %broadcast_in_dim3A_354 : vector<16xf32> to vector<1x16xf32>
    tpu.vector_store %arg9[%swap3A_356, %swap3A_357], %swap3A_360 {strides = array<i32>} : memref<8x128xf32, #tpu.memory_space<vmem>>, vector<1x16xf32>,
    %broadcast_in_dim3A_361 = arith.constant 0.000000e+00 : f32
    %broadcast_in_dim3A_362 = vector.broadcast %broadcast_in_dim3A_361 : f32 to vector<16xf32>
    %swap3A_363 = arith.constant 5 : i32
    %swap3A_364 = arith.index_cast %swap3A_363 : i32 to index
    %swap3A_365 = arith.constant 80 : index
    %swap3A_366 = tpu.vector_load %arg9[%swap3A_364, %swap3A_365] {strides = array<i32>} : memref<8x128xf32, #tpu.memory_space<vmem>>, vector<1x16xf32>,
    %swap3A_367 = vector.shape_cast %swap3A_366 : vector<1x16xf32> to vector<16xf32>
    %swap3A_368 = vector.shape_cast %broadcast_in_dim3A_362 : vector<16xf32> to vector<1x16xf32>
    tpu.vector_store %arg9[%swap3A_364, %swap3A_365], %swap3A_368 {strides = array<i32>} : memref<8x128xf32, #tpu.memory_space<vmem>>, vector<1x16xf32>,
    %broadcast_in_dim3A_369 = arith.constant 0.000000e+00 : f32
    %broadcast_in_dim3A_370 = vector.broadcast %broadcast_in_dim3A_369 : f32 to vector<16xf32>
    %swap3A_371 = arith.constant 5 : i32
    %swap3A_372 = arith.index_cast %swap3A_371 : i32 to index
    %swap3A_373 = arith.constant 96 : index
    %swap3A_374 = tpu.vector_load %arg9[%swap3A_372, %swap3A_373] {strides = array<i32>} : memref<8x128xf32, #tpu.memory_space<vmem>>, vector<1x16xf32>,
    %swap3A_375 = vector.shape_cast %swap3A_374 : vector<1x16xf32> to vector<16xf32>
    %swap3A_376 = vector.shape_cast %broadcast_in_dim3A_370 : vector<16xf32> to vector<1x16xf32>
    tpu.vector_store %arg9[%swap3A_372, %swap3A_373], %swap3A_376 {strides = array<i32>} : memref<8x128xf32, #tpu.memory_space<vmem>>, vector<1x16xf32>,
    %broadcast_in_dim3A_377 = arith.constant 0.000000e+00 : f32
    %broadcast_in_dim3A_378 = vector.broadcast %broadcast_in_dim3A_377 : f32 to vector<16xf32>
    %swap3A_379 = arith.constant 5 : i32
    %swap3A_380 = arith.index_cast %swap3A_379 : i32 to index
    %swap3A_381 = arith.constant 112 : index
    %swap3A_382 = tpu.vector_load %arg9[%swap3A_380, %swap3A_381] {strides = array<i32>} : memref<8x128xf32, #tpu.memory_space<vmem>>, vector<1x16xf32>,
    %swap3A_383 = vector.shape_cast %swap3A_382 : vector<1x16xf32> to vector<16xf32>
    %swap3A_384 = vector.shape_cast %broadcast_in_dim3A_378 : vector<16xf32> to vector<1x16xf32>
    tpu.vector_store %arg9[%swap3A_380, %swap3A_381], %swap3A_384 {strides = array<i32>} : memref<8x128xf32, #tpu.memory_space<vmem>>, vector<1x16xf32>,
    %broadcast_in_dim3A_385 = arith.constant 0.000000e+00 : f32
    %broadcast_in_dim3A_386 = vector.broadcast %broadcast_in_dim3A_385 : f32 to vector<16xf32>
    %swap3A_387 = arith.constant 6 : i32
    %swap3A_388 = arith.index_cast %swap3A_387 : i32 to index
    %swap3A_389 = arith.constant 0 : index
    %swap3A_390 = tpu.vector_load %arg9[%swap3A_388, %swap3A_389] {strides = array<i32>} : memref<8x128xf32, #tpu.memory_space<vmem>>, vector<1x16xf32>,
    %swap3A_391 = vector.shape_cast %swap3A_390 : vector<1x16xf32> to vector<16xf32>
    %swap3A_392 = vector.shape_cast %broadcast_in_dim3A_386 : vector<16xf32> to vector<1x16xf32>
    tpu.vector_store %arg9[%swap3A_388, %swap3A_389], %swap3A_392 {strides = array<i32>} : memref<8x128xf32, #tpu.memory_space<vmem>>, vector<1x16xf32>,
    %broadcast_in_dim3A_393 = arith.constant 0.000000e+00 : f32
    %broadcast_in_dim3A_394 = vector.broadcast %broadcast_in_dim3A_393 : f32 to vector<16xf32>
    %swap3A_395 = arith.constant 6 : i32
    %swap3A_396 = arith.index_cast %swap3A_395 : i32 to index
    %swap3A_397 = arith.constant 16 : index
    %swap3A_398 = tpu.vector_load %arg9[%swap3A_396, %swap3A_397] {strides = array<i32>} : memref<8x128xf32, #tpu.memory_space<vmem>>, vector<1x16xf32>,
    %swap3A_399 = vector.shape_cast %swap3A_398 : vector<1x16xf32> to vector<16xf32>
    %swap3A_400 = vector.shape_cast %broadcast_in_dim3A_394 : vector<16xf32> to vector<1x16xf32>
    tpu.vector_store %arg9[%swap3A_396, %swap3A_397], %swap3A_400 {strides = array<i32>} : memref<8x128xf32, #tpu.memory_space<vmem>>, vector<1x16xf32>,
    %broadcast_in_dim3A_401 = arith.constant 0.000000e+00 : f32
    %broadcast_in_dim3A_402 = vector.broadcast %broadcast_in_dim3A_401 : f32 to vector<16xf32>
    %swap3A_403 = arith.constant 6 : i32
    %swap3A_404 = arith.index_cast %swap3A_403 : i32 to index
    %swap3A_405 = arith.constant 32 : index
    %swap3A_406 = tpu.vector_load %arg9[%swap3A_404, %swap3A_405] {strides = array<i32>} : memref<8x128xf32, #tpu.memory_space<vmem>>, vector<1x16xf32>,
    %swap3A_407 = vector.shape_cast %swap3A_406 : vector<1x16xf32> to vector<16xf32>
    %swap3A_408 = vector.shape_cast %broadcast_in_dim3A_402 : vector<16xf32> to vector<1x16xf32>
    tpu.vector_store %arg9[%swap3A_404, %swap3A_405], %swap3A_408 {strides = array<i32>} : memref<8x128xf32, #tpu.memory_space<vmem>>, vector<1x16xf32>,
    %broadcast_in_dim3A_409 = arith.constant 0.000000e+00 : f32
    %broadcast_in_dim3A_410 = vector.broadcast %broadcast_in_dim3A_409 : f32 to vector<16xf32>
    %swap3A_411 = arith.constant 6 : i32
    %swap3A_412 = arith.index_cast %swap3A_411 : i32 to index
    %swap3A_413 = arith.constant 48 : index
    %swap3A_414 = tpu.vector_load %arg9[%swap3A_412, %swap3A_413] {strides = array<i32>} : memref<8x128xf32, #tpu.memory_space<vmem>>, vector<1x16xf32>,
    %swap3A_415 = vector.shape_cast %swap3A_414 : vector<1x16xf32> to vector<16xf32>
    %swap3A_416 = vector.shape_cast %broadcast_in_dim3A_410 : vector<16xf32> to vector<1x16xf32>
    tpu.vector_store %arg9[%swap3A_412, %swap3A_413], %swap3A_416 {strides = array<i32>} : memref<8x128xf32, #tpu.memory_space<vmem>>, vector<1x16xf32>,
    %broadcast_in_dim3A_417 = arith.constant 0.000000e+00 : f32
    %broadcast_in_dim3A_418 = vector.broadcast %broadcast_in_dim3A_417 : f32 to vector<16xf32>
    %swap3A_419 = arith.constant 6 : i32
    %swap3A_420 = arith.index_cast %swap3A_419 : i32 to index
    %swap3A_421 = arith.constant 64 : index
    %swap3A_422 = tpu.vector_load %arg9[%swap3A_420, %swap3A_421] {strides = array<i32>} : memref<8x128xf32, #tpu.memory_space<vmem>>, vector<1x16xf32>,
    %swap3A_423 = vector.shape_cast %swap3A_422 : vector<1x16xf32> to vector<16xf32>
    %swap3A_424 = vector.shape_cast %broadcast_in_dim3A_418 : vector<16xf32> to vector<1x16xf32>
    tpu.vector_store %arg9[%swap3A_420, %swap3A_421], %swap3A_424 {strides = array<i32>} : memref<8x128xf32, #tpu.memory_space<vmem>>, vector<1x16xf32>,
    %broadcast_in_dim3A_425 = arith.constant 0.000000e+00 : f32
    %broadcast_in_dim3A_426 = vector.broadcast %broadcast_in_dim3A_425 : f32 to vector<16xf32>
    %swap3A_427 = arith.constant 6 : i32
    %swap3A_428 = arith.index_cast %swap3A_427 : i32 to index
    %swap3A_429 = arith.constant 80 : index
    %swap3A_430 = tpu.vector_load %arg9[%swap3A_428, %swap3A_429] {strides = array<i32>} : memref<8x128xf32, #tpu.memory_space<vmem>>, vector<1x16xf32>,
    %swap3A_431 = vector.shape_cast %swap3A_430 : vector<1x16xf32> to vector<16xf32>
    %swap3A_432 = vector.shape_cast %broadcast_in_dim3A_426 : vector<16xf32> to vector<1x16xf32>
    tpu.vector_store %arg9[%swap3A_428, %swap3A_429], %swap3A_432 {strides = array<i32>} : memref<8x128xf32, #tpu.memory_space<vmem>>, vector<1x16xf32>,
    %broadcast_in_dim3A_433 = arith.constant 0.000000e+00 : f32
    %broadcast_in_dim3A_434 = vector.broadcast %broadcast_in_dim3A_433 : f32 to vector<16xf32>
    %swap3A_435 = arith.constant 6 : i32
    %swap3A_436 = arith.index_cast %swap3A_435 : i32 to index
    %swap3A_437 = arith.constant 96 : index
    %swap3A_438 = tpu.vector_load %arg9[%swap3A_436, %swap3A_437] {strides = array<i32>} : memref<8x128xf32, #tpu.memory_space<vmem>>, vector<1x16xf32>,
    %swap3A_439 = vector.shape_cast %swap3A_438 : vector<1x16xf32> to vector<16xf32>
    %swap3A_440 = vector.shape_cast %broadcast_in_dim3A_434 : vector<16xf32> to vector<1x16xf32>
    tpu.vector_store %arg9[%swap3A_436, %swap3A_437], %swap3A_440 {strides = array<i32>} : memref<8x128xf32, #tpu.memory_space<vmem>>, vector<1x16xf32>,
    %broadcast_in_dim3A_441 = arith.constant 0.000000e+00 : f32
    %broadcast_in_dim3A_442 = vector.broadcast %broadcast_in_dim3A_441 : f32 to vector<16xf32>
    %swap3A_443 = arith.constant 6 : i32
    %swap3A_444 = arith.index_cast %swap3A_443 : i32 to index
    %swap3A_445 = arith.constant 112 : index
    %swap3A_446 = tpu.vector_load %arg9[%swap3A_444, %swap3A_445] {strides = array<i32>} : memref<8x128xf32, #tpu.memory_space<vmem>>, vector<1x16xf32>,
    %swap3A_447 = vector.shape_cast %swap3A_446 : vector<1x16xf32> to vector<16xf32>
    %swap3A_448 = vector.shape_cast %broadcast_in_dim3A_442 : vector<16xf32> to vector<1x16xf32>
    tpu.vector_store %arg9[%swap3A_444, %swap3A_445], %swap3A_448 {strides = array<i32>} : memref<8x128xf32, #tpu.memory_space<vmem>>, vector<1x16xf32>,
    %broadcast_in_dim3A_449 = arith.constant 0.000000e+00 : f32
    %broadcast_in_dim3A_450 = vector.broadcast %broadcast_in_dim3A_449 : f32 to vector<16xf32>
    %swap3A_451 = arith.constant 7 : i32
    %swap3A_452 = arith.index_cast %swap3A_451 : i32 to index
    %swap3A_453 = arith.constant 0 : index
    %swap3A_454 = tpu.vector_load %arg9[%swap3A_452, %swap3A_453] {strides = array<i32>} : memref<8x128xf32, #tpu.memory_space<vmem>>, vector<1x16xf32>,
    %swap3A_455 = vector.shape_cast %swap3A_454 : vector<1x16xf32> to vector<16xf32>
    %swap3A_456 = vector.shape_cast %broadcast_in_dim3A_450 : vector<16xf32> to vector<1x16xf32>
    tpu.vector_store %arg9[%swap3A_452, %swap3A_453], %swap3A_456 {strides = array<i32>} : memref<8x128xf32, #tpu.memory_space<vmem>>, vector<1x16xf32>,
    %broadcast_in_dim3A_457 = arith.constant 0.000000e+00 : f32
    %broadcast_in_dim3A_458 = vector.broadcast %broadcast_in_dim3A_457 : f32 to vector<16xf32>
    %swap3A_459 = arith.constant 7 : i32
    %swap3A_460 = arith.index_cast %swap3A_459 : i32 to index
    %swap3A_461 = arith.constant 16 : index
    %swap3A_462 = tpu.vector_load %arg9[%swap3A_460, %swap3A_461] {strides = array<i32>} : memref<8x128xf32, #tpu.memory_space<vmem>>, vector<1x16xf32>,
    %swap3A_463 = vector.shape_cast %swap3A_462 : vector<1x16xf32> to vector<16xf32>
    %swap3A_464 = vector.shape_cast %broadcast_in_dim3A_458 : vector<16xf32> to vector<1x16xf32>
    tpu.vector_store %arg9[%swap3A_460, %swap3A_461], %swap3A_464 {strides = array<i32>} : memref<8x128xf32, #tpu.memory_space<vmem>>, vector<1x16xf32>,
    %broadcast_in_dim3A_465 = arith.constant 0.000000e+00 : f32
    %broadcast_in_dim3A_466 = vector.broadcast %broadcast_in_dim3A_465 : f32 to vector<16xf32>
    %swap3A_467 = arith.constant 7 : i32
    %swap3A_468 = arith.index_cast %swap3A_467 : i32 to index
    %swap3A_469 = arith.constant 32 : index
    %swap3A_470 = tpu.vector_load %arg9[%swap3A_468, %swap3A_469] {strides = array<i32>} : memref<8x128xf32, #tpu.memory_space<vmem>>, vector<1x16xf32>,
    %swap3A_471 = vector.shape_cast %swap3A_470 : vector<1x16xf32> to vector<16xf32>
    %swap3A_472 = vector.shape_cast %broadcast_in_dim3A_466 : vector<16xf32> to vector<1x16xf32>
    tpu.vector_store %arg9[%swap3A_468, %swap3A_469], %swap3A_472 {strides = array<i32>} : memref<8x128xf32, #tpu.memory_space<vmem>>, vector<1x16xf32>,
    %broadcast_in_dim3A_473 = arith.constant 0.000000e+00 : f32
    %broadcast_in_dim3A_474 = vector.broadcast %broadcast_in_dim3A_473 : f32 to vector<16xf32>
    %swap3A_475 = arith.constant 7 : i32
    %swap3A_476 = arith.index_cast %swap3A_475 : i32 to index
    %swap3A_477 = arith.constant 48 : index
    %swap3A_478 = tpu.vector_load %arg9[%swap3A_476, %swap3A_477] {strides = array<i32>} : memref<8x128xf32, #tpu.memory_space<vmem>>, vector<1x16xf32>,
    %swap3A_479 = vector.shape_cast %swap3A_478 : vector<1x16xf32> to vector<16xf32>
    %swap3A_480 = vector.shape_cast %broadcast_in_dim3A_474 : vector<16xf32> to vector<1x16xf32>
    tpu.vector_store %arg9[%swap3A_476, %swap3A_477], %swap3A_480 {strides = array<i32>} : memref<8x128xf32, #tpu.memory_space<vmem>>, vector<1x16xf32>,
    %broadcast_in_dim3A_481 = arith.constant 0.000000e+00 : f32
    %broadcast_in_dim3A_482 = vector.broadcast %broadcast_in_dim3A_481 : f32 to vector<16xf32>
    %swap3A_483 = arith.constant 7 : i32
    %swap3A_484 = arith.index_cast %swap3A_483 : i32 to index
    %swap3A_485 = arith.constant 64 : index
    %swap3A_486 = tpu.vector_load %arg9[%swap3A_484, %swap3A_485] {strides = array<i32>} : memref<8x128xf32, #tpu.memory_space<vmem>>, vector<1x16xf32>,
    %swap3A_487 = vector.shape_cast %swap3A_486 : vector<1x16xf32> to vector<16xf32>
    %swap3A_488 = vector.shape_cast %broadcast_in_dim3A_482 : vector<16xf32> to vector<1x16xf32>
    tpu.vector_store %arg9[%swap3A_484, %swap3A_485], %swap3A_488 {strides = array<i32>} : memref<8x128xf32, #tpu.memory_space<vmem>>, vector<1x16xf32>,
    %broadcast_in_dim3A_489 = arith.constant 0.000000e+00 : f32
    %broadcast_in_dim3A_490 = vector.broadcast %broadcast_in_dim3A_489 : f32 to vector<16xf32>
    %swap3A_491 = arith.constant 7 : i32
    %swap3A_492 = arith.index_cast %swap3A_491 : i32 to index
    %swap3A_493 = arith.constant 80 : index
    %swap3A_494 = tpu.vector_load %arg9[%swap3A_492, %swap3A_493] {strides = array<i32>} : memref<8x128xf32, #tpu.memory_space<vmem>>, vector<1x16xf32>,
    %swap3A_495 = vector.shape_cast %swap3A_494 : vector<1x16xf32> to vector<16xf32>
    %swap3A_496 = vector.shape_cast %broadcast_in_dim3A_490 : vector<16xf32> to vector<1x16xf32>
    tpu.vector_store %arg9[%swap3A_492, %swap3A_493], %swap3A_496 {strides = array<i32>} : memref<8x128xf32, #tpu.memory_space<vmem>>, vector<1x16xf32>,
    %broadcast_in_dim3A_497 = arith.constant 0.000000e+00 : f32
    %broadcast_in_dim3A_498 = vector.broadcast %broadcast_in_dim3A_497 : f32 to vector<16xf32>
    %swap3A_499 = arith.constant 7 : i32
    %swap3A_500 = arith.index_cast %swap3A_499 : i32 to index
    %swap3A_501 = arith.constant 96 : index
    %swap3A_502 = tpu.vector_load %arg9[%swap3A_500, %swap3A_501] {strides = array<i32>} : memref<8x128xf32, #tpu.memory_space<vmem>>, vector<1x16xf32>,
    %swap3A_503 = vector.shape_cast %swap3A_502 : vector<1x16xf32> to vector<16xf32>
    %swap3A_504 = vector.shape_cast %broadcast_in_dim3A_498 : vector<16xf32> to vector<1x16xf32>
    tpu.vector_store %arg9[%swap3A_500, %swap3A_501], %swap3A_504 {strides = array<i32>} : memref<8x128xf32, #tpu.memory_space<vmem>>, vector<1x16xf32>,
    %broadcast_in_dim3A_505 = arith.constant 0.000000e+00 : f32
    %broadcast_in_dim3A_506 = vector.broadcast %broadcast_in_dim3A_505 : f32 to vector<16xf32>
    %swap3A_507 = arith.constant 7 : i32
    %swap3A_508 = arith.index_cast %swap3A_507 : i32 to index
    %swap3A_509 = arith.constant 112 : index
    %swap3A_510 = tpu.vector_load %arg9[%swap3A_508, %swap3A_509] {strides = array<i32>} : memref<8x128xf32, #tpu.memory_space<vmem>>, vector<1x16xf32>,
    %swap3A_511 = vector.shape_cast %swap3A_510 : vector<1x16xf32> to vector<16xf32>
    %swap3A_512 = vector.shape_cast %broadcast_in_dim3A_506 : vector<16xf32> to vector<1x16xf32>
    tpu.vector_store %arg9[%swap3A_508, %swap3A_509], %swap3A_512 {strides = array<i32>} : memref<8x128xf32, #tpu.memory_space<vmem>>, vector<1x16xf32>,
    %scan3A = arith.constant 0 : i32
    %scan3A_513 = arith.constant 0 : i32
    %scan3A_514 = arith.constant 79 : i32
    %scan3A_515 = arith.addi %scan3A_513, %scan3A_514 : i32
    %scan3A_516 = arith.constant 1 : i32
    %scan3A_517 = scf.for %scan3A_531 = %scan3A_513 to %scan3A_515 step %scan3A_516 iter_args(%scan3A_532 = %scan3A) -> (i32)  : i32 {
      %mul3A_533 = arith.constant 632 : i32
      %mul3A_534 = arith.muli %arg1, %mul3A_533 : i32
      %mul3A_535 = arith.constant 8 : i32
      %mul3A_536 = arith.muli %scan3A_531, %mul3A_535 : i32
      %add3A_537 = arith.addi %mul3A_534, %mul3A_536 : i32
      "tpu.region"() ({
        %run_scoped3A = tpu.sem_alloc : memref<!tpu.dma_semaphore, #tpu.memory_space<semaphore_mem>>
        %dma_start3A = arith.constant 0 : i32
        %dma_start3A_539 = tpu.memref_slice %arg10[%add3A_537, %dma_start3A] : memref<10112x128xf32, #tpu.memory_space<vmem_shared>> -> memref<8x128xf32, #tpu.memory_space<vmem_shared>>
        %dma_start3A_540 = arith.constant 0 : i32
        %dma_start3A_541 = tpu.memref_slice %arg10[%add3A_537, %dma_start3A_540] : memref<10112x128xf32, #tpu.memory_space<vmem_shared>> -> memref<8x128xf32, #tpu.memory_space<vmem_shared>>
        tpu.enqueue_dma source(%arg9 : memref<8x128xf32, #tpu.memory_space<vmem>>) target(%dma_start3A_541 : memref<8x128xf32, #tpu.memory_space<vmem_shared>>) target_semaphore(%run_scoped3A : memref<!tpu.dma_semaphore, #tpu.memory_space<semaphore_mem>>)
        %dma_wait3A = arith.constant 0 : i32
        %dma_wait3A_542 = tpu.memref_slice %arg10[%add3A_537, %dma_wait3A] : memref<10112x128xf32, #tpu.memory_space<vmem_shared>> -> memref<8x128xf32, #tpu.memory_space<vmem_shared>>
        %dma_wait3A_543 = arith.constant 0 : i32
        %dma_wait3A_544 = tpu.memref_slice %arg10[%add3A_537, %dma_wait3A_543] : memref<10112x128xf32, #tpu.memory_space<vmem_shared>> -> memref<8x128xf32, #tpu.memory_space<vmem_shared>>
        tpu.wait_dma2 semaphore(%run_scoped3A : memref<!tpu.dma_semaphore, #tpu.memory_space<semaphore_mem>>) src(%arg9 : memref<8x128xf32, #tpu.memory_space<vmem>>) dst(%dma_wait3A_544 : memref<8x128xf32, #tpu.memory_space<vmem_shared>>)
        tpu.yield
      }) : () -> ()
      %scan3A_538 = arith.constant 0 : i32
      scf.yield %scan3A_538 : i32
    }
    %scan3A_518 = arith.constant 79 : i32
    %barrier3A = arith.constant 0 : index
    tpu.barrier barrier_id(%barrier3A)
    %scan3A_519 = arith.constant 0 : i32
    %scan3A_520 = arith.constant 0 : i32
    %scan3A_521 = arith.constant 5 : i32
    %scan3A_522 = arith.addi %scan3A_520, %scan3A_521 : i32
    %scan3A_523 = arith.constant 1 : i32
    %scan3A_524 = scf.for %scan3A_531 = %scan3A_520 to %scan3A_522 step %scan3A_523 iter_args(%scan3A_532 = %scan3A_519) -> (i32)  : i32 {
      %mul3A_533 = arith.constant 16 : i32
      %mul3A_534 = arith.muli %scan3A_531, %mul3A_533 : i32
      %add3A_535 = arith.addi %add3A, %mul3A_534 : i32
      %run_scoped3A = arith.constant 0 : i32
      "tpu.region"() ({
        %run_scoped3A_551 = tpu.sem_alloc : memref<!tpu.dma_semaphore, #tpu.memory_space<semaphore_mem>>
        %dma_start3A_552 = arith.constant 0 : i32
        %dma_start3A_553 = tpu.memref_slice %arg3[%run_scoped3A, %add3A_535, %dma_start3A_552] : memref<2x2560x128xi32, #tpu.memory_space<hbm>> -> memref<1x16x128xi32, #tpu.memory_space<hbm>>
        %dma_start3A_554 = tpu.memref_squeeze %dma_start3A_553 : memref<1x16x128xi32, #tpu.memory_space<hbm>> -> memref<16x128xi32, #tpu.memory_space<hbm>>
        %dma_start3A_555 = arith.constant 0 : i32
        %dma_start3A_556 = tpu.memref_slice %arg3[%run_scoped3A, %add3A_535, %dma_start3A_555] : memref<2x2560x128xi32, #tpu.memory_space<hbm>> -> memref<1x16x128xi32, #tpu.memory_space<hbm>>
        %dma_start3A_557 = tpu.memref_squeeze %dma_start3A_556 : memref<1x16x128xi32, #tpu.memory_space<hbm>> -> memref<16x128xi32, #tpu.memory_space<hbm>>
        tpu.enqueue_dma source(%dma_start3A_557 : memref<16x128xi32, #tpu.memory_space<hbm>>) target(%arg5 : memref<16x128xi32, #tpu.memory_space<vmem>>) target_semaphore(%run_scoped3A_551 : memref<!tpu.dma_semaphore, #tpu.memory_space<semaphore_mem>>)
        %dma_wait3A = arith.constant 0 : i32
        %dma_wait3A_558 = tpu.memref_slice %arg3[%run_scoped3A, %add3A_535, %dma_wait3A] : memref<2x2560x128xi32, #tpu.memory_space<hbm>> -> memref<1x16x128xi32, #tpu.memory_space<hbm>>
        %dma_wait3A_559 = tpu.memref_squeeze %dma_wait3A_558 : memref<1x16x128xi32, #tpu.memory_space<hbm>> -> memref<16x128xi32, #tpu.memory_space<hbm>>
        %dma_wait3A_560 = arith.constant 0 : i32
        %dma_wait3A_561 = tpu.memref_slice %arg3[%run_scoped3A, %add3A_535, %dma_wait3A_560] : memref<2x2560x128xi32, #tpu.memory_space<hbm>> -> memref<1x16x128xi32, #tpu.memory_space<hbm>>
        %dma_wait3A_562 = tpu.memref_squeeze %dma_wait3A_561 : memref<1x16x128xi32, #tpu.memory_space<hbm>> -> memref<16x128xi32, #tpu.memory_space<hbm>>
        tpu.wait_dma2 semaphore(%run_scoped3A_551 : memref<!tpu.dma_semaphore, #tpu.memory_space<semaphore_mem>>) src(%dma_wait3A_562 : memref<16x128xi32, #tpu.memory_space<hbm>>) dst(%arg5 : memref<16x128xi32, #tpu.memory_space<vmem>>)
        tpu.yield
      }) : () -> ()
      %run_scoped3A_536 = arith.constant 1 : i32
      "tpu.region"() ({
        %run_scoped3A_551 = tpu.sem_alloc : memref<!tpu.dma_semaphore, #tpu.memory_space<semaphore_mem>>
        %dma_start3A_552 = arith.constant 0 : i32
        %dma_start3A_553 = tpu.memref_slice %arg3[%run_scoped3A_536, %add3A_535, %dma_start3A_552] : memref<2x2560x128xi32, #tpu.memory_space<hbm>> -> memref<1x16x128xi32, #tpu.memory_space<hbm>>
        %dma_start3A_554 = tpu.memref_squeeze %dma_start3A_553 : memref<1x16x128xi32, #tpu.memory_space<hbm>> -> memref<16x128xi32, #tpu.memory_space<hbm>>
        %dma_start3A_555 = arith.constant 0 : i32
        %dma_start3A_556 = tpu.memref_slice %arg3[%run_scoped3A_536, %add3A_535, %dma_start3A_555] : memref<2x2560x128xi32, #tpu.memory_space<hbm>> -> memref<1x16x128xi32, #tpu.memory_space<hbm>>
        %dma_start3A_557 = tpu.memref_squeeze %dma_start3A_556 : memref<1x16x128xi32, #tpu.memory_space<hbm>> -> memref<16x128xi32, #tpu.memory_space<hbm>>
        tpu.enqueue_dma source(%dma_start3A_557 : memref<16x128xi32, #tpu.memory_space<hbm>>) target(%arg6 : memref<16x128xi32, #tpu.memory_space<vmem>>) target_semaphore(%run_scoped3A_551 : memref<!tpu.dma_semaphore, #tpu.memory_space<semaphore_mem>>)
        %dma_wait3A = arith.constant 0 : i32
        %dma_wait3A_558 = tpu.memref_slice %arg3[%run_scoped3A_536, %add3A_535, %dma_wait3A] : memref<2x2560x128xi32, #tpu.memory_space<hbm>> -> memref<1x16x128xi32, #tpu.memory_space<hbm>>
        %dma_wait3A_559 = tpu.memref_squeeze %dma_wait3A_558 : memref<1x16x128xi32, #tpu.memory_space<hbm>> -> memref<16x128xi32, #tpu.memory_space<hbm>>
        %dma_wait3A_560 = arith.constant 0 : i32
        %dma_wait3A_561 = tpu.memref_slice %arg3[%run_scoped3A_536, %add3A_535, %dma_wait3A_560] : memref<2x2560x128xi32, #tpu.memory_space<hbm>> -> memref<1x16x128xi32, #tpu.memory_space<hbm>>
        %dma_wait3A_562 = tpu.memref_squeeze %dma_wait3A_561 : memref<1x16x128xi32, #tpu.memory_space<hbm>> -> memref<16x128xi32, #tpu.memory_space<hbm>>
        tpu.wait_dma2 semaphore(%run_scoped3A_551 : memref<!tpu.dma_semaphore, #tpu.memory_space<semaphore_mem>>) src(%dma_wait3A_562 : memref<16x128xi32, #tpu.memory_space<hbm>>) dst(%arg6 : memref<16x128xi32, #tpu.memory_space<vmem>>)
        tpu.yield
      }) : () -> ()
      %dma_start3A = arith.constant 0 : i32
      %dma_start3A_537 = arith.constant 0 : i32
      %dma_start3A_538 = tpu.memref_slice %arg5[%dma_start3A, %dma_start3A_537] : memref<16x128xi32, #tpu.memory_space<vmem>> -> memref<1x128xi32, #tpu.memory_space<vmem>>
      %dma_start3A_539 = tpu.memref_squeeze %dma_start3A_538 : memref<1x128xi32, #tpu.memory_space<vmem>> -> memref<128xi32, #tpu.memory_space<vmem>>
      %dma_start3A_540 = arith.constant 0 : i32
      %dma_start3A_541 = arith.constant 0 : i32
      %dma_start3A_542 = tpu.memref_slice %arg2[%dma_start3A_540, %dma_start3A_541] : memref<10000x128xf32, #tpu.memory_space<hbm>> -> memref<10000x128xf32, #tpu.memory_space<hbm>>
      tpu.enqueue_indirect_dma source(%dma_start3A_542 : memref<10000x128xf32, #tpu.memory_space<hbm>>) target(%arg7 : memref<128x128xf32, #tpu.memory_space<vmem>>) offsets(%dma_start3A_539 : memref<128xi32, #tpu.memory_space<vmem>>) semaphore(%arg11 : memref<!tpu.dma_semaphore, #tpu.memory_space<semaphore_mem>>)
      %scan3A_543 = arith.constant 0 : i32
      %scan3A_544 = arith.constant 0 : i32
      %scan3A_545 = arith.constant 8 : i32
      %scan3A_546 = arith.addi %scan3A_544, %scan3A_545 : i32
      %scan3A_547 = arith.constant 1 : i32
      %scan3A_548 = scf.for %scan3A_551 = %scan3A_544 to %scan3A_546 step %scan3A_547 iter_args(%scan3A_552 = %scan3A_543) -> (i32)  : i32 {
        %mul3A_553 = arith.constant 2 : i32
        %mul3A_554 = arith.muli %mul3A_553, %scan3A_551 : i32
        %add3A_555 = arith.constant 1 : i32
        %add3A_556 = arith.addi %mul3A_554, %add3A_555 : i32
        %dma_start3A_557 = arith.constant 0 : i32
        %dma_start3A_558 = tpu.memref_slice %arg5[%add3A_556, %dma_start3A_557] : memref<16x128xi32, #tpu.memory_space<vmem>> -> memref<1x128xi32, #tpu.memory_space<vmem>>
        %dma_start3A_559 = tpu.memref_squeeze %dma_start3A_558 : memref<1x128xi32, #tpu.memory_space<vmem>> -> memref<128xi32, #tpu.memory_space<vmem>>
        %dma_start3A_560 = arith.constant 0 : i32
        %dma_start3A_561 = arith.constant 0 : i32
        %dma_start3A_562 = tpu.memref_slice %arg2[%dma_start3A_560, %dma_start3A_561] : memref<10000x128xf32, #tpu.memory_space<hbm>> -> memref<10000x128xf32, #tpu.memory_space<hbm>>
        tpu.enqueue_indirect_dma source(%dma_start3A_562 : memref<10000x128xf32, #tpu.memory_space<hbm>>) target(%arg8 : memref<128x128xf32, #tpu.memory_space<vmem>>) offsets(%dma_start3A_559 : memref<128xi32, #tpu.memory_space<vmem>>) semaphore(%arg12 : memref<!tpu.dma_semaphore, #tpu.memory_space<semaphore_mem>>)
        %dma_wait3A = arith.constant 0 : i32
        %dma_wait3A_563 = tpu.memref_slice %arg5[%mul3A_554, %dma_wait3A] : memref<16x128xi32, #tpu.memory_space<vmem>> -> memref<1x128xi32, #tpu.memory_space<vmem>>
        %dma_wait3A_564 = tpu.memref_squeeze %dma_wait3A_563 : memref<1x128xi32, #tpu.memory_space<vmem>> -> memref<128xi32, #tpu.memory_space<vmem>>
        %dma_wait3A_565 = arith.constant 0 : i32
        %dma_wait3A_566 = arith.constant 0 : i32
        %dma_wait3A_567 = tpu.memref_slice %arg2[%dma_wait3A_565, %dma_wait3A_566] : memref<10000x128xf32, #tpu.memory_space<hbm>> -> memref<10000x128xf32, #tpu.memory_space<hbm>>
        tpu.wait_indirect_dma semaphore(%arg11 : memref<!tpu.dma_semaphore, #tpu.memory_space<semaphore_mem>>) src(%dma_wait3A_567 : memref<10000x128xf32, #tpu.memory_space<hbm>>) dst(%arg7 : memref<128x128xf32, #tpu.memory_space<vmem>>)
        "tpu.region"() ({
          %run_scoped3A_581 = tpu.sem_alloc : memref<!tpu.dma_semaphore, #tpu.memory_space<semaphore_mem>>
          %dma_start3A_582 = arith.constant 0 : i32
          %dma_start3A_583 = tpu.memref_slice %arg6[%mul3A_554, %dma_start3A_582] : memref<16x128xi32, #tpu.memory_space<vmem>> -> memref<1x128xi32, #tpu.memory_space<vmem>>
          %dma_start3A_584 = tpu.memref_squeeze %dma_start3A_583 : memref<1x128xi32, #tpu.memory_space<vmem>> -> memref<128xi32, #tpu.memory_space<vmem>>
          %dma_start3A_585 = arith.constant 0 : i32
          %dma_start3A_586 = arith.constant 0 : i32
          %dma_start3A_587 = tpu.memref_slice %arg10[%dma_start3A_585, %dma_start3A_586] : memref<10112x128xf32, #tpu.memory_space<vmem_shared>> -> memref<10112x128xf32, #tpu.memory_space<vmem_shared>>
          tpu.enqueue_indirect_dma source(%arg7 : memref<128x128xf32, #tpu.memory_space<vmem>>) target(%dma_start3A_587 : memref<10112x128xf32, #tpu.memory_space<vmem_shared>>) offsets(%dma_start3A_584 : memref<128xi32, #tpu.memory_space<vmem>>) semaphore(%run_scoped3A_581 : memref<!tpu.dma_semaphore, #tpu.memory_space<semaphore_mem>>) {add = true}
          %dma_wait3A_588 = arith.constant 0 : i32
          %dma_wait3A_589 = tpu.memref_slice %arg6[%mul3A_554, %dma_wait3A_588] : memref<16x128xi32, #tpu.memory_space<vmem>> -> memref<1x128xi32, #tpu.memory_space<vmem>>
          %dma_wait3A_590 = tpu.memref_squeeze %dma_wait3A_589 : memref<1x128xi32, #tpu.memory_space<vmem>> -> memref<128xi32, #tpu.memory_space<vmem>>
          %dma_wait3A_591 = arith.constant 0 : i32
          %dma_wait3A_592 = arith.constant 0 : i32
          %dma_wait3A_593 = tpu.memref_slice %arg10[%dma_wait3A_591, %dma_wait3A_592] : memref<10112x128xf32, #tpu.memory_space<vmem_shared>> -> memref<10112x128xf32, #tpu.memory_space<vmem_shared>>
          tpu.wait_indirect_dma semaphore(%run_scoped3A_581 : memref<!tpu.dma_semaphore, #tpu.memory_space<semaphore_mem>>) src(%arg7 : memref<128x128xf32, #tpu.memory_space<vmem>>) dst(%dma_wait3A_593 : memref<10112x128xf32, #tpu.memory_space<vmem_shared>>)
          tpu.yield
        }) : () -> ()
        %lt3A = arith.constant 7 : i32
        %lt3A_568 = arith.cmpi slt, %scan3A_551, %lt3A : i32
        %convert_element_type3A = arith.extui %lt3A_568 : i1 to i32
        %cond3A = arith.constant 0 : i32
        %cond3A_569 = arith.cmpi ne, %convert_element_type3A, %cond3A : i32
        scf.if %cond3A_569 {
          %add3A_581 = arith.constant 2 : i32
          %add3A_582 = arith.addi %mul3A_554, %add3A_581 : i32
          %dma_start3A_583 = arith.constant 0 : i32
          %dma_start3A_584 = tpu.memref_slice %arg5[%add3A_582, %dma_start3A_583] : memref<16x128xi32, #tpu.memory_space<vmem>> -> memref<1x128xi32, #tpu.memory_space<vmem>>
          %dma_start3A_585 = tpu.memref_squeeze %dma_start3A_584 : memref<1x128xi32, #tpu.memory_space<vmem>> -> memref<128xi32, #tpu.memory_space<vmem>>
          %dma_start3A_586 = arith.constant 0 : i32
          %dma_start3A_587 = arith.constant 0 : i32
          %dma_start3A_588 = tpu.memref_slice %arg2[%dma_start3A_586, %dma_start3A_587] : memref<10000x128xf32, #tpu.memory_space<hbm>> -> memref<10000x128xf32, #tpu.memory_space<hbm>>
          tpu.enqueue_indirect_dma source(%dma_start3A_588 : memref<10000x128xf32, #tpu.memory_space<hbm>>) target(%arg7 : memref<128x128xf32, #tpu.memory_space<vmem>>) offsets(%dma_start3A_585 : memref<128xi32, #tpu.memory_space<vmem>>) semaphore(%arg11 : memref<!tpu.dma_semaphore, #tpu.memory_space<semaphore_mem>>)
        } else {
        }
        %add3A_570 = arith.constant 1 : i32
        %add3A_571 = arith.addi %mul3A_554, %add3A_570 : i32
        %dma_wait3A_572 = arith.constant 0 : i32
        %dma_wait3A_573 = tpu.memref_slice %arg5[%add3A_571, %dma_wait3A_572] : memref<16x128xi32, #tpu.memory_space<vmem>> -> memref<1x128xi32, #tpu.memory_space<vmem>>
        %dma_wait3A_574 = tpu.memref_squeeze %dma_wait3A_573 : memref<1x128xi32, #tpu.memory_space<vmem>> -> memref<128xi32, #tpu.memory_space<vmem>>
        %dma_wait3A_575 = arith.constant 0 : i32
        %dma_wait3A_576 = arith.constant 0 : i32
        %dma_wait3A_577 = tpu.memref_slice %arg2[%dma_wait3A_575, %dma_wait3A_576] : memref<10000x128xf32, #tpu.memory_space<hbm>> -> memref<10000x128xf32, #tpu.memory_space<hbm>>
        tpu.wait_indirect_dma semaphore(%arg12 : memref<!tpu.dma_semaphore, #tpu.memory_space<semaphore_mem>>) src(%dma_wait3A_577 : memref<10000x128xf32, #tpu.memory_space<hbm>>) dst(%arg8 : memref<128x128xf32, #tpu.memory_space<vmem>>)
        %add3A_578 = arith.constant 1 : i32
        %add3A_579 = arith.addi %mul3A_554, %add3A_578 : i32
        "tpu.region"() ({
          %run_scoped3A_581 = tpu.sem_alloc : memref<!tpu.dma_semaphore, #tpu.memory_space<semaphore_mem>>
          %dma_start3A_582 = arith.constant 0 : i32
          %dma_start3A_583 = tpu.memref_slice %arg6[%add3A_579, %dma_start3A_582] : memref<16x128xi32, #tpu.memory_space<vmem>> -> memref<1x128xi32, #tpu.memory_space<vmem>>
          %dma_start3A_584 = tpu.memref_squeeze %dma_start3A_583 : memref<1x128xi32, #tpu.memory_space<vmem>> -> memref<128xi32, #tpu.memory_space<vmem>>
          %dma_start3A_585 = arith.constant 0 : i32
          %dma_start3A_586 = arith.constant 0 : i32
          %dma_start3A_587 = tpu.memref_slice %arg10[%dma_start3A_585, %dma_start3A_586] : memref<10112x128xf32, #tpu.memory_space<vmem_shared>> -> memref<10112x128xf32, #tpu.memory_space<vmem_shared>>
          tpu.enqueue_indirect_dma source(%arg8 : memref<128x128xf32, #tpu.memory_space<vmem>>) target(%dma_start3A_587 : memref<10112x128xf32, #tpu.memory_space<vmem_shared>>) offsets(%dma_start3A_584 : memref<128xi32, #tpu.memory_space<vmem>>) semaphore(%run_scoped3A_581 : memref<!tpu.dma_semaphore, #tpu.memory_space<semaphore_mem>>) {add = true}
          %dma_wait3A_588 = arith.constant 0 : i32
          %dma_wait3A_589 = tpu.memref_slice %arg6[%add3A_579, %dma_wait3A_588] : memref<16x128xi32, #tpu.memory_space<vmem>> -> memref<1x128xi32, #tpu.memory_space<vmem>>
          %dma_wait3A_590 = tpu.memref_squeeze %dma_wait3A_589 : memref<1x128xi32, #tpu.memory_space<vmem>> -> memref<128xi32, #tpu.memory_space<vmem>>
          %dma_wait3A_591 = arith.constant 0 : i32
          %dma_wait3A_592 = arith.constant 0 : i32
          %dma_wait3A_593 = tpu.memref_slice %arg10[%dma_wait3A_591, %dma_wait3A_592] : memref<10112x128xf32, #tpu.memory_space<vmem_shared>> -> memref<10112x128xf32, #tpu.memory_space<vmem_shared>>
          tpu.wait_indirect_dma semaphore(%run_scoped3A_581 : memref<!tpu.dma_semaphore, #tpu.memory_space<semaphore_mem>>) src(%arg8 : memref<128x128xf32, #tpu.memory_space<vmem>>) dst(%dma_wait3A_593 : memref<10112x128xf32, #tpu.memory_space<vmem_shared>>)
          tpu.yield
        }) : () -> ()
        %scan3A_580 = arith.constant 0 : i32
        scf.yield %scan3A_580 : i32
      }
      %scan3A_549 = arith.constant 8 : i32
      %scan3A_550 = arith.constant 0 : i32
      scf.yield %scan3A_550 : i32
    }
    %scan3A_525 = arith.constant 5 : i32
    %barrier3A_526 = arith.constant 0 : index
    tpu.barrier barrier_id(%barrier3A_526)
    %mul3A_527 = arith.constant 632 : i32
    %mul3A_528 = arith.muli %arg1, %mul3A_527 : i32
    %mul3A_529 = arith.constant 632 : i32
    %mul3A_530 = arith.muli %arg1, %mul3A_529 : i32
    "tpu.region"() ({
      %run_scoped3A = tpu.sem_alloc : memref<!tpu.dma_semaphore, #tpu.memory_space<semaphore_mem>>
      %dma_start3A = arith.constant 0 : i32
      %dma_start3A_531 = tpu.memref_slice %arg4[%arg0, %mul3A_530, %dma_start3A] : memref<2x10112x128xf32, #tpu.memory_space<hbm>> -> memref<1x632x128xf32, #tpu.memory_space<hbm>>
      %dma_start3A_532 = tpu.memref_squeeze %dma_start3A_531 : memref<1x632x128xf32, #tpu.memory_space<hbm>> -> memref<632x128xf32, #tpu.memory_space<hbm>>
      %dma_start3A_533 = arith.constant 0 : i32
      %dma_start3A_534 = tpu.memref_slice %arg10[%mul3A_528, %dma_start3A_533] : memref<10112x128xf32, #tpu.memory_space<vmem_shared>> -> memref<632x128xf32, #tpu.memory_space<vmem_shared>>
      tpu.enqueue_dma source(%dma_start3A_534 : memref<632x128xf32, #tpu.memory_space<vmem_shared>>) target(%dma_start3A_532 : memref<632x128xf32, #tpu.memory_space<hbm>>) target_semaphore(%run_scoped3A : memref<!tpu.dma_semaphore, #tpu.memory_space<semaphore_mem>>)
      %dma_wait3A = arith.constant 0 : i32
      %dma_wait3A_535 = tpu.memref_slice %arg4[%arg0, %mul3A_530, %dma_wait3A] : memref<2x10112x128xf32, #tpu.memory_space<hbm>> -> memref<1x632x128xf32, #tpu.memory_space<hbm>>
      %dma_wait3A_536 = tpu.memref_squeeze %dma_wait3A_535 : memref<1x632x128xf32, #tpu.memory_space<hbm>> -> memref<632x128xf32, #tpu.memory_space<hbm>>
      %dma_wait3A_537 = arith.constant 0 : i32
      %dma_wait3A_538 = tpu.memref_slice %arg10[%mul3A_528, %dma_wait3A_537] : memref<10112x128xf32, #tpu.memory_space<vmem_shared>> -> memref<632x128xf32, #tpu.memory_space<vmem_shared>>
      tpu.wait_dma2 semaphore(%run_scoped3A : memref<!tpu.dma_semaphore, #tpu.memory_space<semaphore_mem>>) src(%dma_wait3A_538 : memref<632x128xf32, #tpu.memory_space<vmem_shared>>) dst(%dma_wait3A_536 : memref<632x128xf32, #tpu.memory_space<hbm>>)
      tpu.yield
    }) : () -> ()
    return
  }
}

#map = affine_map<(d0, d1) -> (0, 0)>
#map1 = affine_map<(d0, d1) -> (0, 0, 0)>
module attributes {stable_mosaic.version = 14 : i64} {
  func.func @deg_kernel(%arg0: i32, %arg1: i32, %arg2: memref<128x128xf32, #tpu.memory_space<hbm>>, %arg3: memref<2x2560x128xi32, #tpu.memory_space<hbm>>, %arg4: memref<2x10112x128xf32, #tpu.memory_space<hbm>>, %arg5: memref<16x128xi32, #tpu.memory_space<vmem>>, %arg6: memref<128x128xf32, #tpu.memory_space<vmem>>, %arg7: memref<8x128xf32, #tpu.memory_space<vmem>>, %arg8: memref<10112x128xf32, #tpu.memory_space<vmem_shared>>) attributes {dimension_semantics = [#tpu.dimension_semantics<core_parallel>, #tpu.dimension_semantics<subcore_parallel>], iteration_bounds = array<i64: 2, 16>, scalar_prefetch = 0 : i64, scratch_operands = 4 : i64, tpu.core_type = #tpu.core_type<sc_vector_subcore>, window_params = [{transform_indices = #map}, {transform_indices = #map1}, {transform_indices = #map1}]} {
    %mul3A = arith.constant 16 : i32
    %mul3A_0 = arith.muli %arg0, %mul3A : i32
    %add3A = arith.addi %mul3A_0, %arg1 : i32
    %broadcast_in_dim3A = arith.constant 0.000000e+00 : f32
    %broadcast_in_dim3A_1 = vector.broadcast %broadcast_in_dim3A : f32 to vector<16xf32>
    %swap3A = arith.constant 0 : i32
    %swap3A_2 = arith.index_cast %swap3A : i32 to index
    %swap3A_3 = arith.constant 0 : index
    %swap3A_4 = tpu.vector_load %arg7[%swap3A_2, %swap3A_3] {strides = array<i32>} : memref<8x128xf32, #tpu.memory_space<vmem>>, vector<1x16xf32>,
    %swap3A_5 = vector.shape_cast %swap3A_4 : vector<1x16xf32> to vector<16xf32>
    %swap3A_6 = vector.shape_cast %broadcast_in_dim3A_1 : vector<16xf32> to vector<1x16xf32>
    tpu.vector_store %arg7[%swap3A_2, %swap3A_3], %swap3A_6 {strides = array<i32>} : memref<8x128xf32, #tpu.memory_space<vmem>>, vector<1x16xf32>,
    %broadcast_in_dim3A_7 = arith.constant 0.000000e+00 : f32
    %broadcast_in_dim3A_8 = vector.broadcast %broadcast_in_dim3A_7 : f32 to vector<16xf32>
    %swap3A_9 = arith.constant 0 : i32
    %swap3A_10 = arith.index_cast %swap3A_9 : i32 to index
    %swap3A_11 = arith.constant 16 : index
    %swap3A_12 = tpu.vector_load %arg7[%swap3A_10, %swap3A_11] {strides = array<i32>} : memref<8x128xf32, #tpu.memory_space<vmem>>, vector<1x16xf32>,
    %swap3A_13 = vector.shape_cast %swap3A_12 : vector<1x16xf32> to vector<16xf32>
    %swap3A_14 = vector.shape_cast %broadcast_in_dim3A_8 : vector<16xf32> to vector<1x16xf32>
    tpu.vector_store %arg7[%swap3A_10, %swap3A_11], %swap3A_14 {strides = array<i32>} : memref<8x128xf32, #tpu.memory_space<vmem>>, vector<1x16xf32>,
    %broadcast_in_dim3A_15 = arith.constant 0.000000e+00 : f32
    %broadcast_in_dim3A_16 = vector.broadcast %broadcast_in_dim3A_15 : f32 to vector<16xf32>
    %swap3A_17 = arith.constant 0 : i32
    %swap3A_18 = arith.index_cast %swap3A_17 : i32 to index
    %swap3A_19 = arith.constant 32 : index
    %swap3A_20 = tpu.vector_load %arg7[%swap3A_18, %swap3A_19] {strides = array<i32>} : memref<8x128xf32, #tpu.memory_space<vmem>>, vector<1x16xf32>,
    %swap3A_21 = vector.shape_cast %swap3A_20 : vector<1x16xf32> to vector<16xf32>
    %swap3A_22 = vector.shape_cast %broadcast_in_dim3A_16 : vector<16xf32> to vector<1x16xf32>
    tpu.vector_store %arg7[%swap3A_18, %swap3A_19], %swap3A_22 {strides = array<i32>} : memref<8x128xf32, #tpu.memory_space<vmem>>, vector<1x16xf32>,
    %broadcast_in_dim3A_23 = arith.constant 0.000000e+00 : f32
    %broadcast_in_dim3A_24 = vector.broadcast %broadcast_in_dim3A_23 : f32 to vector<16xf32>
    %swap3A_25 = arith.constant 0 : i32
    %swap3A_26 = arith.index_cast %swap3A_25 : i32 to index
    %swap3A_27 = arith.constant 48 : index
    %swap3A_28 = tpu.vector_load %arg7[%swap3A_26, %swap3A_27] {strides = array<i32>} : memref<8x128xf32, #tpu.memory_space<vmem>>, vector<1x16xf32>,
    %swap3A_29 = vector.shape_cast %swap3A_28 : vector<1x16xf32> to vector<16xf32>
    %swap3A_30 = vector.shape_cast %broadcast_in_dim3A_24 : vector<16xf32> to vector<1x16xf32>
    tpu.vector_store %arg7[%swap3A_26, %swap3A_27], %swap3A_30 {strides = array<i32>} : memref<8x128xf32, #tpu.memory_space<vmem>>, vector<1x16xf32>,
    %broadcast_in_dim3A_31 = arith.constant 0.000000e+00 : f32
    %broadcast_in_dim3A_32 = vector.broadcast %broadcast_in_dim3A_31 : f32 to vector<16xf32>
    %swap3A_33 = arith.constant 0 : i32
    %swap3A_34 = arith.index_cast %swap3A_33 : i32 to index
    %swap3A_35 = arith.constant 64 : index
    %swap3A_36 = tpu.vector_load %arg7[%swap3A_34, %swap3A_35] {strides = array<i32>} : memref<8x128xf32, #tpu.memory_space<vmem>>, vector<1x16xf32>,
    %swap3A_37 = vector.shape_cast %swap3A_36 : vector<1x16xf32> to vector<16xf32>
    %swap3A_38 = vector.shape_cast %broadcast_in_dim3A_32 : vector<16xf32> to vector<1x16xf32>
    tpu.vector_store %arg7[%swap3A_34, %swap3A_35], %swap3A_38 {strides = array<i32>} : memref<8x128xf32, #tpu.memory_space<vmem>>, vector<1x16xf32>,
    %broadcast_in_dim3A_39 = arith.constant 0.000000e+00 : f32
    %broadcast_in_dim3A_40 = vector.broadcast %broadcast_in_dim3A_39 : f32 to vector<16xf32>
    %swap3A_41 = arith.constant 0 : i32
    %swap3A_42 = arith.index_cast %swap3A_41 : i32 to index
    %swap3A_43 = arith.constant 80 : index
    %swap3A_44 = tpu.vector_load %arg7[%swap3A_42, %swap3A_43] {strides = array<i32>} : memref<8x128xf32, #tpu.memory_space<vmem>>, vector<1x16xf32>,
    %swap3A_45 = vector.shape_cast %swap3A_44 : vector<1x16xf32> to vector<16xf32>
    %swap3A_46 = vector.shape_cast %broadcast_in_dim3A_40 : vector<16xf32> to vector<1x16xf32>
    tpu.vector_store %arg7[%swap3A_42, %swap3A_43], %swap3A_46 {strides = array<i32>} : memref<8x128xf32, #tpu.memory_space<vmem>>, vector<1x16xf32>,
    %broadcast_in_dim3A_47 = arith.constant 0.000000e+00 : f32
    %broadcast_in_dim3A_48 = vector.broadcast %broadcast_in_dim3A_47 : f32 to vector<16xf32>
    %swap3A_49 = arith.constant 0 : i32
    %swap3A_50 = arith.index_cast %swap3A_49 : i32 to index
    %swap3A_51 = arith.constant 96 : index
    %swap3A_52 = tpu.vector_load %arg7[%swap3A_50, %swap3A_51] {strides = array<i32>} : memref<8x128xf32, #tpu.memory_space<vmem>>, vector<1x16xf32>,
    %swap3A_53 = vector.shape_cast %swap3A_52 : vector<1x16xf32> to vector<16xf32>
    %swap3A_54 = vector.shape_cast %broadcast_in_dim3A_48 : vector<16xf32> to vector<1x16xf32>
    tpu.vector_store %arg7[%swap3A_50, %swap3A_51], %swap3A_54 {strides = array<i32>} : memref<8x128xf32, #tpu.memory_space<vmem>>, vector<1x16xf32>,
    %broadcast_in_dim3A_55 = arith.constant 0.000000e+00 : f32
    %broadcast_in_dim3A_56 = vector.broadcast %broadcast_in_dim3A_55 : f32 to vector<16xf32>
    %swap3A_57 = arith.constant 0 : i32
    %swap3A_58 = arith.index_cast %swap3A_57 : i32 to index
    %swap3A_59 = arith.constant 112 : index
    %swap3A_60 = tpu.vector_load %arg7[%swap3A_58, %swap3A_59] {strides = array<i32>} : memref<8x128xf32, #tpu.memory_space<vmem>>, vector<1x16xf32>,
    %swap3A_61 = vector.shape_cast %swap3A_60 : vector<1x16xf32> to vector<16xf32>
    %swap3A_62 = vector.shape_cast %broadcast_in_dim3A_56 : vector<16xf32> to vector<1x16xf32>
    tpu.vector_store %arg7[%swap3A_58, %swap3A_59], %swap3A_62 {strides = array<i32>} : memref<8x128xf32, #tpu.memory_space<vmem>>, vector<1x16xf32>,
    %broadcast_in_dim3A_63 = arith.constant 0.000000e+00 : f32
    %broadcast_in_dim3A_64 = vector.broadcast %broadcast_in_dim3A_63 : f32 to vector<16xf32>
    %swap3A_65 = arith.constant 1 : i32
    %swap3A_66 = arith.index_cast %swap3A_65 : i32 to index
    %swap3A_67 = arith.constant 0 : index
    %swap3A_68 = tpu.vector_load %arg7[%swap3A_66, %swap3A_67] {strides = array<i32>} : memref<8x128xf32, #tpu.memory_space<vmem>>, vector<1x16xf32>,
    %swap3A_69 = vector.shape_cast %swap3A_68 : vector<1x16xf32> to vector<16xf32>
    %swap3A_70 = vector.shape_cast %broadcast_in_dim3A_64 : vector<16xf32> to vector<1x16xf32>
    tpu.vector_store %arg7[%swap3A_66, %swap3A_67], %swap3A_70 {strides = array<i32>} : memref<8x128xf32, #tpu.memory_space<vmem>>, vector<1x16xf32>,
    %broadcast_in_dim3A_71 = arith.constant 0.000000e+00 : f32
    %broadcast_in_dim3A_72 = vector.broadcast %broadcast_in_dim3A_71 : f32 to vector<16xf32>
    %swap3A_73 = arith.constant 1 : i32
    %swap3A_74 = arith.index_cast %swap3A_73 : i32 to index
    %swap3A_75 = arith.constant 16 : index
    %swap3A_76 = tpu.vector_load %arg7[%swap3A_74, %swap3A_75] {strides = array<i32>} : memref<8x128xf32, #tpu.memory_space<vmem>>, vector<1x16xf32>,
    %swap3A_77 = vector.shape_cast %swap3A_76 : vector<1x16xf32> to vector<16xf32>
    %swap3A_78 = vector.shape_cast %broadcast_in_dim3A_72 : vector<16xf32> to vector<1x16xf32>
    tpu.vector_store %arg7[%swap3A_74, %swap3A_75], %swap3A_78 {strides = array<i32>} : memref<8x128xf32, #tpu.memory_space<vmem>>, vector<1x16xf32>,
    %broadcast_in_dim3A_79 = arith.constant 0.000000e+00 : f32
    %broadcast_in_dim3A_80 = vector.broadcast %broadcast_in_dim3A_79 : f32 to vector<16xf32>
    %swap3A_81 = arith.constant 1 : i32
    %swap3A_82 = arith.index_cast %swap3A_81 : i32 to index
    %swap3A_83 = arith.constant 32 : index
    %swap3A_84 = tpu.vector_load %arg7[%swap3A_82, %swap3A_83] {strides = array<i32>} : memref<8x128xf32, #tpu.memory_space<vmem>>, vector<1x16xf32>,
    %swap3A_85 = vector.shape_cast %swap3A_84 : vector<1x16xf32> to vector<16xf32>
    %swap3A_86 = vector.shape_cast %broadcast_in_dim3A_80 : vector<16xf32> to vector<1x16xf32>
    tpu.vector_store %arg7[%swap3A_82, %swap3A_83], %swap3A_86 {strides = array<i32>} : memref<8x128xf32, #tpu.memory_space<vmem>>, vector<1x16xf32>,
    %broadcast_in_dim3A_87 = arith.constant 0.000000e+00 : f32
    %broadcast_in_dim3A_88 = vector.broadcast %broadcast_in_dim3A_87 : f32 to vector<16xf32>
    %swap3A_89 = arith.constant 1 : i32
    %swap3A_90 = arith.index_cast %swap3A_89 : i32 to index
    %swap3A_91 = arith.constant 48 : index
    %swap3A_92 = tpu.vector_load %arg7[%swap3A_90, %swap3A_91] {strides = array<i32>} : memref<8x128xf32, #tpu.memory_space<vmem>>, vector<1x16xf32>,
    %swap3A_93 = vector.shape_cast %swap3A_92 : vector<1x16xf32> to vector<16xf32>
    %swap3A_94 = vector.shape_cast %broadcast_in_dim3A_88 : vector<16xf32> to vector<1x16xf32>
    tpu.vector_store %arg7[%swap3A_90, %swap3A_91], %swap3A_94 {strides = array<i32>} : memref<8x128xf32, #tpu.memory_space<vmem>>, vector<1x16xf32>,
    %broadcast_in_dim3A_95 = arith.constant 0.000000e+00 : f32
    %broadcast_in_dim3A_96 = vector.broadcast %broadcast_in_dim3A_95 : f32 to vector<16xf32>
    %swap3A_97 = arith.constant 1 : i32
    %swap3A_98 = arith.index_cast %swap3A_97 : i32 to index
    %swap3A_99 = arith.constant 64 : index
    %swap3A_100 = tpu.vector_load %arg7[%swap3A_98, %swap3A_99] {strides = array<i32>} : memref<8x128xf32, #tpu.memory_space<vmem>>, vector<1x16xf32>,
    %swap3A_101 = vector.shape_cast %swap3A_100 : vector<1x16xf32> to vector<16xf32>
    %swap3A_102 = vector.shape_cast %broadcast_in_dim3A_96 : vector<16xf32> to vector<1x16xf32>
    tpu.vector_store %arg7[%swap3A_98, %swap3A_99], %swap3A_102 {strides = array<i32>} : memref<8x128xf32, #tpu.memory_space<vmem>>, vector<1x16xf32>,
    %broadcast_in_dim3A_103 = arith.constant 0.000000e+00 : f32
    %broadcast_in_dim3A_104 = vector.broadcast %broadcast_in_dim3A_103 : f32 to vector<16xf32>
    %swap3A_105 = arith.constant 1 : i32
    %swap3A_106 = arith.index_cast %swap3A_105 : i32 to index
    %swap3A_107 = arith.constant 80 : index
    %swap3A_108 = tpu.vector_load %arg7[%swap3A_106, %swap3A_107] {strides = array<i32>} : memref<8x128xf32, #tpu.memory_space<vmem>>, vector<1x16xf32>,
    %swap3A_109 = vector.shape_cast %swap3A_108 : vector<1x16xf32> to vector<16xf32>
    %swap3A_110 = vector.shape_cast %broadcast_in_dim3A_104 : vector<16xf32> to vector<1x16xf32>
    tpu.vector_store %arg7[%swap3A_106, %swap3A_107], %swap3A_110 {strides = array<i32>} : memref<8x128xf32, #tpu.memory_space<vmem>>, vector<1x16xf32>,
    %broadcast_in_dim3A_111 = arith.constant 0.000000e+00 : f32
    %broadcast_in_dim3A_112 = vector.broadcast %broadcast_in_dim3A_111 : f32 to vector<16xf32>
    %swap3A_113 = arith.constant 1 : i32
    %swap3A_114 = arith.index_cast %swap3A_113 : i32 to index
    %swap3A_115 = arith.constant 96 : index
    %swap3A_116 = tpu.vector_load %arg7[%swap3A_114, %swap3A_115] {strides = array<i32>} : memref<8x128xf32, #tpu.memory_space<vmem>>, vector<1x16xf32>,
    %swap3A_117 = vector.shape_cast %swap3A_116 : vector<1x16xf32> to vector<16xf32>
    %swap3A_118 = vector.shape_cast %broadcast_in_dim3A_112 : vector<16xf32> to vector<1x16xf32>
    tpu.vector_store %arg7[%swap3A_114, %swap3A_115], %swap3A_118 {strides = array<i32>} : memref<8x128xf32, #tpu.memory_space<vmem>>, vector<1x16xf32>,
    %broadcast_in_dim3A_119 = arith.constant 0.000000e+00 : f32
    %broadcast_in_dim3A_120 = vector.broadcast %broadcast_in_dim3A_119 : f32 to vector<16xf32>
    %swap3A_121 = arith.constant 1 : i32
    %swap3A_122 = arith.index_cast %swap3A_121 : i32 to index
    %swap3A_123 = arith.constant 112 : index
    %swap3A_124 = tpu.vector_load %arg7[%swap3A_122, %swap3A_123] {strides = array<i32>} : memref<8x128xf32, #tpu.memory_space<vmem>>, vector<1x16xf32>,
    %swap3A_125 = vector.shape_cast %swap3A_124 : vector<1x16xf32> to vector<16xf32>
    %swap3A_126 = vector.shape_cast %broadcast_in_dim3A_120 : vector<16xf32> to vector<1x16xf32>
    tpu.vector_store %arg7[%swap3A_122, %swap3A_123], %swap3A_126 {strides = array<i32>} : memref<8x128xf32, #tpu.memory_space<vmem>>, vector<1x16xf32>,
    %broadcast_in_dim3A_127 = arith.constant 0.000000e+00 : f32
    %broadcast_in_dim3A_128 = vector.broadcast %broadcast_in_dim3A_127 : f32 to vector<16xf32>
    %swap3A_129 = arith.constant 2 : i32
    %swap3A_130 = arith.index_cast %swap3A_129 : i32 to index
    %swap3A_131 = arith.constant 0 : index
    %swap3A_132 = tpu.vector_load %arg7[%swap3A_130, %swap3A_131] {strides = array<i32>} : memref<8x128xf32, #tpu.memory_space<vmem>>, vector<1x16xf32>,
    %swap3A_133 = vector.shape_cast %swap3A_132 : vector<1x16xf32> to vector<16xf32>
    %swap3A_134 = vector.shape_cast %broadcast_in_dim3A_128 : vector<16xf32> to vector<1x16xf32>
    tpu.vector_store %arg7[%swap3A_130, %swap3A_131], %swap3A_134 {strides = array<i32>} : memref<8x128xf32, #tpu.memory_space<vmem>>, vector<1x16xf32>,
    %broadcast_in_dim3A_135 = arith.constant 0.000000e+00 : f32
    %broadcast_in_dim3A_136 = vector.broadcast %broadcast_in_dim3A_135 : f32 to vector<16xf32>
    %swap3A_137 = arith.constant 2 : i32
    %swap3A_138 = arith.index_cast %swap3A_137 : i32 to index
    %swap3A_139 = arith.constant 16 : index
    %swap3A_140 = tpu.vector_load %arg7[%swap3A_138, %swap3A_139] {strides = array<i32>} : memref<8x128xf32, #tpu.memory_space<vmem>>, vector<1x16xf32>,
    %swap3A_141 = vector.shape_cast %swap3A_140 : vector<1x16xf32> to vector<16xf32>
    %swap3A_142 = vector.shape_cast %broadcast_in_dim3A_136 : vector<16xf32> to vector<1x16xf32>
    tpu.vector_store %arg7[%swap3A_138, %swap3A_139], %swap3A_142 {strides = array<i32>} : memref<8x128xf32, #tpu.memory_space<vmem>>, vector<1x16xf32>,
    %broadcast_in_dim3A_143 = arith.constant 0.000000e+00 : f32
    %broadcast_in_dim3A_144 = vector.broadcast %broadcast_in_dim3A_143 : f32 to vector<16xf32>
    %swap3A_145 = arith.constant 2 : i32
    %swap3A_146 = arith.index_cast %swap3A_145 : i32 to index
    %swap3A_147 = arith.constant 32 : index
    %swap3A_148 = tpu.vector_load %arg7[%swap3A_146, %swap3A_147] {strides = array<i32>} : memref<8x128xf32, #tpu.memory_space<vmem>>, vector<1x16xf32>,
    %swap3A_149 = vector.shape_cast %swap3A_148 : vector<1x16xf32> to vector<16xf32>
    %swap3A_150 = vector.shape_cast %broadcast_in_dim3A_144 : vector<16xf32> to vector<1x16xf32>
    tpu.vector_store %arg7[%swap3A_146, %swap3A_147], %swap3A_150 {strides = array<i32>} : memref<8x128xf32, #tpu.memory_space<vmem>>, vector<1x16xf32>,
    %broadcast_in_dim3A_151 = arith.constant 0.000000e+00 : f32
    %broadcast_in_dim3A_152 = vector.broadcast %broadcast_in_dim3A_151 : f32 to vector<16xf32>
    %swap3A_153 = arith.constant 2 : i32
    %swap3A_154 = arith.index_cast %swap3A_153 : i32 to index
    %swap3A_155 = arith.constant 48 : index
    %swap3A_156 = tpu.vector_load %arg7[%swap3A_154, %swap3A_155] {strides = array<i32>} : memref<8x128xf32, #tpu.memory_space<vmem>>, vector<1x16xf32>,
    %swap3A_157 = vector.shape_cast %swap3A_156 : vector<1x16xf32> to vector<16xf32>
    %swap3A_158 = vector.shape_cast %broadcast_in_dim3A_152 : vector<16xf32> to vector<1x16xf32>
    tpu.vector_store %arg7[%swap3A_154, %swap3A_155], %swap3A_158 {strides = array<i32>} : memref<8x128xf32, #tpu.memory_space<vmem>>, vector<1x16xf32>,
    %broadcast_in_dim3A_159 = arith.constant 0.000000e+00 : f32
    %broadcast_in_dim3A_160 = vector.broadcast %broadcast_in_dim3A_159 : f32 to vector<16xf32>
    %swap3A_161 = arith.constant 2 : i32
    %swap3A_162 = arith.index_cast %swap3A_161 : i32 to index
    %swap3A_163 = arith.constant 64 : index
    %swap3A_164 = tpu.vector_load %arg7[%swap3A_162, %swap3A_163] {strides = array<i32>} : memref<8x128xf32, #tpu.memory_space<vmem>>, vector<1x16xf32>,
    %swap3A_165 = vector.shape_cast %swap3A_164 : vector<1x16xf32> to vector<16xf32>
    %swap3A_166 = vector.shape_cast %broadcast_in_dim3A_160 : vector<16xf32> to vector<1x16xf32>
    tpu.vector_store %arg7[%swap3A_162, %swap3A_163], %swap3A_166 {strides = array<i32>} : memref<8x128xf32, #tpu.memory_space<vmem>>, vector<1x16xf32>,
    %broadcast_in_dim3A_167 = arith.constant 0.000000e+00 : f32
    %broadcast_in_dim3A_168 = vector.broadcast %broadcast_in_dim3A_167 : f32 to vector<16xf32>
    %swap3A_169 = arith.constant 2 : i32
    %swap3A_170 = arith.index_cast %swap3A_169 : i32 to index
    %swap3A_171 = arith.constant 80 : index
    %swap3A_172 = tpu.vector_load %arg7[%swap3A_170, %swap3A_171] {strides = array<i32>} : memref<8x128xf32, #tpu.memory_space<vmem>>, vector<1x16xf32>,
    %swap3A_173 = vector.shape_cast %swap3A_172 : vector<1x16xf32> to vector<16xf32>
    %swap3A_174 = vector.shape_cast %broadcast_in_dim3A_168 : vector<16xf32> to vector<1x16xf32>
    tpu.vector_store %arg7[%swap3A_170, %swap3A_171], %swap3A_174 {strides = array<i32>} : memref<8x128xf32, #tpu.memory_space<vmem>>, vector<1x16xf32>,
    %broadcast_in_dim3A_175 = arith.constant 0.000000e+00 : f32
    %broadcast_in_dim3A_176 = vector.broadcast %broadcast_in_dim3A_175 : f32 to vector<16xf32>
    %swap3A_177 = arith.constant 2 : i32
    %swap3A_178 = arith.index_cast %swap3A_177 : i32 to index
    %swap3A_179 = arith.constant 96 : index
    %swap3A_180 = tpu.vector_load %arg7[%swap3A_178, %swap3A_179] {strides = array<i32>} : memref<8x128xf32, #tpu.memory_space<vmem>>, vector<1x16xf32>,
    %swap3A_181 = vector.shape_cast %swap3A_180 : vector<1x16xf32> to vector<16xf32>
    %swap3A_182 = vector.shape_cast %broadcast_in_dim3A_176 : vector<16xf32> to vector<1x16xf32>
    tpu.vector_store %arg7[%swap3A_178, %swap3A_179], %swap3A_182 {strides = array<i32>} : memref<8x128xf32, #tpu.memory_space<vmem>>, vector<1x16xf32>,
    %broadcast_in_dim3A_183 = arith.constant 0.000000e+00 : f32
    %broadcast_in_dim3A_184 = vector.broadcast %broadcast_in_dim3A_183 : f32 to vector<16xf32>
    %swap3A_185 = arith.constant 2 : i32
    %swap3A_186 = arith.index_cast %swap3A_185 : i32 to index
    %swap3A_187 = arith.constant 112 : index
    %swap3A_188 = tpu.vector_load %arg7[%swap3A_186, %swap3A_187] {strides = array<i32>} : memref<8x128xf32, #tpu.memory_space<vmem>>, vector<1x16xf32>,
    %swap3A_189 = vector.shape_cast %swap3A_188 : vector<1x16xf32> to vector<16xf32>
    %swap3A_190 = vector.shape_cast %broadcast_in_dim3A_184 : vector<16xf32> to vector<1x16xf32>
    tpu.vector_store %arg7[%swap3A_186, %swap3A_187], %swap3A_190 {strides = array<i32>} : memref<8x128xf32, #tpu.memory_space<vmem>>, vector<1x16xf32>,
    %broadcast_in_dim3A_191 = arith.constant 0.000000e+00 : f32
    %broadcast_in_dim3A_192 = vector.broadcast %broadcast_in_dim3A_191 : f32 to vector<16xf32>
    %swap3A_193 = arith.constant 3 : i32
    %swap3A_194 = arith.index_cast %swap3A_193 : i32 to index
    %swap3A_195 = arith.constant 0 : index
    %swap3A_196 = tpu.vector_load %arg7[%swap3A_194, %swap3A_195] {strides = array<i32>} : memref<8x128xf32, #tpu.memory_space<vmem>>, vector<1x16xf32>,
    %swap3A_197 = vector.shape_cast %swap3A_196 : vector<1x16xf32> to vector<16xf32>
    %swap3A_198 = vector.shape_cast %broadcast_in_dim3A_192 : vector<16xf32> to vector<1x16xf32>
    tpu.vector_store %arg7[%swap3A_194, %swap3A_195], %swap3A_198 {strides = array<i32>} : memref<8x128xf32, #tpu.memory_space<vmem>>, vector<1x16xf32>,
    %broadcast_in_dim3A_199 = arith.constant 0.000000e+00 : f32
    %broadcast_in_dim3A_200 = vector.broadcast %broadcast_in_dim3A_199 : f32 to vector<16xf32>
    %swap3A_201 = arith.constant 3 : i32
    %swap3A_202 = arith.index_cast %swap3A_201 : i32 to index
    %swap3A_203 = arith.constant 16 : index
    %swap3A_204 = tpu.vector_load %arg7[%swap3A_202, %swap3A_203] {strides = array<i32>} : memref<8x128xf32, #tpu.memory_space<vmem>>, vector<1x16xf32>,
    %swap3A_205 = vector.shape_cast %swap3A_204 : vector<1x16xf32> to vector<16xf32>
    %swap3A_206 = vector.shape_cast %broadcast_in_dim3A_200 : vector<16xf32> to vector<1x16xf32>
    tpu.vector_store %arg7[%swap3A_202, %swap3A_203], %swap3A_206 {strides = array<i32>} : memref<8x128xf32, #tpu.memory_space<vmem>>, vector<1x16xf32>,
    %broadcast_in_dim3A_207 = arith.constant 0.000000e+00 : f32
    %broadcast_in_dim3A_208 = vector.broadcast %broadcast_in_dim3A_207 : f32 to vector<16xf32>
    %swap3A_209 = arith.constant 3 : i32
    %swap3A_210 = arith.index_cast %swap3A_209 : i32 to index
    %swap3A_211 = arith.constant 32 : index
    %swap3A_212 = tpu.vector_load %arg7[%swap3A_210, %swap3A_211] {strides = array<i32>} : memref<8x128xf32, #tpu.memory_space<vmem>>, vector<1x16xf32>,
    %swap3A_213 = vector.shape_cast %swap3A_212 : vector<1x16xf32> to vector<16xf32>
    %swap3A_214 = vector.shape_cast %broadcast_in_dim3A_208 : vector<16xf32> to vector<1x16xf32>
    tpu.vector_store %arg7[%swap3A_210, %swap3A_211], %swap3A_214 {strides = array<i32>} : memref<8x128xf32, #tpu.memory_space<vmem>>, vector<1x16xf32>,
    %broadcast_in_dim3A_215 = arith.constant 0.000000e+00 : f32
    %broadcast_in_dim3A_216 = vector.broadcast %broadcast_in_dim3A_215 : f32 to vector<16xf32>
    %swap3A_217 = arith.constant 3 : i32
    %swap3A_218 = arith.index_cast %swap3A_217 : i32 to index
    %swap3A_219 = arith.constant 48 : index
    %swap3A_220 = tpu.vector_load %arg7[%swap3A_218, %swap3A_219] {strides = array<i32>} : memref<8x128xf32, #tpu.memory_space<vmem>>, vector<1x16xf32>,
    %swap3A_221 = vector.shape_cast %swap3A_220 : vector<1x16xf32> to vector<16xf32>
    %swap3A_222 = vector.shape_cast %broadcast_in_dim3A_216 : vector<16xf32> to vector<1x16xf32>
    tpu.vector_store %arg7[%swap3A_218, %swap3A_219], %swap3A_222 {strides = array<i32>} : memref<8x128xf32, #tpu.memory_space<vmem>>, vector<1x16xf32>,
    %broadcast_in_dim3A_223 = arith.constant 0.000000e+00 : f32
    %broadcast_in_dim3A_224 = vector.broadcast %broadcast_in_dim3A_223 : f32 to vector<16xf32>
    %swap3A_225 = arith.constant 3 : i32
    %swap3A_226 = arith.index_cast %swap3A_225 : i32 to index
    %swap3A_227 = arith.constant 64 : index
    %swap3A_228 = tpu.vector_load %arg7[%swap3A_226, %swap3A_227] {strides = array<i32>} : memref<8x128xf32, #tpu.memory_space<vmem>>, vector<1x16xf32>,
    %swap3A_229 = vector.shape_cast %swap3A_228 : vector<1x16xf32> to vector<16xf32>
    %swap3A_230 = vector.shape_cast %broadcast_in_dim3A_224 : vector<16xf32> to vector<1x16xf32>
    tpu.vector_store %arg7[%swap3A_226, %swap3A_227], %swap3A_230 {strides = array<i32>} : memref<8x128xf32, #tpu.memory_space<vmem>>, vector<1x16xf32>,
    %broadcast_in_dim3A_231 = arith.constant 0.000000e+00 : f32
    %broadcast_in_dim3A_232 = vector.broadcast %broadcast_in_dim3A_231 : f32 to vector<16xf32>
    %swap3A_233 = arith.constant 3 : i32
    %swap3A_234 = arith.index_cast %swap3A_233 : i32 to index
    %swap3A_235 = arith.constant 80 : index
    %swap3A_236 = tpu.vector_load %arg7[%swap3A_234, %swap3A_235] {strides = array<i32>} : memref<8x128xf32, #tpu.memory_space<vmem>>, vector<1x16xf32>,
    %swap3A_237 = vector.shape_cast %swap3A_236 : vector<1x16xf32> to vector<16xf32>
    %swap3A_238 = vector.shape_cast %broadcast_in_dim3A_232 : vector<16xf32> to vector<1x16xf32>
    tpu.vector_store %arg7[%swap3A_234, %swap3A_235], %swap3A_238 {strides = array<i32>} : memref<8x128xf32, #tpu.memory_space<vmem>>, vector<1x16xf32>,
    %broadcast_in_dim3A_239 = arith.constant 0.000000e+00 : f32
    %broadcast_in_dim3A_240 = vector.broadcast %broadcast_in_dim3A_239 : f32 to vector<16xf32>
    %swap3A_241 = arith.constant 3 : i32
    %swap3A_242 = arith.index_cast %swap3A_241 : i32 to index
    %swap3A_243 = arith.constant 96 : index
    %swap3A_244 = tpu.vector_load %arg7[%swap3A_242, %swap3A_243] {strides = array<i32>} : memref<8x128xf32, #tpu.memory_space<vmem>>, vector<1x16xf32>,
    %swap3A_245 = vector.shape_cast %swap3A_244 : vector<1x16xf32> to vector<16xf32>
    %swap3A_246 = vector.shape_cast %broadcast_in_dim3A_240 : vector<16xf32> to vector<1x16xf32>
    tpu.vector_store %arg7[%swap3A_242, %swap3A_243], %swap3A_246 {strides = array<i32>} : memref<8x128xf32, #tpu.memory_space<vmem>>, vector<1x16xf32>,
    %broadcast_in_dim3A_247 = arith.constant 0.000000e+00 : f32
    %broadcast_in_dim3A_248 = vector.broadcast %broadcast_in_dim3A_247 : f32 to vector<16xf32>
    %swap3A_249 = arith.constant 3 : i32
    %swap3A_250 = arith.index_cast %swap3A_249 : i32 to index
    %swap3A_251 = arith.constant 112 : index
    %swap3A_252 = tpu.vector_load %arg7[%swap3A_250, %swap3A_251] {strides = array<i32>} : memref<8x128xf32, #tpu.memory_space<vmem>>, vector<1x16xf32>,
    %swap3A_253 = vector.shape_cast %swap3A_252 : vector<1x16xf32> to vector<16xf32>
    %swap3A_254 = vector.shape_cast %broadcast_in_dim3A_248 : vector<16xf32> to vector<1x16xf32>
    tpu.vector_store %arg7[%swap3A_250, %swap3A_251], %swap3A_254 {strides = array<i32>} : memref<8x128xf32, #tpu.memory_space<vmem>>, vector<1x16xf32>,
    %broadcast_in_dim3A_255 = arith.constant 0.000000e+00 : f32
    %broadcast_in_dim3A_256 = vector.broadcast %broadcast_in_dim3A_255 : f32 to vector<16xf32>
    %swap3A_257 = arith.constant 4 : i32
    %swap3A_258 = arith.index_cast %swap3A_257 : i32 to index
    %swap3A_259 = arith.constant 0 : index
    %swap3A_260 = tpu.vector_load %arg7[%swap3A_258, %swap3A_259] {strides = array<i32>} : memref<8x128xf32, #tpu.memory_space<vmem>>, vector<1x16xf32>,
    %swap3A_261 = vector.shape_cast %swap3A_260 : vector<1x16xf32> to vector<16xf32>
    %swap3A_262 = vector.shape_cast %broadcast_in_dim3A_256 : vector<16xf32> to vector<1x16xf32>
    tpu.vector_store %arg7[%swap3A_258, %swap3A_259], %swap3A_262 {strides = array<i32>} : memref<8x128xf32, #tpu.memory_space<vmem>>, vector<1x16xf32>,
    %broadcast_in_dim3A_263 = arith.constant 0.000000e+00 : f32
    %broadcast_in_dim3A_264 = vector.broadcast %broadcast_in_dim3A_263 : f32 to vector<16xf32>
    %swap3A_265 = arith.constant 4 : i32
    %swap3A_266 = arith.index_cast %swap3A_265 : i32 to index
    %swap3A_267 = arith.constant 16 : index
    %swap3A_268 = tpu.vector_load %arg7[%swap3A_266, %swap3A_267] {strides = array<i32>} : memref<8x128xf32, #tpu.memory_space<vmem>>, vector<1x16xf32>,
    %swap3A_269 = vector.shape_cast %swap3A_268 : vector<1x16xf32> to vector<16xf32>
    %swap3A_270 = vector.shape_cast %broadcast_in_dim3A_264 : vector<16xf32> to vector<1x16xf32>
    tpu.vector_store %arg7[%swap3A_266, %swap3A_267], %swap3A_270 {strides = array<i32>} : memref<8x128xf32, #tpu.memory_space<vmem>>, vector<1x16xf32>,
    %broadcast_in_dim3A_271 = arith.constant 0.000000e+00 : f32
    %broadcast_in_dim3A_272 = vector.broadcast %broadcast_in_dim3A_271 : f32 to vector<16xf32>
    %swap3A_273 = arith.constant 4 : i32
    %swap3A_274 = arith.index_cast %swap3A_273 : i32 to index
    %swap3A_275 = arith.constant 32 : index
    %swap3A_276 = tpu.vector_load %arg7[%swap3A_274, %swap3A_275] {strides = array<i32>} : memref<8x128xf32, #tpu.memory_space<vmem>>, vector<1x16xf32>,
    %swap3A_277 = vector.shape_cast %swap3A_276 : vector<1x16xf32> to vector<16xf32>
    %swap3A_278 = vector.shape_cast %broadcast_in_dim3A_272 : vector<16xf32> to vector<1x16xf32>
    tpu.vector_store %arg7[%swap3A_274, %swap3A_275], %swap3A_278 {strides = array<i32>} : memref<8x128xf32, #tpu.memory_space<vmem>>, vector<1x16xf32>,
    %broadcast_in_dim3A_279 = arith.constant 0.000000e+00 : f32
    %broadcast_in_dim3A_280 = vector.broadcast %broadcast_in_dim3A_279 : f32 to vector<16xf32>
    %swap3A_281 = arith.constant 4 : i32
    %swap3A_282 = arith.index_cast %swap3A_281 : i32 to index
    %swap3A_283 = arith.constant 48 : index
    %swap3A_284 = tpu.vector_load %arg7[%swap3A_282, %swap3A_283] {strides = array<i32>} : memref<8x128xf32, #tpu.memory_space<vmem>>, vector<1x16xf32>,
    %swap3A_285 = vector.shape_cast %swap3A_284 : vector<1x16xf32> to vector<16xf32>
    %swap3A_286 = vector.shape_cast %broadcast_in_dim3A_280 : vector<16xf32> to vector<1x16xf32>
    tpu.vector_store %arg7[%swap3A_282, %swap3A_283], %swap3A_286 {strides = array<i32>} : memref<8x128xf32, #tpu.memory_space<vmem>>, vector<1x16xf32>,
    %broadcast_in_dim3A_287 = arith.constant 0.000000e+00 : f32
    %broadcast_in_dim3A_288 = vector.broadcast %broadcast_in_dim3A_287 : f32 to vector<16xf32>
    %swap3A_289 = arith.constant 4 : i32
    %swap3A_290 = arith.index_cast %swap3A_289 : i32 to index
    %swap3A_291 = arith.constant 64 : index
    %swap3A_292 = tpu.vector_load %arg7[%swap3A_290, %swap3A_291] {strides = array<i32>} : memref<8x128xf32, #tpu.memory_space<vmem>>, vector<1x16xf32>,
    %swap3A_293 = vector.shape_cast %swap3A_292 : vector<1x16xf32> to vector<16xf32>
    %swap3A_294 = vector.shape_cast %broadcast_in_dim3A_288 : vector<16xf32> to vector<1x16xf32>
    tpu.vector_store %arg7[%swap3A_290, %swap3A_291], %swap3A_294 {strides = array<i32>} : memref<8x128xf32, #tpu.memory_space<vmem>>, vector<1x16xf32>,
    %broadcast_in_dim3A_295 = arith.constant 0.000000e+00 : f32
    %broadcast_in_dim3A_296 = vector.broadcast %broadcast_in_dim3A_295 : f32 to vector<16xf32>
    %swap3A_297 = arith.constant 4 : i32
    %swap3A_298 = arith.index_cast %swap3A_297 : i32 to index
    %swap3A_299 = arith.constant 80 : index
    %swap3A_300 = tpu.vector_load %arg7[%swap3A_298, %swap3A_299] {strides = array<i32>} : memref<8x128xf32, #tpu.memory_space<vmem>>, vector<1x16xf32>,
    %swap3A_301 = vector.shape_cast %swap3A_300 : vector<1x16xf32> to vector<16xf32>
    %swap3A_302 = vector.shape_cast %broadcast_in_dim3A_296 : vector<16xf32> to vector<1x16xf32>
    tpu.vector_store %arg7[%swap3A_298, %swap3A_299], %swap3A_302 {strides = array<i32>} : memref<8x128xf32, #tpu.memory_space<vmem>>, vector<1x16xf32>,
    %broadcast_in_dim3A_303 = arith.constant 0.000000e+00 : f32
    %broadcast_in_dim3A_304 = vector.broadcast %broadcast_in_dim3A_303 : f32 to vector<16xf32>
    %swap3A_305 = arith.constant 4 : i32
    %swap3A_306 = arith.index_cast %swap3A_305 : i32 to index
    %swap3A_307 = arith.constant 96 : index
    %swap3A_308 = tpu.vector_load %arg7[%swap3A_306, %swap3A_307] {strides = array<i32>} : memref<8x128xf32, #tpu.memory_space<vmem>>, vector<1x16xf32>,
    %swap3A_309 = vector.shape_cast %swap3A_308 : vector<1x16xf32> to vector<16xf32>
    %swap3A_310 = vector.shape_cast %broadcast_in_dim3A_304 : vector<16xf32> to vector<1x16xf32>
    tpu.vector_store %arg7[%swap3A_306, %swap3A_307], %swap3A_310 {strides = array<i32>} : memref<8x128xf32, #tpu.memory_space<vmem>>, vector<1x16xf32>,
    %broadcast_in_dim3A_311 = arith.constant 0.000000e+00 : f32
    %broadcast_in_dim3A_312 = vector.broadcast %broadcast_in_dim3A_311 : f32 to vector<16xf32>
    %swap3A_313 = arith.constant 4 : i32
    %swap3A_314 = arith.index_cast %swap3A_313 : i32 to index
    %swap3A_315 = arith.constant 112 : index
    %swap3A_316 = tpu.vector_load %arg7[%swap3A_314, %swap3A_315] {strides = array<i32>} : memref<8x128xf32, #tpu.memory_space<vmem>>, vector<1x16xf32>,
    %swap3A_317 = vector.shape_cast %swap3A_316 : vector<1x16xf32> to vector<16xf32>
    %swap3A_318 = vector.shape_cast %broadcast_in_dim3A_312 : vector<16xf32> to vector<1x16xf32>
    tpu.vector_store %arg7[%swap3A_314, %swap3A_315], %swap3A_318 {strides = array<i32>} : memref<8x128xf32, #tpu.memory_space<vmem>>, vector<1x16xf32>,
    %broadcast_in_dim3A_319 = arith.constant 0.000000e+00 : f32
    %broadcast_in_dim3A_320 = vector.broadcast %broadcast_in_dim3A_319 : f32 to vector<16xf32>
    %swap3A_321 = arith.constant 5 : i32
    %swap3A_322 = arith.index_cast %swap3A_321 : i32 to index
    %swap3A_323 = arith.constant 0 : index
    %swap3A_324 = tpu.vector_load %arg7[%swap3A_322, %swap3A_323] {strides = array<i32>} : memref<8x128xf32, #tpu.memory_space<vmem>>, vector<1x16xf32>,
    %swap3A_325 = vector.shape_cast %swap3A_324 : vector<1x16xf32> to vector<16xf32>
    %swap3A_326 = vector.shape_cast %broadcast_in_dim3A_320 : vector<16xf32> to vector<1x16xf32>
    tpu.vector_store %arg7[%swap3A_322, %swap3A_323], %swap3A_326 {strides = array<i32>} : memref<8x128xf32, #tpu.memory_space<vmem>>, vector<1x16xf32>,
    %broadcast_in_dim3A_327 = arith.constant 0.000000e+00 : f32
    %broadcast_in_dim3A_328 = vector.broadcast %broadcast_in_dim3A_327 : f32 to vector<16xf32>
    %swap3A_329 = arith.constant 5 : i32
    %swap3A_330 = arith.index_cast %swap3A_329 : i32 to index
    %swap3A_331 = arith.constant 16 : index
    %swap3A_332 = tpu.vector_load %arg7[%swap3A_330, %swap3A_331] {strides = array<i32>} : memref<8x128xf32, #tpu.memory_space<vmem>>, vector<1x16xf32>,
    %swap3A_333 = vector.shape_cast %swap3A_332 : vector<1x16xf32> to vector<16xf32>
    %swap3A_334 = vector.shape_cast %broadcast_in_dim3A_328 : vector<16xf32> to vector<1x16xf32>
    tpu.vector_store %arg7[%swap3A_330, %swap3A_331], %swap3A_334 {strides = array<i32>} : memref<8x128xf32, #tpu.memory_space<vmem>>, vector<1x16xf32>,
    %broadcast_in_dim3A_335 = arith.constant 0.000000e+00 : f32
    %broadcast_in_dim3A_336 = vector.broadcast %broadcast_in_dim3A_335 : f32 to vector<16xf32>
    %swap3A_337 = arith.constant 5 : i32
    %swap3A_338 = arith.index_cast %swap3A_337 : i32 to index
    %swap3A_339 = arith.constant 32 : index
    %swap3A_340 = tpu.vector_load %arg7[%swap3A_338, %swap3A_339] {strides = array<i32>} : memref<8x128xf32, #tpu.memory_space<vmem>>, vector<1x16xf32>,
    %swap3A_341 = vector.shape_cast %swap3A_340 : vector<1x16xf32> to vector<16xf32>
    %swap3A_342 = vector.shape_cast %broadcast_in_dim3A_336 : vector<16xf32> to vector<1x16xf32>
    tpu.vector_store %arg7[%swap3A_338, %swap3A_339], %swap3A_342 {strides = array<i32>} : memref<8x128xf32, #tpu.memory_space<vmem>>, vector<1x16xf32>,
    %broadcast_in_dim3A_343 = arith.constant 0.000000e+00 : f32
    %broadcast_in_dim3A_344 = vector.broadcast %broadcast_in_dim3A_343 : f32 to vector<16xf32>
    %swap3A_345 = arith.constant 5 : i32
    %swap3A_346 = arith.index_cast %swap3A_345 : i32 to index
    %swap3A_347 = arith.constant 48 : index
    %swap3A_348 = tpu.vector_load %arg7[%swap3A_346, %swap3A_347] {strides = array<i32>} : memref<8x128xf32, #tpu.memory_space<vmem>>, vector<1x16xf32>,
    %swap3A_349 = vector.shape_cast %swap3A_348 : vector<1x16xf32> to vector<16xf32>
    %swap3A_350 = vector.shape_cast %broadcast_in_dim3A_344 : vector<16xf32> to vector<1x16xf32>
    tpu.vector_store %arg7[%swap3A_346, %swap3A_347], %swap3A_350 {strides = array<i32>} : memref<8x128xf32, #tpu.memory_space<vmem>>, vector<1x16xf32>,
    %broadcast_in_dim3A_351 = arith.constant 0.000000e+00 : f32
    %broadcast_in_dim3A_352 = vector.broadcast %broadcast_in_dim3A_351 : f32 to vector<16xf32>
    %swap3A_353 = arith.constant 5 : i32
    %swap3A_354 = arith.index_cast %swap3A_353 : i32 to index
    %swap3A_355 = arith.constant 64 : index
    %swap3A_356 = tpu.vector_load %arg7[%swap3A_354, %swap3A_355] {strides = array<i32>} : memref<8x128xf32, #tpu.memory_space<vmem>>, vector<1x16xf32>,
    %swap3A_357 = vector.shape_cast %swap3A_356 : vector<1x16xf32> to vector<16xf32>
    %swap3A_358 = vector.shape_cast %broadcast_in_dim3A_352 : vector<16xf32> to vector<1x16xf32>
    tpu.vector_store %arg7[%swap3A_354, %swap3A_355], %swap3A_358 {strides = array<i32>} : memref<8x128xf32, #tpu.memory_space<vmem>>, vector<1x16xf32>,
    %broadcast_in_dim3A_359 = arith.constant 0.000000e+00 : f32
    %broadcast_in_dim3A_360 = vector.broadcast %broadcast_in_dim3A_359 : f32 to vector<16xf32>
    %swap3A_361 = arith.constant 5 : i32
    %swap3A_362 = arith.index_cast %swap3A_361 : i32 to index
    %swap3A_363 = arith.constant 80 : index
    %swap3A_364 = tpu.vector_load %arg7[%swap3A_362, %swap3A_363] {strides = array<i32>} : memref<8x128xf32, #tpu.memory_space<vmem>>, vector<1x16xf32>,
    %swap3A_365 = vector.shape_cast %swap3A_364 : vector<1x16xf32> to vector<16xf32>
    %swap3A_366 = vector.shape_cast %broadcast_in_dim3A_360 : vector<16xf32> to vector<1x16xf32>
    tpu.vector_store %arg7[%swap3A_362, %swap3A_363], %swap3A_366 {strides = array<i32>} : memref<8x128xf32, #tpu.memory_space<vmem>>, vector<1x16xf32>,
    %broadcast_in_dim3A_367 = arith.constant 0.000000e+00 : f32
    %broadcast_in_dim3A_368 = vector.broadcast %broadcast_in_dim3A_367 : f32 to vector<16xf32>
    %swap3A_369 = arith.constant 5 : i32
    %swap3A_370 = arith.index_cast %swap3A_369 : i32 to index
    %swap3A_371 = arith.constant 96 : index
    %swap3A_372 = tpu.vector_load %arg7[%swap3A_370, %swap3A_371] {strides = array<i32>} : memref<8x128xf32, #tpu.memory_space<vmem>>, vector<1x16xf32>,
    %swap3A_373 = vector.shape_cast %swap3A_372 : vector<1x16xf32> to vector<16xf32>
    %swap3A_374 = vector.shape_cast %broadcast_in_dim3A_368 : vector<16xf32> to vector<1x16xf32>
    tpu.vector_store %arg7[%swap3A_370, %swap3A_371], %swap3A_374 {strides = array<i32>} : memref<8x128xf32, #tpu.memory_space<vmem>>, vector<1x16xf32>,
    %broadcast_in_dim3A_375 = arith.constant 0.000000e+00 : f32
    %broadcast_in_dim3A_376 = vector.broadcast %broadcast_in_dim3A_375 : f32 to vector<16xf32>
    %swap3A_377 = arith.constant 5 : i32
    %swap3A_378 = arith.index_cast %swap3A_377 : i32 to index
    %swap3A_379 = arith.constant 112 : index
    %swap3A_380 = tpu.vector_load %arg7[%swap3A_378, %swap3A_379] {strides = array<i32>} : memref<8x128xf32, #tpu.memory_space<vmem>>, vector<1x16xf32>,
    %swap3A_381 = vector.shape_cast %swap3A_380 : vector<1x16xf32> to vector<16xf32>
    %swap3A_382 = vector.shape_cast %broadcast_in_dim3A_376 : vector<16xf32> to vector<1x16xf32>
    tpu.vector_store %arg7[%swap3A_378, %swap3A_379], %swap3A_382 {strides = array<i32>} : memref<8x128xf32, #tpu.memory_space<vmem>>, vector<1x16xf32>,
    %broadcast_in_dim3A_383 = arith.constant 0.000000e+00 : f32
    %broadcast_in_dim3A_384 = vector.broadcast %broadcast_in_dim3A_383 : f32 to vector<16xf32>
    %swap3A_385 = arith.constant 6 : i32
    %swap3A_386 = arith.index_cast %swap3A_385 : i32 to index
    %swap3A_387 = arith.constant 0 : index
    %swap3A_388 = tpu.vector_load %arg7[%swap3A_386, %swap3A_387] {strides = array<i32>} : memref<8x128xf32, #tpu.memory_space<vmem>>, vector<1x16xf32>,
    %swap3A_389 = vector.shape_cast %swap3A_388 : vector<1x16xf32> to vector<16xf32>
    %swap3A_390 = vector.shape_cast %broadcast_in_dim3A_384 : vector<16xf32> to vector<1x16xf32>
    tpu.vector_store %arg7[%swap3A_386, %swap3A_387], %swap3A_390 {strides = array<i32>} : memref<8x128xf32, #tpu.memory_space<vmem>>, vector<1x16xf32>,
    %broadcast_in_dim3A_391 = arith.constant 0.000000e+00 : f32
    %broadcast_in_dim3A_392 = vector.broadcast %broadcast_in_dim3A_391 : f32 to vector<16xf32>
    %swap3A_393 = arith.constant 6 : i32
    %swap3A_394 = arith.index_cast %swap3A_393 : i32 to index
    %swap3A_395 = arith.constant 16 : index
    %swap3A_396 = tpu.vector_load %arg7[%swap3A_394, %swap3A_395] {strides = array<i32>} : memref<8x128xf32, #tpu.memory_space<vmem>>, vector<1x16xf32>,
    %swap3A_397 = vector.shape_cast %swap3A_396 : vector<1x16xf32> to vector<16xf32>
    %swap3A_398 = vector.shape_cast %broadcast_in_dim3A_392 : vector<16xf32> to vector<1x16xf32>
    tpu.vector_store %arg7[%swap3A_394, %swap3A_395], %swap3A_398 {strides = array<i32>} : memref<8x128xf32, #tpu.memory_space<vmem>>, vector<1x16xf32>,
    %broadcast_in_dim3A_399 = arith.constant 0.000000e+00 : f32
    %broadcast_in_dim3A_400 = vector.broadcast %broadcast_in_dim3A_399 : f32 to vector<16xf32>
    %swap3A_401 = arith.constant 6 : i32
    %swap3A_402 = arith.index_cast %swap3A_401 : i32 to index
    %swap3A_403 = arith.constant 32 : index
    %swap3A_404 = tpu.vector_load %arg7[%swap3A_402, %swap3A_403] {strides = array<i32>} : memref<8x128xf32, #tpu.memory_space<vmem>>, vector<1x16xf32>,
    %swap3A_405 = vector.shape_cast %swap3A_404 : vector<1x16xf32> to vector<16xf32>
    %swap3A_406 = vector.shape_cast %broadcast_in_dim3A_400 : vector<16xf32> to vector<1x16xf32>
    tpu.vector_store %arg7[%swap3A_402, %swap3A_403], %swap3A_406 {strides = array<i32>} : memref<8x128xf32, #tpu.memory_space<vmem>>, vector<1x16xf32>,
    %broadcast_in_dim3A_407 = arith.constant 0.000000e+00 : f32
    %broadcast_in_dim3A_408 = vector.broadcast %broadcast_in_dim3A_407 : f32 to vector<16xf32>
    %swap3A_409 = arith.constant 6 : i32
    %swap3A_410 = arith.index_cast %swap3A_409 : i32 to index
    %swap3A_411 = arith.constant 48 : index
    %swap3A_412 = tpu.vector_load %arg7[%swap3A_410, %swap3A_411] {strides = array<i32>} : memref<8x128xf32, #tpu.memory_space<vmem>>, vector<1x16xf32>,
    %swap3A_413 = vector.shape_cast %swap3A_412 : vector<1x16xf32> to vector<16xf32>
    %swap3A_414 = vector.shape_cast %broadcast_in_dim3A_408 : vector<16xf32> to vector<1x16xf32>
    tpu.vector_store %arg7[%swap3A_410, %swap3A_411], %swap3A_414 {strides = array<i32>} : memref<8x128xf32, #tpu.memory_space<vmem>>, vector<1x16xf32>,
    %broadcast_in_dim3A_415 = arith.constant 0.000000e+00 : f32
    %broadcast_in_dim3A_416 = vector.broadcast %broadcast_in_dim3A_415 : f32 to vector<16xf32>
    %swap3A_417 = arith.constant 6 : i32
    %swap3A_418 = arith.index_cast %swap3A_417 : i32 to index
    %swap3A_419 = arith.constant 64 : index
    %swap3A_420 = tpu.vector_load %arg7[%swap3A_418, %swap3A_419] {strides = array<i32>} : memref<8x128xf32, #tpu.memory_space<vmem>>, vector<1x16xf32>,
    %swap3A_421 = vector.shape_cast %swap3A_420 : vector<1x16xf32> to vector<16xf32>
    %swap3A_422 = vector.shape_cast %broadcast_in_dim3A_416 : vector<16xf32> to vector<1x16xf32>
    tpu.vector_store %arg7[%swap3A_418, %swap3A_419], %swap3A_422 {strides = array<i32>} : memref<8x128xf32, #tpu.memory_space<vmem>>, vector<1x16xf32>,
    %broadcast_in_dim3A_423 = arith.constant 0.000000e+00 : f32
    %broadcast_in_dim3A_424 = vector.broadcast %broadcast_in_dim3A_423 : f32 to vector<16xf32>
    %swap3A_425 = arith.constant 6 : i32
    %swap3A_426 = arith.index_cast %swap3A_425 : i32 to index
    %swap3A_427 = arith.constant 80 : index
    %swap3A_428 = tpu.vector_load %arg7[%swap3A_426, %swap3A_427] {strides = array<i32>} : memref<8x128xf32, #tpu.memory_space<vmem>>, vector<1x16xf32>,
    %swap3A_429 = vector.shape_cast %swap3A_428 : vector<1x16xf32> to vector<16xf32>
    %swap3A_430 = vector.shape_cast %broadcast_in_dim3A_424 : vector<16xf32> to vector<1x16xf32>
    tpu.vector_store %arg7[%swap3A_426, %swap3A_427], %swap3A_430 {strides = array<i32>} : memref<8x128xf32, #tpu.memory_space<vmem>>, vector<1x16xf32>,
    %broadcast_in_dim3A_431 = arith.constant 0.000000e+00 : f32
    %broadcast_in_dim3A_432 = vector.broadcast %broadcast_in_dim3A_431 : f32 to vector<16xf32>
    %swap3A_433 = arith.constant 6 : i32
    %swap3A_434 = arith.index_cast %swap3A_433 : i32 to index
    %swap3A_435 = arith.constant 96 : index
    %swap3A_436 = tpu.vector_load %arg7[%swap3A_434, %swap3A_435] {strides = array<i32>} : memref<8x128xf32, #tpu.memory_space<vmem>>, vector<1x16xf32>,
    %swap3A_437 = vector.shape_cast %swap3A_436 : vector<1x16xf32> to vector<16xf32>
    %swap3A_438 = vector.shape_cast %broadcast_in_dim3A_432 : vector<16xf32> to vector<1x16xf32>
    tpu.vector_store %arg7[%swap3A_434, %swap3A_435], %swap3A_438 {strides = array<i32>} : memref<8x128xf32, #tpu.memory_space<vmem>>, vector<1x16xf32>,
    %broadcast_in_dim3A_439 = arith.constant 0.000000e+00 : f32
    %broadcast_in_dim3A_440 = vector.broadcast %broadcast_in_dim3A_439 : f32 to vector<16xf32>
    %swap3A_441 = arith.constant 6 : i32
    %swap3A_442 = arith.index_cast %swap3A_441 : i32 to index
    %swap3A_443 = arith.constant 112 : index
    %swap3A_444 = tpu.vector_load %arg7[%swap3A_442, %swap3A_443] {strides = array<i32>} : memref<8x128xf32, #tpu.memory_space<vmem>>, vector<1x16xf32>,
    %swap3A_445 = vector.shape_cast %swap3A_444 : vector<1x16xf32> to vector<16xf32>
    %swap3A_446 = vector.shape_cast %broadcast_in_dim3A_440 : vector<16xf32> to vector<1x16xf32>
    tpu.vector_store %arg7[%swap3A_442, %swap3A_443], %swap3A_446 {strides = array<i32>} : memref<8x128xf32, #tpu.memory_space<vmem>>, vector<1x16xf32>,
    %broadcast_in_dim3A_447 = arith.constant 0.000000e+00 : f32
    %broadcast_in_dim3A_448 = vector.broadcast %broadcast_in_dim3A_447 : f32 to vector<16xf32>
    %swap3A_449 = arith.constant 7 : i32
    %swap3A_450 = arith.index_cast %swap3A_449 : i32 to index
    %swap3A_451 = arith.constant 0 : index
    %swap3A_452 = tpu.vector_load %arg7[%swap3A_450, %swap3A_451] {strides = array<i32>} : memref<8x128xf32, #tpu.memory_space<vmem>>, vector<1x16xf32>,
    %swap3A_453 = vector.shape_cast %swap3A_452 : vector<1x16xf32> to vector<16xf32>
    %swap3A_454 = vector.shape_cast %broadcast_in_dim3A_448 : vector<16xf32> to vector<1x16xf32>
    tpu.vector_store %arg7[%swap3A_450, %swap3A_451], %swap3A_454 {strides = array<i32>} : memref<8x128xf32, #tpu.memory_space<vmem>>, vector<1x16xf32>,
    %broadcast_in_dim3A_455 = arith.constant 0.000000e+00 : f32
    %broadcast_in_dim3A_456 = vector.broadcast %broadcast_in_dim3A_455 : f32 to vector<16xf32>
    %swap3A_457 = arith.constant 7 : i32
    %swap3A_458 = arith.index_cast %swap3A_457 : i32 to index
    %swap3A_459 = arith.constant 16 : index
    %swap3A_460 = tpu.vector_load %arg7[%swap3A_458, %swap3A_459] {strides = array<i32>} : memref<8x128xf32, #tpu.memory_space<vmem>>, vector<1x16xf32>,
    %swap3A_461 = vector.shape_cast %swap3A_460 : vector<1x16xf32> to vector<16xf32>
    %swap3A_462 = vector.shape_cast %broadcast_in_dim3A_456 : vector<16xf32> to vector<1x16xf32>
    tpu.vector_store %arg7[%swap3A_458, %swap3A_459], %swap3A_462 {strides = array<i32>} : memref<8x128xf32, #tpu.memory_space<vmem>>, vector<1x16xf32>,
    %broadcast_in_dim3A_463 = arith.constant 0.000000e+00 : f32
    %broadcast_in_dim3A_464 = vector.broadcast %broadcast_in_dim3A_463 : f32 to vector<16xf32>
    %swap3A_465 = arith.constant 7 : i32
    %swap3A_466 = arith.index_cast %swap3A_465 : i32 to index
    %swap3A_467 = arith.constant 32 : index
    %swap3A_468 = tpu.vector_load %arg7[%swap3A_466, %swap3A_467] {strides = array<i32>} : memref<8x128xf32, #tpu.memory_space<vmem>>, vector<1x16xf32>,
    %swap3A_469 = vector.shape_cast %swap3A_468 : vector<1x16xf32> to vector<16xf32>
    %swap3A_470 = vector.shape_cast %broadcast_in_dim3A_464 : vector<16xf32> to vector<1x16xf32>
    tpu.vector_store %arg7[%swap3A_466, %swap3A_467], %swap3A_470 {strides = array<i32>} : memref<8x128xf32, #tpu.memory_space<vmem>>, vector<1x16xf32>,
    %broadcast_in_dim3A_471 = arith.constant 0.000000e+00 : f32
    %broadcast_in_dim3A_472 = vector.broadcast %broadcast_in_dim3A_471 : f32 to vector<16xf32>
    %swap3A_473 = arith.constant 7 : i32
    %swap3A_474 = arith.index_cast %swap3A_473 : i32 to index
    %swap3A_475 = arith.constant 48 : index
    %swap3A_476 = tpu.vector_load %arg7[%swap3A_474, %swap3A_475] {strides = array<i32>} : memref<8x128xf32, #tpu.memory_space<vmem>>, vector<1x16xf32>,
    %swap3A_477 = vector.shape_cast %swap3A_476 : vector<1x16xf32> to vector<16xf32>
    %swap3A_478 = vector.shape_cast %broadcast_in_dim3A_472 : vector<16xf32> to vector<1x16xf32>
    tpu.vector_store %arg7[%swap3A_474, %swap3A_475], %swap3A_478 {strides = array<i32>} : memref<8x128xf32, #tpu.memory_space<vmem>>, vector<1x16xf32>,
    %broadcast_in_dim3A_479 = arith.constant 0.000000e+00 : f32
    %broadcast_in_dim3A_480 = vector.broadcast %broadcast_in_dim3A_479 : f32 to vector<16xf32>
    %swap3A_481 = arith.constant 7 : i32
    %swap3A_482 = arith.index_cast %swap3A_481 : i32 to index
    %swap3A_483 = arith.constant 64 : index
    %swap3A_484 = tpu.vector_load %arg7[%swap3A_482, %swap3A_483] {strides = array<i32>} : memref<8x128xf32, #tpu.memory_space<vmem>>, vector<1x16xf32>,
    %swap3A_485 = vector.shape_cast %swap3A_484 : vector<1x16xf32> to vector<16xf32>
    %swap3A_486 = vector.shape_cast %broadcast_in_dim3A_480 : vector<16xf32> to vector<1x16xf32>
    tpu.vector_store %arg7[%swap3A_482, %swap3A_483], %swap3A_486 {strides = array<i32>} : memref<8x128xf32, #tpu.memory_space<vmem>>, vector<1x16xf32>,
    %broadcast_in_dim3A_487 = arith.constant 0.000000e+00 : f32
    %broadcast_in_dim3A_488 = vector.broadcast %broadcast_in_dim3A_487 : f32 to vector<16xf32>
    %swap3A_489 = arith.constant 7 : i32
    %swap3A_490 = arith.index_cast %swap3A_489 : i32 to index
    %swap3A_491 = arith.constant 80 : index
    %swap3A_492 = tpu.vector_load %arg7[%swap3A_490, %swap3A_491] {strides = array<i32>} : memref<8x128xf32, #tpu.memory_space<vmem>>, vector<1x16xf32>,
    %swap3A_493 = vector.shape_cast %swap3A_492 : vector<1x16xf32> to vector<16xf32>
    %swap3A_494 = vector.shape_cast %broadcast_in_dim3A_488 : vector<16xf32> to vector<1x16xf32>
    tpu.vector_store %arg7[%swap3A_490, %swap3A_491], %swap3A_494 {strides = array<i32>} : memref<8x128xf32, #tpu.memory_space<vmem>>, vector<1x16xf32>,
    %broadcast_in_dim3A_495 = arith.constant 0.000000e+00 : f32
    %broadcast_in_dim3A_496 = vector.broadcast %broadcast_in_dim3A_495 : f32 to vector<16xf32>
    %swap3A_497 = arith.constant 7 : i32
    %swap3A_498 = arith.index_cast %swap3A_497 : i32 to index
    %swap3A_499 = arith.constant 96 : index
    %swap3A_500 = tpu.vector_load %arg7[%swap3A_498, %swap3A_499] {strides = array<i32>} : memref<8x128xf32, #tpu.memory_space<vmem>>, vector<1x16xf32>,
    %swap3A_501 = vector.shape_cast %swap3A_500 : vector<1x16xf32> to vector<16xf32>
    %swap3A_502 = vector.shape_cast %broadcast_in_dim3A_496 : vector<16xf32> to vector<1x16xf32>
    tpu.vector_store %arg7[%swap3A_498, %swap3A_499], %swap3A_502 {strides = array<i32>} : memref<8x128xf32, #tpu.memory_space<vmem>>, vector<1x16xf32>,
    %broadcast_in_dim3A_503 = arith.constant 0.000000e+00 : f32
    %broadcast_in_dim3A_504 = vector.broadcast %broadcast_in_dim3A_503 : f32 to vector<16xf32>
    %swap3A_505 = arith.constant 7 : i32
    %swap3A_506 = arith.index_cast %swap3A_505 : i32 to index
    %swap3A_507 = arith.constant 112 : index
    %swap3A_508 = tpu.vector_load %arg7[%swap3A_506, %swap3A_507] {strides = array<i32>} : memref<8x128xf32, #tpu.memory_space<vmem>>, vector<1x16xf32>,
    %swap3A_509 = vector.shape_cast %swap3A_508 : vector<1x16xf32> to vector<16xf32>
    %swap3A_510 = vector.shape_cast %broadcast_in_dim3A_504 : vector<16xf32> to vector<1x16xf32>
    tpu.vector_store %arg7[%swap3A_506, %swap3A_507], %swap3A_510 {strides = array<i32>} : memref<8x128xf32, #tpu.memory_space<vmem>>, vector<1x16xf32>,
    "tpu.region"() ({
      %run_scoped3A = tpu.sem_alloc : memref<!tpu.dma_semaphore, #tpu.memory_space<semaphore_mem>>
      tpu.enqueue_dma source(%arg2 : memref<128x128xf32, #tpu.memory_space<hbm>>) target(%arg6 : memref<128x128xf32, #tpu.memory_space<vmem>>) target_semaphore(%run_scoped3A : memref<!tpu.dma_semaphore, #tpu.memory_space<semaphore_mem>>)
      tpu.wait_dma2 semaphore(%run_scoped3A : memref<!tpu.dma_semaphore, #tpu.memory_space<semaphore_mem>>) src(%arg2 : memref<128x128xf32, #tpu.memory_space<hbm>>) dst(%arg6 : memref<128x128xf32, #tpu.memory_space<vmem>>)
      tpu.yield
    }) : () -> ()
    %scan3A = arith.constant 0 : i32
    %scan3A_511 = arith.constant 0 : i32
    %scan3A_512 = arith.constant 79 : i32
    %scan3A_513 = arith.addi %scan3A_511, %scan3A_512 : i32
    %scan3A_514 = arith.constant 1 : i32
    %scan3A_515 = scf.for %scan3A_529 = %scan3A_511 to %scan3A_513 step %scan3A_514 iter_args(%scan3A_530 = %scan3A) -> (i32)  : i32 {
      %mul3A_531 = arith.constant 632 : i32
      %mul3A_532 = arith.muli %arg1, %mul3A_531 : i32
      %mul3A_533 = arith.constant 8 : i32
      %mul3A_534 = arith.muli %scan3A_529, %mul3A_533 : i32
      %add3A_535 = arith.addi %mul3A_532, %mul3A_534 : i32
      "tpu.region"() ({
        %run_scoped3A = tpu.sem_alloc : memref<!tpu.dma_semaphore, #tpu.memory_space<semaphore_mem>>
        %dma_start3A = arith.constant 0 : i32
        %dma_start3A_537 = tpu.memref_slice %arg8[%add3A_535, %dma_start3A] : memref<10112x128xf32, #tpu.memory_space<vmem_shared>> -> memref<8x128xf32, #tpu.memory_space<vmem_shared>>
        %dma_start3A_538 = arith.constant 0 : i32
        %dma_start3A_539 = tpu.memref_slice %arg8[%add3A_535, %dma_start3A_538] : memref<10112x128xf32, #tpu.memory_space<vmem_shared>> -> memref<8x128xf32, #tpu.memory_space<vmem_shared>>
        tpu.enqueue_dma source(%arg7 : memref<8x128xf32, #tpu.memory_space<vmem>>) target(%dma_start3A_539 : memref<8x128xf32, #tpu.memory_space<vmem_shared>>) target_semaphore(%run_scoped3A : memref<!tpu.dma_semaphore, #tpu.memory_space<semaphore_mem>>)
        %dma_wait3A = arith.constant 0 : i32
        %dma_wait3A_540 = tpu.memref_slice %arg8[%add3A_535, %dma_wait3A] : memref<10112x128xf32, #tpu.memory_space<vmem_shared>> -> memref<8x128xf32, #tpu.memory_space<vmem_shared>>
        %dma_wait3A_541 = arith.constant 0 : i32
        %dma_wait3A_542 = tpu.memref_slice %arg8[%add3A_535, %dma_wait3A_541] : memref<10112x128xf32, #tpu.memory_space<vmem_shared>> -> memref<8x128xf32, #tpu.memory_space<vmem_shared>>
        tpu.wait_dma2 semaphore(%run_scoped3A : memref<!tpu.dma_semaphore, #tpu.memory_space<semaphore_mem>>) src(%arg7 : memref<8x128xf32, #tpu.memory_space<vmem>>) dst(%dma_wait3A_542 : memref<8x128xf32, #tpu.memory_space<vmem_shared>>)
        tpu.yield
      }) : () -> ()
      %scan3A_536 = arith.constant 0 : i32
      scf.yield %scan3A_536 : i32
    }
    %scan3A_516 = arith.constant 79 : i32
    %barrier3A = arith.constant 0 : index
    tpu.barrier barrier_id(%barrier3A)
    %scan3A_517 = arith.constant 0 : i32
    %scan3A_518 = arith.constant 0 : i32
    %scan3A_519 = arith.constant 5 : i32
    %scan3A_520 = arith.addi %scan3A_518, %scan3A_519 : i32
    %scan3A_521 = arith.constant 1 : i32
    %scan3A_522 = scf.for %scan3A_529 = %scan3A_518 to %scan3A_520 step %scan3A_521 iter_args(%scan3A_530 = %scan3A_517) -> (i32)  : i32 {
      %mul3A_531 = arith.constant 80 : i32
      %mul3A_532 = arith.muli %add3A, %mul3A_531 : i32
      %mul3A_533 = arith.constant 16 : i32
      %mul3A_534 = arith.muli %scan3A_529, %mul3A_533 : i32
      %add3A_535 = arith.addi %mul3A_532, %mul3A_534 : i32
      %run_scoped3A = arith.constant 1 : i32
      "tpu.region"() ({
        %run_scoped3A_544 = tpu.sem_alloc : memref<!tpu.dma_semaphore, #tpu.memory_space<semaphore_mem>>
        %dma_start3A = arith.constant 0 : i32
        %dma_start3A_545 = tpu.memref_slice %arg3[%run_scoped3A, %add3A_535, %dma_start3A] : memref<2x2560x128xi32, #tpu.memory_space<hbm>> -> memref<1x16x128xi32, #tpu.memory_space<hbm>>
        %dma_start3A_546 = tpu.memref_squeeze %dma_start3A_545 : memref<1x16x128xi32, #tpu.memory_space<hbm>> -> memref<16x128xi32, #tpu.memory_space<hbm>>
        %dma_start3A_547 = arith.constant 0 : i32
        %dma_start3A_548 = tpu.memref_slice %arg3[%run_scoped3A, %add3A_535, %dma_start3A_547] : memref<2x2560x128xi32, #tpu.memory_space<hbm>> -> memref<1x16x128xi32, #tpu.memory_space<hbm>>
        %dma_start3A_549 = tpu.memref_squeeze %dma_start3A_548 : memref<1x16x128xi32, #tpu.memory_space<hbm>> -> memref<16x128xi32, #tpu.memory_space<hbm>>
        tpu.enqueue_dma source(%dma_start3A_549 : memref<16x128xi32, #tpu.memory_space<hbm>>) target(%arg5 : memref<16x128xi32, #tpu.memory_space<vmem>>) target_semaphore(%run_scoped3A_544 : memref<!tpu.dma_semaphore, #tpu.memory_space<semaphore_mem>>)
        %dma_wait3A = arith.constant 0 : i32
        %dma_wait3A_550 = tpu.memref_slice %arg3[%run_scoped3A, %add3A_535, %dma_wait3A] : memref<2x2560x128xi32, #tpu.memory_space<hbm>> -> memref<1x16x128xi32, #tpu.memory_space<hbm>>
        %dma_wait3A_551 = tpu.memref_squeeze %dma_wait3A_550 : memref<1x16x128xi32, #tpu.memory_space<hbm>> -> memref<16x128xi32, #tpu.memory_space<hbm>>
        %dma_wait3A_552 = arith.constant 0 : i32
        %dma_wait3A_553 = tpu.memref_slice %arg3[%run_scoped3A, %add3A_535, %dma_wait3A_552] : memref<2x2560x128xi32, #tpu.memory_space<hbm>> -> memref<1x16x128xi32, #tpu.memory_space<hbm>>
        %dma_wait3A_554 = tpu.memref_squeeze %dma_wait3A_553 : memref<1x16x128xi32, #tpu.memory_space<hbm>> -> memref<16x128xi32, #tpu.memory_space<hbm>>
        tpu.wait_dma2 semaphore(%run_scoped3A_544 : memref<!tpu.dma_semaphore, #tpu.memory_space<semaphore_mem>>) src(%dma_wait3A_554 : memref<16x128xi32, #tpu.memory_space<hbm>>) dst(%arg5 : memref<16x128xi32, #tpu.memory_space<vmem>>)
        tpu.yield
      }) : () -> ()
      %scan3A_536 = arith.constant 0 : i32
      %scan3A_537 = arith.constant 0 : i32
      %scan3A_538 = arith.constant 16 : i32
      %scan3A_539 = arith.addi %scan3A_537, %scan3A_538 : i32
      %scan3A_540 = arith.constant 1 : i32
      %scan3A_541 = scf.for %scan3A_544 = %scan3A_537 to %scan3A_539 step %scan3A_540 iter_args(%scan3A_545 = %scan3A_536) -> (i32)  : i32 {
        "tpu.region"() ({
          %run_scoped3A_547 = tpu.sem_alloc : memref<!tpu.dma_semaphore, #tpu.memory_space<semaphore_mem>>
          %dma_start3A = arith.constant 0 : i32
          %dma_start3A_548 = tpu.memref_slice %arg5[%scan3A_544, %dma_start3A] : memref<16x128xi32, #tpu.memory_space<vmem>> -> memref<1x128xi32, #tpu.memory_space<vmem>>
          %dma_start3A_549 = tpu.memref_squeeze %dma_start3A_548 : memref<1x128xi32, #tpu.memory_space<vmem>> -> memref<128xi32, #tpu.memory_space<vmem>>
          %dma_start3A_550 = arith.constant 0 : i32
          %dma_start3A_551 = arith.constant 0 : i32
          %dma_start3A_552 = tpu.memref_slice %arg8[%dma_start3A_550, %dma_start3A_551] : memref<10112x128xf32, #tpu.memory_space<vmem_shared>> -> memref<10112x128xf32, #tpu.memory_space<vmem_shared>>
          tpu.enqueue_indirect_dma source(%arg6 : memref<128x128xf32, #tpu.memory_space<vmem>>) target(%dma_start3A_552 : memref<10112x128xf32, #tpu.memory_space<vmem_shared>>) offsets(%dma_start3A_549 : memref<128xi32, #tpu.memory_space<vmem>>) semaphore(%run_scoped3A_547 : memref<!tpu.dma_semaphore, #tpu.memory_space<semaphore_mem>>) {add = true}
          %dma_wait3A = arith.constant 0 : i32
          %dma_wait3A_553 = tpu.memref_slice %arg5[%scan3A_544, %dma_wait3A] : memref<16x128xi32, #tpu.memory_space<vmem>> -> memref<1x128xi32, #tpu.memory_space<vmem>>
          %dma_wait3A_554 = tpu.memref_squeeze %dma_wait3A_553 : memref<1x128xi32, #tpu.memory_space<vmem>> -> memref<128xi32, #tpu.memory_space<vmem>>
          %dma_wait3A_555 = arith.constant 0 : i32
          %dma_wait3A_556 = arith.constant 0 : i32
          %dma_wait3A_557 = tpu.memref_slice %arg8[%dma_wait3A_555, %dma_wait3A_556] : memref<10112x128xf32, #tpu.memory_space<vmem_shared>> -> memref<10112x128xf32, #tpu.memory_space<vmem_shared>>
          tpu.wait_indirect_dma semaphore(%run_scoped3A_547 : memref<!tpu.dma_semaphore, #tpu.memory_space<semaphore_mem>>) src(%arg6 : memref<128x128xf32, #tpu.memory_space<vmem>>) dst(%dma_wait3A_557 : memref<10112x128xf32, #tpu.memory_space<vmem_shared>>)
          tpu.yield
        }) : () -> ()
        %scan3A_546 = arith.constant 0 : i32
        scf.yield %scan3A_546 : i32
      }
      %scan3A_542 = arith.constant 16 : i32
      %scan3A_543 = arith.constant 0 : i32
      scf.yield %scan3A_543 : i32
    }
    %scan3A_523 = arith.constant 5 : i32
    %barrier3A_524 = arith.constant 0 : index
    tpu.barrier barrier_id(%barrier3A_524)
    %mul3A_525 = arith.constant 632 : i32
    %mul3A_526 = arith.muli %arg1, %mul3A_525 : i32
    %mul3A_527 = arith.constant 632 : i32
    %mul3A_528 = arith.muli %arg1, %mul3A_527 : i32
    "tpu.region"() ({
      %run_scoped3A = tpu.sem_alloc : memref<!tpu.dma_semaphore, #tpu.memory_space<semaphore_mem>>
      %dma_start3A = arith.constant 0 : i32
      %dma_start3A_529 = tpu.memref_slice %arg4[%arg0, %mul3A_528, %dma_start3A] : memref<2x10112x128xf32, #tpu.memory_space<hbm>> -> memref<1x632x128xf32, #tpu.memory_space<hbm>>
      %dma_start3A_530 = tpu.memref_squeeze %dma_start3A_529 : memref<1x632x128xf32, #tpu.memory_space<hbm>> -> memref<632x128xf32, #tpu.memory_space<hbm>>
      %dma_start3A_531 = arith.constant 0 : i32
      %dma_start3A_532 = tpu.memref_slice %arg8[%mul3A_526, %dma_start3A_531] : memref<10112x128xf32, #tpu.memory_space<vmem_shared>> -> memref<632x128xf32, #tpu.memory_space<vmem_shared>>
      tpu.enqueue_dma source(%dma_start3A_532 : memref<632x128xf32, #tpu.memory_space<vmem_shared>>) target(%dma_start3A_530 : memref<632x128xf32, #tpu.memory_space<hbm>>) target_semaphore(%run_scoped3A : memref<!tpu.dma_semaphore, #tpu.memory_space<semaphore_mem>>)
      %dma_wait3A = arith.constant 0 : i32
      %dma_wait3A_533 = tpu.memref_slice %arg4[%arg0, %mul3A_528, %dma_wait3A] : memref<2x10112x128xf32, #tpu.memory_space<hbm>> -> memref<1x632x128xf32, #tpu.memory_space<hbm>>
      %dma_wait3A_534 = tpu.memref_squeeze %dma_wait3A_533 : memref<1x632x128xf32, #tpu.memory_space<hbm>> -> memref<632x128xf32, #tpu.memory_space<hbm>>
      %dma_wait3A_535 = arith.constant 0 : i32
      %dma_wait3A_536 = tpu.memref_slice %arg8[%mul3A_526, %dma_wait3A_535] : memref<10112x128xf32, #tpu.memory_space<vmem_shared>> -> memref<632x128xf32, #tpu.memory_space<vmem_shared>>
      tpu.wait_dma2 semaphore(%run_scoped3A : memref<!tpu.dma_semaphore, #tpu.memory_space<semaphore_mem>>) src(%dma_wait3A_536 : memref<632x128xf32, #tpu.memory_space<vmem_shared>>) dst(%dma_wait3A_534 : memref<632x128xf32, #tpu.memory_space<hbm>>)
      tpu.yield
    }) : () -> ()
    return
  }
}

module attributes {stable_mosaic.version = 14 : i64} {
  func.func @body(%arg0: memref<10000x128xf32, #tpu.memory_space<vmem>>, %arg1: memref<128x128xf32, #tpu.memory_space<vmem>>, %arg2: memref<10000x128xf32, #tpu.memory_space<vmem>>) attributes {dimension_semantics = [], scalar_prefetch = 0 : i64, scratch_operands = 0 : i64, tpu.core_type = #tpu.core_type<tc>} {
    %get3A = arith.constant 0 : index
    %get3A_0 = arith.constant 0 : index
    %get3A_1 = vector.load %arg0[%get3A, %get3A_0] : memref<10000x128xf32, #tpu.memory_space<vmem>>, vector<10000x128xf32>
    %get3A_2 = arith.constant 0 : index
    %get3A_3 = arith.constant 0 : index
    %get3A_4 = vector.load %arg1[%get3A_2, %get3A_3] : memref<128x128xf32, #tpu.memory_space<vmem>>, vector<128x128xf32>
    %dot_general3A = arith.constant dense<0.000000e+00> : vector<10000x128xf32>
    %dot_general3A_5 = tpu.matmul %get3A_1, %get3A_4, %dot_general3A {dimension_numbers = #tpu.dot_dimension_numbers<[1], [0], [0], [1], [0, 0, 1, 1], [], []>, transpose_lhs_hint = false} : vector<10000x128xf32>, vector<128x128xf32>, vector<10000x128xf32> -> vector<10000x128xf32>
    %swap3A = arith.constant 0 : index
    %swap3A_6 = arith.constant 0 : index
    %swap3A_7 = vector.load %arg2[%swap3A, %swap3A_6] : memref<10000x128xf32, #tpu.memory_space<vmem>>, vector<10000x128xf32>
    tpu.vector_store %arg2[%swap3A, %swap3A_6], %dot_general3A_5 {strides = array<i32>} : memref<10000x128xf32, #tpu.memory_space<vmem>>, vector<10000x128xf32>,
    return
  }
}

module attributes {stable_mosaic.version = 14 : i64} {
  func.func @body(%arg0: memref<10000x128xf32, #tpu.memory_space<vmem>>, %arg1: memref<2x10112x128xf32, #tpu.memory_space<vmem>>, %arg2: memref<10000x128xf32, #tpu.memory_space<vmem>>, %arg3: memref<10000x128xf32, #tpu.memory_space<vmem>>) attributes {dimension_semantics = [], scalar_prefetch = 0 : i64, scratch_operands = 0 : i64, tpu.core_type = #tpu.core_type<tc>} {
    %get3A = arith.constant 0 : index
    %get3A_0 = arith.constant 0 : index
    %get3A_1 = arith.constant 0 : index
    %get3A_2 = vector.load %arg1[%get3A, %get3A_0, %get3A_1] : memref<2x10112x128xf32, #tpu.memory_space<vmem>>, vector<1x10000x1xf32>
    %get3A_3 = vector.shape_cast %get3A_2 : vector<1x10000x1xf32> to vector<10000x1xf32>
    %get3A_4 = arith.constant 1 : index
    %get3A_5 = arith.constant 0 : index
    %get3A_6 = arith.constant 0 : index
    %get3A_7 = vector.load %arg1[%get3A_4, %get3A_5, %get3A_6] : memref<2x10112x128xf32, #tpu.memory_space<vmem>>, vector<1x10000x1xf32>
    %get3A_8 = vector.shape_cast %get3A_7 : vector<1x10000x1xf32> to vector<10000x1xf32>
    %add3A = arith.addf %get3A_3, %get3A_8 : vector<10000x1xf32>
    %add3A_9 = arith.constant 1.000000e+00 : f32
    %add3A_10 = vector.broadcast %add3A_9 : f32 to vector<10000x1xf32>
    %add3A_11 = arith.addf %add3A, %add3A_10 : vector<10000x1xf32>
    %rsqrt3A = math.rsqrt %add3A_11 : vector<10000x1xf32>
    %broadcast_in_dim3A = vector.shape_cast %rsqrt3A : vector<10000x1xf32> to vector<10000x1xf32>
    %broadcast_in_dim3A_12 = vector.broadcast %broadcast_in_dim3A : vector<10000x1xf32> to vector<10000x128xf32>
    %get3A_13 = arith.constant 0 : index
    %get3A_14 = arith.constant 0 : index
    %get3A_15 = vector.load %arg0[%get3A_13, %get3A_14] : memref<10000x128xf32, #tpu.memory_space<vmem>>, vector<10000x128xf32>
    %mul3A = arith.mulf %get3A_15, %broadcast_in_dim3A_12 : vector<10000x128xf32>
    %swap3A = arith.constant 0 : index
    %swap3A_16 = arith.constant 0 : index
    %swap3A_17 = vector.load %arg2[%swap3A, %swap3A_16] : memref<10000x128xf32, #tpu.memory_space<vmem>>, vector<10000x128xf32>
    tpu.vector_store %arg2[%swap3A, %swap3A_16], %mul3A {strides = array<i32>} : memref<10000x128xf32, #tpu.memory_space<vmem>>, vector<10000x128xf32>,
    %swap3A_18 = arith.constant 0 : index
    %swap3A_19 = arith.constant 0 : index
    %swap3A_20 = vector.load %arg3[%swap3A_18, %swap3A_19] : memref<10000x128xf32, #tpu.memory_space<vmem>>, vector<10000x128xf32>
    tpu.vector_store %arg3[%swap3A_18, %swap3A_19], %broadcast_in_dim3A_12 {strides = array<i32>} : memref<10000x128xf32, #tpu.memory_space<vmem>>, vector<10000x128xf32>,
    return
  }
}

module attributes {stable_mosaic.version = 14 : i64} {
  func.func @body(%arg0: memref<2x10112x128xf32, #tpu.memory_space<vmem>>, %arg1: memref<10000x128xf32, #tpu.memory_space<vmem>>, %arg2: memref<10000x128xf32, #tpu.memory_space<vmem>>, %arg3: memref<128xf32, #tpu.memory_space<vmem>>, %arg4: memref<128x128xf32, #tpu.memory_space<vmem>>, %arg5: memref<10000x128xf32, #tpu.memory_space<vmem>>) attributes {dimension_semantics = [], scalar_prefetch = 0 : i64, scratch_operands = 0 : i64, tpu.core_type = #tpu.core_type<tc>} {
    %get3A = arith.constant 0 : index
    %get3A_0 = arith.constant 0 : index
    %get3A_1 = arith.constant 0 : index
    %get3A_2 = vector.load %arg0[%get3A, %get3A_0, %get3A_1] : memref<2x10112x128xf32, #tpu.memory_space<vmem>>, vector<1x10000x128xf32>
    %get3A_3 = vector.shape_cast %get3A_2 : vector<1x10000x128xf32> to vector<10000x128xf32>
    %get3A_4 = arith.constant 1 : index
    %get3A_5 = arith.constant 0 : index
    %get3A_6 = arith.constant 0 : index
    %get3A_7 = vector.load %arg0[%get3A_4, %get3A_5, %get3A_6] : memref<2x10112x128xf32, #tpu.memory_space<vmem>>, vector<1x10000x128xf32>
    %get3A_8 = vector.shape_cast %get3A_7 : vector<1x10000x128xf32> to vector<10000x128xf32>
    %add3A = arith.addf %get3A_3, %get3A_8 : vector<10000x128xf32>
    %get3A_9 = arith.constant 0 : index
    %get3A_10 = arith.constant 0 : index
    %get3A_11 = vector.load %arg1[%get3A_9, %get3A_10] : memref<10000x128xf32, #tpu.memory_space<vmem>>, vector<10000x128xf32>
    %add3A_12 = arith.addf %add3A, %get3A_11 : vector<10000x128xf32>
    %get3A_13 = arith.constant 0 : index
    %get3A_14 = arith.constant 0 : index
    %get3A_15 = vector.load %arg2[%get3A_13, %get3A_14] : memref<10000x128xf32, #tpu.memory_space<vmem>>, vector<10000x128xf32>
    %mul3A = arith.mulf %get3A_15, %add3A_12 : vector<10000x128xf32>
    %get3A_16 = arith.constant 0 : index
    %get3A_17 = vector.load %arg3[%get3A_16] : memref<128xf32, #tpu.memory_space<vmem>>, vector<128xf32>
    %broadcast_in_dim3A = vector.shape_cast %get3A_17 : vector<128xf32> to vector<1x128xf32>
    %add3A_18 = vector.broadcast %broadcast_in_dim3A : vector<1x128xf32> to vector<10000x128xf32>
    %add3A_19 = arith.addf %mul3A, %add3A_18 : vector<10000x128xf32>
    %max3A = arith.constant 0.000000e+00 : f32
    %max3A_20 = vector.broadcast %max3A : f32 to vector<10000x128xf32>
    %max3A_21 = arith.maximumf %add3A_19, %max3A_20 : vector<10000x128xf32>
    %get3A_22 = arith.constant 0 : index
    %get3A_23 = arith.constant 0 : index
    %get3A_24 = vector.load %arg4[%get3A_22, %get3A_23] : memref<128x128xf32, #tpu.memory_space<vmem>>, vector<128x128xf32>
    %dot_general3A = arith.constant dense<0.000000e+00> : vector<10000x128xf32>
    %dot_general3A_25 = tpu.matmul %max3A_21, %get3A_24, %dot_general3A {dimension_numbers = #tpu.dot_dimension_numbers<[1], [0], [0], [1], [0, 0, 1, 1], [], []>, transpose_lhs_hint = false} : vector<10000x128xf32>, vector<128x128xf32>, vector<10000x128xf32> -> vector<10000x128xf32>
    %get3A_26 = arith.constant 0 : index
    %get3A_27 = arith.constant 0 : index
    %get3A_28 = vector.load %arg2[%get3A_26, %get3A_27] : memref<10000x128xf32, #tpu.memory_space<vmem>>, vector<10000x128xf32>
    %mul3A_29 = arith.mulf %dot_general3A_25, %get3A_28 : vector<10000x128xf32>
    %swap3A = arith.constant 0 : index
    %swap3A_30 = arith.constant 0 : index
    %swap3A_31 = vector.load %arg5[%swap3A, %swap3A_30] : memref<10000x128xf32, #tpu.memory_space<vmem>>, vector<10000x128xf32>
    tpu.vector_store %arg5[%swap3A, %swap3A_30], %mul3A_29 {strides = array<i32>} : memref<10000x128xf32, #tpu.memory_space<vmem>>, vector<10000x128xf32>,
    return
  }
}

module attributes {stable_mosaic.version = 14 : i64} {
  func.func @body(%arg0: memref<2x10112x128xf32, #tpu.memory_space<vmem>>, %arg1: memref<10000x128xf32, #tpu.memory_space<vmem>>, %arg2: memref<10000x128xf32, #tpu.memory_space<vmem>>, %arg3: memref<128xf32, #tpu.memory_space<vmem>>, %arg4: memref<10000x128xf32, #tpu.memory_space<vmem>>) attributes {dimension_semantics = [], scalar_prefetch = 0 : i64, scratch_operands = 0 : i64, tpu.core_type = #tpu.core_type<tc>} {
    %get3A = arith.constant 0 : index
    %get3A_0 = arith.constant 0 : index
    %get3A_1 = arith.constant 0 : index
    %get3A_2 = vector.load %arg0[%get3A, %get3A_0, %get3A_1] : memref<2x10112x128xf32, #tpu.memory_space<vmem>>, vector<1x10000x128xf32>
    %get3A_3 = vector.shape_cast %get3A_2 : vector<1x10000x128xf32> to vector<10000x128xf32>
    %get3A_4 = arith.constant 1 : index
    %get3A_5 = arith.constant 0 : index
    %get3A_6 = arith.constant 0 : index
    %get3A_7 = vector.load %arg0[%get3A_4, %get3A_5, %get3A_6] : memref<2x10112x128xf32, #tpu.memory_space<vmem>>, vector<1x10000x128xf32>
    %get3A_8 = vector.shape_cast %get3A_7 : vector<1x10000x128xf32> to vector<10000x128xf32>
    %add3A = arith.addf %get3A_3, %get3A_8 : vector<10000x128xf32>
    %get3A_9 = arith.constant 0 : index
    %get3A_10 = arith.constant 0 : index
    %get3A_11 = vector.load %arg1[%get3A_9, %get3A_10] : memref<10000x128xf32, #tpu.memory_space<vmem>>, vector<10000x128xf32>
    %add3A_12 = arith.addf %add3A, %get3A_11 : vector<10000x128xf32>
    %get3A_13 = arith.constant 0 : index
    %get3A_14 = arith.constant 0 : index
    %get3A_15 = vector.load %arg2[%get3A_13, %get3A_14] : memref<10000x128xf32, #tpu.memory_space<vmem>>, vector<10000x128xf32>
    %mul3A = arith.mulf %get3A_15, %add3A_12 : vector<10000x128xf32>
    %get3A_16 = arith.constant 0 : index
    %get3A_17 = vector.load %arg3[%get3A_16] : memref<128xf32, #tpu.memory_space<vmem>>, vector<128xf32>
    %broadcast_in_dim3A = vector.shape_cast %get3A_17 : vector<128xf32> to vector<1x128xf32>
    %add3A_18 = vector.broadcast %broadcast_in_dim3A : vector<1x128xf32> to vector<10000x128xf32>
    %add3A_19 = arith.addf %mul3A, %add3A_18 : vector<10000x128xf32>
    %swap3A = arith.constant 0 : index
    %swap3A_20 = arith.constant 0 : index
    %swap3A_21 = vector.load %arg4[%swap3A, %swap3A_20] : memref<10000x128xf32, #tpu.memory_space<vmem>>, vector<10000x128xf32>
    tpu.vector_store %arg4[%swap3A, %swap3A_20], %add3A_19 {strides = array<i32>} : memref<10000x128xf32, #tpu.memory_space<vmem>>, vector<10000x128xf32>,
    return
  }
}

</mosaic_0001>

<sc_bundles>
// kernel: kernel.12.cloned.1.call-start
scs
__scs_entry_jumppad:
0x0: {  	(pc) =	sbr.rel $0x88, $3  }
0x1: {  	(tag) =	ssettag $0x0;
	lr =	simm.s32 $0x1  }
0x2: {  	[smem:$0x3F9B] =	sst lr;
	_ =	strace $0xD0000000  }
0x3: {  	_ = 	snop  }
0x4: {  	_ = 	snop  }
0x5: {  	_ = 	snop  }
0x6: {  	_ = 	snop  }
0x7: {  	_ = 	snop  }
__scs_overlays_trampoline_lowered:
0x8: {  	[smem:$0x3FAA] =	sst s0  }
0x9: {  	[smem:$0x3FAB] =	sst s1  }
0xa: {  	[smem:$0x3FAC] =	sst s2  }
0xb: {  	[smem:$0x3FAD] =	sst s3  }
0xc: {  	[smem:$0x3FAE] =	sst s4  }
0xd: {  	[smem:$0x3FAF] =	sst s5  }
0xe: {  	[smem:$0x3FB0] =	sst s6  }
0xf: {  	[smem:$0x3FB1] =	sst s7  }
0x10: {  	[smem:$0x3FB2] =	sst s8  }
0x11: {  	[smem:$0x3FB3] =	sst s9;
	s0 =	simm.s32 @!p0 $0x0  }
0x12: {  	s1 =	sld [smem:$0x3F99];
	s0 =	simm.s32 @p0 $0x1  }
0x13: {  	[smem:$0x3FB4] =	sst s0;
	s0 =	simm.s32 @!p1 $0x0  }
0x14: {  	s2 =	sld [smem:$0x3F98];
	s0 =	simm.s32 @p1 $0x1  }
0x15: {  	[smem:$0x3FB5] =	sst s0;
	s0 =	simm.s32 @!p2 $0x0  }
0x16: {  	s3 =	sld [smem:$0x3FDB];
	s0 =	simm.s32 @p2 $0x1  }
0x17: {  	s4 =	simm.s32 $0x1BF5;
	[smem:$0x3FB7] =	sst s0  }
0x18: {  	s0 =	sld [smem:$0x3F9A];
	_ =	swait.ge [sflag:s4], $0x0  }
0x19: {  	s7 =	sld [smem:$0x3F9B]  }
0x1a: {  	s8 =	sadd.s32 $0xFFFFE003, lr  }
0x1b: {  	s9 =	sadd.s32 $0xFFFFFEF7, lr;
	s5 =	simm.s32 $0xFFFFFFFF;
	p2 =	slt.u32 s8, $0xFFFFF086  }
0x1c: {  	p1 =	slt.u32 s9, $0xF7A;
	s5 =	simm.s32 @!p2 $0x0  }
0x1d: {  	s5 =	simm.s32 @p1 $0x1;
	p0 =	seq.s32 s7, s2  }
0x1e: {  	s7 =	smul.u32 @!p0 $0xF7A, s2;
	p2 =	seq.s32 @!p0 s5, $0x0  }
0x1f: {  	s9 =	smul.u32 $0xF7A, s1;
	s8 =	simm.s32 @!p0 $0x1BF5;
	p2 =	por !p2, p0  }
0x20: {  	[sflag:s8] =	ssyncset.s32 @!p0 $0xFFFFF086;
	s6 =	sadd.s32 @!p0 s3, s7;
	s7 =	simm.s32 @!p0 $0x108  }
0x21: {  	s3 =	sadd.s32 s3, s9;
	s6 =	sadd.s32 @!p0 $0x88, s6;
	s7 =	simm.s32 @p2 $0x1082  }
0x22: {  	[simem:s7], [sflag:s8] =	dma.local @!p0 [hbm:s6], $0xF7A  }
0x23: {  	s9 =	sor.u32 $0xD0000000, s2;
	s6 =	simm.s32 $0x108;
	_ =	swait.ge @!p0 [sflag:s8], $0x0  }
0x24: {  	s3 =	sadd.s32 $0x88, s3;
	s6 =	simm.s32 @!p1 $0x1082;
	[sflag:s4] =	ssyncset.s32 $0xFFFFF086  }
0x25: {  	[simem:s6], [sflag:s4] =	dma.local [hbm:s3], $0xF7A  }
0x26: {  	[smem:$0x3F9B] =	sst s1;
	(tag) =	ssettag s2;
	_ =	strace s9  }
0x27: {  	s1 =	sld [smem:$0x3FAB]  }
0x28: {  	s2 =	sld [smem:$0x3FAC]  }
0x29: {  	s4 =	sld [smem:$0x3FAE]  }
0x2a: {  	p0 =	seq.s32 s5, $0x0;
	s5 =	sld [smem:$0x3FAF]  }
0x2b: {  	s6 =	sld [smem:$0x3FB0]  }
0x2c: {  	s7 =	sld [smem:$0x3FB1]  }
0x2d: {  	s3 =	simm.s32 $0x108;
	s8 =	sld [smem:$0x3FB2]  }
0x2e: {  	s3 =	simm.s32 @!p0 $0x1082;
	s9 =	sld [smem:$0x3FB3]  }
0x2f: {  	lr =	sadd.s32 s0, s3;
	s0 =	sld [smem:$0x3FAA]  }
0x30: {  	s3 =	sld [smem:$0x3FAD]  }
0x31: {  	[smem:$0x3FB6] =	sst s10  }
0x32: {  	s10 =	sld [smem:$0x3FB4];
	_ =	sdelay $0x3  }
0x33: {  	p0 =	seq.s32 s10, $0x1;
	s10 =	sld [smem:$0x3FB6];
	_ =	sdelay $0x3  }
0x34: {  	[smem:$0x3FB6] =	sst s10  }
0x35: {  	s10 =	sld [smem:$0x3FB5];
	_ =	sdelay $0x3  }
0x36: {  	p1 =	seq.s32 s10, $0x1;
	s10 =	sld [smem:$0x3FB6];
	_ =	sdelay $0x3  }
0x37: {  	[smem:$0x3FB6] =	sst s10  }
0x38: {  	s10 =	sld [smem:$0x3FB7]  }
0x39: {  	_ = 	snop;
	(pc) =	sbr.ind lr, $3  }
0x3a: {  	_ = 	snop  }
0x3b: {  	_ = 	snop  }
0x3c: {  	p2 =	seq.s32 s10, $0x1;
	s10 =	sld [smem:$0x3FB6]  }
0x3d: {  	_ =	shalt  }
0x3e: {  	_ =	shalt  }
0x3f: {  	_ =	shalt  }
0x40: {  	_ =	shalt  }
0x41: {  	_ =	shalt  }
0x42: {  	_ =	shalt  }
0x43: {  	_ =	shalt  }
0x44: {  	_ =	shalt  }
0x45: {  	_ =	shalt  }
0x46: {  	_ =	shalt  }
0x47: {  	_ =	shalt  }
0x48: {  	_ =	shalt  }
0x49: {  	_ =	shalt  }
0x4a: {  	_ =	shalt  }
0x4b: {  	_ =	shalt  }
0x4c: {  	_ =	shalt  }
0x4d: {  	_ =	shalt  }
0x4e: {  	_ =	shalt  }
0x4f: {  	_ =	shalt  }
0x50: {  	_ =	shalt  }
0x51: {  	_ =	shalt  }
0x52: {  	_ =	shalt  }
0x53: {  	_ =	shalt  }
0x54: {  	_ =	shalt  }
0x55: {  	_ =	shalt  }
0x56: {  	_ =	shalt  }
0x57: {  	_ =	shalt  }
0x58: {  	_ =	shalt  }
0x59: {  	_ =	shalt  }
0x5a: {  	_ =	shalt  }
0x5b: {  	_ =	shalt  }
0x5c: {  	_ =	shalt  }
0x5d: {  	_ =	shalt  }
0x5e: {  	_ =	shalt  }
0x5f: {  	_ =	shalt  }
0x60: {  	_ =	shalt  }
0x61: {  	_ =	shalt  }
0x62: {  	_ =	shalt  }
0x63: {  	_ =	shalt  }
0x64: {  	_ =	shalt  }
0x65: {  	_ =	shalt  }
0x66: {  	_ =	shalt  }
0x67: {  	_ =	shalt  }
0x68: {  	_ =	shalt  }
0x69: {  	_ =	shalt  }
0x6a: {  	_ =	shalt  }
0x6b: {  	_ =	shalt  }
0x6c: {  	_ =	shalt  }
0x6d: {  	_ =	shalt  }
0x6e: {  	_ =	shalt  }
0x6f: {  	_ =	shalt  }
0x70: {  	_ =	shalt  }
0x71: {  	_ =	shalt  }
0x72: {  	_ =	shalt  }
0x73: {  	_ =	shalt  }
0x74: {  	_ =	shalt  }
0x75: {  	_ =	shalt  }
0x76: {  	_ =	shalt  }
0x77: {  	_ =	shalt  }
0x78: {  	_ =	shalt  }
0x79: {  	_ =	shalt  }
0x7a: {  	_ =	shalt  }
0x7b: {  	_ =	shalt  }
0x7c: {  	_ =	shalt  }
0x7d: {  	_ =	shalt  }
0x7e: {  	_ =	shalt  }
0x7f: {  	_ =	shalt  }
0x80: {  	_ =	shalt  }
0x81: {  	_ =	shalt  }
0x82: {  	_ =	shalt  }
0x83: {  	_ =	shalt  }
0x84: {  	_ =	shalt  }
0x85: {  	_ =	shalt  }
0x86: {  	_ =	shalt  }
0x87: {  	_ =	shalt  }
.Lfunc_end0:
.L_simem_size_0:
called_computation.1_lowered:
.L_overlay_start_0:
0x88: {  	s2 =	sld [smem:$0x3FD9]  }
0x89: {  	s3 =	sld [smem:$0x3FFE];
	_ =	sdelay $0x1  }
0x8a: {  	s1 =	srdreg.scid  }
0x8b: {  	s0 =	sand.u32 $0x1, s1  }
0x8c: {  	s17 =	sshll.u32 s0, $0xA;
	s2 =	sadd.s32 s3, s2  }
0x8d: {  	s2 =	sadd.s32 s2, s17  }
0x8e: {  	[smem:$0x3FC2] =	sst s2  }
0x8f: {  	_ = 	snop  }
0x90: {  	s2 =	sld [smem:$0x3FD0];
	(tm) =	ssettm $0x1  }
0x91: {  	s18 =	sld [smem:$0x3FFB];
	_ =	sdelay $0x3  }
0x92: {  	_ =	strace s18  }
0x93: {  	s3 =	sld [smem:$0x3FFC];
	_ =	sdelay $0x3  }
0x94: {  	_ =	strace s3  }
0x95: {  	s3 =	sld [smem:$0x3FFD];
	_ =	sdelay $0x3  }
0x96: {  	_ =	strace s3  }
0x97: {  	_ =	strace $0x8FFFFFFF  }
0x98: {  	s19 =	sld [smem:$0x3FDB];
	_ =	sdelay $0x1  }
0x99: {  	s4 =	simm.s32 $_scs_section_size  }
0x9a: {  	s5 =	simm.s32 $_size__tile_overlayer_lowered;
	s6 =	simm.s32 $_tile_overlayer_lowered  }
0x9b: {  	s22 =	simm.s32 $0x1BFF;
	s21 =	sshll.u32 s6, $0x1;
	s3 =	sadd.s32 s4, s19  }
0x9c: {  	s7 =	simm.s32 $0x0;
	s20 =	sshll.u32 s5, $0x1;
	s5 =	sadd.s32 s21, s3  }
0x9d: {  	[timem:s7], [sflag:s22] =	dma.local [hbm:s5], s20  }
0x9e: {  	_ =	swait.ge [sflag:s22], s20  }
0x9f: {  	s4 =	ssub.s32 $0x0, s20;
	[sflag:s22] =	ssyncset.done $0x0  }
0xa0: {  	[sflag:s22] =	ssyncadd.s32 s4;
	_ =	sdelay $0x1  }
0xa1: {  	s23 =	simm.s32 $0x1B8B  }
0xa2: {  	_ =	swait.ge [sflag:s23], $0x1  }
0xa3: {  	[sflag:s23] =	ssyncset.done $0x0  }
0xa4: {  	s25 =	simm.s32 $0x1B8E;
	s24 =	sld [smem:$0x3FFE];
	[sflag:s23] =	ssyncadd.s32 $0xFFFFFFFF  }
0xa5: {  	s26 =	simm.s32 $execute0_lowered;
	[smem:$0x3FD2] =	sst s25  }
0xa6: {  	s5 =	sshll.u32 s26, $0x1;
	_ =	strace $0x80000049;
	[dreg:$0x1] =	wrdreg $0xFFFFFFFF  }
0xa7: {  	s28 =	simm.s32 $_size_execute0_lowered;
	s3 =	sadd.s32 s3, s5;
	[dreg:$0x0] =	wrdreg $0x0  }
0xa8: {  	s5 =	sshll.u32 s28, $0x1;
	[dreg:$0x2] =	wrdreg s3  }
0xa9: {  	[dreg:$0x3] =	wrdreg s5  }
0xaa: {  	[dreg:$0x4] =	wrdreg $0xC0  }
0xab: {  	_ =	task [dreg:s7], $0x5FFFF  }
0xac: {  	[dreg:$0x1] =	wrdreg $0xFFFFFFFF  }
0xad: {  	[dreg:$0x0] =	wrdreg $0x60  }
0xae: {  	[dreg:$0x2] =	wrdreg s2  }
0xaf: {  	[dreg:$0x3] =	wrdreg s24  }
0xb0: {  	[dreg:$0x4] =	wrdreg $0x94000  }
0xb1: {  	[dreg:$0x5] =	wrdreg $0x9  }
0xb2: {  	_ =	task.clear_ibuf [dreg:s7], $0x6FFFF;
	_ =	strace $0x90000049  }
0xb3: {  	s29 =	simm.s32 $0x9;
	_ =	strace $0x8000004B  }
0xb4: {  	_ =	swait.ge [sflag:s29], $0x1  }
0xb5: {  	[sflag:s29] =	ssyncadd.s32 $0xFFFFFFFF  }
0xb6: {  	_ =	strace $0x9000004B  }
0xb7: {  	_ =	sfence  }
0xb8: {  	s30 =	sld [smem:$0x0];
	_ =	sdelay $0x2  }
0xb9: {  	s31 =	sshll.u32 s1, $0xD;
	s1 =	sshrl.u32 s1, $0x2  }
0xba: {  	s3 =	sand.u32 $0x4000, s31;
	s1 =	sadd.s32 s1, s30  }
0xbb: {  	s0 =	sor.u32 s3, s0;
	s1 =	sshll.u32 s1, $0x11  }
0xbc: {  	s0 =	sor.u32 s1, s0  }
0xbd: {  	s0 =	sadd.s32 $0x8F2B, s0  }
0xbe: {  	[sflag:s0] =	ssyncadd.remote.s32 $0x1  }
0xbf: {  	_ =	sfence.sel $0xFFFF  }
0xc0: {  	[dreg:$0x0] =	wrdreg $0xFFFFFFFF;
	(pc) =	sbr.abs _section_cstart, $3  }
0xc1: {  	[dreg:$0x1] =	wrdreg $0xFFFFFFFF  }
0xc2: {  	_ =	task.clear_ibuf [dreg:s7], $0x2FFFF;
	_ =	strace $0x9FFFFFFF  }
0xc3: {  	(tm) =	ssettm $0x7FFFFFFF  }
tec
execute0_lowered:
.L_overlay_start_1:
0x0: {  	(tag) =	ssettag $0x1  }
0x1: {  	s0 =	srdreg.scid;
	s2 =	rddreg [dreg:$0x0]  }
0x2: {  	s12 =	stileid.u32;
	s6 =	rddreg [dreg:$0x1]  }
0x3: {  	s3 =	rddreg [dreg:$0x2];
	s4 =	simm.s32 $0x0;
	s15 =	simm.s32 $0x100  }
0x4: {  	s16 =	simm.s32 $0x880;
	s17 =	simm.s32 $0x180;
	s18 =	simm.s32 $0x900  }
0x5: {  	s19 =	simm.s32 $0x200;
	s20 =	simm.s32 $0x980;
	[smem:$0x7FF] =	sst s4  }
0x6: {  	s21 =	simm.s32 $0x280;
	_ =	strace $0x8000004A;
	[dreg:$0x6] =	wrdreg s15  }
0x7: {  	s22 =	simm.s32 $0xA00;
	s23 =	simm.s32 $0x300;
	[dreg:$0x7] =	wrdreg s16  }
0x8: {  	s24 =	simm.s32 $0xA80;
	s25 =	simm.s32 $0x380;
	[dreg:$0x8] =	wrdreg s17  }
0x9: {  	s26 =	simm.s32 $0xB00;
	s28 =	simm.s32 $0xE00;
	[dreg:$0x9] =	wrdreg s18  }
0xa: {  	s29 =	simm.s32 $0x700;
	s5 =	smul.u32 $0x13C00, s12;
	[dreg:$0xa] =	wrdreg s19  }
0xb: {  	s30 =	simm.s32 $0xE80;
	s8 =	smul.u32 $0x50, s12;
	[dreg:$0xb] =	wrdreg s20  }
0xc: {  	s31 =	simm.s32 $0x780;
	s10 =	smul.u32 $0x2800, s12;
	[dreg:$0xc] =	wrdreg s21  }
0xd: {  	s0 =	sand.u32 $0x1, s0;
	s14 =	smul.u32 $0x4F000, s12;
	[dreg:$0xd] =	wrdreg s22  }
0xe: {  	s11 =	sadd.s32 $0x2800, s6;
	s1 =	smul.u32 $0x13C000, s0;
	[dreg:$0xe] =	wrdreg s23  }
0xf: {  	s12 =	simm.s32 $0x1000;
	s7 =	smul.u32 $0x500, s0;
	[dreg:$0xf] =	wrdreg s24  }
0x10: {  	s9 =	smul.u32 $0x28000, s0;
	s0 =	ssub.s32 $0x2, s0;
	[dreg:$0x10] =	wrdreg s25  }
0x11: {  	s15 =	simm.s32 $0x2;
	[dreg:$0x11] =	wrdreg s26;
	s16 =	simm.s32 $0x400  }
0x12: {  	s17 =	simm.s32 $0xB80;
	s18 =	simm.s32 $0x480;
	s19 =	simm.s32 $0xC00  }
0x13: {  	s20 =	simm.s32 $0x500;
	s21 =	simm.s32 $0xC80;
	s22 =	simm.s32 $0x580  }
0x14: {  	s23 =	simm.s32 $0xD00;
	s24 =	simm.s32 $0x600;
	s25 =	simm.s32 $0xD80  }
0x15: {  	s26 =	simm.s32 $0x680;
	s1 =	sadd.s32 s5, s1;
	s7 =	sadd.s32 s8, s7  }
0x16: {  	s8 =	sadd.s32 s10, s9;
	s10 =	sshrl.u32 s0, $0x1;
	s1 =	sshrl.u32 s1, $0x3  }
0x17: {  	s5 =	sshll.u32 s7, $0x4;
	s9 =	sadd.s32 $0x50000, s8;
	s0 =	ssub.s32 s0, s10  }
0x18: {  	s8 =	simm.s32 $0x9000;
	s10 =	simm.s32 $0x800;
	s7 =	simm.s32 $0x0  }
0x19: {  	s1 =	sadd.s32 s1, s6;
	s5 =	sadd.s32 s5, s11;
	s6 =	sshrl.u32 s9, $0x3  }
0x1a: {  	s0 =	smax.u32 s0, $0x1;
	s9 =	simm.s32 $0x3;
	[dreg:$0x4] =	wrdreg s5  }
0x1b: {  	s13 =	sadd.s32 s6, s11;
	s6 =	sshrl.u32 s14, $0x2;
	s1 =	sadd.s32 $0x16800, s1  }
0x1c: {  	[dreg:$0x13] =	wrdreg s0;
	s11 =	simm.s32 $0x80;
	s14 =	simm.s32 $0x1  }
0x1d: {  	s0 =	simm.s32 $0xF80;
	[dreg:$0x5] =	wrdreg s13;
	s5 =	sadd.s32 s6, s3  }
0x1e: {  	v0 =	vimm.f32 $0.0e+00;
	[dreg:$0x12] =	wrdreg s1;
	s13 =	simm.s32 $0x5000;
	s1 =	simm.s32 $0xF00  }
.LBB2_1:
0x1f: {  	[tilespmem:$0x9000] =	vst v0  }
0x20: {  	[tilespmem:$0x9010] =	vst v0  }
0x21: {  	[tilespmem:$0x9020] =	vst v0  }
0x22: {  	[tilespmem:$0x9030] =	vst v0  }
0x23: {  	[tilespmem:$0x9040] =	vst v0  }
0x24: {  	[tilespmem:$0x9050] =	vst v0  }
0x25: {  	[tilespmem:$0x9060] =	vst v0  }
0x26: {  	[tilespmem:$0x9070] =	vst v0  }
0x27: {  	[tilespmem:$0x9080] =	vst v0  }
0x28: {  	[tilespmem:$0x9090] =	vst v0  }
0x29: {  	[tilespmem:$0x90A0] =	vst v0  }
0x2a: {  	[tilespmem:$0x90B0] =	vst v0  }
0x2b: {  	[tilespmem:$0x90C0] =	vst v0  }
0x2c: {  	[tilespmem:$0x90D0] =	vst v0  }
0x2d: {  	[tilespmem:$0x90E0] =	vst v0  }
0x2e: {  	[tilespmem:$0x90F0] =	vst v0  }
0x2f: {  	[tilespmem:$0x9100] =	vst v0  }
0x30: {  	[tilespmem:$0x9110] =	vst v0  }
0x31: {  	[tilespmem:$0x9120] =	vst v0  }
0x32: {  	[tilespmem:$0x9130] =	vst v0  }
0x33: {  	[tilespmem:$0x9140] =	vst v0  }
0x34: {  	[tilespmem:$0x9150] =	vst v0  }
0x35: {  	[tilespmem:$0x9160] =	vst v0  }
0x36: {  	[tilespmem:$0x9170] =	vst v0  }
0x37: {  	[tilespmem:$0x9180] =	vst v0  }
0x38: {  	[tilespmem:$0x9190] =	vst v0  }
0x39: {  	[tilespmem:$0x91A0] =	vst v0  }
0x3a: {  	[tilespmem:$0x91B0] =	vst v0  }
0x3b: {  	[tilespmem:$0x91C0] =	vst v0  }
0x3c: {  	[tilespmem:$0x91D0] =	vst v0  }
0x3d: {  	[tilespmem:$0x91E0] =	vst v0  }
0x3e: {  	[tilespmem:$0x91F0] =	vst v0  }
0x3f: {  	[tilespmem:$0x9200] =	vst v0  }
0x40: {  	[tilespmem:$0x9210] =	vst v0  }
0x41: {  	[tilespmem:$0x9220] =	vst v0  }
0x42: {  	[tilespmem:$0x9230] =	vst v0  }
0x43: {  	[tilespmem:$0x9240] =	vst v0  }
0x44: {  	[tilespmem:$0x9250] =	vst v0  }
0x45: {  	[tilespmem:$0x9260] =	vst v0  }
0x46: {  	[tilespmem:$0x9270] =	vst v0  }
0x47: {  	[tilespmem:$0x9280] =	vst v0  }
0x48: {  	[tilespmem:$0x9290] =	vst v0  }
0x49: {  	[tilespmem:$0x92A0] =	vst v0  }
0x4a: {  	[tilespmem:$0x92B0] =	vst v0  }
0x4b: {  	[tilespmem:$0x92C0] =	vst v0  }
0x4c: {  	[tilespmem:$0x92D0] =	vst v0  }
0x4d: {  	[tilespmem:$0x92E0] =	vst v0  }
0x4e: {  	[tilespmem:$0x92F0] =	vst v0  }
0x4f: {  	[tilespmem:$0x9300] =	vst v0  }
0x50: {  	[tilespmem:$0x9310] =	vst v0  }
0x51: {  	[tilespmem:$0x9320] =	vst v0  }
0x52: {  	[tilespmem:$0x9330] =	vst v0  }
0x53: {  	[tilespmem:$0x9340] =	vst v0  }
0x54: {  	[tilespmem:$0x9350] =	vst v0  }
0x55: {  	[tilespmem:$0x9360] =	vst v0  }
0x56: {  	[tilespmem:$0x9370] =	vst v0  }
0x57: {  	[tilespmem:$0x9380] =	vst v0  }
0x58: {  	[tilespmem:$0x9390] =	vst v0  }
0x59: {  	[tilespmem:$0x93A0] =	vst v0  }
0x5a: {  	[tilespmem:$0x93B0] =	vst v0  }
0x5b: {  	[tilespmem:$0x93C0] =	vst v0  }
0x5c: {  	[tilespmem:$0x93D0] =	vst v0  }
0x5d: {  	[tilespmem:$0x93E0] =	vst v0  }
0x5e: {  	[dreg:$0x14] =	wrdreg s7;
	[tilespmem:$0x93F0] =	vst v0;
	s6 =	sadd.s32 $0x0, s5  }
0x5f: {  	[spmem:s6] =	stream.linear.scatter [tilespmem:s8], [sflag:$0x3], $0x400, $0x38;
	[tilespmem:$0x1D000] =	vst v63  }
0x60: {  	s6 =	simm.s32 $0x1000;
	_ =	swait.ge [sflag:s9], $0x400  }
.LBB2_2:
0x61: {  	s7 =	sshra.s32 s6, $0x2;
	[sflag:s9] =	ssyncset.done $0x0;
	p0 =	sne.s32 s6, $0x4E000  }
.Ltmp0:
0x62: {  	s7 =	sadd.s32 s7, s5;
	[sflag:s9] =	ssyncadd.s32 $0xFFFFFC00;
	(pc) =	sbr.rel @p0 .LBB2_2-.Ltmp0, $3  }
0x63: {  	[spmem:s7] =	stream.linear.scatter [tilespmem:s8], [sflag:$0x3], $0x400, $0x38;
	[tilespmem:$0x1D000] =	vst v63  }
0x64: {  	s6 =	sadd.s32 $0x1000, s6;
	_ =	sdelay $0x1  }
0x65: {  	_ =	swait.ge [sflag:s9], $0x400  }
0x66: {  	[sflag:s9] =	ssyncset.done $0x0  }
0x67: {  	[sflag:s9] =	ssyncadd.s32 $0xFFFFFC00  }
0x68: {  	[bflag:$0x0] =	sbarrier.arrive $0xFFFF  }
0x69: {  	s6 =	rddreg [dreg:$0x4]  }
0x6a: {  	s6 =	sadd.s32 $0x0, s6  }
0x6b: {  	[tilespmem:s4], [sflag:$0x3] =	stream.linear.gather [hbm4b:s6+s4], $0x800, $0x38;
	[tilespmem:$0x1D000] =	vst v63  }
0x6c: {  	_ =	swait.ge [sflag:s9], $0x800  }
0x6d: {  	s8 =	rddreg [dreg:$0x5];
	[sflag:s9] =	ssyncset.done $0x0  }
0x6e: {  	[sflag:s9] =	ssyncadd.s32 $0xFFFFF800;
	s6 =	sadd.s32 $0x0, s8  }
0x6f: {  	[tilespmem:s10], [sflag:$0x3] =	stream.linear.gather [hbm4b:s6+s4], $0x800, $0x38;
	[tilespmem:$0x1D000] =	vst v63  }
0x70: {  	_ =	swait.ge [sflag:s9], $0x800  }
0x71: {  	[sflag:s9] =	ssyncset.done $0x0  }
0x72: {  	[sflag:s9] =	ssyncadd.s32 $0xFFFFF800  }
0x73: {  	[tilespmem:s12], [sflag:$0x1] =	stream.indirect.gather [hbm4b:s2+s11], $0x80, s4, s11, $0xb8;
	[tilespmem:$0x1D000] =	vst v63  }
0x74: {  	_ = 	snop  }
0x75: {  	[tilespmem:s13], [sflag:$0x2] =	stream.indirect.gather [hbm4b:s2+s11], $0x80, s11, s11, $0xb8;
	[tilespmem:$0x1D000] =	vst v63  }
0x76: {  	_ =	swait.ge [sflag:s14], $0x4000  }
0x77: {  	[sflag:s14] =	ssyncset.done $0x0  }
0x78: {  	[sflag:s14] =	ssyncadd.s32 $0xFFFFC000  }
0x79: {  	[spmem:s3] =	stream.indirect.scatter.add.f32 [tilespmem:s12], [sflag:$0x3], $0x80, s10, s11, $0xb8;
	[tilespmem:$0x1D000] =	vst v63  }
0x7a: {  	_ =	swait.ge [sflag:s9], $0x4000  }
0x7b: {  	[sflag:s9] =	ssyncset.done $0x0  }
0x7c: {  	s7 =	rddreg [dreg:$0x6];
	[sflag:s9] =	ssyncadd.s32 $0xFFFFC000  }
0x7d: {  	[tilespmem:s12], [sflag:$0x1] =	stream.indirect.gather [hbm4b:s2+s11], $0x80, s7, s11, $0xb8;
	[tilespmem:$0x1D000] =	vst v63  }
0x7e: {  	_ =	swait.ge [sflag:s15], $0x4000  }
0x7f: {  	[sflag:s15] =	ssyncset.done $0x0  }
0x80: {  	s8 =	rddreg [dreg:$0x7];
	[sflag:s15] =	ssyncadd.s32 $0xFFFFC000  }
0x81: {  	[spmem:s3] =	stream.indirect.scatter.add.f32 [tilespmem:s13], [sflag:$0x3], $0x80, s8, s11, $0xb8;
	[tilespmem:$0x1D000] =	vst v63  }
0x82: {  	_ =	swait.ge [sflag:s9], $0x4000  }
0x83: {  	[sflag:s9] =	ssyncset.done $0x0  }
0x84: {  	s7 =	rddreg [dreg:$0x8];
	[sflag:s9] =	ssyncadd.s32 $0xFFFFC000  }
0x85: {  	[tilespmem:s13], [sflag:$0x2] =	stream.indirect.gather [hbm4b:s2+s11], $0x80, s7, s11, $0xb8;
	[tilespmem:$0x1D000] =	vst v63  }
0x86: {  	_ =	swait.ge [sflag:s14], $0x4000  }
0x87: {  	[sflag:s14] =	ssyncset.done $0x0  }
0x88: {  	s8 =	rddreg [dreg:$0x9];
	[sflag:s14] =	ssyncadd.s32 $0xFFFFC000  }
0x89: {  	[spmem:s3] =	stream.indirect.scatter.add.f32 [tilespmem:s12], [sflag:$0x3], $0x80, s8, s11, $0xb8;
	[tilespmem:$0x1D000] =	vst v63  }
0x8a: {  	_ =	swait.ge [sflag:s9], $0x4000  }
0x8b: {  	[sflag:s9] =	ssyncset.done $0x0  }
0x8c: {  	s7 =	rddreg [dreg:$0xa];
	[sflag:s9] =	ssyncadd.s32 $0xFFFFC000  }
0x8d: {  	[tilespmem:s12], [sflag:$0x1] =	stream.indirect.gather [hbm4b:s2+s11], $0x80, s7, s11, $0xb8;
	[tilespmem:$0x1D000] =	vst v63  }
0x8e: {  	_ =	swait.ge [sflag:s15], $0x4000  }
0x8f: {  	[sflag:s15] =	ssyncset.done $0x0  }
0x90: {  	s8 =	rddreg [dreg:$0xb];
	[sflag:s15] =	ssyncadd.s32 $0xFFFFC000  }
0x91: {  	[spmem:s3] =	stream.indirect.scatter.add.f32 [tilespmem:s13], [sflag:$0x3], $0x80, s8, s11, $0xb8;
	[tilespmem:$0x1D000] =	vst v63  }
0x92: {  	_ =	swait.ge [sflag:s9], $0x4000  }
0x93: {  	[sflag:s9] =	ssyncset.done $0x0  }
0x94: {  	s7 =	rddreg [dreg:$0xc];
	[sflag:s9] =	ssyncadd.s32 $0xFFFFC000  }
0x95: {  	[tilespmem:s13], [sflag:$0x2] =	stream.indirect.gather [hbm4b:s2+s11], $0x80, s7, s11, $0xb8;
	[tilespmem:$0x1D000] =	vst v63  }
0x96: {  	_ =	swait.ge [sflag:s14], $0x4000  }
0x97: {  	[sflag:s14] =	ssyncset.done $0x0  }
0x98: {  	s8 =	rddreg [dreg:$0xd];
	[sflag:s14] =	ssyncadd.s32 $0xFFFFC000  }
0x99: {  	[spmem:s3] =	stream.indirect.scatter.add.f32 [tilespmem:s12], [sflag:$0x3], $0x80, s8, s11, $0xb8;
	[tilespmem:$0x1D000] =	vst v63  }
0x9a: {  	_ =	swait.ge [sflag:s9], $0x4000  }
0x9b: {  	[sflag:s9] =	ssyncset.done $0x0  }
0x9c: {  	s7 =	rddreg [dreg:$0xe];
	[sflag:s9] =	ssyncadd.s32 $0xFFFFC000  }
0x9d: {  	[tilespmem:s12], [sflag:$0x1] =	stream.indirect.gather [hbm4b:s2+s11], $0x80, s7, s11, $0xb8;
	[tilespmem:$0x1D000] =	vst v63  }
0x9e: {  	_ =	swait.ge [sflag:s15], $0x4000  }
0x9f: {  	[sflag:s15] =	ssyncset.done $0x0  }
0xa0: {  	s8 =	rddreg [dreg:$0xf];
	[sflag:s15] =	ssyncadd.s32 $0xFFFFC000  }
0xa1: {  	[spmem:s3] =	stream.indirect.scatter.add.f32 [tilespmem:s13], [sflag:$0x3], $0x80, s8, s11, $0xb8;
	[tilespmem:$0x1D000] =	vst v63  }
0xa2: {  	_ =	swait.ge [sflag:s9], $0x4000  }
0xa3: {  	[sflag:s9] =	ssyncset.done $0x0  }
0xa4: {  	s7 =	rddreg [dreg:$0x10];
	[sflag:s9] =	ssyncadd.s32 $0xFFFFC000  }
0xa5: {  	[tilespmem:s13], [sflag:$0x2] =	stream.indirect.gather [hbm4b:s2+s11], $0x80, s7, s11, $0xb8;
	[tilespmem:$0x1D000] =	vst v63  }
0xa6: {  	_ =	swait.ge [sflag:s14], $0x4000  }
0xa7: {  	[sflag:s14] =	ssyncset.done $0x0  }
0xa8: {  	s8 =	rddreg [dreg:$0x11];
	[sflag:s14] =	ssyncadd.s32 $0xFFFFC000  }
0xa9: {  	[spmem:s3] =	stream.indirect.scatter.add.f32 [tilespmem:s12], [sflag:$0x3], $0x80, s8, s11, $0xb8;
	[tilespmem:$0x1D000] =	vst v63  }
0xaa: {  	_ =	swait.ge [sflag:s9], $0x4000  }
0xab: {  	[sflag:s9] =	ssyncset.done $0x0  }
0xac: {  	[sflag:s9] =	ssyncadd.s32 $0xFFFFC000  }
0xad: {  	[tilespmem:s12], [sflag:$0x1] =	stream.indirect.gather [hbm4b:s2+s11], $0x80, s16, s11, $0xb8;
	[tilespmem:$0x1D000] =	vst v63  }
0xae: {  	_ =	swait.ge [sflag:s15], $0x4000  }
0xaf: {  	[sflag:s15] =	ssyncset.done $0x0  }
0xb0: {  	[sflag:s15] =	ssyncadd.s32 $0xFFFFC000  }
0xb1: {  	[spmem:s3] =	stream.indirect.scatter.add.f32 [tilespmem:s13], [sflag:$0x3], $0x80, s17, s11, $0xb8;
	[tilespmem:$0x1D000] =	vst v63  }
0xb2: {  	_ =	swait.ge [sflag:s9], $0x4000  }
0xb3: {  	[sflag:s9] =	ssyncset.done $0x0  }
0xb4: {  	[sflag:s9] =	ssyncadd.s32 $0xFFFFC000  }
0xb5: {  	[tilespmem:s13], [sflag:$0x2] =	stream.indirect.gather [hbm4b:s2+s11], $0x80, s18, s11, $0xb8;
	[tilespmem:$0x1D000] =	vst v63  }
0xb6: {  	_ =	swait.ge [sflag:s14], $0x4000  }
0xb7: {  	[sflag:s14] =	ssyncset.done $0x0  }
0xb8: {  	[sflag:s14] =	ssyncadd.s32 $0xFFFFC000  }
0xb9: {  	[spmem:s3] =	stream.indirect.scatter.add.f32 [tilespmem:s12], [sflag:$0x3], $0x80, s19, s11, $0xb8;
	[tilespmem:$0x1D000] =	vst v63  }
0xba: {  	_ =	swait.ge [sflag:s9], $0x4000  }
0xbb: {  	[sflag:s9] =	ssyncset.done $0x0  }
0xbc: {  	[sflag:s9] =	ssyncadd.s32 $0xFFFFC000  }
0xbd: {  	[tilespmem:s12], [sflag:$0x1] =	stream.indirect.gather [hbm4b:s2+s11], $0x80, s20, s11, $0xb8;
	[tilespmem:$0x1D000] =	vst v63  }
0xbe: {  	_ =	swait.ge [sflag:s15], $0x4000  }
0xbf: {  	[sflag:s15] =	ssyncset.done $0x0  }
0xc0: {  	[sflag:s15] =	ssyncadd.s32 $0xFFFFC000  }
0xc1: {  	[spmem:s3] =	stream.indirect.scatter.add.f32 [tilespmem:s13], [sflag:$0x3], $0x80, s21, s11, $0xb8;
	[tilespmem:$0x1D000] =	vst v63  }
0xc2: {  	_ =	swait.ge [sflag:s9], $0x4000  }
0xc3: {  	[sflag:s9] =	ssyncset.done $0x0  }
0xc4: {  	[sflag:s9] =	ssyncadd.s32 $0xFFFFC000  }
0xc5: {  	[tilespmem:s13], [sflag:$0x2] =	stream.indirect.gather [hbm4b:s2+s11], $0x80, s22, s11, $0xb8;
	[tilespmem:$0x1D000] =	vst v63  }
0xc6: {  	_ =	swait.ge [sflag:s14], $0x4000  }
0xc7: {  	[sflag:s14] =	ssyncset.done $0x0  }
0xc8: {  	[sflag:s14] =	ssyncadd.s32 $0xFFFFC000  }
0xc9: {  	[spmem:s3] =	stream.indirect.scatter.add.f32 [tilespmem:s12], [sflag:$0x3], $0x80, s23, s11, $0xb8;
	[tilespmem:$0x1D000] =	vst v63  }
0xca: {  	_ =	swait.ge [sflag:s9], $0x4000  }
0xcb: {  	[sflag:s9] =	ssyncset.done $0x0  }
0xcc: {  	[sflag:s9] =	ssyncadd.s32 $0xFFFFC000  }
0xcd: {  	[tilespmem:s12], [sflag:$0x1] =	stream.indirect.gather [hbm4b:s2+s11], $0x80, s24, s11, $0xb8;
	[tilespmem:$0x1D000] =	vst v63  }
0xce: {  	_ =	swait.ge [sflag:s15], $0x4000  }
0xcf: {  	[sflag:s15] =	ssyncset.done $0x0  }
0xd0: {  	[sflag:s15] =	ssyncadd.s32 $0xFFFFC000  }
0xd1: {  	[spmem:s3] =	stream.indirect.scatter.add.f32 [tilespmem:s13], [sflag:$0x3], $0x80, s25, s11, $0xb8;
	[tilespmem:$0x1D000] =	vst v63  }
0xd2: {  	_ =	swait.ge [sflag:s9], $0x4000  }
0xd3: {  	[sflag:s9] =	ssyncset.done $0x0  }
0xd4: {  	[sflag:s9] =	ssyncadd.s32 $0xFFFFC000  }
0xd5: {  	[tilespmem:s13], [sflag:$0x2] =	stream.indirect.gather [hbm4b:s2+s11], $0x80, s26, s11, $0xb8;
	[tilespmem:$0x1D000] =	vst v63  }
0xd6: {  	_ =	swait.ge [sflag:s14], $0x4000  }
0xd7: {  	[sflag:s14] =	ssyncset.done $0x0  }
0xd8: {  	[sflag:s14] =	ssyncadd.s32 $0xFFFFC000  }
0xd9: {  	[spmem:s3] =	stream.indirect.scatter.add.f32 [tilespmem:s12], [sflag:$0x3], $0x80, s28, s11, $0xb8;
	[tilespmem:$0x1D000] =	vst v63  }
0xda: {  	_ =	swait.ge [sflag:s9], $0x4000  }
0xdb: {  	[sflag:s9] =	ssyncset.done $0x0  }
0xdc: {  	[sflag:s9] =	ssyncadd.s32 $0xFFFFC000  }
0xdd: {  	[tilespmem:s12], [sflag:$0x1] =	stream.indirect.gather [hbm4b:s2+s11], $0x80, s29, s11, $0xb8;
	[tilespmem:$0x1D000] =	vst v63  }
0xde: {  	_ =	swait.ge [sflag:s15], $0x4000  }
0xdf: {  	[sflag:s15] =	ssyncset.done $0x0  }
0xe0: {  	[sflag:s15] =	ssyncadd.s32 $0xFFFFC000  }
0xe1: {  	[spmem:s3] =	stream.indirect.scatter.add.f32 [tilespmem:s13], [sflag:$0x3], $0x80, s30, s11, $0xb8;
	[tilespmem:$0x1D000] =	vst v63  }
0xe2: {  	_ =	swait.ge [sflag:s9], $0x4000  }
0xe3: {  	[sflag:s9] =	ssyncset.done $0x0  }
0xe4: {  	[sflag:s9] =	ssyncadd.s32 $0xFFFFC000  }
0xe5: {  	[tilespmem:s13], [sflag:$0x2] =	stream.indirect.gather [hbm4b:s2+s11], $0x80, s31, s11, $0xb8;
	[tilespmem:$0x1D000] =	vst v63  }
0xe6: {  	_ =	swait.ge [sflag:s14], $0x4000  }
0xe7: {  	[sflag:s14] =	ssyncset.done $0x0  }
0xe8: {  	[sflag:s14] =	ssyncadd.s32 $0xFFFFC000  }
0xe9: {  	[spmem:s3] =	stream.indirect.scatter.add.f32 [tilespmem:s12], [sflag:$0x3], $0x80, s1, s11, $0xb8;
	[tilespmem:$0x1D000] =	vst v63  }
0xea: {  	_ =	swait.ge [sflag:s9], $0x4000  }
0xeb: {  	[sflag:s9] =	ssyncset.done $0x0  }
0xec: {  	[sflag:s9] =	ssyncadd.s32 $0xFFFFC000  }
0xed: {  	_ =	swait.ge [sflag:s15], $0x4000  }
0xee: {  	[sflag:s15] =	ssyncset.done $0x0  }
0xef: {  	[sflag:s15] =	ssyncadd.s32 $0xFFFFC000  }
0xf0: {  	[spmem:s3] =	stream.indirect.scatter.add.f32 [tilespmem:s13], [sflag:$0x3], $0x80, s0, s11, $0xb8;
	[tilespmem:$0x1D000] =	vst v63  }
0xf1: {  	s6 =	simm.s32 $0x200;
	_ =	swait.ge [sflag:s9], $0x4000  }
0xf2: {  	s7 =	simm.s32 $0x100;
	s8 =	rddreg [dreg:$0x4];
	[sflag:s9] =	ssyncset.done $0x0  }
.LBB2_4:
0xf3: {  	[sflag:s9] =	ssyncadd.s32 $0xFFFFC000;
	s8 =	sadd.s32 s7, s8  }
0xf4: {  	[tilespmem:s4], [sflag:$0x3] =	stream.linear.gather [hbm4b:s8+s4], $0x800, $0x38;
	[tilespmem:$0x1D000] =	vst v63  }
0xf5: {  	_ =	swait.ge [sflag:s9], $0x800  }
0xf6: {  	s8 =	rddreg [dreg:$0x5];
	[sflag:s9] =	ssyncset.done $0x0  }
0xf7: {  	[sflag:s9] =	ssyncadd.s32 $0xFFFFF800;
	s8 =	sadd.s32 s7, s8  }
0xf8: {  	[tilespmem:s10], [sflag:$0x3] =	stream.linear.gather [hbm4b:s8+s4], $0x800, $0x38;
	[tilespmem:$0x1D000] =	vst v63  }
0xf9: {  	_ =	swait.ge [sflag:s9], $0x800  }
0xfa: {  	[sflag:s9] =	ssyncset.done $0x0  }
0xfb: {  	[sflag:s9] =	ssyncadd.s32 $0xFFFFF800  }
0xfc: {  	[tilespmem:s12], [sflag:$0x1] =	stream.indirect.gather [hbm4b:s2+s11], $0x80, s4, s11, $0xb8;
	[tilespmem:$0x1D000] =	vst v63  }
0xfd: {  	_ = 	snop  }
0xfe: {  	[tilespmem:s13], [sflag:$0x2] =	stream.indirect.gather [hbm4b:s2+s11], $0x80, s11, s11, $0xb8;
	[tilespmem:$0x1D000] =	vst v63  }
0xff: {  	_ =	swait.ge [sflag:s14], $0x4000  }
0x100: {  	[sflag:s14] =	ssyncset.done $0x0  }
0x101: {  	[sflag:s14] =	ssyncadd.s32 $0xFFFFC000  }
0x102: {  	[spmem:s3] =	stream.indirect.scatter.add.f32 [tilespmem:s12], [sflag:$0x3], $0x80, s10, s11, $0xb8;
	[tilespmem:$0x1D000] =	vst v63  }
0x103: {  	_ =	swait.ge [sflag:s9], $0x4000  }
0x104: {  	[sflag:s9] =	ssyncset.done $0x0  }
0x105: {  	s8 =	rddreg [dreg:$0x6];
	[sflag:s9] =	ssyncadd.s32 $0xFFFFC000  }
0x106: {  	[tilespmem:s12], [sflag:$0x1] =	stream.indirect.gather [hbm4b:s2+s11], $0x80, s8, s11, $0xb8;
	[tilespmem:$0x1D000] =	vst v63  }
0x107: {  	_ =	swait.ge [sflag:s15], $0x4000  }
0x108: {  	[sflag:s15] =	ssyncset.done $0x0  }
0x109: {  	s8 =	rddreg [dreg:$0x7];
	[sflag:s15] =	ssyncadd.s32 $0xFFFFC000  }
0x10a: {  	[spmem:s3] =	stream.indirect.scatter.add.f32 [tilespmem:s13], [sflag:$0x3], $0x80, s8, s11, $0xb8;
	[tilespmem:$0x1D000] =	vst v63  }
0x10b: {  	_ =	swait.ge [sflag:s9], $0x4000  }
0x10c: {  	[sflag:s9] =	ssyncset.done $0x0  }
0x10d: {  	s8 =	rddreg [dreg:$0x8];
	[sflag:s9] =	ssyncadd.s32 $0xFFFFC000  }
0x10e: {  	[tilespmem:s13], [sflag:$0x2] =	stream.indirect.gather [hbm4b:s2+s11], $0x80, s8, s11, $0xb8;
	[tilespmem:$0x1D000] =	vst v63  }
0x10f: {  	_ =	swait.ge [sflag:s14], $0x4000  }
0x110: {  	[sflag:s14] =	ssyncset.done $0x0  }
0x111: {  	s8 =	rddreg [dreg:$0x9];
	[sflag:s14] =	ssyncadd.s32 $0xFFFFC000  }
0x112: {  	[spmem:s3] =	stream.indirect.scatter.add.f32 [tilespmem:s12], [sflag:$0x3], $0x80, s8, s11, $0xb8;
	[tilespmem:$0x1D000] =	vst v63  }
0x113: {  	_ =	swait.ge [sflag:s9], $0x4000  }
0x114: {  	[sflag:s9] =	ssyncset.done $0x0  }
0x115: {  	s8 =	rddreg [dreg:$0xa];
	[sflag:s9] =	ssyncadd.s32 $0xFFFFC000  }
0x116: {  	[tilespmem:s12], [sflag:$0x1] =	stream.indirect.gather [hbm4b:s2+s11], $0x80, s8, s11, $0xb8;
	[tilespmem:$0x1D000] =	vst v63  }
0x117: {  	_ =	swait.ge [sflag:s15], $0x4000  }
0x118: {  	[sflag:s15] =	ssyncset.done $0x0  }
0x119: {  	s8 =	rddreg [dreg:$0xb];
	[sflag:s15] =	ssyncadd.s32 $0xFFFFC000  }
0x11a: {  	[spmem:s3] =	stream.indirect.scatter.add.f32 [tilespmem:s13], [sflag:$0x3], $0x80, s8, s11, $0xb8;
	[tilespmem:$0x1D000] =	vst v63  }
0x11b: {  	_ =	swait.ge [sflag:s9], $0x4000  }
0x11c: {  	[sflag:s9] =	ssyncset.done $0x0  }
0x11d: {  	s8 =	rddreg [dreg:$0xc];
	[sflag:s9] =	ssyncadd.s32 $0xFFFFC000  }
0x11e: {  	[tilespmem:s13], [sflag:$0x2] =	stream.indirect.gather [hbm4b:s2+s11], $0x80, s8, s11, $0xb8;
	[tilespmem:$0x1D000] =	vst v63  }
0x11f: {  	_ =	swait.ge [sflag:s14], $0x4000  }
0x120: {  	[sflag:s14] =	ssyncset.done $0x0  }
0x121: {  	s8 =	rddreg [dreg:$0xd];
	[sflag:s14] =	ssyncadd.s32 $0xFFFFC000  }
0x122: {  	[spmem:s3] =	stream.indirect.scatter.add.f32 [tilespmem:s12], [sflag:$0x3], $0x80, s8, s11, $0xb8;
	[tilespmem:$0x1D000] =	vst v63  }
0x123: {  	_ =	swait.ge [sflag:s9], $0x4000  }
0x124: {  	[sflag:s9] =	ssyncset.done $0x0  }
0x125: {  	s8 =	rddreg [dreg:$0xe];
	[sflag:s9] =	ssyncadd.s32 $0xFFFFC000  }
0x126: {  	[tilespmem:s12], [sflag:$0x1] =	stream.indirect.gather [hbm4b:s2+s11], $0x80, s8, s11, $0xb8;
	[tilespmem:$0x1D000] =	vst v63  }
0x127: {  	_ =	swait.ge [sflag:s15], $0x4000  }
0x128: {  	[sflag:s15] =	ssyncset.done $0x0  }
0x129: {  	s8 =	rddreg [dreg:$0xf];
	[sflag:s15] =	ssyncadd.s32 $0xFFFFC000  }
0x12a: {  	[spmem:s3] =	stream.indirect.scatter.add.f32 [tilespmem:s13], [sflag:$0x3], $0x80, s8, s11, $0xb8;
	[tilespmem:$0x1D000] =	vst v63  }
0x12b: {  	_ =	swait.ge [sflag:s9], $0x4000  }
0x12c: {  	[sflag:s9] =	ssyncset.done $0x0  }
0x12d: {  	s8 =	rddreg [dreg:$0x10];
	[sflag:s9] =	ssyncadd.s32 $0xFFFFC000  }
0x12e: {  	[tilespmem:s13], [sflag:$0x2] =	stream.indirect.gather [hbm4b:s2+s11], $0x80, s8, s11, $0xb8;
	[tilespmem:$0x1D000] =	vst v63  }
0x12f: {  	_ =	swait.ge [sflag:s14], $0x4000  }
0x130: {  	[sflag:s14] =	ssyncset.done $0x0  }
0x131: {  	s8 =	rddreg [dreg:$0x11];
	[sflag:s14] =	ssyncadd.s32 $0xFFFFC000  }
0x132: {  	[spmem:s3] =	stream.indirect.scatter.add.f32 [tilespmem:s12], [sflag:$0x3], $0x80, s8, s11, $0xb8;
	[tilespmem:$0x1D000] =	vst v63  }
0x133: {  	_ =	swait.ge [sflag:s9], $0x4000  }
0x134: {  	s16 =	smov.u32 s6;
	[sflag:s9] =	ssyncset.done $0x0  }
0x135: {  	s7 =	smov.u32 s16;
	s16 =	simm.s32 $0x400;
	[sflag:s9] =	ssyncadd.s32 $0xFFFFC000  }
0x136: {  	[tilespmem:s12], [sflag:$0x1] =	stream.indirect.gather [hbm4b:s2+s11], $0x80, s16, s11, $0xb8;
	[tilespmem:$0x1D000] =	vst v63  }
0x137: {  	_ =	swait.ge [sflag:s15], $0x4000  }
0x138: {  	[sflag:s15] =	ssyncset.done $0x0  }
0x139: {  	[sflag:s15] =	ssyncadd.s32 $0xFFFFC000  }
0x13a: {  	[spmem:s3] =	stream.indirect.scatter.add.f32 [tilespmem:s13], [sflag:$0x3], $0x80, s17, s11, $0xb8;
	[tilespmem:$0x1D000] =	vst v63  }
0x13b: {  	_ =	swait.ge [sflag:s9], $0x4000  }
0x13c: {  	[sflag:s9] =	ssyncset.done $0x0  }
0x13d: {  	[sflag:s9] =	ssyncadd.s32 $0xFFFFC000  }
0x13e: {  	[tilespmem:s13], [sflag:$0x2] =	stream.indirect.gather [hbm4b:s2+s11], $0x80, s18, s11, $0xb8;
	[tilespmem:$0x1D000] =	vst v63  }
0x13f: {  	_ =	swait.ge [sflag:s14], $0x4000  }
0x140: {  	[sflag:s14] =	ssyncset.done $0x0  }
0x141: {  	[sflag:s14] =	ssyncadd.s32 $0xFFFFC000  }
0x142: {  	[spmem:s3] =	stream.indirect.scatter.add.f32 [tilespmem:s12], [sflag:$0x3], $0x80, s19, s11, $0xb8;
	[tilespmem:$0x1D000] =	vst v63  }
0x143: {  	_ =	swait.ge [sflag:s9], $0x4000  }
0x144: {  	[sflag:s9] =	ssyncset.done $0x0  }
0x145: {  	[sflag:s9] =	ssyncadd.s32 $0xFFFFC000  }
0x146: {  	[tilespmem:s12], [sflag:$0x1] =	stream.indirect.gather [hbm4b:s2+s11], $0x80, s20, s11, $0xb8;
	[tilespmem:$0x1D000] =	vst v63  }
0x147: {  	_ =	swait.ge [sflag:s15], $0x4000  }
0x148: {  	[sflag:s15] =	ssyncset.done $0x0  }
0x149: {  	[sflag:s15] =	ssyncadd.s32 $0xFFFFC000  }
0x14a: {  	[spmem:s3] =	stream.indirect.scatter.add.f32 [tilespmem:s13], [sflag:$0x3], $0x80, s21, s11, $0xb8;
	[tilespmem:$0x1D000] =	vst v63  }
0x14b: {  	_ =	swait.ge [sflag:s9], $0x4000  }
0x14c: {  	[sflag:s9] =	ssyncset.done $0x0  }
0x14d: {  	[sflag:s9] =	ssyncadd.s32 $0xFFFFC000  }
0x14e: {  	[tilespmem:s13], [sflag:$0x2] =	stream.indirect.gather [hbm4b:s2+s11], $0x80, s22, s11, $0xb8;
	[tilespmem:$0x1D000] =	vst v63  }
0x14f: {  	_ =	swait.ge [sflag:s14], $0x4000  }
0x150: {  	[sflag:s14] =	ssyncset.done $0x0  }
0x151: {  	[sflag:s14] =	ssyncadd.s32 $0xFFFFC000  }
0x152: {  	[spmem:s3] =	stream.indirect.scatter.add.f32 [tilespmem:s12], [sflag:$0x3], $0x80, s23, s11, $0xb8;
	[tilespmem:$0x1D000] =	vst v63  }
0x153: {  	_ =	swait.ge [sflag:s9], $0x4000  }
0x154: {  	[sflag:s9] =	ssyncset.done $0x0  }
0x155: {  	[sflag:s9] =	ssyncadd.s32 $0xFFFFC000  }
0x156: {  	[tilespmem:s12], [sflag:$0x1] =	stream.indirect.gather [hbm4b:s2+s11], $0x80, s24, s11, $0xb8;
	[tilespmem:$0x1D000] =	vst v63  }
0x157: {  	_ =	swait.ge [sflag:s15], $0x4000  }
0x158: {  	[sflag:s15] =	ssyncset.done $0x0  }
0x159: {  	[sflag:s15] =	ssyncadd.s32 $0xFFFFC000  }
0x15a: {  	[spmem:s3] =	stream.indirect.scatter.add.f32 [tilespmem:s13], [sflag:$0x3], $0x80, s25, s11, $0xb8;
	[tilespmem:$0x1D000] =	vst v63  }
0x15b: {  	_ =	swait.ge [sflag:s9], $0x4000  }
0x15c: {  	[sflag:s9] =	ssyncset.done $0x0  }
0x15d: {  	[sflag:s9] =	ssyncadd.s32 $0xFFFFC000  }
0x15e: {  	[tilespmem:s13], [sflag:$0x2] =	stream.indirect.gather [hbm4b:s2+s11], $0x80, s26, s11, $0xb8;
	[tilespmem:$0x1D000] =	vst v63  }
0x15f: {  	_ =	swait.ge [sflag:s14], $0x4000  }
0x160: {  	[sflag:s14] =	ssyncset.done $0x0  }
0x161: {  	[sflag:s14] =	ssyncadd.s32 $0xFFFFC000  }
0x162: {  	[spmem:s3] =	stream.indirect.scatter.add.f32 [tilespmem:s12], [sflag:$0x3], $0x80, s28, s11, $0xb8;
	[tilespmem:$0x1D000] =	vst v63  }
0x163: {  	_ =	swait.ge [sflag:s9], $0x4000  }
0x164: {  	[sflag:s9] =	ssyncset.done $0x0  }
0x165: {  	[sflag:s9] =	ssyncadd.s32 $0xFFFFC000  }
0x166: {  	[tilespmem:s12], [sflag:$0x1] =	stream.indirect.gather [hbm4b:s2+s11], $0x80, s29, s11, $0xb8;
	[tilespmem:$0x1D000] =	vst v63  }
0x167: {  	_ =	swait.ge [sflag:s15], $0x4000  }
0x168: {  	[sflag:s15] =	ssyncset.done $0x0  }
0x169: {  	[sflag:s15] =	ssyncadd.s32 $0xFFFFC000  }
0x16a: {  	[spmem:s3] =	stream.indirect.scatter.add.f32 [tilespmem:s13], [sflag:$0x3], $0x80, s30, s11, $0xb8;
	[tilespmem:$0x1D000] =	vst v63  }
0x16b: {  	_ =	swait.ge [sflag:s9], $0x4000  }
0x16c: {  	[sflag:s9] =	ssyncset.done $0x0  }
0x16d: {  	[sflag:s9] =	ssyncadd.s32 $0xFFFFC000  }
0x16e: {  	[tilespmem:s13], [sflag:$0x2] =	stream.indirect.gather [hbm4b:s2+s11], $0x80, s31, s11, $0xb8;
	[tilespmem:$0x1D000] =	vst v63  }
0x16f: {  	_ =	swait.ge [sflag:s14], $0x4000  }
0x170: {  	[sflag:s14] =	ssyncset.done $0x0  }
0x171: {  	[sflag:s14] =	ssyncadd.s32 $0xFFFFC000  }
0x172: {  	[spmem:s3] =	stream.indirect.scatter.add.f32 [tilespmem:s12], [sflag:$0x3], $0x80, s1, s11, $0xb8;
	[tilespmem:$0x1D000] =	vst v63  }
0x173: {  	_ =	swait.ge [sflag:s9], $0x4000  }
0x174: {  	[sflag:s9] =	ssyncset.done $0x0  }
0x175: {  	[sflag:s9] =	ssyncadd.s32 $0xFFFFC000  }
0x176: {  	p0 =	sne.s32 s6, $0x400;
	_ =	swait.ge [sflag:s15], $0x4000  }
.Ltmp1:
0x177: {  	[sflag:s15] =	ssyncset.done $0x0;
	(pc) =	sbr.rel @p0 .LBB2_4-.Ltmp1, $4  }
0x178: {  	[sflag:s15] =	ssyncadd.s32 $0xFFFFC000  }
0x179: {  	[spmem:s3] =	stream.indirect.scatter.add.f32 [tilespmem:s13], [sflag:$0x3], $0x80, s0, s11, $0xb8;
	[tilespmem:$0x1D000] =	vst v63  }
0x17a: {  	_ =	swait.ge [sflag:s9], $0x4000  }
0x17b: {  	s6 =	sadd.s32 $0x100, s6;
	s8 =	rddreg [dreg:$0x4];
	[sflag:s9] =	ssyncset.done $0x0  }
0x17c: {  	[sflag:s9] =	ssyncadd.s32 $0xFFFFC000;
	s6 =	sadd.s32 s7, s8  }
0x17d: {  	[tilespmem:s4], [sflag:$0x3] =	stream.linear.gather [hbm4b:s6+s4], $0x800, $0x38;
	[tilespmem:$0x1D000] =	vst v63  }
0x17e: {  	_ =	swait.ge [sflag:s9], $0x800  }
0x17f: {  	s8 =	rddreg [dreg:$0x5];
	[sflag:s9] =	ssyncset.done $0x0  }
0x180: {  	[sflag:s9] =	ssyncadd.s32 $0xFFFFF800;
	s6 =	sadd.s32 s7, s8  }
0x181: {  	[tilespmem:s10], [sflag:$0x3] =	stream.linear.gather [hbm4b:s6+s4], $0x800, $0x38;
	[tilespmem:$0x1D000] =	vst v63  }
0x182: {  	_ =	swait.ge [sflag:s9], $0x800  }
0x183: {  	[sflag:s9] =	ssyncset.done $0x0  }
0x184: {  	[sflag:s9] =	ssyncadd.s32 $0xFFFFF800  }
0x185: {  	[tilespmem:s12], [sflag:$0x1] =	stream.indirect.gather [hbm4b:s2+s11], $0x80, s4, s11, $0xb8;
	[tilespmem:$0x1D000] =	vst v63  }
0x186: {  	_ = 	snop  }
0x187: {  	[tilespmem:s13], [sflag:$0x2] =	stream.indirect.gather [hbm4b:s2+s11], $0x80, s11, s11, $0xb8;
	[tilespmem:$0x1D000] =	vst v63  }
0x188: {  	_ =	swait.ge [sflag:s14], $0x4000  }
0x189: {  	[sflag:s14] =	ssyncset.done $0x0  }
0x18a: {  	[sflag:s14] =	ssyncadd.s32 $0xFFFFC000  }
0x18b: {  	[spmem:s3] =	stream.indirect.scatter.add.f32 [tilespmem:s12], [sflag:$0x3], $0x80, s10, s11, $0xb8;
	[tilespmem:$0x1D000] =	vst v63  }
0x18c: {  	_ =	swait.ge [sflag:s9], $0x4000  }
0x18d: {  	[sflag:s9] =	ssyncset.done $0x0  }
0x18e: {  	s8 =	rddreg [dreg:$0x6];
	[sflag:s9] =	ssyncadd.s32 $0xFFFFC000  }
0x18f: {  	[tilespmem:s12], [sflag:$0x1] =	stream.indirect.gather [hbm4b:s2+s11], $0x80, s8, s11, $0xb8;
	[tilespmem:$0x1D000] =	vst v63  }
0x190: {  	_ =	swait.ge [sflag:s15], $0x4000  }
0x191: {  	[sflag:s15] =	ssyncset.done $0x0  }
0x192: {  	s7 =	rddreg [dreg:$0x7];
	[sflag:s15] =	ssyncadd.s32 $0xFFFFC000  }
0x193: {  	[spmem:s3] =	stream.indirect.scatter.add.f32 [tilespmem:s13], [sflag:$0x3], $0x80, s7, s11, $0xb8;
	[tilespmem:$0x1D000] =	vst v63  }
0x194: {  	_ =	swait.ge [sflag:s9], $0x4000  }
0x195: {  	[sflag:s9] =	ssyncset.done $0x0  }
0x196: {  	s8 =	rddreg [dreg:$0x8];
	[sflag:s9] =	ssyncadd.s32 $0xFFFFC000  }
0x197: {  	[tilespmem:s13], [sflag:$0x2] =	stream.indirect.gather [hbm4b:s2+s11], $0x80, s8, s11, $0xb8;
	[tilespmem:$0x1D000] =	vst v63  }
0x198: {  	_ =	swait.ge [sflag:s14], $0x4000  }
0x199: {  	[sflag:s14] =	ssyncset.done $0x0  }
0x19a: {  	s7 =	rddreg [dreg:$0x9];
	[sflag:s14] =	ssyncadd.s32 $0xFFFFC000  }
0x19b: {  	[spmem:s3] =	stream.indirect.scatter.add.f32 [tilespmem:s12], [sflag:$0x3], $0x80, s7, s11, $0xb8;
	[tilespmem:$0x1D000] =	vst v63  }
0x19c: {  	_ =	swait.ge [sflag:s9], $0x4000  }
0x19d: {  	[sflag:s9] =	ssyncset.done $0x0  }
0x19e: {  	s8 =	rddreg [dreg:$0xa];
	[sflag:s9] =	ssyncadd.s32 $0xFFFFC000  }
0x19f: {  	[tilespmem:s12], [sflag:$0x1] =	stream.indirect.gather [hbm4b:s2+s11], $0x80, s8, s11, $0xb8;
	[tilespmem:$0x1D000] =	vst v63  }
0x1a0: {  	_ =	swait.ge [sflag:s15], $0x4000  }
0x1a1: {  	[sflag:s15] =	ssyncset.done $0x0  }
0x1a2: {  	s7 =	rddreg [dreg:$0xb];
	[sflag:s15] =	ssyncadd.s32 $0xFFFFC000  }
0x1a3: {  	[spmem:s3] =	stream.indirect.scatter.add.f32 [tilespmem:s13], [sflag:$0x3], $0x80, s7, s11, $0xb8;
	[tilespmem:$0x1D000] =	vst v63  }
0x1a4: {  	_ =	swait.ge [sflag:s9], $0x4000  }
0x1a5: {  	[sflag:s9] =	ssyncset.done $0x0  }
0x1a6: {  	s8 =	rddreg [dreg:$0xc];
	[sflag:s9] =	ssyncadd.s32 $0xFFFFC000  }
0x1a7: {  	[tilespmem:s13], [sflag:$0x2] =	stream.indirect.gather [hbm4b:s2+s11], $0x80, s8, s11, $0xb8;
	[tilespmem:$0x1D000] =	vst v63  }
0x1a8: {  	_ =	swait.ge [sflag:s14], $0x4000  }
0x1a9: {  	[sflag:s14] =	ssyncset.done $0x0  }
0x1aa: {  	s7 =	rddreg [dreg:$0xd];
	[sflag:s14] =	ssyncadd.s32 $0xFFFFC000  }
0x1ab: {  	[spmem:s3] =	stream.indirect.scatter.add.f32 [tilespmem:s12], [sflag:$0x3], $0x80, s7, s11, $0xb8;
	[tilespmem:$0x1D000] =	vst v63  }
0x1ac: {  	_ =	swait.ge [sflag:s9], $0x4000  }
0x1ad: {  	[sflag:s9] =	ssyncset.done $0x0  }
0x1ae: {  	s8 =	rddreg [dreg:$0xe];
	[sflag:s9] =	ssyncadd.s32 $0xFFFFC000  }
0x1af: {  	[tilespmem:s12], [sflag:$0x1] =	stream.indirect.gather [hbm4b:s2+s11], $0x80, s8, s11, $0xb8;
	[tilespmem:$0x1D000] =	vst v63  }
0x1b0: {  	_ =	swait.ge [sflag:s15], $0x4000  }
0x1b1: {  	[sflag:s15] =	ssyncset.done $0x0  }
0x1b2: {  	s7 =	rddreg [dreg:$0xf];
	[sflag:s15] =	ssyncadd.s32 $0xFFFFC000  }
0x1b3: {  	[spmem:s3] =	stream.indirect.scatter.add.f32 [tilespmem:s13], [sflag:$0x3], $0x80, s7, s11, $0xb8;
	[tilespmem:$0x1D000] =	vst v63  }
0x1b4: {  	_ =	swait.ge [sflag:s9], $0x4000  }
0x1b5: {  	[sflag:s9] =	ssyncset.done $0x0  }
0x1b6: {  	s8 =	rddreg [dreg:$0x10];
	[sflag:s9] =	ssyncadd.s32 $0xFFFFC000  }
0x1b7: {  	[tilespmem:s13], [sflag:$0x2] =	stream.indirect.gather [hbm4b:s2+s11], $0x80, s8, s11, $0xb8;
	[tilespmem:$0x1D000] =	vst v63  }
0x1b8: {  	_ =	swait.ge [sflag:s14], $0x4000  }
0x1b9: {  	[sflag:s14] =	ssyncset.done $0x0  }
0x1ba: {  	s7 =	rddreg [dreg:$0x11];
	[sflag:s14] =	ssyncadd.s32 $0xFFFFC000  }
0x1bb: {  	[spmem:s3] =	stream.indirect.scatter.add.f32 [tilespmem:s12], [sflag:$0x3], $0x80, s7, s11, $0xb8;
	[tilespmem:$0x1D000] =	vst v63  }
0x1bc: {  	_ =	swait.ge [sflag:s9], $0x4000  }
0x1bd: {  	[sflag:s9] =	ssyncset.done $0x0  }
0x1be: {  	[sflag:s9] =	ssyncadd.s32 $0xFFFFC000  }
0x1bf: {  	[tilespmem:s12], [sflag:$0x1] =	stream.indirect.gather [hbm4b:s2+s11], $0x80, s16, s11, $0xb8;
	[tilespmem:$0x1D000] =	vst v63  }
0x1c0: {  	_ =	swait.ge [sflag:s15], $0x4000  }
0x1c1: {  	[sflag:s15] =	ssyncset.done $0x0  }
0x1c2: {  	[sflag:s15] =	ssyncadd.s32 $0xFFFFC000  }
0x1c3: {  	[spmem:s3] =	stream.indirect.scatter.add.f32 [tilespmem:s13], [sflag:$0x3], $0x80, s17, s11, $0xb8;
	[tilespmem:$0x1D000] =	vst v63  }
0x1c4: {  	_ =	swait.ge [sflag:s9], $0x4000  }
0x1c5: {  	[sflag:s9] =	ssyncset.done $0x0  }
0x1c6: {  	[sflag:s9] =	ssyncadd.s32 $0xFFFFC000  }
0x1c7: {  	[tilespmem:s13], [sflag:$0x2] =	stream.indirect.gather [hbm4b:s2+s11], $0x80, s18, s11, $0xb8;
	[tilespmem:$0x1D000] =	vst v63  }
0x1c8: {  	_ =	swait.ge [sflag:s14], $0x4000  }
0x1c9: {  	[sflag:s14] =	ssyncset.done $0x0  }
0x1ca: {  	[sflag:s14] =	ssyncadd.s32 $0xFFFFC000  }
0x1cb: {  	[spmem:s3] =	stream.indirect.scatter.add.f32 [tilespmem:s12], [sflag:$0x3], $0x80, s19, s11, $0xb8;
	[tilespmem:$0x1D000] =	vst v63  }
0x1cc: {  	_ =	swait.ge [sflag:s9], $0x4000  }
0x1cd: {  	[sflag:s9] =	ssyncset.done $0x0  }
0x1ce: {  	[sflag:s9] =	ssyncadd.s32 $0xFFFFC000  }
0x1cf: {  	[tilespmem:s12], [sflag:$0x1] =	stream.indirect.gather [hbm4b:s2+s11], $0x80, s20, s11, $0xb8;
	[tilespmem:$0x1D000] =	vst v63  }
0x1d0: {  	_ =	swait.ge [sflag:s15], $0x4000  }
0x1d1: {  	[sflag:s15] =	ssyncset.done $0x0  }
0x1d2: {  	[sflag:s15] =	ssyncadd.s32 $0xFFFFC000  }
0x1d3: {  	[spmem:s3] =	stream.indirect.scatter.add.f32 [tilespmem:s13], [sflag:$0x3], $0x80, s21, s11, $0xb8;
	[tilespmem:$0x1D000] =	vst v63  }
0x1d4: {  	_ =	swait.ge [sflag:s9], $0x4000  }
0x1d5: {  	[sflag:s9] =	ssyncset.done $0x0  }
0x1d6: {  	[sflag:s9] =	ssyncadd.s32 $0xFFFFC000  }
0x1d7: {  	[tilespmem:s13], [sflag:$0x2] =	stream.indirect.gather [hbm4b:s2+s11], $0x80, s22, s11, $0xb8;
	[tilespmem:$0x1D000] =	vst v63  }
0x1d8: {  	_ =	swait.ge [sflag:s14], $0x4000  }
0x1d9: {  	[sflag:s14] =	ssyncset.done $0x0  }
0x1da: {  	[sflag:s14] =	ssyncadd.s32 $0xFFFFC000  }
0x1db: {  	[spmem:s3] =	stream.indirect.scatter.add.f32 [tilespmem:s12], [sflag:$0x3], $0x80, s23, s11, $0xb8;
	[tilespmem:$0x1D000] =	vst v63  }
0x1dc: {  	_ =	swait.ge [sflag:s9], $0x4000  }
0x1dd: {  	[sflag:s9] =	ssyncset.done $0x0  }
0x1de: {  	[sflag:s9] =	ssyncadd.s32 $0xFFFFC000  }
0x1df: {  	[tilespmem:s12], [sflag:$0x1] =	stream.indirect.gather [hbm4b:s2+s11], $0x80, s24, s11, $0xb8;
	[tilespmem:$0x1D000] =	vst v63  }
0x1e0: {  	_ =	swait.ge [sflag:s15], $0x4000  }
0x1e1: {  	[sflag:s15] =	ssyncset.done $0x0  }
0x1e2: {  	[sflag:s15] =	ssyncadd.s32 $0xFFFFC000  }
0x1e3: {  	[spmem:s3] =	stream.indirect.scatter.add.f32 [tilespmem:s13], [sflag:$0x3], $0x80, s25, s11, $0xb8;
	[tilespmem:$0x1D000] =	vst v63  }
0x1e4: {  	_ =	swait.ge [sflag:s9], $0x4000  }
0x1e5: {  	[sflag:s9] =	ssyncset.done $0x0  }
0x1e6: {  	[sflag:s9] =	ssyncadd.s32 $0xFFFFC000  }
0x1e7: {  	[tilespmem:s13], [sflag:$0x2] =	stream.indirect.gather [hbm4b:s2+s11], $0x80, s26, s11, $0xb8;
	[tilespmem:$0x1D000] =	vst v63  }
0x1e8: {  	_ =	swait.ge [sflag:s14], $0x4000  }
0x1e9: {  	[sflag:s14] =	ssyncset.done $0x0  }
0x1ea: {  	[sflag:s14] =	ssyncadd.s32 $0xFFFFC000  }
0x1eb: {  	[spmem:s3] =	stream.indirect.scatter.add.f32 [tilespmem:s12], [sflag:$0x3], $0x80, s28, s11, $0xb8;
	[tilespmem:$0x1D000] =	vst v63  }
0x1ec: {  	_ =	swait.ge [sflag:s9], $0x4000  }
0x1ed: {  	[sflag:s9] =	ssyncset.done $0x0  }
0x1ee: {  	[sflag:s9] =	ssyncadd.s32 $0xFFFFC000  }
0x1ef: {  	[tilespmem:s12], [sflag:$0x1] =	stream.indirect.gather [hbm4b:s2+s11], $0x80, s29, s11, $0xb8;
	[tilespmem:$0x1D000] =	vst v63  }
0x1f0: {  	_ =	swait.ge [sflag:s15], $0x4000  }
0x1f1: {  	[sflag:s15] =	ssyncset.done $0x0  }
0x1f2: {  	[sflag:s15] =	ssyncadd.s32 $0xFFFFC000  }
0x1f3: {  	[spmem:s3] =	stream.indirect.scatter.add.f32 [tilespmem:s13], [sflag:$0x3], $0x80, s30, s11, $0xb8;
	[tilespmem:$0x1D000] =	vst v63  }
0x1f4: {  	_ =	swait.ge [sflag:s9], $0x4000  }
0x1f5: {  	[sflag:s9] =	ssyncset.done $0x0  }
0x1f6: {  	[sflag:s9] =	ssyncadd.s32 $0xFFFFC000  }
0x1f7: {  	[tilespmem:s13], [sflag:$0x2] =	stream.indirect.gather [hbm4b:s2+s11], $0x80, s31, s11, $0xb8;
	[tilespmem:$0x1D000] =	vst v63  }
0x1f8: {  	_ =	swait.ge [sflag:s14], $0x4000  }
0x1f9: {  	[sflag:s14] =	ssyncset.done $0x0  }
0x1fa: {  	[sflag:s14] =	ssyncadd.s32 $0xFFFFC000  }
0x1fb: {  	[spmem:s3] =	stream.indirect.scatter.add.f32 [tilespmem:s12], [sflag:$0x3], $0x80, s1, s11, $0xb8;
	[tilespmem:$0x1D000] =	vst v63  }
0x1fc: {  	_ =	swait.ge [sflag:s9], $0x4000  }
0x1fd: {  	[sflag:s9] =	ssyncset.done $0x0  }
0x1fe: {  	[sflag:s9] =	ssyncadd.s32 $0xFFFFC000  }
0x1ff: {  	_ =	swait.ge [sflag:s15], $0x4000  }
0x200: {  	[sflag:s15] =	ssyncset.done $0x0  }
0x201: {  	[sflag:s15] =	ssyncadd.s32 $0xFFFFC000  }
0x202: {  	[spmem:s3] =	stream.indirect.scatter.add.f32 [tilespmem:s13], [sflag:$0x3], $0x80, s0, s11, $0xb8;
	[tilespmem:$0x1D000] =	vst v63  }
0x203: {  	_ =	swait.ge [sflag:s9], $0x4000  }
0x204: {  	[sflag:s9] =	ssyncset.done $0x0  }
0x205: {  	s8 =	stileid.u32;
	[sflag:s9] =	ssyncadd.s32 $0xFFFFC000  }
0x206: {  	s6 =	sshll.u32 s8, $0x6;
	[bflag:$0x0] =	sbarrier.arrive $0xFFFF  }
0x207: {  	s6 =	sor.u32 $0x1C03, s6;
	s7 =	sshrl.u32 s5, $0x3;
	s8 =	rddreg [dreg:$0x12]  }
0x208: {  	[hbm:s8], [sflag:s6] =	dma.local [spmem:s7], $0x2780  }
0x209: {  	_ =	swait.ge [sflag:s9], $0x2780  }
0x20a: {  	s6 =	rddreg [dreg:$0x14]  }
0x20b: {  	s8 =	rddreg [dreg:$0x13];
	s7 =	sadd.s32 $0x1, s6  }
0x20c: {  	p0 =	sne.s32 s7, s8  }
.Ltmp2:
0x20d: {  	_ = 	snop;
	(pc) =	sbr.rel @p0 .LBB2_1-.Ltmp2, $3  }
0x20e: {  	_ =	sdelay $0x1  }
0x20f: {  	[sflag:s9] =	ssyncset.done $0x0  }
0x210: {  	[sflag:s9] =	ssyncadd.s32 $0xFFFFD880;
	s8 =	simm.s32 $0x9000  }
0x211: {  	_ =	sfence.sel $0x180000  }
0x212: {  	[bflag:$0x0] =	sbarrier.arrive $0xFFFF  }
0x213: {  	_ =	strace $0x9000004A  }
0x214: {  	s0 =	stileid.u32;
	[bflag:$0x2] =	sbarrier.arrive $0xFFFF  }
0x215: {  	p0 =	sne.s32 s0, $0x0;
	s0 =	rddreg [dreg:$0x3]  }
0x216: {  	s0 =	sadd.s32 @!p0 $0x100000, s0  }
0x217: {  	[sflag:s0] =	ssyncadd.tile.s32 @!p0 $0x1;
	_ =	shalt  }
.Lfunc_end2:
_tile_overlayer_lowered:
.L_overlay_start_2:
0x218: {  	(tag) =	ssettag $0x2  }
0x219: {  	s0 =	rddreg [dreg:$0x0];
	s2 =	stileid.u32  }
0x21a: {  	s1 =	rddreg [dreg:$0x1];
	p0 =	sne.s32 s2, $0x0  }
0x21b: {  	s3 =	rddreg [dreg:$0x2];
	[bflag:$0x3] =	sbarrier.arrive $0xFFFF;
	s2 =	simm.s32 @!p0 $0x1C03  }
0x21c: {  	[timem:s3], [sflag:s2] =	dma.local @!p0 [hbm:s0], s1  }
0x21d: {  	s0 =	simm.s32 @!p0 $0x3  }
0x21e: {  	_ =	swait.ge @!p0 [sflag:s0], s1  }
0x21f: {  	s1 =	ssub.s32 @!p0 $0x0, s1;
	[sflag:s0] =	ssyncset.done @!p0 $0x0  }
0x220: {  	[sflag:s0] =	ssyncadd.s32 @!p0 s1  }
0x221: {  	[bflag:$0x3] =	sbarrier.arrive $0xFFFF  }
0x222: {  	_ =	shalt  }

// kernel: kernel.15.cloned.1.call-start
scs
__scs_entry_jumppad:
0x0: {  	(pc) =	sbr.rel $0x88, $3  }
0x1: {  	(tag) =	ssettag $0x0;
	lr =	simm.s32 $0x1  }
0x2: {  	[smem:$0x3F9B] =	sst lr;
	_ =	strace $0xD0000000  }
0x3: {  	_ = 	snop  }
0x4: {  	_ = 	snop  }
0x5: {  	_ = 	snop  }
0x6: {  	_ = 	snop  }
0x7: {  	_ = 	snop  }
__scs_overlays_trampoline_lowered:
0x8: {  	[smem:$0x3FAA] =	sst s0  }
0x9: {  	[smem:$0x3FAB] =	sst s1  }
0xa: {  	[smem:$0x3FAC] =	sst s2  }
0xb: {  	[smem:$0x3FAD] =	sst s3  }
0xc: {  	[smem:$0x3FAE] =	sst s4  }
0xd: {  	[smem:$0x3FAF] =	sst s5  }
0xe: {  	[smem:$0x3FB0] =	sst s6  }
0xf: {  	[smem:$0x3FB1] =	sst s7  }
0x10: {  	[smem:$0x3FB2] =	sst s8  }
0x11: {  	[smem:$0x3FB3] =	sst s9;
	s0 =	simm.s32 @!p0 $0x0  }
0x12: {  	s1 =	sld [smem:$0x3F99];
	s0 =	simm.s32 @p0 $0x1  }
0x13: {  	[smem:$0x3FB4] =	sst s0;
	s0 =	simm.s32 @!p1 $0x0  }
0x14: {  	s2 =	sld [smem:$0x3F98];
	s0 =	simm.s32 @p1 $0x1  }
0x15: {  	[smem:$0x3FB5] =	sst s0;
	s0 =	simm.s32 @!p2 $0x0  }
0x16: {  	s3 =	sld [smem:$0x3FDB];
	s0 =	simm.s32 @p2 $0x1  }
0x17: {  	s4 =	simm.s32 $0x1BF5;
	[smem:$0x3FB7] =	sst s0  }
0x18: {  	s0 =	sld [smem:$0x3F9A];
	_ =	swait.ge [sflag:s4], $0x0  }
0x19: {  	s7 =	sld [smem:$0x3F9B]  }
0x1a: {  	s8 =	sadd.s32 $0xFFFFE003, lr  }
0x1b: {  	s9 =	sadd.s32 $0xFFFFFEF7, lr;
	s5 =	simm.s32 $0xFFFFFFFF;
	p2 =	slt.u32 s8, $0xFFFFF086  }
0x1c: {  	p1 =	slt.u32 s9, $0xF7A;
	s5 =	simm.s32 @!p2 $0x0  }
0x1d: {  	s5 =	simm.s32 @p1 $0x1;
	p0 =	seq.s32 s7, s2  }
0x1e: {  	s7 =	smul.u32 @!p0 $0xF7A, s2;
	p2 =	seq.s32 @!p0 s5, $0x0  }
0x1f: {  	s9 =	smul.u32 $0xF7A, s1;
	s8 =	simm.s32 @!p0 $0x1BF5;
	p2 =	por !p2, p0  }
0x20: {  	[sflag:s8] =	ssyncset.s32 @!p0 $0xFFFFF086;
	s6 =	sadd.s32 @!p0 s3, s7;
	s7 =	simm.s32 @!p0 $0x108  }
0x21: {  	s3 =	sadd.s32 s3, s9;
	s6 =	sadd.s32 @!p0 $0x88, s6;
	s7 =	simm.s32 @p2 $0x1082  }
0x22: {  	[simem:s7], [sflag:s8] =	dma.local @!p0 [hbm:s6], $0xF7A  }
0x23: {  	s9 =	sor.u32 $0xD0000000, s2;
	s6 =	simm.s32 $0x108;
	_ =	swait.ge @!p0 [sflag:s8], $0x0  }
0x24: {  	s3 =	sadd.s32 $0x88, s3;
	s6 =	simm.s32 @!p1 $0x1082;
	[sflag:s4] =	ssyncset.s32 $0xFFFFF086  }
0x25: {  	[simem:s6], [sflag:s4] =	dma.local [hbm:s3], $0xF7A  }
0x26: {  	[smem:$0x3F9B] =	sst s1;
	(tag) =	ssettag s2;
	_ =	strace s9  }
0x27: {  	s1 =	sld [smem:$0x3FAB]  }
0x28: {  	s2 =	sld [smem:$0x3FAC]  }
0x29: {  	s4 =	sld [smem:$0x3FAE]  }
0x2a: {  	p0 =	seq.s32 s5, $0x0;
	s5 =	sld [smem:$0x3FAF]  }
0x2b: {  	s6 =	sld [smem:$0x3FB0]  }
0x2c: {  	s7 =	sld [smem:$0x3FB1]  }
0x2d: {  	s3 =	simm.s32 $0x108;
	s8 =	sld [smem:$0x3FB2]  }
0x2e: {  	s3 =	simm.s32 @!p0 $0x1082;
	s9 =	sld [smem:$0x3FB3]  }
0x2f: {  	lr =	sadd.s32 s0, s3;
	s0 =	sld [smem:$0x3FAA]  }
0x30: {  	s3 =	sld [smem:$0x3FAD]  }
0x31: {  	[smem:$0x3FB6] =	sst s10  }
0x32: {  	s10 =	sld [smem:$0x3FB4];
	_ =	sdelay $0x3  }
0x33: {  	p0 =	seq.s32 s10, $0x1;
	s10 =	sld [smem:$0x3FB6];
	_ =	sdelay $0x3  }
0x34: {  	[smem:$0x3FB6] =	sst s10  }
0x35: {  	s10 =	sld [smem:$0x3FB5];
	_ =	sdelay $0x3  }
0x36: {  	p1 =	seq.s32 s10, $0x1;
	s10 =	sld [smem:$0x3FB6];
	_ =	sdelay $0x3  }
0x37: {  	[smem:$0x3FB6] =	sst s10  }
0x38: {  	s10 =	sld [smem:$0x3FB7]  }
0x39: {  	_ = 	snop;
	(pc) =	sbr.ind lr, $3  }
0x3a: {  	_ = 	snop  }
0x3b: {  	_ = 	snop  }
0x3c: {  	p2 =	seq.s32 s10, $0x1;
	s10 =	sld [smem:$0x3FB6]  }
0x3d: {  	_ =	shalt  }
0x3e: {  	_ =	shalt  }
0x3f: {  	_ =	shalt  }
0x40: {  	_ =	shalt  }
0x41: {  	_ =	shalt  }
0x42: {  	_ =	shalt  }
0x43: {  	_ =	shalt  }
0x44: {  	_ =	shalt  }
0x45: {  	_ =	shalt  }
0x46: {  	_ =	shalt  }
0x47: {  	_ =	shalt  }
0x48: {  	_ =	shalt  }
0x49: {  	_ =	shalt  }
0x4a: {  	_ =	shalt  }
0x4b: {  	_ =	shalt  }
0x4c: {  	_ =	shalt  }
0x4d: {  	_ =	shalt  }
0x4e: {  	_ =	shalt  }
0x4f: {  	_ =	shalt  }
0x50: {  	_ =	shalt  }
0x51: {  	_ =	shalt  }
0x52: {  	_ =	shalt  }
0x53: {  	_ =	shalt  }
0x54: {  	_ =	shalt  }
0x55: {  	_ =	shalt  }
0x56: {  	_ =	shalt  }
0x57: {  	_ =	shalt  }
0x58: {  	_ =	shalt  }
0x59: {  	_ =	shalt  }
0x5a: {  	_ =	shalt  }
0x5b: {  	_ =	shalt  }
0x5c: {  	_ =	shalt  }
0x5d: {  	_ =	shalt  }
0x5e: {  	_ =	shalt  }
0x5f: {  	_ =	shalt  }
0x60: {  	_ =	shalt  }
0x61: {  	_ =	shalt  }
0x62: {  	_ =	shalt  }
0x63: {  	_ =	shalt  }
0x64: {  	_ =	shalt  }
0x65: {  	_ =	shalt  }
0x66: {  	_ =	shalt  }
0x67: {  	_ =	shalt  }
0x68: {  	_ =	shalt  }
0x69: {  	_ =	shalt  }
0x6a: {  	_ =	shalt  }
0x6b: {  	_ =	shalt  }
0x6c: {  	_ =	shalt  }
0x6d: {  	_ =	shalt  }
0x6e: {  	_ =	shalt  }
0x6f: {  	_ =	shalt  }
0x70: {  	_ =	shalt  }
0x71: {  	_ =	shalt  }
0x72: {  	_ =	shalt  }
0x73: {  	_ =	shalt  }
0x74: {  	_ =	shalt  }
0x75: {  	_ =	shalt  }
0x76: {  	_ =	shalt  }
0x77: {  	_ =	shalt  }
0x78: {  	_ =	shalt  }
0x79: {  	_ =	shalt  }
0x7a: {  	_ =	shalt  }
0x7b: {  	_ =	shalt  }
0x7c: {  	_ =	shalt  }
0x7d: {  	_ =	shalt  }
0x7e: {  	_ =	shalt  }
0x7f: {  	_ =	shalt  }
0x80: {  	_ =	shalt  }
0x81: {  	_ =	shalt  }
0x82: {  	_ =	shalt  }
0x83: {  	_ =	shalt  }
0x84: {  	_ =	shalt  }
0x85: {  	_ =	shalt  }
0x86: {  	_ =	shalt  }
0x87: {  	_ =	shalt  }
.Lfunc_end0:
.L_simem_size_0:
called_computation.2_lowered:
.L_overlay_start_0:
0x88: {  	s2 =	sld [smem:$0x3FD9]  }
0x89: {  	s3 =	sld [smem:$0x3FFE];
	_ =	sdelay $0x1  }
0x8a: {  	s1 =	srdreg.scid  }
0x8b: {  	s0 =	sand.u32 $0x1, s1  }
0x8c: {  	s17 =	sshll.u32 s0, $0xA;
	s2 =	sadd.s32 s3, s2  }
0x8d: {  	s2 =	sadd.s32 s2, s17  }
0x8e: {  	[smem:$0x3FC2] =	sst s2  }
0x8f: {  	_ = 	snop  }
0x90: {  	s2 =	sld [smem:$0x3FD0];
	(tm) =	ssettm $0x1  }
0x91: {  	s18 =	sld [smem:$0x3FFB];
	_ =	sdelay $0x3  }
0x92: {  	_ =	strace s18  }
0x93: {  	s3 =	sld [smem:$0x3FFC];
	_ =	sdelay $0x3  }
0x94: {  	_ =	strace s3  }
0x95: {  	s3 =	sld [smem:$0x3FFD];
	_ =	sdelay $0x3  }
0x96: {  	_ =	strace s3  }
0x97: {  	_ =	strace $0x8FFFFFFF  }
0x98: {  	s19 =	sld [smem:$0x3FDB];
	_ =	sdelay $0x1  }
0x99: {  	s4 =	simm.s32 $_scs_section_size  }
0x9a: {  	s5 =	simm.s32 $_size__tile_overlayer_lowered;
	s6 =	simm.s32 $_tile_overlayer_lowered  }
0x9b: {  	s22 =	simm.s32 $0x1BFF;
	s21 =	sshll.u32 s6, $0x1;
	s3 =	sadd.s32 s4, s19  }
0x9c: {  	s7 =	simm.s32 $0x0;
	s20 =	sshll.u32 s5, $0x1;
	s5 =	sadd.s32 s21, s3  }
0x9d: {  	[timem:s7], [sflag:s22] =	dma.local [hbm:s5], s20  }
0x9e: {  	_ =	swait.ge [sflag:s22], s20  }
0x9f: {  	s4 =	ssub.s32 $0x0, s20;
	[sflag:s22] =	ssyncset.done $0x0  }
0xa0: {  	[sflag:s22] =	ssyncadd.s32 s4;
	_ =	sdelay $0x1  }
0xa1: {  	s23 =	simm.s32 $0x1B8B  }
0xa2: {  	_ =	swait.ge [sflag:s23], $0x1  }
0xa3: {  	[sflag:s23] =	ssyncset.done $0x0  }
0xa4: {  	s25 =	simm.s32 $0x1B8E;
	s24 =	sld [smem:$0x3FFE];
	[sflag:s23] =	ssyncadd.s32 $0xFFFFFFFF  }
0xa5: {  	s26 =	simm.s32 $execute0_lowered;
	[smem:$0x3FD2] =	sst s25  }
0xa6: {  	s5 =	sshll.u32 s26, $0x1;
	_ =	strace $0x8000004C;
	[dreg:$0x1] =	wrdreg $0xFFFFFFFF  }
0xa7: {  	s28 =	simm.s32 $_size_execute0_lowered;
	s3 =	sadd.s32 s3, s5;
	[dreg:$0x0] =	wrdreg $0x0  }
0xa8: {  	s5 =	sshll.u32 s28, $0x1;
	[dreg:$0x2] =	wrdreg s3  }
0xa9: {  	[dreg:$0x3] =	wrdreg s5  }
0xaa: {  	[dreg:$0x4] =	wrdreg $0xC0  }
0xab: {  	_ =	task [dreg:s7], $0x5FFFF  }
0xac: {  	[dreg:$0x1] =	wrdreg $0xFFFFFFFF  }
0xad: {  	[dreg:$0x0] =	wrdreg $0x60  }
0xae: {  	[dreg:$0x2] =	wrdreg s2  }
0xaf: {  	[dreg:$0x3] =	wrdreg s24  }
0xb0: {  	[dreg:$0x4] =	wrdreg $0x94000  }
0xb1: {  	[dreg:$0x5] =	wrdreg $0x9  }
0xb2: {  	_ =	task.clear_ibuf [dreg:s7], $0x6FFFF;
	_ =	strace $0x9000004C  }
0xb3: {  	s29 =	simm.s32 $0x9;
	_ =	strace $0x8000004E  }
0xb4: {  	_ =	swait.ge [sflag:s29], $0x1  }
0xb5: {  	[sflag:s29] =	ssyncadd.s32 $0xFFFFFFFF  }
0xb6: {  	_ =	strace $0x9000004E  }
0xb7: {  	_ =	sfence  }
0xb8: {  	s30 =	sld [smem:$0x0];
	_ =	sdelay $0x2  }
0xb9: {  	s31 =	sshll.u32 s1, $0xD;
	s1 =	sshrl.u32 s1, $0x2  }
0xba: {  	s3 =	sand.u32 $0x4000, s31;
	s1 =	sadd.s32 s1, s30  }
0xbb: {  	s0 =	sor.u32 s3, s0;
	s1 =	sshll.u32 s1, $0x11  }
0xbc: {  	s0 =	sor.u32 s1, s0  }
0xbd: {  	s0 =	sadd.s32 $0x8F2B, s0  }
0xbe: {  	[sflag:s0] =	ssyncadd.remote.s32 $0x1  }
0xbf: {  	_ =	sfence.sel $0xFFFF  }
0xc0: {  	[dreg:$0x0] =	wrdreg $0xFFFFFFFF;
	(pc) =	sbr.abs _section_cstart, $3  }
0xc1: {  	[dreg:$0x1] =	wrdreg $0xFFFFFFFF  }
0xc2: {  	_ =	task.clear_ibuf [dreg:s7], $0x2FFFF;
	_ =	strace $0x9FFFFFFF  }
0xc3: {  	(tm) =	ssettm $0x7FFFFFFF  }
tec
execute0_lowered:
.L_overlay_start_1:
0x0: {  	(tag) =	ssettag $0x1  }
0x1: {  	s0 =	srdreg.scid;
	s2 =	rddreg [dreg:$0x0]  }
0x2: {  	s12 =	stileid.u32;
	s6 =	rddreg [dreg:$0x1]  }
0x3: {  	s3 =	rddreg [dreg:$0x2];
	s4 =	simm.s32 $0x0;
	s15 =	simm.s32 $0x100  }
0x4: {  	s16 =	simm.s32 $0x880;
	s17 =	simm.s32 $0x180;
	s18 =	simm.s32 $0x900  }
0x5: {  	s19 =	simm.s32 $0x200;
	s20 =	simm.s32 $0x980;
	[smem:$0x7FF] =	sst s4  }
0x6: {  	s21 =	simm.s32 $0x280;
	_ =	strace $0x8000004D;
	[dreg:$0x6] =	wrdreg s15  }
0x7: {  	s22 =	simm.s32 $0xA00;
	s23 =	simm.s32 $0x300;
	[dreg:$0x7] =	wrdreg s16  }
0x8: {  	s24 =	simm.s32 $0xA80;
	s25 =	simm.s32 $0x380;
	[dreg:$0x8] =	wrdreg s17  }
0x9: {  	s26 =	simm.s32 $0xB00;
	s28 =	simm.s32 $0xE00;
	[dreg:$0x9] =	wrdreg s18  }
0xa: {  	s29 =	simm.s32 $0x700;
	s5 =	smul.u32 $0x13C00, s12;
	[dreg:$0xa] =	wrdreg s19  }
0xb: {  	s30 =	simm.s32 $0xE80;
	s8 =	smul.u32 $0x50, s12;
	[dreg:$0xb] =	wrdreg s20  }
0xc: {  	s31 =	simm.s32 $0x780;
	s10 =	smul.u32 $0x2800, s12;
	[dreg:$0xc] =	wrdreg s21  }
0xd: {  	s0 =	sand.u32 $0x1, s0;
	s14 =	smul.u32 $0x4F000, s12;
	[dreg:$0xd] =	wrdreg s22  }
0xe: {  	s11 =	sadd.s32 $0x2800, s6;
	s1 =	smul.u32 $0x13C000, s0;
	[dreg:$0xe] =	wrdreg s23  }
0xf: {  	s12 =	simm.s32 $0x1000;
	s7 =	smul.u32 $0x500, s0;
	[dreg:$0xf] =	wrdreg s24  }
0x10: {  	s9 =	smul.u32 $0x28000, s0;
	s0 =	ssub.s32 $0x2, s0;
	[dreg:$0x10] =	wrdreg s25  }
0x11: {  	s15 =	simm.s32 $0x2;
	[dreg:$0x11] =	wrdreg s26;
	s16 =	simm.s32 $0x400  }
0x12: {  	s17 =	simm.s32 $0xB80;
	s18 =	simm.s32 $0x480;
	s19 =	simm.s32 $0xC00  }
0x13: {  	s20 =	simm.s32 $0x500;
	s21 =	simm.s32 $0xC80;
	s22 =	simm.s32 $0x580  }
0x14: {  	s23 =	simm.s32 $0xD00;
	s24 =	simm.s32 $0x600;
	s25 =	simm.s32 $0xD80  }
0x15: {  	s26 =	simm.s32 $0x680;
	s1 =	sadd.s32 s5, s1;
	s7 =	sadd.s32 s8, s7  }
0x16: {  	s8 =	sadd.s32 s10, s9;
	s10 =	sshrl.u32 s0, $0x1;
	s1 =	sshrl.u32 s1, $0x3  }
0x17: {  	s5 =	sshll.u32 s7, $0x4;
	s9 =	sadd.s32 $0x50000, s8;
	s0 =	ssub.s32 s0, s10  }
0x18: {  	s8 =	simm.s32 $0x9000;
	s10 =	simm.s32 $0x800;
	s7 =	simm.s32 $0x0  }
0x19: {  	s1 =	sadd.s32 s1, s6;
	s5 =	sadd.s32 s5, s11;
	s6 =	sshrl.u32 s9, $0x3  }
0x1a: {  	s0 =	smax.u32 s0, $0x1;
	s9 =	simm.s32 $0x3;
	[dreg:$0x4] =	wrdreg s5  }
0x1b: {  	s13 =	sadd.s32 s6, s11;
	s6 =	sshrl.u32 s14, $0x2;
	s1 =	sadd.s32 $0x16800, s1  }
0x1c: {  	[dreg:$0x13] =	wrdreg s0;
	s11 =	simm.s32 $0x80;
	s14 =	simm.s32 $0x1  }
0x1d: {  	s0 =	simm.s32 $0xF80;
	[dreg:$0x5] =	wrdreg s13;
	s5 =	sadd.s32 s6, s3  }
0x1e: {  	v0 =	vimm.f32 $0.0e+00;
	[dreg:$0x12] =	wrdreg s1;
	s13 =	simm.s32 $0x5000;
	s1 =	simm.s32 $0xF00  }
.LBB2_1:
0x1f: {  	[tilespmem:$0x9000] =	vst v0  }
0x20: {  	[tilespmem:$0x9010] =	vst v0  }
0x21: {  	[tilespmem:$0x9020] =	vst v0  }
0x22: {  	[tilespmem:$0x9030] =	vst v0  }
0x23: {  	[tilespmem:$0x9040] =	vst v0  }
0x24: {  	[tilespmem:$0x9050] =	vst v0  }
0x25: {  	[tilespmem:$0x9060] =	vst v0  }
0x26: {  	[tilespmem:$0x9070] =	vst v0  }
0x27: {  	[tilespmem:$0x9080] =	vst v0  }
0x28: {  	[tilespmem:$0x9090] =	vst v0  }
0x29: {  	[tilespmem:$0x90A0] =	vst v0  }
0x2a: {  	[tilespmem:$0x90B0] =	vst v0  }
0x2b: {  	[tilespmem:$0x90C0] =	vst v0  }
0x2c: {  	[tilespmem:$0x90D0] =	vst v0  }
0x2d: {  	[tilespmem:$0x90E0] =	vst v0  }
0x2e: {  	[tilespmem:$0x90F0] =	vst v0  }
0x2f: {  	[tilespmem:$0x9100] =	vst v0  }
0x30: {  	[tilespmem:$0x9110] =	vst v0  }
0x31: {  	[tilespmem:$0x9120] =	vst v0  }
0x32: {  	[tilespmem:$0x9130] =	vst v0  }
0x33: {  	[tilespmem:$0x9140] =	vst v0  }
0x34: {  	[tilespmem:$0x9150] =	vst v0  }
0x35: {  	[tilespmem:$0x9160] =	vst v0  }
0x36: {  	[tilespmem:$0x9170] =	vst v0  }
0x37: {  	[tilespmem:$0x9180] =	vst v0  }
0x38: {  	[tilespmem:$0x9190] =	vst v0  }
0x39: {  	[tilespmem:$0x91A0] =	vst v0  }
0x3a: {  	[tilespmem:$0x91B0] =	vst v0  }
0x3b: {  	[tilespmem:$0x91C0] =	vst v0  }
0x3c: {  	[tilespmem:$0x91D0] =	vst v0  }
0x3d: {  	[tilespmem:$0x91E0] =	vst v0  }
0x3e: {  	[tilespmem:$0x91F0] =	vst v0  }
0x3f: {  	[tilespmem:$0x9200] =	vst v0  }
0x40: {  	[tilespmem:$0x9210] =	vst v0  }
0x41: {  	[tilespmem:$0x9220] =	vst v0  }
0x42: {  	[tilespmem:$0x9230] =	vst v0  }
0x43: {  	[tilespmem:$0x9240] =	vst v0  }
0x44: {  	[tilespmem:$0x9250] =	vst v0  }
0x45: {  	[tilespmem:$0x9260] =	vst v0  }
0x46: {  	[tilespmem:$0x9270] =	vst v0  }
0x47: {  	[tilespmem:$0x9280] =	vst v0  }
0x48: {  	[tilespmem:$0x9290] =	vst v0  }
0x49: {  	[tilespmem:$0x92A0] =	vst v0  }
0x4a: {  	[tilespmem:$0x92B0] =	vst v0  }
0x4b: {  	[tilespmem:$0x92C0] =	vst v0  }
0x4c: {  	[tilespmem:$0x92D0] =	vst v0  }
0x4d: {  	[tilespmem:$0x92E0] =	vst v0  }
0x4e: {  	[tilespmem:$0x92F0] =	vst v0  }
0x4f: {  	[tilespmem:$0x9300] =	vst v0  }
0x50: {  	[tilespmem:$0x9310] =	vst v0  }
0x51: {  	[tilespmem:$0x9320] =	vst v0  }
0x52: {  	[tilespmem:$0x9330] =	vst v0  }
0x53: {  	[tilespmem:$0x9340] =	vst v0  }
0x54: {  	[tilespmem:$0x9350] =	vst v0  }
0x55: {  	[tilespmem:$0x9360] =	vst v0  }
0x56: {  	[tilespmem:$0x9370] =	vst v0  }
0x57: {  	[tilespmem:$0x9380] =	vst v0  }
0x58: {  	[tilespmem:$0x9390] =	vst v0  }
0x59: {  	[tilespmem:$0x93A0] =	vst v0  }
0x5a: {  	[tilespmem:$0x93B0] =	vst v0  }
0x5b: {  	[tilespmem:$0x93C0] =	vst v0  }
0x5c: {  	[tilespmem:$0x93D0] =	vst v0  }
0x5d: {  	[tilespmem:$0x93E0] =	vst v0  }
0x5e: {  	[dreg:$0x14] =	wrdreg s7;
	[tilespmem:$0x93F0] =	vst v0;
	s6 =	sadd.s32 $0x0, s5  }
0x5f: {  	[spmem:s6] =	stream.linear.scatter [tilespmem:s8], [sflag:$0x3], $0x400, $0x38;
	[tilespmem:$0x1D000] =	vst v63  }
0x60: {  	s6 =	simm.s32 $0x1000;
	_ =	swait.ge [sflag:s9], $0x400  }
.LBB2_2:
0x61: {  	s7 =	sshra.s32 s6, $0x2;
	[sflag:s9] =	ssyncset.done $0x0;
	p0 =	sne.s32 s6, $0x4E000  }
.Ltmp0:
0x62: {  	s7 =	sadd.s32 s7, s5;
	[sflag:s9] =	ssyncadd.s32 $0xFFFFFC00;
	(pc) =	sbr.rel @p0 .LBB2_2-.Ltmp0, $3  }
0x63: {  	[spmem:s7] =	stream.linear.scatter [tilespmem:s8], [sflag:$0x3], $0x400, $0x38;
	[tilespmem:$0x1D000] =	vst v63  }
0x64: {  	s6 =	sadd.s32 $0x1000, s6;
	_ =	sdelay $0x1  }
0x65: {  	_ =	swait.ge [sflag:s9], $0x400  }
0x66: {  	[sflag:s9] =	ssyncset.done $0x0  }
0x67: {  	[sflag:s9] =	ssyncadd.s32 $0xFFFFFC00  }
0x68: {  	[bflag:$0x0] =	sbarrier.arrive $0xFFFF  }
0x69: {  	s6 =	rddreg [dreg:$0x4]  }
0x6a: {  	s6 =	sadd.s32 $0x0, s6  }
0x6b: {  	[tilespmem:s4], [sflag:$0x3] =	stream.linear.gather [hbm4b:s6+s4], $0x800, $0x38;
	[tilespmem:$0x1D000] =	vst v63  }
0x6c: {  	_ =	swait.ge [sflag:s9], $0x800  }
0x6d: {  	s8 =	rddreg [dreg:$0x5];
	[sflag:s9] =	ssyncset.done $0x0  }
0x6e: {  	[sflag:s9] =	ssyncadd.s32 $0xFFFFF800;
	s6 =	sadd.s32 $0x0, s8  }
0x6f: {  	[tilespmem:s10], [sflag:$0x3] =	stream.linear.gather [hbm4b:s6+s4], $0x800, $0x38;
	[tilespmem:$0x1D000] =	vst v63  }
0x70: {  	_ =	swait.ge [sflag:s9], $0x800  }
0x71: {  	[sflag:s9] =	ssyncset.done $0x0  }
0x72: {  	[sflag:s9] =	ssyncadd.s32 $0xFFFFF800  }
0x73: {  	[tilespmem:s12], [sflag:$0x1] =	stream.indirect.gather [hbm4b:s2+s11], $0x80, s4, s11, $0xb8;
	[tilespmem:$0x1D000] =	vst v63  }
0x74: {  	_ = 	snop  }
0x75: {  	[tilespmem:s13], [sflag:$0x2] =	stream.indirect.gather [hbm4b:s2+s11], $0x80, s11, s11, $0xb8;
	[tilespmem:$0x1D000] =	vst v63  }
0x76: {  	_ =	swait.ge [sflag:s14], $0x4000  }
0x77: {  	[sflag:s14] =	ssyncset.done $0x0  }
0x78: {  	[sflag:s14] =	ssyncadd.s32 $0xFFFFC000  }
0x79: {  	[spmem:s3] =	stream.indirect.scatter.add.f32 [tilespmem:s12], [sflag:$0x3], $0x80, s10, s11, $0xb8;
	[tilespmem:$0x1D000] =	vst v63  }
0x7a: {  	_ =	swait.ge [sflag:s9], $0x4000  }
0x7b: {  	[sflag:s9] =	ssyncset.done $0x0  }
0x7c: {  	s7 =	rddreg [dreg:$0x6];
	[sflag:s9] =	ssyncadd.s32 $0xFFFFC000  }
0x7d: {  	[tilespmem:s12], [sflag:$0x1] =	stream.indirect.gather [hbm4b:s2+s11], $0x80, s7, s11, $0xb8;
	[tilespmem:$0x1D000] =	vst v63  }
0x7e: {  	_ =	swait.ge [sflag:s15], $0x4000  }
0x7f: {  	[sflag:s15] =	ssyncset.done $0x0  }
0x80: {  	s8 =	rddreg [dreg:$0x7];
	[sflag:s15] =	ssyncadd.s32 $0xFFFFC000  }
0x81: {  	[spmem:s3] =	stream.indirect.scatter.add.f32 [tilespmem:s13], [sflag:$0x3], $0x80, s8, s11, $0xb8;
	[tilespmem:$0x1D000] =	vst v63  }
0x82: {  	_ =	swait.ge [sflag:s9], $0x4000  }
0x83: {  	[sflag:s9] =	ssyncset.done $0x0  }
0x84: {  	s7 =	rddreg [dreg:$0x8];
	[sflag:s9] =	ssyncadd.s32 $0xFFFFC000  }
0x85: {  	[tilespmem:s13], [sflag:$0x2] =	stream.indirect.gather [hbm4b:s2+s11], $0x80, s7, s11, $0xb8;
	[tilespmem:$0x1D000] =	vst v63  }
0x86: {  	_ =	swait.ge [sflag:s14], $0x4000  }
0x87: {  	[sflag:s14] =	ssyncset.done $0x0  }
0x88: {  	s8 =	rddreg [dreg:$0x9];
	[sflag:s14] =	ssyncadd.s32 $0xFFFFC000  }
0x89: {  	[spmem:s3] =	stream.indirect.scatter.add.f32 [tilespmem:s12], [sflag:$0x3], $0x80, s8, s11, $0xb8;
	[tilespmem:$0x1D000] =	vst v63  }
0x8a: {  	_ =	swait.ge [sflag:s9], $0x4000  }
0x8b: {  	[sflag:s9] =	ssyncset.done $0x0  }
0x8c: {  	s7 =	rddreg [dreg:$0xa];
	[sflag:s9] =	ssyncadd.s32 $0xFFFFC000  }
0x8d: {  	[tilespmem:s12], [sflag:$0x1] =	stream.indirect.gather [hbm4b:s2+s11], $0x80, s7, s11, $0xb8;
	[tilespmem:$0x1D000] =	vst v63  }
0x8e: {  	_ =	swait.ge [sflag:s15], $0x4000  }
0x8f: {  	[sflag:s15] =	ssyncset.done $0x0  }
0x90: {  	s8 =	rddreg [dreg:$0xb];
	[sflag:s15] =	ssyncadd.s32 $0xFFFFC000  }
0x91: {  	[spmem:s3] =	stream.indirect.scatter.add.f32 [tilespmem:s13], [sflag:$0x3], $0x80, s8, s11, $0xb8;
	[tilespmem:$0x1D000] =	vst v63  }
0x92: {  	_ =	swait.ge [sflag:s9], $0x4000  }
0x93: {  	[sflag:s9] =	ssyncset.done $0x0  }
0x94: {  	s7 =	rddreg [dreg:$0xc];
	[sflag:s9] =	ssyncadd.s32 $0xFFFFC000  }
0x95: {  	[tilespmem:s13], [sflag:$0x2] =	stream.indirect.gather [hbm4b:s2+s11], $0x80, s7, s11, $0xb8;
	[tilespmem:$0x1D000] =	vst v63  }
0x96: {  	_ =	swait.ge [sflag:s14], $0x4000  }
0x97: {  	[sflag:s14] =	ssyncset.done $0x0  }
0x98: {  	s8 =	rddreg [dreg:$0xd];
	[sflag:s14] =	ssyncadd.s32 $0xFFFFC000  }
0x99: {  	[spmem:s3] =	stream.indirect.scatter.add.f32 [tilespmem:s12], [sflag:$0x3], $0x80, s8, s11, $0xb8;
	[tilespmem:$0x1D000] =	vst v63  }
0x9a: {  	_ =	swait.ge [sflag:s9], $0x4000  }
0x9b: {  	[sflag:s9] =	ssyncset.done $0x0  }
0x9c: {  	s7 =	rddreg [dreg:$0xe];
	[sflag:s9] =	ssyncadd.s32 $0xFFFFC000  }
0x9d: {  	[tilespmem:s12], [sflag:$0x1] =	stream.indirect.gather [hbm4b:s2+s11], $0x80, s7, s11, $0xb8;
	[tilespmem:$0x1D000] =	vst v63  }
0x9e: {  	_ =	swait.ge [sflag:s15], $0x4000  }
0x9f: {  	[sflag:s15] =	ssyncset.done $0x0  }
0xa0: {  	s8 =	rddreg [dreg:$0xf];
	[sflag:s15] =	ssyncadd.s32 $0xFFFFC000  }
0xa1: {  	[spmem:s3] =	stream.indirect.scatter.add.f32 [tilespmem:s13], [sflag:$0x3], $0x80, s8, s11, $0xb8;
	[tilespmem:$0x1D000] =	vst v63  }
0xa2: {  	_ =	swait.ge [sflag:s9], $0x4000  }
0xa3: {  	[sflag:s9] =	ssyncset.done $0x0  }
0xa4: {  	s7 =	rddreg [dreg:$0x10];
	[sflag:s9] =	ssyncadd.s32 $0xFFFFC000  }
0xa5: {  	[tilespmem:s13], [sflag:$0x2] =	stream.indirect.gather [hbm4b:s2+s11], $0x80, s7, s11, $0xb8;
	[tilespmem:$0x1D000] =	vst v63  }
0xa6: {  	_ =	swait.ge [sflag:s14], $0x4000  }
0xa7: {  	[sflag:s14] =	ssyncset.done $0x0  }
0xa8: {  	s8 =	rddreg [dreg:$0x11];
	[sflag:s14] =	ssyncadd.s32 $0xFFFFC000  }
0xa9: {  	[spmem:s3] =	stream.indirect.scatter.add.f32 [tilespmem:s12], [sflag:$0x3], $0x80, s8, s11, $0xb8;
	[tilespmem:$0x1D000] =	vst v63  }
0xaa: {  	_ =	swait.ge [sflag:s9], $0x4000  }
0xab: {  	[sflag:s9] =	ssyncset.done $0x0  }
0xac: {  	[sflag:s9] =	ssyncadd.s32 $0xFFFFC000  }
0xad: {  	[tilespmem:s12], [sflag:$0x1] =	stream.indirect.gather [hbm4b:s2+s11], $0x80, s16, s11, $0xb8;
	[tilespmem:$0x1D000] =	vst v63  }
0xae: {  	_ =	swait.ge [sflag:s15], $0x4000  }
0xaf: {  	[sflag:s15] =	ssyncset.done $0x0  }
0xb0: {  	[sflag:s15] =	ssyncadd.s32 $0xFFFFC000  }
0xb1: {  	[spmem:s3] =	stream.indirect.scatter.add.f32 [tilespmem:s13], [sflag:$0x3], $0x80, s17, s11, $0xb8;
	[tilespmem:$0x1D000] =	vst v63  }
0xb2: {  	_ =	swait.ge [sflag:s9], $0x4000  }
0xb3: {  	[sflag:s9] =	ssyncset.done $0x0  }
0xb4: {  	[sflag:s9] =	ssyncadd.s32 $0xFFFFC000  }
0xb5: {  	[tilespmem:s13], [sflag:$0x2] =	stream.indirect.gather [hbm4b:s2+s11], $0x80, s18, s11, $0xb8;
	[tilespmem:$0x1D000] =	vst v63  }
0xb6: {  	_ =	swait.ge [sflag:s14], $0x4000  }
0xb7: {  	[sflag:s14] =	ssyncset.done $0x0  }
0xb8: {  	[sflag:s14] =	ssyncadd.s32 $0xFFFFC000  }
0xb9: {  	[spmem:s3] =	stream.indirect.scatter.add.f32 [tilespmem:s12], [sflag:$0x3], $0x80, s19, s11, $0xb8;
	[tilespmem:$0x1D000] =	vst v63  }
0xba: {  	_ =	swait.ge [sflag:s9], $0x4000  }
0xbb: {  	[sflag:s9] =	ssyncset.done $0x0  }
0xbc: {  	[sflag:s9] =	ssyncadd.s32 $0xFFFFC000  }
0xbd: {  	[tilespmem:s12], [sflag:$0x1] =	stream.indirect.gather [hbm4b:s2+s11], $0x80, s20, s11, $0xb8;
	[tilespmem:$0x1D000] =	vst v63  }
0xbe: {  	_ =	swait.ge [sflag:s15], $0x4000  }
0xbf: {  	[sflag:s15] =	ssyncset.done $0x0  }
0xc0: {  	[sflag:s15] =	ssyncadd.s32 $0xFFFFC000  }
0xc1: {  	[spmem:s3] =	stream.indirect.scatter.add.f32 [tilespmem:s13], [sflag:$0x3], $0x80, s21, s11, $0xb8;
	[tilespmem:$0x1D000] =	vst v63  }
0xc2: {  	_ =	swait.ge [sflag:s9], $0x4000  }
0xc3: {  	[sflag:s9] =	ssyncset.done $0x0  }
0xc4: {  	[sflag:s9] =	ssyncadd.s32 $0xFFFFC000  }
0xc5: {  	[tilespmem:s13], [sflag:$0x2] =	stream.indirect.gather [hbm4b:s2+s11], $0x80, s22, s11, $0xb8;
	[tilespmem:$0x1D000] =	vst v63  }
0xc6: {  	_ =	swait.ge [sflag:s14], $0x4000  }
0xc7: {  	[sflag:s14] =	ssyncset.done $0x0  }
0xc8: {  	[sflag:s14] =	ssyncadd.s32 $0xFFFFC000  }
0xc9: {  	[spmem:s3] =	stream.indirect.scatter.add.f32 [tilespmem:s12], [sflag:$0x3], $0x80, s23, s11, $0xb8;
	[tilespmem:$0x1D000] =	vst v63  }
0xca: {  	_ =	swait.ge [sflag:s9], $0x4000  }
0xcb: {  	[sflag:s9] =	ssyncset.done $0x0  }
0xcc: {  	[sflag:s9] =	ssyncadd.s32 $0xFFFFC000  }
0xcd: {  	[tilespmem:s12], [sflag:$0x1] =	stream.indirect.gather [hbm4b:s2+s11], $0x80, s24, s11, $0xb8;
	[tilespmem:$0x1D000] =	vst v63  }
0xce: {  	_ =	swait.ge [sflag:s15], $0x4000  }
0xcf: {  	[sflag:s15] =	ssyncset.done $0x0  }
0xd0: {  	[sflag:s15] =	ssyncadd.s32 $0xFFFFC000  }
0xd1: {  	[spmem:s3] =	stream.indirect.scatter.add.f32 [tilespmem:s13], [sflag:$0x3], $0x80, s25, s11, $0xb8;
	[tilespmem:$0x1D000] =	vst v63  }
0xd2: {  	_ =	swait.ge [sflag:s9], $0x4000  }
0xd3: {  	[sflag:s9] =	ssyncset.done $0x0  }
0xd4: {  	[sflag:s9] =	ssyncadd.s32 $0xFFFFC000  }
0xd5: {  	[tilespmem:s13], [sflag:$0x2] =	stream.indirect.gather [hbm4b:s2+s11], $0x80, s26, s11, $0xb8;
	[tilespmem:$0x1D000] =	vst v63  }
0xd6: {  	_ =	swait.ge [sflag:s14], $0x4000  }
0xd7: {  	[sflag:s14] =	ssyncset.done $0x0  }
0xd8: {  	[sflag:s14] =	ssyncadd.s32 $0xFFFFC000  }
0xd9: {  	[spmem:s3] =	stream.indirect.scatter.add.f32 [tilespmem:s12], [sflag:$0x3], $0x80, s28, s11, $0xb8;
	[tilespmem:$0x1D000] =	vst v63  }
0xda: {  	_ =	swait.ge [sflag:s9], $0x4000  }
0xdb: {  	[sflag:s9] =	ssyncset.done $0x0  }
0xdc: {  	[sflag:s9] =	ssyncadd.s32 $0xFFFFC000  }
0xdd: {  	[tilespmem:s12], [sflag:$0x1] =	stream.indirect.gather [hbm4b:s2+s11], $0x80, s29, s11, $0xb8;
	[tilespmem:$0x1D000] =	vst v63  }
0xde: {  	_ =	swait.ge [sflag:s15], $0x4000  }
0xdf: {  	[sflag:s15] =	ssyncset.done $0x0  }
0xe0: {  	[sflag:s15] =	ssyncadd.s32 $0xFFFFC000  }
0xe1: {  	[spmem:s3] =	stream.indirect.scatter.add.f32 [tilespmem:s13], [sflag:$0x3], $0x80, s30, s11, $0xb8;
	[tilespmem:$0x1D000] =	vst v63  }
0xe2: {  	_ =	swait.ge [sflag:s9], $0x4000  }
0xe3: {  	[sflag:s9] =	ssyncset.done $0x0  }
0xe4: {  	[sflag:s9] =	ssyncadd.s32 $0xFFFFC000  }
0xe5: {  	[tilespmem:s13], [sflag:$0x2] =	stream.indirect.gather [hbm4b:s2+s11], $0x80, s31, s11, $0xb8;
	[tilespmem:$0x1D000] =	vst v63  }
0xe6: {  	_ =	swait.ge [sflag:s14], $0x4000  }
0xe7: {  	[sflag:s14] =	ssyncset.done $0x0  }
0xe8: {  	[sflag:s14] =	ssyncadd.s32 $0xFFFFC000  }
0xe9: {  	[spmem:s3] =	stream.indirect.scatter.add.f32 [tilespmem:s12], [sflag:$0x3], $0x80, s1, s11, $0xb8;
	[tilespmem:$0x1D000] =	vst v63  }
0xea: {  	_ =	swait.ge [sflag:s9], $0x4000  }
0xeb: {  	[sflag:s9] =	ssyncset.done $0x0  }
0xec: {  	[sflag:s9] =	ssyncadd.s32 $0xFFFFC000  }
0xed: {  	_ =	swait.ge [sflag:s15], $0x4000  }
0xee: {  	[sflag:s15] =	ssyncset.done $0x0  }
0xef: {  	[sflag:s15] =	ssyncadd.s32 $0xFFFFC000  }
0xf0: {  	[spmem:s3] =	stream.indirect.scatter.add.f32 [tilespmem:s13], [sflag:$0x3], $0x80, s0, s11, $0xb8;
	[tilespmem:$0x1D000] =	vst v63  }
0xf1: {  	s6 =	simm.s32 $0x200;
	_ =	swait.ge [sflag:s9], $0x4000  }
0xf2: {  	s7 =	simm.s32 $0x100;
	s8 =	rddreg [dreg:$0x4];
	[sflag:s9] =	ssyncset.done $0x0  }
.LBB2_4:
0xf3: {  	[sflag:s9] =	ssyncadd.s32 $0xFFFFC000;
	s8 =	sadd.s32 s7, s8  }
0xf4: {  	[tilespmem:s4], [sflag:$0x3] =	stream.linear.gather [hbm4b:s8+s4], $0x800, $0x38;
	[tilespmem:$0x1D000] =	vst v63  }
0xf5: {  	_ =	swait.ge [sflag:s9], $0x800  }
0xf6: {  	s8 =	rddreg [dreg:$0x5];
	[sflag:s9] =	ssyncset.done $0x0  }
0xf7: {  	[sflag:s9] =	ssyncadd.s32 $0xFFFFF800;
	s8 =	sadd.s32 s7, s8  }
0xf8: {  	[tilespmem:s10], [sflag:$0x3] =	stream.linear.gather [hbm4b:s8+s4], $0x800, $0x38;
	[tilespmem:$0x1D000] =	vst v63  }
0xf9: {  	_ =	swait.ge [sflag:s9], $0x800  }
0xfa: {  	[sflag:s9] =	ssyncset.done $0x0  }
0xfb: {  	[sflag:s9] =	ssyncadd.s32 $0xFFFFF800  }
0xfc: {  	[tilespmem:s12], [sflag:$0x1] =	stream.indirect.gather [hbm4b:s2+s11], $0x80, s4, s11, $0xb8;
	[tilespmem:$0x1D000] =	vst v63  }
0xfd: {  	_ = 	snop  }
0xfe: {  	[tilespmem:s13], [sflag:$0x2] =	stream.indirect.gather [hbm4b:s2+s11], $0x80, s11, s11, $0xb8;
	[tilespmem:$0x1D000] =	vst v63  }
0xff: {  	_ =	swait.ge [sflag:s14], $0x4000  }
0x100: {  	[sflag:s14] =	ssyncset.done $0x0  }
0x101: {  	[sflag:s14] =	ssyncadd.s32 $0xFFFFC000  }
0x102: {  	[spmem:s3] =	stream.indirect.scatter.add.f32 [tilespmem:s12], [sflag:$0x3], $0x80, s10, s11, $0xb8;
	[tilespmem:$0x1D000] =	vst v63  }
0x103: {  	_ =	swait.ge [sflag:s9], $0x4000  }
0x104: {  	[sflag:s9] =	ssyncset.done $0x0  }
0x105: {  	s8 =	rddreg [dreg:$0x6];
	[sflag:s9] =	ssyncadd.s32 $0xFFFFC000  }
0x106: {  	[tilespmem:s12], [sflag:$0x1] =	stream.indirect.gather [hbm4b:s2+s11], $0x80, s8, s11, $0xb8;
	[tilespmem:$0x1D000] =	vst v63  }
0x107: {  	_ =	swait.ge [sflag:s15], $0x4000  }
0x108: {  	[sflag:s15] =	ssyncset.done $0x0  }
0x109: {  	s8 =	rddreg [dreg:$0x7];
	[sflag:s15] =	ssyncadd.s32 $0xFFFFC000  }
0x10a: {  	[spmem:s3] =	stream.indirect.scatter.add.f32 [tilespmem:s13], [sflag:$0x3], $0x80, s8, s11, $0xb8;
	[tilespmem:$0x1D000] =	vst v63  }
0x10b: {  	_ =	swait.ge [sflag:s9], $0x4000  }
0x10c: {  	[sflag:s9] =	ssyncset.done $0x0  }
0x10d: {  	s8 =	rddreg [dreg:$0x8];
	[sflag:s9] =	ssyncadd.s32 $0xFFFFC000  }
0x10e: {  	[tilespmem:s13], [sflag:$0x2] =	stream.indirect.gather [hbm4b:s2+s11], $0x80, s8, s11, $0xb8;
	[tilespmem:$0x1D000] =	vst v63  }
0x10f: {  	_ =	swait.ge [sflag:s14], $0x4000  }
0x110: {  	[sflag:s14] =	ssyncset.done $0x0  }
0x111: {  	s8 =	rddreg [dreg:$0x9];
	[sflag:s14] =	ssyncadd.s32 $0xFFFFC000  }
0x112: {  	[spmem:s3] =	stream.indirect.scatter.add.f32 [tilespmem:s12], [sflag:$0x3], $0x80, s8, s11, $0xb8;
	[tilespmem:$0x1D000] =	vst v63  }
0x113: {  	_ =	swait.ge [sflag:s9], $0x4000  }
0x114: {  	[sflag:s9] =	ssyncset.done $0x0  }
0x115: {  	s8 =	rddreg [dreg:$0xa];
	[sflag:s9] =	ssyncadd.s32 $0xFFFFC000  }
0x116: {  	[tilespmem:s12], [sflag:$0x1] =	stream.indirect.gather [hbm4b:s2+s11], $0x80, s8, s11, $0xb8;
	[tilespmem:$0x1D000] =	vst v63  }
0x117: {  	_ =	swait.ge [sflag:s15], $0x4000  }
0x118: {  	[sflag:s15] =	ssyncset.done $0x0  }
0x119: {  	s8 =	rddreg [dreg:$0xb];
	[sflag:s15] =	ssyncadd.s32 $0xFFFFC000  }
0x11a: {  	[spmem:s3] =	stream.indirect.scatter.add.f32 [tilespmem:s13], [sflag:$0x3], $0x80, s8, s11, $0xb8;
	[tilespmem:$0x1D000] =	vst v63  }
0x11b: {  	_ =	swait.ge [sflag:s9], $0x4000  }
0x11c: {  	[sflag:s9] =	ssyncset.done $0x0  }
0x11d: {  	s8 =	rddreg [dreg:$0xc];
	[sflag:s9] =	ssyncadd.s32 $0xFFFFC000  }
0x11e: {  	[tilespmem:s13], [sflag:$0x2] =	stream.indirect.gather [hbm4b:s2+s11], $0x80, s8, s11, $0xb8;
	[tilespmem:$0x1D000] =	vst v63  }
0x11f: {  	_ =	swait.ge [sflag:s14], $0x4000  }
0x120: {  	[sflag:s14] =	ssyncset.done $0x0  }
0x121: {  	s8 =	rddreg [dreg:$0xd];
	[sflag:s14] =	ssyncadd.s32 $0xFFFFC000  }
0x122: {  	[spmem:s3] =	stream.indirect.scatter.add.f32 [tilespmem:s12], [sflag:$0x3], $0x80, s8, s11, $0xb8;
	[tilespmem:$0x1D000] =	vst v63  }
0x123: {  	_ =	swait.ge [sflag:s9], $0x4000  }
0x124: {  	[sflag:s9] =	ssyncset.done $0x0  }
0x125: {  	s8 =	rddreg [dreg:$0xe];
	[sflag:s9] =	ssyncadd.s32 $0xFFFFC000  }
0x126: {  	[tilespmem:s12], [sflag:$0x1] =	stream.indirect.gather [hbm4b:s2+s11], $0x80, s8, s11, $0xb8;
	[tilespmem:$0x1D000] =	vst v63  }
0x127: {  	_ =	swait.ge [sflag:s15], $0x4000  }
0x128: {  	[sflag:s15] =	ssyncset.done $0x0  }
0x129: {  	s8 =	rddreg [dreg:$0xf];
	[sflag:s15] =	ssyncadd.s32 $0xFFFFC000  }
0x12a: {  	[spmem:s3] =	stream.indirect.scatter.add.f32 [tilespmem:s13], [sflag:$0x3], $0x80, s8, s11, $0xb8;
	[tilespmem:$0x1D000] =	vst v63  }
0x12b: {  	_ =	swait.ge [sflag:s9], $0x4000  }
0x12c: {  	[sflag:s9] =	ssyncset.done $0x0  }
0x12d: {  	s8 =	rddreg [dreg:$0x10];
	[sflag:s9] =	ssyncadd.s32 $0xFFFFC000  }
0x12e: {  	[tilespmem:s13], [sflag:$0x2] =	stream.indirect.gather [hbm4b:s2+s11], $0x80, s8, s11, $0xb8;
	[tilespmem:$0x1D000] =	vst v63  }
0x12f: {  	_ =	swait.ge [sflag:s14], $0x4000  }
0x130: {  	[sflag:s14] =	ssyncset.done $0x0  }
0x131: {  	s8 =	rddreg [dreg:$0x11];
	[sflag:s14] =	ssyncadd.s32 $0xFFFFC000  }
0x132: {  	[spmem:s3] =	stream.indirect.scatter.add.f32 [tilespmem:s12], [sflag:$0x3], $0x80, s8, s11, $0xb8;
	[tilespmem:$0x1D000] =	vst v63  }
0x133: {  	_ =	swait.ge [sflag:s9], $0x4000  }
0x134: {  	s16 =	smov.u32 s6;
	[sflag:s9] =	ssyncset.done $0x0  }
0x135: {  	s7 =	smov.u32 s16;
	s16 =	simm.s32 $0x400;
	[sflag:s9] =	ssyncadd.s32 $0xFFFFC000  }
0x136: {  	[tilespmem:s12], [sflag:$0x1] =	stream.indirect.gather [hbm4b:s2+s11], $0x80, s16, s11, $0xb8;
	[tilespmem:$0x1D000] =	vst v63  }
0x137: {  	_ =	swait.ge [sflag:s15], $0x4000  }
0x138: {  	[sflag:s15] =	ssyncset.done $0x0  }
0x139: {  	[sflag:s15] =	ssyncadd.s32 $0xFFFFC000  }
0x13a: {  	[spmem:s3] =	stream.indirect.scatter.add.f32 [tilespmem:s13], [sflag:$0x3], $0x80, s17, s11, $0xb8;
	[tilespmem:$0x1D000] =	vst v63  }
0x13b: {  	_ =	swait.ge [sflag:s9], $0x4000  }
0x13c: {  	[sflag:s9] =	ssyncset.done $0x0  }
0x13d: {  	[sflag:s9] =	ssyncadd.s32 $0xFFFFC000  }
0x13e: {  	[tilespmem:s13], [sflag:$0x2] =	stream.indirect.gather [hbm4b:s2+s11], $0x80, s18, s11, $0xb8;
	[tilespmem:$0x1D000] =	vst v63  }
0x13f: {  	_ =	swait.ge [sflag:s14], $0x4000  }
0x140: {  	[sflag:s14] =	ssyncset.done $0x0  }
0x141: {  	[sflag:s14] =	ssyncadd.s32 $0xFFFFC000  }
0x142: {  	[spmem:s3] =	stream.indirect.scatter.add.f32 [tilespmem:s12], [sflag:$0x3], $0x80, s19, s11, $0xb8;
	[tilespmem:$0x1D000] =	vst v63  }
0x143: {  	_ =	swait.ge [sflag:s9], $0x4000  }
0x144: {  	[sflag:s9] =	ssyncset.done $0x0  }
0x145: {  	[sflag:s9] =	ssyncadd.s32 $0xFFFFC000  }
0x146: {  	[tilespmem:s12], [sflag:$0x1] =	stream.indirect.gather [hbm4b:s2+s11], $0x80, s20, s11, $0xb8;
	[tilespmem:$0x1D000] =	vst v63  }
0x147: {  	_ =	swait.ge [sflag:s15], $0x4000  }
0x148: {  	[sflag:s15] =	ssyncset.done $0x0  }
0x149: {  	[sflag:s15] =	ssyncadd.s32 $0xFFFFC000  }
0x14a: {  	[spmem:s3] =	stream.indirect.scatter.add.f32 [tilespmem:s13], [sflag:$0x3], $0x80, s21, s11, $0xb8;
	[tilespmem:$0x1D000] =	vst v63  }
0x14b: {  	_ =	swait.ge [sflag:s9], $0x4000  }
0x14c: {  	[sflag:s9] =	ssyncset.done $0x0  }
0x14d: {  	[sflag:s9] =	ssyncadd.s32 $0xFFFFC000  }
0x14e: {  	[tilespmem:s13], [sflag:$0x2] =	stream.indirect.gather [hbm4b:s2+s11], $0x80, s22, s11, $0xb8;
	[tilespmem:$0x1D000] =	vst v63  }
0x14f: {  	_ =	swait.ge [sflag:s14], $0x4000  }
0x150: {  	[sflag:s14] =	ssyncset.done $0x0  }
0x151: {  	[sflag:s14] =	ssyncadd.s32 $0xFFFFC000  }
0x152: {  	[spmem:s3] =	stream.indirect.scatter.add.f32 [tilespmem:s12], [sflag:$0x3], $0x80, s23, s11, $0xb8;
	[tilespmem:$0x1D000] =	vst v63  }
0x153: {  	_ =	swait.ge [sflag:s9], $0x4000  }
0x154: {  	[sflag:s9] =	ssyncset.done $0x0  }
0x155: {  	[sflag:s9] =	ssyncadd.s32 $0xFFFFC000  }
0x156: {  	[tilespmem:s12], [sflag:$0x1] =	stream.indirect.gather [hbm4b:s2+s11], $0x80, s24, s11, $0xb8;
	[tilespmem:$0x1D000] =	vst v63  }
0x157: {  	_ =	swait.ge [sflag:s15], $0x4000  }
0x158: {  	[sflag:s15] =	ssyncset.done $0x0  }
0x159: {  	[sflag:s15] =	ssyncadd.s32 $0xFFFFC000  }
0x15a: {  	[spmem:s3] =	stream.indirect.scatter.add.f32 [tilespmem:s13], [sflag:$0x3], $0x80, s25, s11, $0xb8;
	[tilespmem:$0x1D000] =	vst v63  }
0x15b: {  	_ =	swait.ge [sflag:s9], $0x4000  }
0x15c: {  	[sflag:s9] =	ssyncset.done $0x0  }
0x15d: {  	[sflag:s9] =	ssyncadd.s32 $0xFFFFC000  }
0x15e: {  	[tilespmem:s13], [sflag:$0x2] =	stream.indirect.gather [hbm4b:s2+s11], $0x80, s26, s11, $0xb8;
	[tilespmem:$0x1D000] =	vst v63  }
0x15f: {  	_ =	swait.ge [sflag:s14], $0x4000  }
0x160: {  	[sflag:s14] =	ssyncset.done $0x0  }
0x161: {  	[sflag:s14] =	ssyncadd.s32 $0xFFFFC000  }
0x162: {  	[spmem:s3] =	stream.indirect.scatter.add.f32 [tilespmem:s12], [sflag:$0x3], $0x80, s28, s11, $0xb8;
	[tilespmem:$0x1D000] =	vst v63  }
0x163: {  	_ =	swait.ge [sflag:s9], $0x4000  }
0x164: {  	[sflag:s9] =	ssyncset.done $0x0  }
0x165: {  	[sflag:s9] =	ssyncadd.s32 $0xFFFFC000  }
0x166: {  	[tilespmem:s12], [sflag:$0x1] =	stream.indirect.gather [hbm4b:s2+s11], $0x80, s29, s11, $0xb8;
	[tilespmem:$0x1D000] =	vst v63  }
0x167: {  	_ =	swait.ge [sflag:s15], $0x4000  }
0x168: {  	[sflag:s15] =	ssyncset.done $0x0  }
0x169: {  	[sflag:s15] =	ssyncadd.s32 $0xFFFFC000  }
0x16a: {  	[spmem:s3] =	stream.indirect.scatter.add.f32 [tilespmem:s13], [sflag:$0x3], $0x80, s30, s11, $0xb8;
	[tilespmem:$0x1D000] =	vst v63  }
0x16b: {  	_ =	swait.ge [sflag:s9], $0x4000  }
0x16c: {  	[sflag:s9] =	ssyncset.done $0x0  }
0x16d: {  	[sflag:s9] =	ssyncadd.s32 $0xFFFFC000  }
0x16e: {  	[tilespmem:s13], [sflag:$0x2] =	stream.indirect.gather [hbm4b:s2+s11], $0x80, s31, s11, $0xb8;
	[tilespmem:$0x1D000] =	vst v63  }
0x16f: {  	_ =	swait.ge [sflag:s14], $0x4000  }
0x170: {  	[sflag:s14] =	ssyncset.done $0x0  }
0x171: {  	[sflag:s14] =	ssyncadd.s32 $0xFFFFC000  }
0x172: {  	[spmem:s3] =	stream.indirect.scatter.add.f32 [tilespmem:s12], [sflag:$0x3], $0x80, s1, s11, $0xb8;
	[tilespmem:$0x1D000] =	vst v63  }
0x173: {  	_ =	swait.ge [sflag:s9], $0x4000  }
0x174: {  	[sflag:s9] =	ssyncset.done $0x0  }
0x175: {  	[sflag:s9] =	ssyncadd.s32 $0xFFFFC000  }
0x176: {  	p0 =	sne.s32 s6, $0x400;
	_ =	swait.ge [sflag:s15], $0x4000  }
.Ltmp1:
0x177: {  	[sflag:s15] =	ssyncset.done $0x0;
	(pc) =	sbr.rel @p0 .LBB2_4-.Ltmp1, $4  }
0x178: {  	[sflag:s15] =	ssyncadd.s32 $0xFFFFC000  }
0x179: {  	[spmem:s3] =	stream.indirect.scatter.add.f32 [tilespmem:s13], [sflag:$0x3], $0x80, s0, s11, $0xb8;
	[tilespmem:$0x1D000] =	vst v63  }
0x17a: {  	_ =	swait.ge [sflag:s9], $0x4000  }
0x17b: {  	s6 =	sadd.s32 $0x100, s6;
	s8 =	rddreg [dreg:$0x4];
	[sflag:s9] =	ssyncset.done $0x0  }
0x17c: {  	[sflag:s9] =	ssyncadd.s32 $0xFFFFC000;
	s6 =	sadd.s32 s7, s8  }
0x17d: {  	[tilespmem:s4], [sflag:$0x3] =	stream.linear.gather [hbm4b:s6+s4], $0x800, $0x38;
	[tilespmem:$0x1D000] =	vst v63  }
0x17e: {  	_ =	swait.ge [sflag:s9], $0x800  }
0x17f: {  	s8 =	rddreg [dreg:$0x5];
	[sflag:s9] =	ssyncset.done $0x0  }
0x180: {  	[sflag:s9] =	ssyncadd.s32 $0xFFFFF800;
	s6 =	sadd.s32 s7, s8  }
0x181: {  	[tilespmem:s10], [sflag:$0x3] =	stream.linear.gather [hbm4b:s6+s4], $0x800, $0x38;
	[tilespmem:$0x1D000] =	vst v63  }
0x182: {  	_ =	swait.ge [sflag:s9], $0x800  }
0x183: {  	[sflag:s9] =	ssyncset.done $0x0  }
0x184: {  	[sflag:s9] =	ssyncadd.s32 $0xFFFFF800  }
0x185: {  	[tilespmem:s12], [sflag:$0x1] =	stream.indirect.gather [hbm4b:s2+s11], $0x80, s4, s11, $0xb8;
	[tilespmem:$0x1D000] =	vst v63  }
0x186: {  	_ = 	snop  }
0x187: {  	[tilespmem:s13], [sflag:$0x2] =	stream.indirect.gather [hbm4b:s2+s11], $0x80, s11, s11, $0xb8;
	[tilespmem:$0x1D000] =	vst v63  }
0x188: {  	_ =	swait.ge [sflag:s14], $0x4000  }
0x189: {  	[sflag:s14] =	ssyncset.done $0x0  }
0x18a: {  	[sflag:s14] =	ssyncadd.s32 $0xFFFFC000  }
0x18b: {  	[spmem:s3] =	stream.indirect.scatter.add.f32 [tilespmem:s12], [sflag:$0x3], $0x80, s10, s11, $0xb8;
	[tilespmem:$0x1D000] =	vst v63  }
0x18c: {  	_ =	swait.ge [sflag:s9], $0x4000  }
0x18d: {  	[sflag:s9] =	ssyncset.done $0x0  }
0x18e: {  	s8 =	rddreg [dreg:$0x6];
	[sflag:s9] =	ssyncadd.s32 $0xFFFFC000  }
0x18f: {  	[tilespmem:s12], [sflag:$0x1] =	stream.indirect.gather [hbm4b:s2+s11], $0x80, s8, s11, $0xb8;
	[tilespmem:$0x1D000] =	vst v63  }
0x190: {  	_ =	swait.ge [sflag:s15], $0x4000  }
0x191: {  	[sflag:s15] =	ssyncset.done $0x0  }
0x192: {  	s7 =	rddreg [dreg:$0x7];
	[sflag:s15] =	ssyncadd.s32 $0xFFFFC000  }
0x193: {  	[spmem:s3] =	stream.indirect.scatter.add.f32 [tilespmem:s13], [sflag:$0x3], $0x80, s7, s11, $0xb8;
	[tilespmem:$0x1D000] =	vst v63  }
0x194: {  	_ =	swait.ge [sflag:s9], $0x4000  }
0x195: {  	[sflag:s9] =	ssyncset.done $0x0  }
0x196: {  	s8 =	rddreg [dreg:$0x8];
	[sflag:s9] =	ssyncadd.s32 $0xFFFFC000  }
0x197: {  	[tilespmem:s13], [sflag:$0x2] =	stream.indirect.gather [hbm4b:s2+s11], $0x80, s8, s11, $0xb8;
	[tilespmem:$0x1D000] =	vst v63  }
0x198: {  	_ =	swait.ge [sflag:s14], $0x4000  }
0x199: {  	[sflag:s14] =	ssyncset.done $0x0  }
0x19a: {  	s7 =	rddreg [dreg:$0x9];
	[sflag:s14] =	ssyncadd.s32 $0xFFFFC000  }
0x19b: {  	[spmem:s3] =	stream.indirect.scatter.add.f32 [tilespmem:s12], [sflag:$0x3], $0x80, s7, s11, $0xb8;
	[tilespmem:$0x1D000] =	vst v63  }
0x19c: {  	_ =	swait.ge [sflag:s9], $0x4000  }
0x19d: {  	[sflag:s9] =	ssyncset.done $0x0  }
0x19e: {  	s8 =	rddreg [dreg:$0xa];
	[sflag:s9] =	ssyncadd.s32 $0xFFFFC000  }
0x19f: {  	[tilespmem:s12], [sflag:$0x1] =	stream.indirect.gather [hbm4b:s2+s11], $0x80, s8, s11, $0xb8;
	[tilespmem:$0x1D000] =	vst v63  }
0x1a0: {  	_ =	swait.ge [sflag:s15], $0x4000  }
0x1a1: {  	[sflag:s15] =	ssyncset.done $0x0  }
0x1a2: {  	s7 =	rddreg [dreg:$0xb];
	[sflag:s15] =	ssyncadd.s32 $0xFFFFC000  }
0x1a3: {  	[spmem:s3] =	stream.indirect.scatter.add.f32 [tilespmem:s13], [sflag:$0x3], $0x80, s7, s11, $0xb8;
	[tilespmem:$0x1D000] =	vst v63  }
0x1a4: {  	_ =	swait.ge [sflag:s9], $0x4000  }
0x1a5: {  	[sflag:s9] =	ssyncset.done $0x0  }
0x1a6: {  	s8 =	rddreg [dreg:$0xc];
	[sflag:s9] =	ssyncadd.s32 $0xFFFFC000  }
0x1a7: {  	[tilespmem:s13], [sflag:$0x2] =	stream.indirect.gather [hbm4b:s2+s11], $0x80, s8, s11, $0xb8;
	[tilespmem:$0x1D000] =	vst v63  }
0x1a8: {  	_ =	swait.ge [sflag:s14], $0x4000  }
0x1a9: {  	[sflag:s14] =	ssyncset.done $0x0  }
0x1aa: {  	s7 =	rddreg [dreg:$0xd];
	[sflag:s14] =	ssyncadd.s32 $0xFFFFC000  }
0x1ab: {  	[spmem:s3] =	stream.indirect.scatter.add.f32 [tilespmem:s12], [sflag:$0x3], $0x80, s7, s11, $0xb8;
	[tilespmem:$0x1D000] =	vst v63  }
0x1ac: {  	_ =	swait.ge [sflag:s9], $0x4000  }
0x1ad: {  	[sflag:s9] =	ssyncset.done $0x0  }
0x1ae: {  	s8 =	rddreg [dreg:$0xe];
	[sflag:s9] =	ssyncadd.s32 $0xFFFFC000  }
0x1af: {  	[tilespmem:s12], [sflag:$0x1] =	stream.indirect.gather [hbm4b:s2+s11], $0x80, s8, s11, $0xb8;
	[tilespmem:$0x1D000] =	vst v63  }
0x1b0: {  	_ =	swait.ge [sflag:s15], $0x4000  }
0x1b1: {  	[sflag:s15] =	ssyncset.done $0x0  }
0x1b2: {  	s7 =	rddreg [dreg:$0xf];
	[sflag:s15] =	ssyncadd.s32 $0xFFFFC000  }
0x1b3: {  	[spmem:s3] =	stream.indirect.scatter.add.f32 [tilespmem:s13], [sflag:$0x3], $0x80, s7, s11, $0xb8;
	[tilespmem:$0x1D000] =	vst v63  }
0x1b4: {  	_ =	swait.ge [sflag:s9], $0x4000  }
0x1b5: {  	[sflag:s9] =	ssyncset.done $0x0  }
0x1b6: {  	s8 =	rddreg [dreg:$0x10];
	[sflag:s9] =	ssyncadd.s32 $0xFFFFC000  }
0x1b7: {  	[tilespmem:s13], [sflag:$0x2] =	stream.indirect.gather [hbm4b:s2+s11], $0x80, s8, s11, $0xb8;
	[tilespmem:$0x1D000] =	vst v63  }
0x1b8: {  	_ =	swait.ge [sflag:s14], $0x4000  }
0x1b9: {  	[sflag:s14] =	ssyncset.done $0x0  }
0x1ba: {  	s7 =	rddreg [dreg:$0x11];
	[sflag:s14] =	ssyncadd.s32 $0xFFFFC000  }
0x1bb: {  	[spmem:s3] =	stream.indirect.scatter.add.f32 [tilespmem:s12], [sflag:$0x3], $0x80, s7, s11, $0xb8;
	[tilespmem:$0x1D000] =	vst v63  }
0x1bc: {  	_ =	swait.ge [sflag:s9], $0x4000  }
0x1bd: {  	[sflag:s9] =	ssyncset.done $0x0  }
0x1be: {  	[sflag:s9] =	ssyncadd.s32 $0xFFFFC000  }
0x1bf: {  	[tilespmem:s12], [sflag:$0x1] =	stream.indirect.gather [hbm4b:s2+s11], $0x80, s16, s11, $0xb8;
	[tilespmem:$0x1D000] =	vst v63  }
0x1c0: {  	_ =	swait.ge [sflag:s15], $0x4000  }
0x1c1: {  	[sflag:s15] =	ssyncset.done $0x0  }
0x1c2: {  	[sflag:s15] =	ssyncadd.s32 $0xFFFFC000  }
0x1c3: {  	[spmem:s3] =	stream.indirect.scatter.add.f32 [tilespmem:s13], [sflag:$0x3], $0x80, s17, s11, $0xb8;
	[tilespmem:$0x1D000] =	vst v63  }
0x1c4: {  	_ =	swait.ge [sflag:s9], $0x4000  }
0x1c5: {  	[sflag:s9] =	ssyncset.done $0x0  }
0x1c6: {  	[sflag:s9] =	ssyncadd.s32 $0xFFFFC000  }
0x1c7: {  	[tilespmem:s13], [sflag:$0x2] =	stream.indirect.gather [hbm4b:s2+s11], $0x80, s18, s11, $0xb8;
	[tilespmem:$0x1D000] =	vst v63  }
0x1c8: {  	_ =	swait.ge [sflag:s14], $0x4000  }
0x1c9: {  	[sflag:s14] =	ssyncset.done $0x0  }
0x1ca: {  	[sflag:s14] =	ssyncadd.s32 $0xFFFFC000  }
0x1cb: {  	[spmem:s3] =	stream.indirect.scatter.add.f32 [tilespmem:s12], [sflag:$0x3], $0x80, s19, s11, $0xb8;
	[tilespmem:$0x1D000] =	vst v63  }
0x1cc: {  	_ =	swait.ge [sflag:s9], $0x4000  }
0x1cd: {  	[sflag:s9] =	ssyncset.done $0x0  }
0x1ce: {  	[sflag:s9] =	ssyncadd.s32 $0xFFFFC000  }
0x1cf: {  	[tilespmem:s12], [sflag:$0x1] =	stream.indirect.gather [hbm4b:s2+s11], $0x80, s20, s11, $0xb8;
	[tilespmem:$0x1D000] =	vst v63  }
0x1d0: {  	_ =	swait.ge [sflag:s15], $0x4000  }
0x1d1: {  	[sflag:s15] =	ssyncset.done $0x0  }
0x1d2: {  	[sflag:s15] =	ssyncadd.s32 $0xFFFFC000  }
0x1d3: {  	[spmem:s3] =	stream.indirect.scatter.add.f32 [tilespmem:s13], [sflag:$0x3], $0x80, s21, s11, $0xb8;
	[tilespmem:$0x1D000] =	vst v63  }
0x1d4: {  	_ =	swait.ge [sflag:s9], $0x4000  }
0x1d5: {  	[sflag:s9] =	ssyncset.done $0x0  }
0x1d6: {  	[sflag:s9] =	ssyncadd.s32 $0xFFFFC000  }
0x1d7: {  	[tilespmem:s13], [sflag:$0x2] =	stream.indirect.gather [hbm4b:s2+s11], $0x80, s22, s11, $0xb8;
	[tilespmem:$0x1D000] =	vst v63  }
0x1d8: {  	_ =	swait.ge [sflag:s14], $0x4000  }
0x1d9: {  	[sflag:s14] =	ssyncset.done $0x0  }
0x1da: {  	[sflag:s14] =	ssyncadd.s32 $0xFFFFC000  }
0x1db: {  	[spmem:s3] =	stream.indirect.scatter.add.f32 [tilespmem:s12], [sflag:$0x3], $0x80, s23, s11, $0xb8;
	[tilespmem:$0x1D000] =	vst v63  }
0x1dc: {  	_ =	swait.ge [sflag:s9], $0x4000  }
0x1dd: {  	[sflag:s9] =	ssyncset.done $0x0  }
0x1de: {  	[sflag:s9] =	ssyncadd.s32 $0xFFFFC000  }
0x1df: {  	[tilespmem:s12], [sflag:$0x1] =	stream.indirect.gather [hbm4b:s2+s11], $0x80, s24, s11, $0xb8;
	[tilespmem:$0x1D000] =	vst v63  }
0x1e0: {  	_ =	swait.ge [sflag:s15], $0x4000  }
0x1e1: {  	[sflag:s15] =	ssyncset.done $0x0  }
0x1e2: {  	[sflag:s15] =	ssyncadd.s32 $0xFFFFC000  }
0x1e3: {  	[spmem:s3] =	stream.indirect.scatter.add.f32 [tilespmem:s13], [sflag:$0x3], $0x80, s25, s11, $0xb8;
	[tilespmem:$0x1D000] =	vst v63  }
0x1e4: {  	_ =	swait.ge [sflag:s9], $0x4000  }
0x1e5: {  	[sflag:s9] =	ssyncset.done $0x0  }
0x1e6: {  	[sflag:s9] =	ssyncadd.s32 $0xFFFFC000  }
0x1e7: {  	[tilespmem:s13], [sflag:$0x2] =	stream.indirect.gather [hbm4b:s2+s11], $0x80, s26, s11, $0xb8;
	[tilespmem:$0x1D000] =	vst v63  }
0x1e8: {  	_ =	swait.ge [sflag:s14], $0x4000  }
0x1e9: {  	[sflag:s14] =	ssyncset.done $0x0  }
0x1ea: {  	[sflag:s14] =	ssyncadd.s32 $0xFFFFC000  }
0x1eb: {  	[spmem:s3] =	stream.indirect.scatter.add.f32 [tilespmem:s12], [sflag:$0x3], $0x80, s28, s11, $0xb8;
	[tilespmem:$0x1D000] =	vst v63  }
0x1ec: {  	_ =	swait.ge [sflag:s9], $0x4000  }
0x1ed: {  	[sflag:s9] =	ssyncset.done $0x0  }
0x1ee: {  	[sflag:s9] =	ssyncadd.s32 $0xFFFFC000  }
0x1ef: {  	[tilespmem:s12], [sflag:$0x1] =	stream.indirect.gather [hbm4b:s2+s11], $0x80, s29, s11, $0xb8;
	[tilespmem:$0x1D000] =	vst v63  }
0x1f0: {  	_ =	swait.ge [sflag:s15], $0x4000  }
0x1f1: {  	[sflag:s15] =	ssyncset.done $0x0  }
0x1f2: {  	[sflag:s15] =	ssyncadd.s32 $0xFFFFC000  }
0x1f3: {  	[spmem:s3] =	stream.indirect.scatter.add.f32 [tilespmem:s13], [sflag:$0x3], $0x80, s30, s11, $0xb8;
	[tilespmem:$0x1D000] =	vst v63  }
0x1f4: {  	_ =	swait.ge [sflag:s9], $0x4000  }
0x1f5: {  	[sflag:s9] =	ssyncset.done $0x0  }
0x1f6: {  	[sflag:s9] =	ssyncadd.s32 $0xFFFFC000  }
0x1f7: {  	[tilespmem:s13], [sflag:$0x2] =	stream.indirect.gather [hbm4b:s2+s11], $0x80, s31, s11, $0xb8;
	[tilespmem:$0x1D000] =	vst v63  }
0x1f8: {  	_ =	swait.ge [sflag:s14], $0x4000  }
0x1f9: {  	[sflag:s14] =	ssyncset.done $0x0  }
0x1fa: {  	[sflag:s14] =	ssyncadd.s32 $0xFFFFC000  }
0x1fb: {  	[spmem:s3] =	stream.indirect.scatter.add.f32 [tilespmem:s12], [sflag:$0x3], $0x80, s1, s11, $0xb8;
	[tilespmem:$0x1D000] =	vst v63  }
0x1fc: {  	_ =	swait.ge [sflag:s9], $0x4000  }
0x1fd: {  	[sflag:s9] =	ssyncset.done $0x0  }
0x1fe: {  	[sflag:s9] =	ssyncadd.s32 $0xFFFFC000  }
0x1ff: {  	_ =	swait.ge [sflag:s15], $0x4000  }
0x200: {  	[sflag:s15] =	ssyncset.done $0x0  }
0x201: {  	[sflag:s15] =	ssyncadd.s32 $0xFFFFC000  }
0x202: {  	[spmem:s3] =	stream.indirect.scatter.add.f32 [tilespmem:s13], [sflag:$0x3], $0x80, s0, s11, $0xb8;
	[tilespmem:$0x1D000] =	vst v63  }
0x203: {  	_ =	swait.ge [sflag:s9], $0x4000  }
0x204: {  	[sflag:s9] =	ssyncset.done $0x0  }
0x205: {  	s8 =	stileid.u32;
	[sflag:s9] =	ssyncadd.s32 $0xFFFFC000  }
0x206: {  	s6 =	sshll.u32 s8, $0x6;
	[bflag:$0x0] =	sbarrier.arrive $0xFFFF  }
0x207: {  	s6 =	sor.u32 $0x1C03, s6;
	s7 =	sshrl.u32 s5, $0x3;
	s8 =	rddreg [dreg:$0x12]  }
0x208: {  	[hbm:s8], [sflag:s6] =	dma.local [spmem:s7], $0x2780  }
0x209: {  	_ =	swait.ge [sflag:s9], $0x2780  }
0x20a: {  	s6 =	rddreg [dreg:$0x14]  }
0x20b: {  	s8 =	rddreg [dreg:$0x13];
	s7 =	sadd.s32 $0x1, s6  }
0x20c: {  	p0 =	sne.s32 s7, s8  }
.Ltmp2:
0x20d: {  	_ = 	snop;
	(pc) =	sbr.rel @p0 .LBB2_1-.Ltmp2, $3  }
0x20e: {  	_ =	sdelay $0x1  }
0x20f: {  	[sflag:s9] =	ssyncset.done $0x0  }
0x210: {  	[sflag:s9] =	ssyncadd.s32 $0xFFFFD880;
	s8 =	simm.s32 $0x9000  }
0x211: {  	_ =	sfence.sel $0x180000  }
0x212: {  	[bflag:$0x0] =	sbarrier.arrive $0xFFFF  }
0x213: {  	_ =	strace $0x9000004D  }
0x214: {  	s0 =	stileid.u32;
	[bflag:$0x2] =	sbarrier.arrive $0xFFFF  }
0x215: {  	p0 =	sne.s32 s0, $0x0;
	s0 =	rddreg [dreg:$0x3]  }
0x216: {  	s0 =	sadd.s32 @!p0 $0x100000, s0  }
0x217: {  	[sflag:s0] =	ssyncadd.tile.s32 @!p0 $0x1;
	_ =	shalt  }
.Lfunc_end2:
_tile_overlayer_lowered:
.L_overlay_start_2:
0x218: {  	(tag) =	ssettag $0x2  }
0x219: {  	s0 =	rddreg [dreg:$0x0];
	s2 =	stileid.u32  }
0x21a: {  	s1 =	rddreg [dreg:$0x1];
	p0 =	sne.s32 s2, $0x0  }
0x21b: {  	s3 =	rddreg [dreg:$0x2];
	[bflag:$0x3] =	sbarrier.arrive $0xFFFF;
	s2 =	simm.s32 @!p0 $0x1C03  }
0x21c: {  	[timem:s3], [sflag:s2] =	dma.local @!p0 [hbm:s0], s1  }
0x21d: {  	s0 =	simm.s32 @!p0 $0x3  }
0x21e: {  	_ =	swait.ge @!p0 [sflag:s0], s1  }
0x21f: {  	s1 =	ssub.s32 @!p0 $0x0, s1;
	[sflag:s0] =	ssyncset.done @!p0 $0x0  }
0x220: {  	[sflag:s0] =	ssyncadd.s32 @!p0 s1  }
0x221: {  	[bflag:$0x3] =	sbarrier.arrive $0xFFFF  }
0x222: {  	_ =	shalt  }

// kernel: kernel.9.cloned.1.call-start
scs
__scs_entry_jumppad:
0x0: {  	(pc) =	sbr.rel $0x88, $3  }
0x1: {  	(tag) =	ssettag $0x0;
	lr =	simm.s32 $0x1  }
0x2: {  	[smem:$0x3F9B] =	sst lr;
	_ =	strace $0xD0000000  }
0x3: {  	_ = 	snop  }
0x4: {  	_ = 	snop  }
0x5: {  	_ = 	snop  }
0x6: {  	_ = 	snop  }
0x7: {  	_ = 	snop  }
__scs_overlays_trampoline_lowered:
0x8: {  	[smem:$0x3FAA] =	sst s0  }
0x9: {  	[smem:$0x3FAB] =	sst s1  }
0xa: {  	[smem:$0x3FAC] =	sst s2  }
0xb: {  	[smem:$0x3FAD] =	sst s3  }
0xc: {  	[smem:$0x3FAE] =	sst s4  }
0xd: {  	[smem:$0x3FAF] =	sst s5  }
0xe: {  	[smem:$0x3FB0] =	sst s6  }
0xf: {  	[smem:$0x3FB1] =	sst s7  }
0x10: {  	[smem:$0x3FB2] =	sst s8  }
0x11: {  	[smem:$0x3FB3] =	sst s9;
	s0 =	simm.s32 @!p0 $0x0  }
0x12: {  	s1 =	sld [smem:$0x3F99];
	s0 =	simm.s32 @p0 $0x1  }
0x13: {  	[smem:$0x3FB4] =	sst s0;
	s0 =	simm.s32 @!p1 $0x0  }
0x14: {  	s2 =	sld [smem:$0x3F98];
	s0 =	simm.s32 @p1 $0x1  }
0x15: {  	[smem:$0x3FB5] =	sst s0;
	s0 =	simm.s32 @!p2 $0x0  }
0x16: {  	s3 =	sld [smem:$0x3FDB];
	s0 =	simm.s32 @p2 $0x1  }
0x17: {  	s4 =	simm.s32 $0x1BF5;
	[smem:$0x3FB7] =	sst s0  }
0x18: {  	s0 =	sld [smem:$0x3F9A];
	_ =	swait.ge [sflag:s4], $0x0  }
0x19: {  	s7 =	sld [smem:$0x3F9B]  }
0x1a: {  	s8 =	sadd.s32 $0xFFFFE003, lr  }
0x1b: {  	s9 =	sadd.s32 $0xFFFFFEF7, lr;
	s5 =	simm.s32 $0xFFFFFFFF;
	p2 =	slt.u32 s8, $0xFFFFF086  }
0x1c: {  	p1 =	slt.u32 s9, $0xF7A;
	s5 =	simm.s32 @!p2 $0x0  }
0x1d: {  	s5 =	simm.s32 @p1 $0x1;
	p0 =	seq.s32 s7, s2  }
0x1e: {  	s7 =	smul.u32 @!p0 $0xF7A, s2;
	p2 =	seq.s32 @!p0 s5, $0x0  }
0x1f: {  	s9 =	smul.u32 $0xF7A, s1;
	s8 =	simm.s32 @!p0 $0x1BF5;
	p2 =	por !p2, p0  }
0x20: {  	[sflag:s8] =	ssyncset.s32 @!p0 $0xFFFFF086;
	s6 =	sadd.s32 @!p0 s3, s7;
	s7 =	simm.s32 @!p0 $0x108  }
0x21: {  	s3 =	sadd.s32 s3, s9;
	s6 =	sadd.s32 @!p0 $0x88, s6;
	s7 =	simm.s32 @p2 $0x1082  }
0x22: {  	[simem:s7], [sflag:s8] =	dma.local @!p0 [hbm:s6], $0xF7A  }
0x23: {  	s9 =	sor.u32 $0xD0000000, s2;
	s6 =	simm.s32 $0x108;
	_ =	swait.ge @!p0 [sflag:s8], $0x0  }
0x24: {  	s3 =	sadd.s32 $0x88, s3;
	s6 =	simm.s32 @!p1 $0x1082;
	[sflag:s4] =	ssyncset.s32 $0xFFFFF086  }
0x25: {  	[simem:s6], [sflag:s4] =	dma.local [hbm:s3], $0xF7A  }
0x26: {  	[smem:$0x3F9B] =	sst s1;
	(tag) =	ssettag s2;
	_ =	strace s9  }
0x27: {  	s1 =	sld [smem:$0x3FAB]  }
0x28: {  	s2 =	sld [smem:$0x3FAC]  }
0x29: {  	s4 =	sld [smem:$0x3FAE]  }
0x2a: {  	p0 =	seq.s32 s5, $0x0;
	s5 =	sld [smem:$0x3FAF]  }
0x2b: {  	s6 =	sld [smem:$0x3FB0]  }
0x2c: {  	s7 =	sld [smem:$0x3FB1]  }
0x2d: {  	s3 =	simm.s32 $0x108;
	s8 =	sld [smem:$0x3FB2]  }
0x2e: {  	s3 =	simm.s32 @!p0 $0x1082;
	s9 =	sld [smem:$0x3FB3]  }
0x2f: {  	lr =	sadd.s32 s0, s3;
	s0 =	sld [smem:$0x3FAA]  }
0x30: {  	s3 =	sld [smem:$0x3FAD]  }
0x31: {  	[smem:$0x3FB6] =	sst s10  }
0x32: {  	s10 =	sld [smem:$0x3FB4];
	_ =	sdelay $0x3  }
0x33: {  	p0 =	seq.s32 s10, $0x1;
	s10 =	sld [smem:$0x3FB6];
	_ =	sdelay $0x3  }
0x34: {  	[smem:$0x3FB6] =	sst s10  }
0x35: {  	s10 =	sld [smem:$0x3FB5];
	_ =	sdelay $0x3  }
0x36: {  	p1 =	seq.s32 s10, $0x1;
	s10 =	sld [smem:$0x3FB6];
	_ =	sdelay $0x3  }
0x37: {  	[smem:$0x3FB6] =	sst s10  }
0x38: {  	s10 =	sld [smem:$0x3FB7]  }
0x39: {  	_ = 	snop;
	(pc) =	sbr.ind lr, $3  }
0x3a: {  	_ = 	snop  }
0x3b: {  	_ = 	snop  }
0x3c: {  	p2 =	seq.s32 s10, $0x1;
	s10 =	sld [smem:$0x3FB6]  }
0x3d: {  	_ =	shalt  }
0x3e: {  	_ =	shalt  }
0x3f: {  	_ =	shalt  }
0x40: {  	_ =	shalt  }
0x41: {  	_ =	shalt  }
0x42: {  	_ =	shalt  }
0x43: {  	_ =	shalt  }
0x44: {  	_ =	shalt  }
0x45: {  	_ =	shalt  }
0x46: {  	_ =	shalt  }
0x47: {  	_ =	shalt  }
0x48: {  	_ =	shalt  }
0x49: {  	_ =	shalt  }
0x4a: {  	_ =	shalt  }
0x4b: {  	_ =	shalt  }
0x4c: {  	_ =	shalt  }
0x4d: {  	_ =	shalt  }
0x4e: {  	_ =	shalt  }
0x4f: {  	_ =	shalt  }
0x50: {  	_ =	shalt  }
0x51: {  	_ =	shalt  }
0x52: {  	_ =	shalt  }
0x53: {  	_ =	shalt  }
0x54: {  	_ =	shalt  }
0x55: {  	_ =	shalt  }
0x56: {  	_ =	shalt  }
0x57: {  	_ =	shalt  }
0x58: {  	_ =	shalt  }
0x59: {  	_ =	shalt  }
0x5a: {  	_ =	shalt  }
0x5b: {  	_ =	shalt  }
0x5c: {  	_ =	shalt  }
0x5d: {  	_ =	shalt  }
0x5e: {  	_ =	shalt  }
0x5f: {  	_ =	shalt  }
0x60: {  	_ =	shalt  }
0x61: {  	_ =	shalt  }
0x62: {  	_ =	shalt  }
0x63: {  	_ =	shalt  }
0x64: {  	_ =	shalt  }
0x65: {  	_ =	shalt  }
0x66: {  	_ =	shalt  }
0x67: {  	_ =	shalt  }
0x68: {  	_ =	shalt  }
0x69: {  	_ =	shalt  }
0x6a: {  	_ =	shalt  }
0x6b: {  	_ =	shalt  }
0x6c: {  	_ =	shalt  }
0x6d: {  	_ =	shalt  }
0x6e: {  	_ =	shalt  }
0x6f: {  	_ =	shalt  }
0x70: {  	_ =	shalt  }
0x71: {  	_ =	shalt  }
0x72: {  	_ =	shalt  }
0x73: {  	_ =	shalt  }
0x74: {  	_ =	shalt  }
0x75: {  	_ =	shalt  }
0x76: {  	_ =	shalt  }
0x77: {  	_ =	shalt  }
0x78: {  	_ =	shalt  }
0x79: {  	_ =	shalt  }
0x7a: {  	_ =	shalt  }
0x7b: {  	_ =	shalt  }
0x7c: {  	_ =	shalt  }
0x7d: {  	_ =	shalt  }
0x7e: {  	_ =	shalt  }
0x7f: {  	_ =	shalt  }
0x80: {  	_ =	shalt  }
0x81: {  	_ =	shalt  }
0x82: {  	_ =	shalt  }
0x83: {  	_ =	shalt  }
0x84: {  	_ =	shalt  }
0x85: {  	_ =	shalt  }
0x86: {  	_ =	shalt  }
0x87: {  	_ =	shalt  }
.Lfunc_end0:
.L_simem_size_0:
called_computation_lowered:
.L_overlay_start_0:
0x88: {  	s2 =	sld [smem:$0x3FD9]  }
0x89: {  	s3 =	sld [smem:$0x3FFE];
	_ =	sdelay $0x1  }
0x8a: {  	s1 =	srdreg.scid  }
0x8b: {  	s0 =	sand.u32 $0x1, s1  }
0x8c: {  	s17 =	sshll.u32 s0, $0xA;
	s2 =	sadd.s32 s3, s2  }
0x8d: {  	s2 =	sadd.s32 s2, s17  }
0x8e: {  	[smem:$0x3FC2] =	sst s2  }
0x8f: {  	_ = 	snop  }
0x90: {  	s2 =	sld [smem:$0x3FD0];
	(tm) =	ssettm $0x1  }
0x91: {  	s18 =	sld [smem:$0x3FFB];
	_ =	sdelay $0x3  }
0x92: {  	_ =	strace s18  }
0x93: {  	s3 =	sld [smem:$0x3FFC];
	_ =	sdelay $0x3  }
0x94: {  	_ =	strace s3  }
0x95: {  	s3 =	sld [smem:$0x3FFD];
	_ =	sdelay $0x3  }
0x96: {  	_ =	strace s3  }
0x97: {  	_ =	strace $0x8FFFFFFF  }
0x98: {  	s19 =	sld [smem:$0x3FDB];
	_ =	sdelay $0x1  }
0x99: {  	s4 =	simm.s32 $_scs_section_size  }
0x9a: {  	s5 =	simm.s32 $_size__tile_overlayer_lowered;
	s6 =	simm.s32 $_tile_overlayer_lowered  }
0x9b: {  	s22 =	simm.s32 $0x1BFF;
	s21 =	sshll.u32 s6, $0x1;
	s3 =	sadd.s32 s4, s19  }
0x9c: {  	s7 =	simm.s32 $0x0;
	s20 =	sshll.u32 s5, $0x1;
	s5 =	sadd.s32 s21, s3  }
0x9d: {  	[timem:s7], [sflag:s22] =	dma.local [hbm:s5], s20  }
0x9e: {  	_ =	swait.ge [sflag:s22], s20  }
0x9f: {  	s4 =	ssub.s32 $0x0, s20;
	[sflag:s22] =	ssyncset.done $0x0  }
0xa0: {  	[sflag:s22] =	ssyncadd.s32 s4;
	_ =	sdelay $0x1  }
0xa1: {  	s23 =	simm.s32 $0x1B8B  }
0xa2: {  	_ =	swait.ge [sflag:s23], $0x1  }
0xa3: {  	[sflag:s23] =	ssyncset.done $0x0  }
0xa4: {  	s25 =	simm.s32 $0x1B8E;
	s24 =	sld [smem:$0x3FFE];
	[sflag:s23] =	ssyncadd.s32 $0xFFFFFFFF  }
0xa5: {  	s26 =	simm.s32 $execute0_lowered;
	[smem:$0x3FD2] =	sst s25  }
0xa6: {  	s5 =	sshll.u32 s26, $0x1;
	_ =	strace $0x80000046;
	[dreg:$0x1] =	wrdreg $0xFFFFFFFF  }
0xa7: {  	s28 =	simm.s32 $_size_execute0_lowered;
	s3 =	sadd.s32 s3, s5;
	[dreg:$0x0] =	wrdreg $0x0  }
0xa8: {  	s5 =	sshll.u32 s28, $0x1;
	[dreg:$0x2] =	wrdreg s3  }
0xa9: {  	[dreg:$0x3] =	wrdreg s5  }
0xaa: {  	[dreg:$0x4] =	wrdreg $0xC0  }
0xab: {  	_ =	task [dreg:s7], $0x5FFFF  }
0xac: {  	[dreg:$0x1] =	wrdreg $0xFFFFFFFF  }
0xad: {  	[dreg:$0x0] =	wrdreg $0x60  }
0xae: {  	[dreg:$0x2] =	wrdreg s2  }
0xaf: {  	[dreg:$0x3] =	wrdreg s24  }
0xb0: {  	[dreg:$0x4] =	wrdreg $0x4C000  }
0xb1: {  	[dreg:$0x5] =	wrdreg $0x9  }
0xb2: {  	_ =	task.clear_ibuf [dreg:s7], $0x6FFFF;
	_ =	strace $0x90000046  }
0xb3: {  	s29 =	simm.s32 $0x9;
	_ =	strace $0x80000048  }
0xb4: {  	_ =	swait.ge [sflag:s29], $0x1  }
0xb5: {  	[sflag:s29] =	ssyncadd.s32 $0xFFFFFFFF  }
0xb6: {  	_ =	strace $0x90000048  }
0xb7: {  	_ =	sfence  }
0xb8: {  	s30 =	sld [smem:$0x0];
	_ =	sdelay $0x2  }
0xb9: {  	s31 =	sshll.u32 s1, $0xD;
	s1 =	sshrl.u32 s1, $0x2  }
0xba: {  	s3 =	sand.u32 $0x4000, s31;
	s1 =	sadd.s32 s1, s30  }
0xbb: {  	s0 =	sor.u32 s3, s0;
	s1 =	sshll.u32 s1, $0x11  }
0xbc: {  	s0 =	sor.u32 s1, s0  }
0xbd: {  	s0 =	sadd.s32 $0x8F2B, s0  }
0xbe: {  	[sflag:s0] =	ssyncadd.remote.s32 $0x1  }
0xbf: {  	_ =	sfence.sel $0xFFFF  }
0xc0: {  	[dreg:$0x0] =	wrdreg $0xFFFFFFFF;
	(pc) =	sbr.abs _section_cstart, $3  }
0xc1: {  	[dreg:$0x1] =	wrdreg $0xFFFFFFFF  }
0xc2: {  	_ =	task.clear_ibuf [dreg:s7], $0x2FFFF;
	_ =	strace $0x9FFFFFFF  }
0xc3: {  	(tm) =	ssettm $0x7FFFFFFF  }
tec
execute0_lowered:
.L_overlay_start_1:
0x0: {  	(tag) =	ssettag $0x1  }
0x1: {  	s1 =	rddreg [dreg:$0x0]  }
0x2: {  	s0 =	srdreg.scid;
	s5 =	rddreg [dreg:$0x1]  }
0x3: {  	s3 =	rddreg [dreg:$0x2];
	s4 =	simm.s32 $0x0;
	s11 =	simm.s32 $0x4800  }
0x4: {  	s12 =	simm.s32 $0x80;
	s13 =	simm.s32 $0x100;
	s14 =	simm.s32 $0x180  }
0x5: {  	s15 =	simm.s32 $0x200;
	s16 =	simm.s32 $0x280;
	s6 =	sand.u32 $0x1, s0  }
0x6: {  	s17 =	simm.s32 $0x300;
	s0 =	stileid.u32;
	s7 =	smul.u32 $0x28000, s6  }
0x7: {  	s18 =	simm.s32 $0x380;
	s19 =	simm.s32 $0x400;
	s8 =	smul.u32 $0x2800, s0  }
0x8: {  	s20 =	simm.s32 $0x480;
	s21 =	simm.s32 $0x500;
	s9 =	smul.u32 $0x13C000, s6  }
0x9: {  	s22 =	simm.s32 $0x580;
	s23 =	simm.s32 $0x600;
	s24 =	smul.u32 $0x13C00, s0  }
0xa: {  	[smem:$0x7FF] =	sst s4;
	s25 =	smul.u32 $0x4F000, s0;
	s6 =	ssub.s32 $0x2, s6  }
0xb: {  	s28 =	simm.s32 $0x0;
	_ =	strace $0x80000047;
	s29 =	sshrl.u32 s6, $0x1  }
0xc: {  	s7 =	sadd.s32 s8, s7;
	s8 =	sadd.s32 s24, s9;
	s30 =	sshrl.u32 s25, $0x2  }
0xd: {  	s31 =	ssub.s32 s6, s29;
	s9 =	simm.s32 $0x800;
	s7 =	sadd.s32 $0x50000, s7  }
0xe: {  	s24 =	simm.s32 $0x680;
	s26 =	sshrl.u32 s8, $0x3;
	s7 =	sshrl.u32 s7, $0x3  }
0xf: {  	s25 =	simm.s32 $0x700;
	s10 =	sadd.s32 s7, s5;
	s7 =	sadd.s32 s26, s5  }
0x10: {  	s5 =	sadd.s32 s30, s3;
	s26 =	simm.s32 $0x780;
	s6 =	sadd.s32 $0x16800, s7  }
0x11: {  	v0 =	vimm.f32 $0.0e+00;
	s7 =	smax.u32 s31, $0x1;
	s8 =	sadd.s32 $0x2800, s10;
	s10 =	simm.s32 $0x1  }
.LBB2_1:
0x12: {  	[tilespmem:$0x4800] =	vst v0  }
0x13: {  	[tilespmem:$0x4810] =	vst v0  }
0x14: {  	[tilespmem:$0x4820] =	vst v0  }
0x15: {  	[tilespmem:$0x4830] =	vst v0  }
0x16: {  	[tilespmem:$0x4840] =	vst v0  }
0x17: {  	[tilespmem:$0x4850] =	vst v0  }
0x18: {  	[tilespmem:$0x4860] =	vst v0  }
0x19: {  	[tilespmem:$0x4870] =	vst v0  }
0x1a: {  	[tilespmem:$0x4880] =	vst v0  }
0x1b: {  	[tilespmem:$0x4890] =	vst v0  }
0x1c: {  	[tilespmem:$0x48A0] =	vst v0  }
0x1d: {  	[tilespmem:$0x48B0] =	vst v0  }
0x1e: {  	[tilespmem:$0x48C0] =	vst v0  }
0x1f: {  	[tilespmem:$0x48D0] =	vst v0  }
0x20: {  	[tilespmem:$0x48E0] =	vst v0  }
0x21: {  	[tilespmem:$0x48F0] =	vst v0  }
0x22: {  	[tilespmem:$0x4900] =	vst v0  }
0x23: {  	[tilespmem:$0x4910] =	vst v0  }
0x24: {  	[tilespmem:$0x4920] =	vst v0  }
0x25: {  	[tilespmem:$0x4930] =	vst v0  }
0x26: {  	[tilespmem:$0x4940] =	vst v0  }
0x27: {  	[tilespmem:$0x4950] =	vst v0  }
0x28: {  	[tilespmem:$0x4960] =	vst v0  }
0x29: {  	[tilespmem:$0x4970] =	vst v0  }
0x2a: {  	[tilespmem:$0x4980] =	vst v0  }
0x2b: {  	[tilespmem:$0x4990] =	vst v0  }
0x2c: {  	[tilespmem:$0x49A0] =	vst v0  }
0x2d: {  	[tilespmem:$0x49B0] =	vst v0  }
0x2e: {  	[tilespmem:$0x49C0] =	vst v0  }
0x2f: {  	[tilespmem:$0x49D0] =	vst v0  }
0x30: {  	[tilespmem:$0x49E0] =	vst v0  }
0x31: {  	[tilespmem:$0x49F0] =	vst v0  }
0x32: {  	[tilespmem:$0x4A00] =	vst v0  }
0x33: {  	[tilespmem:$0x4A10] =	vst v0  }
0x34: {  	[tilespmem:$0x4A20] =	vst v0  }
0x35: {  	[tilespmem:$0x4A30] =	vst v0  }
0x36: {  	[tilespmem:$0x4A40] =	vst v0  }
0x37: {  	[tilespmem:$0x4A50] =	vst v0  }
0x38: {  	[tilespmem:$0x4A60] =	vst v0  }
0x39: {  	[tilespmem:$0x4A70] =	vst v0  }
0x3a: {  	[tilespmem:$0x4A80] =	vst v0  }
0x3b: {  	[tilespmem:$0x4A90] =	vst v0  }
0x3c: {  	[tilespmem:$0x4AA0] =	vst v0  }
0x3d: {  	[tilespmem:$0x4AB0] =	vst v0  }
0x3e: {  	[tilespmem:$0x4AC0] =	vst v0  }
0x3f: {  	[tilespmem:$0x4AD0] =	vst v0  }
0x40: {  	[tilespmem:$0x4AE0] =	vst v0  }
0x41: {  	[tilespmem:$0x4AF0] =	vst v0  }
0x42: {  	[tilespmem:$0x4B00] =	vst v0  }
0x43: {  	[tilespmem:$0x4B10] =	vst v0  }
0x44: {  	[tilespmem:$0x4B20] =	vst v0  }
0x45: {  	[tilespmem:$0x4B30] =	vst v0  }
0x46: {  	[tilespmem:$0x4B40] =	vst v0  }
0x47: {  	[tilespmem:$0x4B50] =	vst v0  }
0x48: {  	[tilespmem:$0x4B60] =	vst v0  }
0x49: {  	[tilespmem:$0x4B70] =	vst v0  }
0x4a: {  	[tilespmem:$0x4B80] =	vst v0  }
0x4b: {  	[tilespmem:$0x4B90] =	vst v0  }
0x4c: {  	[tilespmem:$0x4BA0] =	vst v0  }
0x4d: {  	[tilespmem:$0x4BB0] =	vst v0  }
0x4e: {  	[tilespmem:$0x4BC0] =	vst v0  }
0x4f: {  	[tilespmem:$0x4BD0] =	vst v0  }
0x50: {  	[tilespmem:$0x4BE0] =	vst v0  }
0x51: {  	[tilespmem:$0x4BF0] =	vst v0  }
0x52: {  	[tilespmem:s9], [sflag:$0x1] =	stream.linear.gather [hbm4b:s1+s4], $0x4000, $0x38;
	[tilespmem:$0x18800] =	vst v63  }
0x53: {  	_ =	swait.ge [sflag:s10], $0x4000  }
0x54: {  	[sflag:s10] =	ssyncset.done $0x0  }
0x55: {  	s29 =	sadd.s32 $0x0, s5;
	[sflag:s10] =	ssyncadd.s32 $0xFFFFC000  }
0x56: {  	[spmem:s29] =	stream.linear.scatter [tilespmem:s11], [sflag:$0x1], $0x400, $0x38;
	[tilespmem:$0x18800] =	vst v63  }
0x57: {  	s29 =	simm.s32 $0x1000;
	_ =	swait.ge [sflag:s10], $0x400  }
.LBB2_2:
0x58: {  	s30 =	sshra.s32 s29, $0x2;
	[sflag:s10] =	ssyncset.done $0x0;
	p0 =	sne.s32 s29, $0x4E000  }
.Ltmp0:
0x59: {  	s30 =	sadd.s32 s30, s5;
	[sflag:s10] =	ssyncadd.s32 $0xFFFFFC00;
	(pc) =	sbr.rel @p0 .LBB2_2-.Ltmp0, $3  }
0x5a: {  	[spmem:s30] =	stream.linear.scatter [tilespmem:s11], [sflag:$0x1], $0x400, $0x38;
	[tilespmem:$0x18800] =	vst v63  }
0x5b: {  	s29 =	sadd.s32 $0x1000, s29;
	_ =	sdelay $0x1  }
0x5c: {  	_ =	swait.ge [sflag:s10], $0x400  }
0x5d: {  	[sflag:s10] =	ssyncset.done $0x0  }
0x5e: {  	[sflag:s10] =	ssyncadd.s32 $0xFFFFFC00  }
0x5f: {  	s29 =	sadd.s32 $0x0, s8;
	[bflag:$0x0] =	sbarrier.arrive $0xFFFF  }
0x60: {  	[tilespmem:s4], [sflag:$0x1] =	stream.linear.gather [hbm4b:s29+s4], $0x800, $0x38;
	[tilespmem:$0x18800] =	vst v63  }
0x61: {  	_ =	swait.ge [sflag:s10], $0x800  }
0x62: {  	[sflag:s10] =	ssyncset.done $0x0  }
0x63: {  	[sflag:s10] =	ssyncadd.s32 $0xFFFFF800  }
0x64: {  	[spmem:s3] =	stream.indirect.scatter.add.f32 [tilespmem:s9], [sflag:$0x1], $0x80, s4, s12, $0xb8;
	[tilespmem:$0x18800] =	vst v63  }
0x65: {  	_ =	swait.ge [sflag:s10], $0x4000  }
0x66: {  	[sflag:s10] =	ssyncset.done $0x0  }
0x67: {  	[sflag:s10] =	ssyncadd.s32 $0xFFFFC000  }
0x68: {  	[spmem:s3] =	stream.indirect.scatter.add.f32 [tilespmem:s9], [sflag:$0x1], $0x80, s12, s12, $0xb8;
	[tilespmem:$0x18800] =	vst v63  }
0x69: {  	_ =	swait.ge [sflag:s10], $0x4000  }
0x6a: {  	[sflag:s10] =	ssyncset.done $0x0  }
0x6b: {  	[sflag:s10] =	ssyncadd.s32 $0xFFFFC000  }
0x6c: {  	[spmem:s3] =	stream.indirect.scatter.add.f32 [tilespmem:s9], [sflag:$0x1], $0x80, s13, s12, $0xb8;
	[tilespmem:$0x18800] =	vst v63  }
0x6d: {  	_ =	swait.ge [sflag:s10], $0x4000  }
0x6e: {  	[sflag:s10] =	ssyncset.done $0x0  }
0x6f: {  	[sflag:s10] =	ssyncadd.s32 $0xFFFFC000  }
0x70: {  	[spmem:s3] =	stream.indirect.scatter.add.f32 [tilespmem:s9], [sflag:$0x1], $0x80, s14, s12, $0xb8;
	[tilespmem:$0x18800] =	vst v63  }
0x71: {  	_ =	swait.ge [sflag:s10], $0x4000  }
0x72: {  	[sflag:s10] =	ssyncset.done $0x0  }
0x73: {  	[sflag:s10] =	ssyncadd.s32 $0xFFFFC000  }
0x74: {  	[spmem:s3] =	stream.indirect.scatter.add.f32 [tilespmem:s9], [sflag:$0x1], $0x80, s15, s12, $0xb8;
	[tilespmem:$0x18800] =	vst v63  }
0x75: {  	_ =	swait.ge [sflag:s10], $0x4000  }
0x76: {  	[sflag:s10] =	ssyncset.done $0x0  }
0x77: {  	[sflag:s10] =	ssyncadd.s32 $0xFFFFC000  }
0x78: {  	[spmem:s3] =	stream.indirect.scatter.add.f32 [tilespmem:s9], [sflag:$0x1], $0x80, s16, s12, $0xb8;
	[tilespmem:$0x18800] =	vst v63  }
0x79: {  	_ =	swait.ge [sflag:s10], $0x4000  }
0x7a: {  	[sflag:s10] =	ssyncset.done $0x0  }
0x7b: {  	[sflag:s10] =	ssyncadd.s32 $0xFFFFC000  }
0x7c: {  	[spmem:s3] =	stream.indirect.scatter.add.f32 [tilespmem:s9], [sflag:$0x1], $0x80, s17, s12, $0xb8;
	[tilespmem:$0x18800] =	vst v63  }
0x7d: {  	_ =	swait.ge [sflag:s10], $0x4000  }
0x7e: {  	[sflag:s10] =	ssyncset.done $0x0  }
0x7f: {  	[sflag:s10] =	ssyncadd.s32 $0xFFFFC000  }
0x80: {  	[spmem:s3] =	stream.indirect.scatter.add.f32 [tilespmem:s9], [sflag:$0x1], $0x80, s18, s12, $0xb8;
	[tilespmem:$0x18800] =	vst v63  }
0x81: {  	_ =	swait.ge [sflag:s10], $0x4000  }
0x82: {  	[sflag:s10] =	ssyncset.done $0x0  }
0x83: {  	[sflag:s10] =	ssyncadd.s32 $0xFFFFC000  }
0x84: {  	[spmem:s3] =	stream.indirect.scatter.add.f32 [tilespmem:s9], [sflag:$0x1], $0x80, s19, s12, $0xb8;
	[tilespmem:$0x18800] =	vst v63  }
0x85: {  	_ =	swait.ge [sflag:s10], $0x4000  }
0x86: {  	[sflag:s10] =	ssyncset.done $0x0  }
0x87: {  	[sflag:s10] =	ssyncadd.s32 $0xFFFFC000  }
0x88: {  	[spmem:s3] =	stream.indirect.scatter.add.f32 [tilespmem:s9], [sflag:$0x1], $0x80, s20, s12, $0xb8;
	[tilespmem:$0x18800] =	vst v63  }
0x89: {  	_ =	swait.ge [sflag:s10], $0x4000  }
0x8a: {  	[sflag:s10] =	ssyncset.done $0x0  }
0x8b: {  	[sflag:s10] =	ssyncadd.s32 $0xFFFFC000  }
0x8c: {  	[spmem:s3] =	stream.indirect.scatter.add.f32 [tilespmem:s9], [sflag:$0x1], $0x80, s21, s12, $0xb8;
	[tilespmem:$0x18800] =	vst v63  }
0x8d: {  	_ =	swait.ge [sflag:s10], $0x4000  }
0x8e: {  	[sflag:s10] =	ssyncset.done $0x0  }
0x8f: {  	[sflag:s10] =	ssyncadd.s32 $0xFFFFC000  }
0x90: {  	[spmem:s3] =	stream.indirect.scatter.add.f32 [tilespmem:s9], [sflag:$0x1], $0x80, s22, s12, $0xb8;
	[tilespmem:$0x18800] =	vst v63  }
0x91: {  	_ =	swait.ge [sflag:s10], $0x4000  }
0x92: {  	[sflag:s10] =	ssyncset.done $0x0  }
0x93: {  	[sflag:s10] =	ssyncadd.s32 $0xFFFFC000  }
0x94: {  	[spmem:s3] =	stream.indirect.scatter.add.f32 [tilespmem:s9], [sflag:$0x1], $0x80, s23, s12, $0xb8;
	[tilespmem:$0x18800] =	vst v63  }
0x95: {  	_ =	swait.ge [sflag:s10], $0x4000  }
0x96: {  	[sflag:s10] =	ssyncset.done $0x0  }
0x97: {  	[sflag:s10] =	ssyncadd.s32 $0xFFFFC000  }
0x98: {  	[spmem:s3] =	stream.indirect.scatter.add.f32 [tilespmem:s9], [sflag:$0x1], $0x80, s24, s12, $0xb8;
	[tilespmem:$0x18800] =	vst v63  }
0x99: {  	_ =	swait.ge [sflag:s10], $0x4000  }
0x9a: {  	[sflag:s10] =	ssyncset.done $0x0  }
0x9b: {  	[sflag:s10] =	ssyncadd.s32 $0xFFFFC000  }
0x9c: {  	[spmem:s3] =	stream.indirect.scatter.add.f32 [tilespmem:s9], [sflag:$0x1], $0x80, s25, s12, $0xb8;
	[tilespmem:$0x18800] =	vst v63  }
0x9d: {  	_ =	swait.ge [sflag:s10], $0x4000  }
0x9e: {  	[sflag:s10] =	ssyncset.done $0x0  }
0x9f: {  	[sflag:s10] =	ssyncadd.s32 $0xFFFFC000  }
0xa0: {  	[spmem:s3] =	stream.indirect.scatter.add.f32 [tilespmem:s9], [sflag:$0x1], $0x80, s26, s12, $0xb8;
	[tilespmem:$0x18800] =	vst v63  }
0xa1: {  	_ =	swait.ge [sflag:s10], $0x4000  }
0xa2: {  	s31 =	simm.s32 $0x200;
	s29 =	simm.s32 $0x100;
	[sflag:s10] =	ssyncset.done $0x0  }
.LBB2_4:
0xa3: {  	s2 =	sadd.s32 s29, s8  }
0xa4: {  	[sflag:s10] =	ssyncadd.s32 $0xFFFFC000;
	s29 =	smov.u32 s31;
	s30 =	sadd.s32 $0x100, s31  }
0xa5: {  	[tilespmem:s4], [sflag:$0x1] =	stream.linear.gather [hbm4b:s2+s4], $0x800, $0x38;
	[tilespmem:$0x18800] =	vst v63  }
0xa6: {  	p0 =	sne.s32 s31, $0x400;
	_ =	swait.ge [sflag:s10], $0x800  }
0xa7: {  	[sflag:s10] =	ssyncset.done $0x0  }
0xa8: {  	[sflag:s10] =	ssyncadd.s32 $0xFFFFF800  }
0xa9: {  	[spmem:s3] =	stream.indirect.scatter.add.f32 [tilespmem:s9], [sflag:$0x1], $0x80, s4, s12, $0xb8;
	[tilespmem:$0x18800] =	vst v63  }
0xaa: {  	_ =	swait.ge [sflag:s10], $0x4000  }
0xab: {  	[sflag:s10] =	ssyncset.done $0x0  }
0xac: {  	[sflag:s10] =	ssyncadd.s32 $0xFFFFC000  }
0xad: {  	[spmem:s3] =	stream.indirect.scatter.add.f32 [tilespmem:s9], [sflag:$0x1], $0x80, s12, s12, $0xb8;
	[tilespmem:$0x18800] =	vst v63  }
0xae: {  	_ =	swait.ge [sflag:s10], $0x4000  }
0xaf: {  	[sflag:s10] =	ssyncset.done $0x0  }
0xb0: {  	[sflag:s10] =	ssyncadd.s32 $0xFFFFC000  }
0xb1: {  	[spmem:s3] =	stream.indirect.scatter.add.f32 [tilespmem:s9], [sflag:$0x1], $0x80, s13, s12, $0xb8;
	[tilespmem:$0x18800] =	vst v63  }
0xb2: {  	_ =	swait.ge [sflag:s10], $0x4000  }
0xb3: {  	[sflag:s10] =	ssyncset.done $0x0  }
0xb4: {  	[sflag:s10] =	ssyncadd.s32 $0xFFFFC000  }
0xb5: {  	[spmem:s3] =	stream.indirect.scatter.add.f32 [tilespmem:s9], [sflag:$0x1], $0x80, s14, s12, $0xb8;
	[tilespmem:$0x18800] =	vst v63  }
0xb6: {  	_ =	swait.ge [sflag:s10], $0x4000  }
0xb7: {  	[sflag:s10] =	ssyncset.done $0x0  }
0xb8: {  	[sflag:s10] =	ssyncadd.s32 $0xFFFFC000  }
0xb9: {  	[spmem:s3] =	stream.indirect.scatter.add.f32 [tilespmem:s9], [sflag:$0x1], $0x80, s15, s12, $0xb8;
	[tilespmem:$0x18800] =	vst v63  }
0xba: {  	_ =	swait.ge [sflag:s10], $0x4000  }
0xbb: {  	[sflag:s10] =	ssyncset.done $0x0  }
0xbc: {  	[sflag:s10] =	ssyncadd.s32 $0xFFFFC000  }
0xbd: {  	[spmem:s3] =	stream.indirect.scatter.add.f32 [tilespmem:s9], [sflag:$0x1], $0x80, s16, s12, $0xb8;
	[tilespmem:$0x18800] =	vst v63  }
0xbe: {  	_ =	swait.ge [sflag:s10], $0x4000  }
0xbf: {  	[sflag:s10] =	ssyncset.done $0x0  }
0xc0: {  	[sflag:s10] =	ssyncadd.s32 $0xFFFFC000  }
0xc1: {  	[spmem:s3] =	stream.indirect.scatter.add.f32 [tilespmem:s9], [sflag:$0x1], $0x80, s17, s12, $0xb8;
	[tilespmem:$0x18800] =	vst v63  }
0xc2: {  	_ =	swait.ge [sflag:s10], $0x4000  }
0xc3: {  	[sflag:s10] =	ssyncset.done $0x0  }
0xc4: {  	[sflag:s10] =	ssyncadd.s32 $0xFFFFC000  }
0xc5: {  	[spmem:s3] =	stream.indirect.scatter.add.f32 [tilespmem:s9], [sflag:$0x1], $0x80, s18, s12, $0xb8;
	[tilespmem:$0x18800] =	vst v63  }
0xc6: {  	_ =	swait.ge [sflag:s10], $0x4000  }
0xc7: {  	[sflag:s10] =	ssyncset.done $0x0  }
0xc8: {  	[sflag:s10] =	ssyncadd.s32 $0xFFFFC000  }
0xc9: {  	[spmem:s3] =	stream.indirect.scatter.add.f32 [tilespmem:s9], [sflag:$0x1], $0x80, s19, s12, $0xb8;
	[tilespmem:$0x18800] =	vst v63  }
0xca: {  	_ =	swait.ge [sflag:s10], $0x4000  }
0xcb: {  	[sflag:s10] =	ssyncset.done $0x0  }
0xcc: {  	[sflag:s10] =	ssyncadd.s32 $0xFFFFC000  }
0xcd: {  	[spmem:s3] =	stream.indirect.scatter.add.f32 [tilespmem:s9], [sflag:$0x1], $0x80, s20, s12, $0xb8;
	[tilespmem:$0x18800] =	vst v63  }
0xce: {  	_ =	swait.ge [sflag:s10], $0x4000  }
0xcf: {  	[sflag:s10] =	ssyncset.done $0x0  }
0xd0: {  	[sflag:s10] =	ssyncadd.s32 $0xFFFFC000  }
0xd1: {  	[spmem:s3] =	stream.indirect.scatter.add.f32 [tilespmem:s9], [sflag:$0x1], $0x80, s21, s12, $0xb8;
	[tilespmem:$0x18800] =	vst v63  }
0xd2: {  	_ =	swait.ge [sflag:s10], $0x4000  }
0xd3: {  	[sflag:s10] =	ssyncset.done $0x0  }
0xd4: {  	[sflag:s10] =	ssyncadd.s32 $0xFFFFC000  }
0xd5: {  	[spmem:s3] =	stream.indirect.scatter.add.f32 [tilespmem:s9], [sflag:$0x1], $0x80, s22, s12, $0xb8;
	[tilespmem:$0x18800] =	vst v63  }
0xd6: {  	_ =	swait.ge [sflag:s10], $0x4000  }
0xd7: {  	[sflag:s10] =	ssyncset.done $0x0  }
0xd8: {  	[sflag:s10] =	ssyncadd.s32 $0xFFFFC000  }
0xd9: {  	[spmem:s3] =	stream.indirect.scatter.add.f32 [tilespmem:s9], [sflag:$0x1], $0x80, s23, s12, $0xb8;
	[tilespmem:$0x18800] =	vst v63  }
0xda: {  	_ =	swait.ge [sflag:s10], $0x4000  }
0xdb: {  	[sflag:s10] =	ssyncset.done $0x0  }
0xdc: {  	[sflag:s10] =	ssyncadd.s32 $0xFFFFC000  }
0xdd: {  	[spmem:s3] =	stream.indirect.scatter.add.f32 [tilespmem:s9], [sflag:$0x1], $0x80, s24, s12, $0xb8;
	[tilespmem:$0x18800] =	vst v63  }
0xde: {  	_ =	swait.ge [sflag:s10], $0x4000  }
0xdf: {  	[sflag:s10] =	ssyncset.done $0x0  }
0xe0: {  	[sflag:s10] =	ssyncadd.s32 $0xFFFFC000  }
0xe1: {  	[spmem:s3] =	stream.indirect.scatter.add.f32 [tilespmem:s9], [sflag:$0x1], $0x80, s25, s12, $0xb8;
	[tilespmem:$0x18800] =	vst v63  }
0xe2: {  	_ =	swait.ge [sflag:s10], $0x4000  }
.Ltmp1:
0xe3: {  	[sflag:s10] =	ssyncset.done $0x0;
	(pc) =	sbr.rel @p0 .LBB2_4-.Ltmp1, $4  }
0xe4: {  	[sflag:s10] =	ssyncadd.s32 $0xFFFFC000  }
0xe5: {  	[spmem:s3] =	stream.indirect.scatter.add.f32 [tilespmem:s9], [sflag:$0x1], $0x80, s26, s12, $0xb8;
	[tilespmem:$0x18800] =	vst v63  }
0xe6: {  	_ =	swait.ge [sflag:s10], $0x4000  }
0xe7: {  	s31 =	smov.u32 s30;
	[sflag:s10] =	ssyncset.done $0x0  }
0xe8: {  	s2 =	sadd.s32 s29, s8;
	[sflag:s10] =	ssyncadd.s32 $0xFFFFC000  }
0xe9: {  	[tilespmem:s4], [sflag:$0x1] =	stream.linear.gather [hbm4b:s2+s4], $0x800, $0x38;
	[tilespmem:$0x18800] =	vst v63  }
0xea: {  	_ =	swait.ge [sflag:s10], $0x800  }
0xeb: {  	[sflag:s10] =	ssyncset.done $0x0  }
0xec: {  	[sflag:s10] =	ssyncadd.s32 $0xFFFFF800  }
0xed: {  	[spmem:s3] =	stream.indirect.scatter.add.f32 [tilespmem:s9], [sflag:$0x1], $0x80, s4, s12, $0xb8;
	[tilespmem:$0x18800] =	vst v63  }
0xee: {  	_ =	swait.ge [sflag:s10], $0x4000  }
0xef: {  	[sflag:s10] =	ssyncset.done $0x0  }
0xf0: {  	[sflag:s10] =	ssyncadd.s32 $0xFFFFC000  }
0xf1: {  	[spmem:s3] =	stream.indirect.scatter.add.f32 [tilespmem:s9], [sflag:$0x1], $0x80, s12, s12, $0xb8;
	[tilespmem:$0x18800] =	vst v63  }
0xf2: {  	_ =	swait.ge [sflag:s10], $0x4000  }
0xf3: {  	[sflag:s10] =	ssyncset.done $0x0  }
0xf4: {  	[sflag:s10] =	ssyncadd.s32 $0xFFFFC000  }
0xf5: {  	[spmem:s3] =	stream.indirect.scatter.add.f32 [tilespmem:s9], [sflag:$0x1], $0x80, s13, s12, $0xb8;
	[tilespmem:$0x18800] =	vst v63  }
0xf6: {  	_ =	swait.ge [sflag:s10], $0x4000  }
0xf7: {  	[sflag:s10] =	ssyncset.done $0x0  }
0xf8: {  	[sflag:s10] =	ssyncadd.s32 $0xFFFFC000  }
0xf9: {  	[spmem:s3] =	stream.indirect.scatter.add.f32 [tilespmem:s9], [sflag:$0x1], $0x80, s14, s12, $0xb8;
	[tilespmem:$0x18800] =	vst v63  }
0xfa: {  	_ =	swait.ge [sflag:s10], $0x4000  }
0xfb: {  	[sflag:s10] =	ssyncset.done $0x0  }
0xfc: {  	[sflag:s10] =	ssyncadd.s32 $0xFFFFC000  }
0xfd: {  	[spmem:s3] =	stream.indirect.scatter.add.f32 [tilespmem:s9], [sflag:$0x1], $0x80, s15, s12, $0xb8;
	[tilespmem:$0x18800] =	vst v63  }
0xfe: {  	_ =	swait.ge [sflag:s10], $0x4000  }
0xff: {  	[sflag:s10] =	ssyncset.done $0x0  }
0x100: {  	[sflag:s10] =	ssyncadd.s32 $0xFFFFC000  }
0x101: {  	[spmem:s3] =	stream.indirect.scatter.add.f32 [tilespmem:s9], [sflag:$0x1], $0x80, s16, s12, $0xb8;
	[tilespmem:$0x18800] =	vst v63  }
0x102: {  	_ =	swait.ge [sflag:s10], $0x4000  }
0x103: {  	[sflag:s10] =	ssyncset.done $0x0  }
0x104: {  	[sflag:s10] =	ssyncadd.s32 $0xFFFFC000  }
0x105: {  	[spmem:s3] =	stream.indirect.scatter.add.f32 [tilespmem:s9], [sflag:$0x1], $0x80, s17, s12, $0xb8;
	[tilespmem:$0x18800] =	vst v63  }
0x106: {  	_ =	swait.ge [sflag:s10], $0x4000  }
0x107: {  	[sflag:s10] =	ssyncset.done $0x0  }
0x108: {  	[sflag:s10] =	ssyncadd.s32 $0xFFFFC000  }
0x109: {  	[spmem:s3] =	stream.indirect.scatter.add.f32 [tilespmem:s9], [sflag:$0x1], $0x80, s18, s12, $0xb8;
	[tilespmem:$0x18800] =	vst v63  }
0x10a: {  	_ =	swait.ge [sflag:s10], $0x4000  }
0x10b: {  	[sflag:s10] =	ssyncset.done $0x0  }
0x10c: {  	[sflag:s10] =	ssyncadd.s32 $0xFFFFC000  }
0x10d: {  	[spmem:s3] =	stream.indirect.scatter.add.f32 [tilespmem:s9], [sflag:$0x1], $0x80, s19, s12, $0xb8;
	[tilespmem:$0x18800] =	vst v63  }
0x10e: {  	_ =	swait.ge [sflag:s10], $0x4000  }
0x10f: {  	[sflag:s10] =	ssyncset.done $0x0  }
0x110: {  	[sflag:s10] =	ssyncadd.s32 $0xFFFFC000  }
0x111: {  	[spmem:s3] =	stream.indirect.scatter.add.f32 [tilespmem:s9], [sflag:$0x1], $0x80, s20, s12, $0xb8;
	[tilespmem:$0x18800] =	vst v63  }
0x112: {  	_ =	swait.ge [sflag:s10], $0x4000  }
0x113: {  	[sflag:s10] =	ssyncset.done $0x0  }
0x114: {  	[sflag:s10] =	ssyncadd.s32 $0xFFFFC000  }
0x115: {  	[spmem:s3] =	stream.indirect.scatter.add.f32 [tilespmem:s9], [sflag:$0x1], $0x80, s21, s12, $0xb8;
	[tilespmem:$0x18800] =	vst v63  }
0x116: {  	_ =	swait.ge [sflag:s10], $0x4000  }
0x117: {  	[sflag:s10] =	ssyncset.done $0x0  }
0x118: {  	[sflag:s10] =	ssyncadd.s32 $0xFFFFC000  }
0x119: {  	[spmem:s3] =	stream.indirect.scatter.add.f32 [tilespmem:s9], [sflag:$0x1], $0x80, s22, s12, $0xb8;
	[tilespmem:$0x18800] =	vst v63  }
0x11a: {  	_ =	swait.ge [sflag:s10], $0x4000  }
0x11b: {  	[sflag:s10] =	ssyncset.done $0x0  }
0x11c: {  	[sflag:s10] =	ssyncadd.s32 $0xFFFFC000  }
0x11d: {  	[spmem:s3] =	stream.indirect.scatter.add.f32 [tilespmem:s9], [sflag:$0x1], $0x80, s23, s12, $0xb8;
	[tilespmem:$0x18800] =	vst v63  }
0x11e: {  	_ =	swait.ge [sflag:s10], $0x4000  }
0x11f: {  	[sflag:s10] =	ssyncset.done $0x0  }
0x120: {  	[sflag:s10] =	ssyncadd.s32 $0xFFFFC000  }
0x121: {  	[spmem:s3] =	stream.indirect.scatter.add.f32 [tilespmem:s9], [sflag:$0x1], $0x80, s24, s12, $0xb8;
	[tilespmem:$0x18800] =	vst v63  }
0x122: {  	_ =	swait.ge [sflag:s10], $0x4000  }
0x123: {  	[sflag:s10] =	ssyncset.done $0x0  }
0x124: {  	[sflag:s10] =	ssyncadd.s32 $0xFFFFC000  }
0x125: {  	[spmem:s3] =	stream.indirect.scatter.add.f32 [tilespmem:s9], [sflag:$0x1], $0x80, s25, s12, $0xb8;
	[tilespmem:$0x18800] =	vst v63  }
0x126: {  	_ =	swait.ge [sflag:s10], $0x4000  }
0x127: {  	[sflag:s10] =	ssyncset.done $0x0  }
0x128: {  	[sflag:s10] =	ssyncadd.s32 $0xFFFFC000  }
0x129: {  	[spmem:s3] =	stream.indirect.scatter.add.f32 [tilespmem:s9], [sflag:$0x1], $0x80, s26, s12, $0xb8;
	[tilespmem:$0x18800] =	vst v63  }
0x12a: {  	_ =	swait.ge [sflag:s10], $0x4000  }
0x12b: {  	s30 =	sshll.u32 s0, $0x6;
	s28 =	sadd.s32 $0x1, s28;
	[sflag:s10] =	ssyncset.done $0x0  }
0x12c: {  	s31 =	sshrl.u32 s5, $0x3;
	p0 =	sne.s32 s28, s7;
	[sflag:s10] =	ssyncadd.s32 $0xFFFFC000  }
.Ltmp2:
0x12d: {  	s2 =	sor.u32 $0x1C01, s30;
	[bflag:$0x0] =	sbarrier.arrive $0xFFFF;
	(pc) =	sbr.rel @p0 .LBB2_1-.Ltmp2, $4  }
0x12e: {  	[hbm:s6], [sflag:s2] =	dma.local [spmem:s31], $0x2780  }
0x12f: {  	_ =	swait.ge [sflag:s10], $0x2780  }
0x130: {  	[sflag:s10] =	ssyncset.done $0x0  }
0x131: {  	[sflag:s10] =	ssyncadd.s32 $0xFFFFD880  }
0x132: {  	_ =	sfence.sel $0x180000  }
0x133: {  	[bflag:$0x0] =	sbarrier.arrive $0xFFFF  }
0x134: {  	_ =	strace $0x90000047  }
0x135: {  	[bflag:$0x2] =	sbarrier.arrive $0xFFFF  }
0x136: {  	p0 =	sne.s32 s0, $0x0;
	s0 =	rddreg [dreg:$0x3]  }
0x137: {  	s0 =	sadd.s32 @!p0 $0x100000, s0  }
0x138: {  	[sflag:s0] =	ssyncadd.tile.s32 @!p0 $0x1;
	_ =	shalt  }
.Lfunc_end2:
_tile_overlayer_lowered:
.L_overlay_start_2:
0x139: {  	(tag) =	ssettag $0x2  }
0x13a: {  	s0 =	rddreg [dreg:$0x0];
	s2 =	stileid.u32  }
0x13b: {  	s1 =	rddreg [dreg:$0x1];
	p0 =	sne.s32 s2, $0x0  }
0x13c: {  	s3 =	rddreg [dreg:$0x2];
	[bflag:$0x3] =	sbarrier.arrive $0xFFFF;
	s2 =	simm.s32 @!p0 $0x1C01  }
0x13d: {  	[timem:s3], [sflag:s2] =	dma.local @!p0 [hbm:s0], s1  }
0x13e: {  	s0 =	simm.s32 @!p0 $0x1  }
0x13f: {  	_ =	swait.ge @!p0 [sflag:s0], s1  }
0x140: {  	s1 =	ssub.s32 @!p0 $0x0, s1;
	[sflag:s0] =	ssyncset.done @!p0 $0x0  }
0x141: {  	[sflag:s0] =	ssyncadd.s32 @!p0 s1  }
0x142: {  	[bflag:$0x3] =	sbarrier.arrive $0xFFFF  }
0x143: {  	_ =	shalt  }

</sc_bundles>
